<compile_context>
chip_gen: v7x
topology: tpu7x:2x2x1
jax: 0.10.2.dev20260603
libtpu: 0.0.44.dev20260713+nightly
codegen_flags: <defaults>
</compile_context>

<pallas_src>
import functools

import jax
import jax.numpy as jnp
from jax import lax
from jax.experimental import pallas as pl
from jax.experimental.pallas import tpu as pltpu
from jax.experimental.pallas import tpu_sc as plsc

_V = 100000
_VMAIN = 99968
_NCOLS = 781
_B = 16384
_LIST = 16400
_TRASH = 16390
_CPS = 9
_NR = 3
_PK = 16384


@functools.lru_cache(maxsize=None)
def _make_scan_gather():
    info = plsc.get_sparse_core_info()
    NC, NS = info.num_cores, info.num_subcores
    NW = NC * NS
    mesh = plsc.VectorSubcoreMesh(core_axis_name="c", subcore_axis_name="s")
    B = _B

    @functools.partial(
        pl.kernel,
        mesh=mesh,
        out_type=jax.ShapeDtypeStruct((B + NW, 128), jnp.float32),
        scratch_types=[
            pltpu.VMEM((4096,), jnp.int32),
            pltpu.VMEM((_LIST,), jnp.int32),
            pltpu.VMEM((_LIST,), jnp.int32),
            pltpu.VMEM((64, _CPS * 128), jnp.float32),
            pltpu.VMEM((128, 128), jnp.float32),
            pltpu.VMEM((2, 128), jnp.int32),
            pltpu.SemaphoreType.DMA,
            pltpu.SemaphoreType.DMA,
        ],
        compiler_params=pltpu.CompilerParams(
            use_tc_tiling_on_sc=True, needs_layout_passes=False
        ),
    )
    def scan_k(tT, tail_h, ids_h, out_h, ids_v, pk_list, pk_sub,
               chunk, rowbuf, slots2, sem, sem2):
        wid = lax.axis_index("s") * NC + lax.axis_index("c")
        c_lo = (wid * _NCOLS) // NW
        c_hi = ((wid + 1) * _NCOLS) // NW
        lo = c_lo * 128
        hi = c_hi * 128
        is_last = wid == (NW - 1)
        hi_f = jnp.where(is_last, _V, hi)
        lane = lax.iota(jnp.int32, 16)
        sent = B + wid
        zero16 = jnp.zeros((16,), jnp.int32)
        sent16 = zero16 + sent
        for k in range(8):
            slots2[0, pl.ds(k * 16, 16)] = sent16

        def fblk(blk, cnt0):
            pltpu.sync_copy(ids_h.at[pl.ds(blk * 4096, 4096)], ids_v)

            def fbody(g, cnt):
                for q in range(4):
                    u = ids_v[pl.ds(g * 64 + q * 16, 16)]
                    m = (u >= lo) & (u < hi_f)
                    cs = plsc.cumsum(m.astype(jnp.int32))
                    poss = jnp.where(m, cnt + cs - 1, _TRASH)
                    pk = u * _PK + (lane + (blk * 4096 + g * 64 + q * 16))
                    plsc.store_scatter(pk_list, [poss], pk)
                    cnt = cnt + plsc.all_reduce_population_count(m)
                return cnt

            return lax.fori_loop(0, 64, fbody, cnt0)

        cnt_v = lax.fori_loop(0, 4, fblk, zero16)
        cnt = jnp.max(cnt_v)
        ng = (cnt + 15) // 16

        def refilter(lo_r, hi_r):
            plo = lo_r * _PK
            phi = hi_r * _PK

            def sbody(g, cnt_s):
                valid = (lane + g * 16) < cnt
                pk = pk_list[pl.ds(g * 16, 16)]
                m = valid & (pk >= plo) & (pk < phi)
                cs = plsc.cumsum(m.astype(jnp.int32))
                poss = jnp.where(m, cnt_s + cs - 1, _TRASH)
                plsc.store_scatter(pk_sub, [poss], pk)
                return cnt_s + plsc.all_reduce_population_count(m)

            return jnp.max(lax.fori_loop(0, ng, sbody, zero16))

        def extract(cnt_s, ubase, buf, span, tail):
            ng_s = (cnt_s + 15) // 16

            def bbody(bi, _):
                def gbody(gg, _):
                    gb = bi * 128 + gg * 16
                    pk16 = pk_sub[pl.ds(gb, 16)]
                    u16 = lax.shift_right_logical(pk16, 14)
                    p16 = lax.bitwise_and(pk16, _PK - 1)
                    mv = (lane + gb) < cnt_s
                    e16 = lane + gg * 16
                    if tail:
                        ut = lax.clamp(jnp.int32(0), u16 - _VMAIN,
                                       jnp.int32(31))
                        row0 = lax.shift_right_logical(ut, 1)
                        col0 = lax.bitwise_and(ut, 1) * 64
                    else:
                        row0 = None
                        col0 = lax.clamp(jnp.int32(0), u16 - ubase,
                                         jnp.int32(span * 128 - 1))
                    for d in range(64):
                        dsp = jnp.full((16,), d, jnp.int32)
                        rowi = row0 if tail else dsp
                        coli = (col0 + d) if tail else col0
                        w = plsc.load_gather(buf, [rowi, coli])
                        plsc.store_scatter(rowbuf, [e16, dsp], w)
                    slots2[0, pl.ds(gg * 16, 16)] = jnp.where(
                        mv, p16, sent)
                    return 0

                ngrp = jnp.minimum(ng_s - bi * 8, 8)
                lax.fori_loop(0, ngrp, gbody, 0)
                pltpu.async_copy(rowbuf, out_h.at[slots2.at[0]],
                                 sem2).wait()
                return 0

            lax.fori_loop(0, (cnt_s + 127) // 128, bbody, 0)

        def rbody(r, _):
            c0 = c_lo + r * _CPS
            copies = []
            for j in range(_CPS):
                col = jnp.minimum(c0 + j, _NCOLS - 1)
                copies.append(pltpu.async_copy(
                    tT.at[:, pl.ds(col * 128, 128)],
                    chunk.at[:, pl.ds(j * 128, 128)], sem))
            cnt_s = refilter(c0 * 128,
                             jnp.minimum(hi, (c0 + _CPS) * 128))
            for c in copies:
                c.wait()
            extract(cnt_s, c0 * 128, chunk, _CPS, False)
            return 0

        lax.fori_loop(0, _NR, rbody, 0)

        pltpu.sync_copy(tail_h, chunk.at[pl.ds(0, 16), pl.ds(0, 128)])
        cnt_t = refilter(jnp.int32(_VMAIN), jnp.int32(_V))
        extract(cnt_t, 0, chunk, _CPS, True)

    return scan_k


def _mlp_body(x_ref, w1_ref, b1_ref, w2_ref, b2_ref, o_ref):
    x = x_ref[...][:, :64]
    h_t = lax.dot_general(
        w1_ref[...], x, (((1,), (1,)), ((), ())),
        preferred_element_type=jnp.float32,
    )
    h_t = jnp.maximum(h_t + b1_ref[...], 0.0)
    y_t = lax.dot_general(
        w2_ref[...], h_t, (((1,), (0,)), ((), ())),
        preferred_element_type=jnp.float32,
    )
    y_t = y_t + b2_ref[...]
    norm = jnp.sqrt(jnp.sum(y_t * y_t, axis=0, keepdims=True))
    o_ref[...] = y_t / jnp.maximum(norm, 1e-12)


@functools.lru_cache(maxsize=None)
def _make_mlp(B, D, H, blk):
    grid = (B // blk,)
    return pl.pallas_call(
        _mlp_body,
        grid=grid,
        in_specs=[
            pl.BlockSpec((blk, 128), lambda i: (i, 0)),
            pl.BlockSpec((H, D), lambda i: (0, 0)),
            pl.BlockSpec((H, 1), lambda i: (0, 0)),
            pl.BlockSpec((D, H), lambda i: (0, 0)),
            pl.BlockSpec((D, 1), lambda i: (0, 0)),
        ],
        out_specs=pl.BlockSpec((D, blk), lambda i: (0, i)),
        out_shape=jax.ShapeDtypeStruct((D, B), jnp.float32),
    )


def kernel(user_ids, table, W1, b1, W2, b2):
    V, D = table.shape
    H = W1.shape[0]
    B = user_ids.shape[0]
    ids = user_ids.astype(jnp.int32)
    tT = table.T
    tail2 = table[_VMAIN:].reshape(16, 2 * D)
    x2 = _make_scan_gather()(tT, tail2, ids)
    mlp = _make_mlp(B, D, H, 4096)
    out_t = mlp(x2, W1, b1.reshape(H, 1), W2, b2.reshape(D, 1))
    return out_t.T

# --- scband reference (transcript-rebuilt; emitter-appended) ---
"""Pipeline reference for scband-user-tower-10668698763976 (READ-ONLY COPY).

The authoritative reference and input builder live on the scoring server;
editing this copy changes nothing except your own understanding.
"""

import jax, jax.numpy as jnp
import numpy as np

VOCAB = 100000
EMBED_DIM = 64
HIDDEN = 128
BATCH = 16384


def setup_inputs(seed: int = 0) -> dict:
    key = jax.random.key(seed)
    k_ids, k_tab, k_w1, k_b1, k_w2, k_b2 = jax.random.split(key, 6)
    user_ids = jax.random.randint(k_ids, (BATCH,), 0, VOCAB, dtype=jnp.int64 if jax.config.jax_enable_x64 else jnp.int32)
    table = jax.random.normal(k_tab, (VOCAB, EMBED_DIM), dtype=jnp.float32)
    # torch Linear default init: U(-1/sqrt(fan_in), 1/sqrt(fan_in)); use small normal for simplicity of reference
    W1 = jax.random.normal(k_w1, (HIDDEN, EMBED_DIM), dtype=jnp.float32) * (1.0 / np.sqrt(EMBED_DIM))
    b1 = jax.random.normal(k_b1, (HIDDEN,), dtype=jnp.float32) * 0.01
    W2 = jax.random.normal(k_w2, (EMBED_DIM, HIDDEN), dtype=jnp.float32) * (1.0 / np.sqrt(HIDDEN))
    b2 = jax.random.normal(k_b2, (EMBED_DIM,), dtype=jnp.float32) * 0.01
    return {"user_ids": user_ids, "table": table, "W1": W1, "b1": b1, "W2": W2, "b2": b2}


def reference(user_ids, table, W1, b1, W2, b2):
    # embedding lookup
    x = jnp.take(table, user_ids, axis=0)  # [B, embed_dim]
    # fc: Linear(embed_dim, 128) -> ReLU -> Linear(128, embed_dim)
    h = jnp.maximum(x @ W1.T + b1, 0.0)
    y = h @ W2.T + b2
    # F.normalize(y, p=2, dim=1): y / max(||y||_2, eps)
    norm = jnp.sqrt(jnp.sum(y * y, axis=1, keepdims=True))
    return y / jnp.maximum(norm, 1e-12)

if __name__ == "__main__":
    import jax
    _d = setup_inputs()
    print(jax.jit(kernel)(*tuple(_d.values())))

</pallas_src>

<mosaic_0001>
#map = affine_map<(d0, d1) -> (0, 0)>
#map1 = affine_map<(d0, d1) -> (0)>
module attributes {stable_mosaic.version = 14 : i64} {
  func.func @scan_k(%arg0: i32, %arg1: i32, %arg2: memref<64x100000xf32, #tpu.memory_space<hbm>>, %arg3: memref<16x128xf32, #tpu.memory_space<hbm>>, %arg4: memref<16384xi32, #tpu.memory_space<hbm>>, %arg5: memref<16416x128xf32, #tpu.memory_space<hbm>>, %arg6: memref<4096xi32, #tpu.memory_space<vmem>>, %arg7: memref<16400xi32, #tpu.memory_space<vmem>>, %arg8: memref<16400xi32, #tpu.memory_space<vmem>>, %arg9: memref<64x1152xf32, #tpu.memory_space<vmem>>, %arg10: memref<128x128xf32, #tpu.memory_space<vmem>>, %arg11: memref<2x128xi32, #tpu.memory_space<vmem>>, %arg12: memref<!tpu.dma_semaphore, #tpu.memory_space<semaphore_mem>>, %arg13: memref<!tpu.dma_semaphore, #tpu.memory_space<semaphore_mem>>) attributes {dimension_semantics = [#tpu.dimension_semantics<core_parallel>, #tpu.dimension_semantics<subcore_parallel>], iteration_bounds = array<i64: 2, 16>, scalar_prefetch = 0 : i64, scratch_operands = 8 : i64, tpu.core_type = #tpu.core_type<sc_vector_subcore>, window_params = [{transform_indices = #map}, {transform_indices = #map}, {transform_indices = #map1}, {transform_indices = #map}]} {
    %mul3A = arith.constant 2 : i32
    %mul3A_0 = arith.muli %arg1, %mul3A : i32
    %add3A = arith.addi %mul3A_0, %arg0 : i32
    %mul3A_1 = arith.constant 781 : i32
    %mul3A_2 = arith.muli %add3A, %mul3A_1 : i32
    %jit3A = arith.constant 32 : i32
    %div3A = arith.divsi %mul3A_2, %jit3A : i32
    %sign3A = arith.constant 0 : i32
    %sign3A_3 = arith.cmpi sgt, %mul3A_2, %sign3A : i32
    %sign3A_4 = arith.extui %sign3A_3 : i1 to i32
    %sign3A_5 = arith.constant 0 : i32
    %sign3A_6 = arith.cmpi slt, %mul3A_2, %sign3A_5 : i32
    %sign3A_7 = arith.extui %sign3A_6 : i1 to i32
    %sign3A_8 = arith.subi %sign3A_4, %sign3A_7 : i32
    %sign3A_9 = arith.constant 0 : i32
    %sign3A_10 = arith.cmpi sgt, %jit3A, %sign3A_9 : i32
    %sign3A_11 = arith.extui %sign3A_10 : i1 to i32
    %sign3A_12 = arith.constant 0 : i32
    %sign3A_13 = arith.cmpi slt, %jit3A, %sign3A_12 : i32
    %sign3A_14 = arith.extui %sign3A_13 : i1 to i32
    %sign3A_15 = arith.subi %sign3A_11, %sign3A_14 : i32
    %ne3A = arith.cmpi ne, %sign3A_8, %sign3A_15 : i32
    %rem3A = arith.remsi %mul3A_2, %jit3A : i32
    %ne3A_16 = arith.constant 0 : i32
    %ne3A_17 = arith.cmpi ne, %rem3A, %ne3A_16 : i32
    %and3A = arith.andi %ne3A, %ne3A_17 : i1
    %sub3A = arith.constant 1 : i32
    %sub3A_18 = arith.subi %div3A, %sub3A : i32
    %select_n3A = arith.select %and3A, %sub3A_18, %div3A : i32
    %add3A_19 = arith.constant 1 : i32
    %add3A_20 = arith.addi %add3A, %add3A_19 : i32
    %mul3A_21 = arith.constant 781 : i32
    %mul3A_22 = arith.muli %add3A_20, %mul3A_21 : i32
    %jit3A_23 = arith.constant 32 : i32
    %div3A_24 = arith.divsi %mul3A_22, %jit3A_23 : i32
    %sign3A_25 = arith.constant 0 : i32
    %sign3A_26 = arith.cmpi sgt, %mul3A_22, %sign3A_25 : i32
    %sign3A_27 = arith.extui %sign3A_26 : i1 to i32
    %sign3A_28 = arith.constant 0 : i32
    %sign3A_29 = arith.cmpi slt, %mul3A_22, %sign3A_28 : i32
    %sign3A_30 = arith.extui %sign3A_29 : i1 to i32
    %sign3A_31 = arith.subi %sign3A_27, %sign3A_30 : i32
    %sign3A_32 = arith.constant 0 : i32
    %sign3A_33 = arith.cmpi sgt, %jit3A_23, %sign3A_32 : i32
    %sign3A_34 = arith.extui %sign3A_33 : i1 to i32
    %sign3A_35 = arith.constant 0 : i32
    %sign3A_36 = arith.cmpi slt, %jit3A_23, %sign3A_35 : i32
    %sign3A_37 = arith.extui %sign3A_36 : i1 to i32
    %sign3A_38 = arith.subi %sign3A_34, %sign3A_37 : i32
    %ne3A_39 = arith.cmpi ne, %sign3A_31, %sign3A_38 : i32
    %rem3A_40 = arith.remsi %mul3A_22, %jit3A_23 : i32
    %ne3A_41 = arith.constant 0 : i32
    %ne3A_42 = arith.cmpi ne, %rem3A_40, %ne3A_41 : i32
    %and3A_43 = arith.andi %ne3A_39, %ne3A_42 : i1
    %sub3A_44 = arith.constant 1 : i32
    %sub3A_45 = arith.subi %div3A_24, %sub3A_44 : i32
    %select_n3A_46 = arith.select %and3A_43, %sub3A_45, %div3A_24 : i32
    %mul3A_47 = arith.constant 128 : i32
    %mul3A_48 = arith.muli %select_n3A, %mul3A_47 : i32
    %mul3A_49 = arith.constant 128 : i32
    %mul3A_50 = arith.muli %select_n3A_46, %mul3A_49 : i32
    %eq3A = arith.constant 31 : i32
    %eq3A_51 = arith.cmpi eq, %add3A, %eq3A : i32
    %jit3A_52 = arith.constant 100000 : i32
    %select_n3A_53 = arith.select %eq3A_51, %jit3A_52, %mul3A_50 : i32
    %iota3A = tpu.iota {dimensions = array<i32: 0>} : vector<16xi32>
    %add3A_54 = arith.constant 16384 : i32
    %add3A_55 = arith.addi %add3A_54, %add3A : i32
    %broadcast_in_dim3A = arith.constant 0 : i32
    %broadcast_in_dim3A_56 = vector.broadcast %broadcast_in_dim3A : i32 to vector<16xi32>
    %add3A_57 = vector.broadcast %add3A_55 : i32 to vector<16xi32>
    %add3A_58 = arith.addi %broadcast_in_dim3A_56, %add3A_57 : vector<16xi32>
    %swap3A = arith.constant 0 : i32
    %swap3A_59 = arith.index_cast %swap3A : i32 to index
    %swap3A_60 = arith.constant 0 : index
    %swap3A_61 = tpu.vector_load %arg11[%swap3A_59, %swap3A_60] {strides = array<i32>} : memref<2x128xi32, #tpu.memory_space<vmem>>, vector<16xi32>,
    tpu.vector_store %arg11[%swap3A_59, %swap3A_60], %add3A_58 {strides = array<i32>} : memref<2x128xi32, #tpu.memory_space<vmem>>, vector<16xi32>,
    %swap3A_62 = arith.constant 0 : i32
    %swap3A_63 = arith.index_cast %swap3A_62 : i32 to index
    %swap3A_64 = arith.constant 16 : index
    %swap3A_65 = tpu.vector_load %arg11[%swap3A_63, %swap3A_64] {strides = array<i32>} : memref<2x128xi32, #tpu.memory_space<vmem>>, vector<16xi32>,
    tpu.vector_store %arg11[%swap3A_63, %swap3A_64], %add3A_58 {strides = array<i32>} : memref<2x128xi32, #tpu.memory_space<vmem>>, vector<16xi32>,
    %swap3A_66 = arith.constant 0 : i32
    %swap3A_67 = arith.index_cast %swap3A_66 : i32 to index
    %swap3A_68 = arith.constant 32 : index
    %swap3A_69 = tpu.vector_load %arg11[%swap3A_67, %swap3A_68] {strides = array<i32>} : memref<2x128xi32, #tpu.memory_space<vmem>>, vector<16xi32>,
    tpu.vector_store %arg11[%swap3A_67, %swap3A_68], %add3A_58 {strides = array<i32>} : memref<2x128xi32, #tpu.memory_space<vmem>>, vector<16xi32>,
    %swap3A_70 = arith.constant 0 : i32
    %swap3A_71 = arith.index_cast %swap3A_70 : i32 to index
    %swap3A_72 = arith.constant 48 : index
    %swap3A_73 = tpu.vector_load %arg11[%swap3A_71, %swap3A_72] {strides = array<i32>} : memref<2x128xi32, #tpu.memory_space<vmem>>, vector<16xi32>,
    tpu.vector_store %arg11[%swap3A_71, %swap3A_72], %add3A_58 {strides = array<i32>} : memref<2x128xi32, #tpu.memory_space<vmem>>, vector<16xi32>,
    %swap3A_74 = arith.constant 0 : i32
    %swap3A_75 = arith.index_cast %swap3A_74 : i32 to index
    %swap3A_76 = arith.constant 64 : index
    %swap3A_77 = tpu.vector_load %arg11[%swap3A_75, %swap3A_76] {strides = array<i32>} : memref<2x128xi32, #tpu.memory_space<vmem>>, vector<16xi32>,
    tpu.vector_store %arg11[%swap3A_75, %swap3A_76], %add3A_58 {strides = array<i32>} : memref<2x128xi32, #tpu.memory_space<vmem>>, vector<16xi32>,
    %swap3A_78 = arith.constant 0 : i32
    %swap3A_79 = arith.index_cast %swap3A_78 : i32 to index
    %swap3A_80 = arith.constant 80 : index
    %swap3A_81 = tpu.vector_load %arg11[%swap3A_79, %swap3A_80] {strides = array<i32>} : memref<2x128xi32, #tpu.memory_space<vmem>>, vector<16xi32>,
    tpu.vector_store %arg11[%swap3A_79, %swap3A_80], %add3A_58 {strides = array<i32>} : memref<2x128xi32, #tpu.memory_space<vmem>>, vector<16xi32>,
    %swap3A_82 = arith.constant 0 : i32
    %swap3A_83 = arith.index_cast %swap3A_82 : i32 to index
    %swap3A_84 = arith.constant 96 : index
    %swap3A_85 = tpu.vector_load %arg11[%swap3A_83, %swap3A_84] {strides = array<i32>} : memref<2x128xi32, #tpu.memory_space<vmem>>, vector<16xi32>,
    tpu.vector_store %arg11[%swap3A_83, %swap3A_84], %add3A_58 {strides = array<i32>} : memref<2x128xi32, #tpu.memory_space<vmem>>, vector<16xi32>,
    %swap3A_86 = arith.constant 0 : i32
    %swap3A_87 = arith.index_cast %swap3A_86 : i32 to index
    %swap3A_88 = arith.constant 112 : index
    %swap3A_89 = tpu.vector_load %arg11[%swap3A_87, %swap3A_88] {strides = array<i32>} : memref<2x128xi32, #tpu.memory_space<vmem>>, vector<16xi32>,
    tpu.vector_store %arg11[%swap3A_87, %swap3A_88], %add3A_58 {strides = array<i32>} : memref<2x128xi32, #tpu.memory_space<vmem>>, vector<16xi32>,
    %scan3A = arith.constant 0 : i32
    %scan3A_90 = arith.constant 4 : i32
    %scan3A_91 = arith.addi %scan3A, %scan3A_90 : i32
    %scan3A_92 = arith.constant 1 : i32
    %scan3A_93 = scf.for %scan3A_223 = %scan3A to %scan3A_91 step %scan3A_92 iter_args(%scan3A_224 = %broadcast_in_dim3A_56) -> (vector<16xi32>)  : i32 {
      %mul3A_225 = arith.constant 4096 : i32
      %mul3A_226 = arith.muli %scan3A_223, %mul3A_225 : i32
      "tpu.region"() ({
        %run_scoped3A = tpu.sem_alloc : memref<!tpu.dma_semaphore, #tpu.memory_space<semaphore_mem>>
        %dma_start3A = tpu.memref_slice %arg4[%mul3A_226] : memref<16384xi32, #tpu.memory_space<hbm>> -> memref<4096xi32, #tpu.memory_space<hbm>>
        %dma_start3A_233 = tpu.memref_slice %arg4[%mul3A_226] : memref<16384xi32, #tpu.memory_space<hbm>> -> memref<4096xi32, #tpu.memory_space<hbm>>
        tpu.enqueue_dma source(%dma_start3A_233 : memref<4096xi32, #tpu.memory_space<hbm>>) target(%arg6 : memref<4096xi32, #tpu.memory_space<vmem>>) target_semaphore(%run_scoped3A : memref<!tpu.dma_semaphore, #tpu.memory_space<semaphore_mem>>)
        %dma_wait3A = tpu.memref_slice %arg4[%mul3A_226] : memref<16384xi32, #tpu.memory_space<hbm>> -> memref<4096xi32, #tpu.memory_space<hbm>>
        %dma_wait3A_234 = tpu.memref_slice %arg4[%mul3A_226] : memref<16384xi32, #tpu.memory_space<hbm>> -> memref<4096xi32, #tpu.memory_space<hbm>>
        tpu.wait_dma2 semaphore(%run_scoped3A : memref<!tpu.dma_semaphore, #tpu.memory_space<semaphore_mem>>) src(%dma_wait3A_234 : memref<4096xi32, #tpu.memory_space<hbm>>) dst(%arg6 : memref<4096xi32, #tpu.memory_space<vmem>>)
        tpu.yield
      }) : () -> ()
      %scan3A_227 = arith.constant 0 : i32
      %scan3A_228 = arith.constant 64 : i32
      %scan3A_229 = arith.addi %scan3A_227, %scan3A_228 : i32
      %scan3A_230 = arith.constant 1 : i32
      %scan3A_231 = scf.for %scan3A_233 = %scan3A_227 to %scan3A_229 step %scan3A_230 iter_args(%scan3A_234 = %scan3A_224) -> (vector<16xi32>)  : i32 {
        %mul3A_235 = arith.constant 64 : i32
        %mul3A_236 = arith.muli %scan3A_233, %mul3A_235 : i32
        %add3A_237 = arith.constant 0 : i32
        %add3A_238 = arith.addi %mul3A_236, %add3A_237 : i32
        %get3A = arith.index_cast %add3A_238 : i32 to index
        %get3A_239 = tpu.vector_load %arg6[%get3A] {strides = array<i32>} : memref<4096xi32, #tpu.memory_space<vmem>>, vector<16xi32>,
        %ge3A = vector.broadcast %mul3A_48 : i32 to vector<16xi32>
        %ge3A_240 = arith.cmpi sge, %get3A_239, %ge3A : vector<16xi32>
        %lt3A = vector.broadcast %select_n3A_53 : i32 to vector<16xi32>
        %lt3A_241 = arith.cmpi slt, %get3A_239, %lt3A : vector<16xi32>
        %and3A_242 = arith.andi %ge3A_240, %lt3A_241 : vector<16xi1>
        %convert_element_type3A = arith.extui %and3A_242 : vector<16xi1> to vector<16xi32>
        %broadcast_in_dim3A_243 = arith.constant true
        %broadcast_in_dim3A_244 = vector.broadcast %broadcast_in_dim3A_243 : i1 to vector<16xi1>
        %masked_cumsum3A = tpu.scan <sum>, %convert_element_type3A masked %broadcast_in_dim3A_244 : vector<16xi32>, vector<16xi1> -> vector<16xi32>
        %add3A_245 = arith.addi %scan3A_234, %masked_cumsum3A : vector<16xi32>
        %sub3A_246 = arith.constant 1 : i32
        %sub3A_247 = vector.broadcast %sub3A_246 : i32 to vector<16xi32>
        %sub3A_248 = arith.subi %add3A_245, %sub3A_247 : vector<16xi32>
        %jit3A_249 = arith.constant 16390 : i32
        %broadcast_in_dim3A_250 = vector.broadcast %jit3A_249 : i32 to vector<16xi32>
        %select_n3A_251 = arith.select %and3A_242, %sub3A_248, %broadcast_in_dim3A_250 : vector<16xi1>, vector<16xi32>
        %mul3A_252 = arith.constant 16384 : i32
        %mul3A_253 = vector.broadcast %mul3A_252 : i32 to vector<16xi32>
        %mul3A_254 = arith.muli %get3A_239, %mul3A_253 : vector<16xi32>
        %mul3A_255 = arith.constant 4096 : i32
        %mul3A_256 = arith.muli %scan3A_223, %mul3A_255 : i32
        %mul3A_257 = arith.constant 64 : i32
        %mul3A_258 = arith.muli %scan3A_233, %mul3A_257 : i32
        %add3A_259 = arith.addi %mul3A_256, %mul3A_258 : i32
        %add3A_260 = arith.constant 0 : i32
        %add3A_261 = arith.addi %add3A_259, %add3A_260 : i32
        %add3A_262 = vector.broadcast %add3A_261 : i32 to vector<16xi32>
        %add3A_263 = arith.addi %iota3A, %add3A_262 : vector<16xi32>
        %add3A_264 = arith.addi %mul3A_254, %add3A_263 : vector<16xi32>
        tpu.vector_store_idx %arg7[%select_n3A_251], %add3A_264 : memref<16400xi32, #tpu.memory_space<vmem>>[vector<16xi32>], vector<16xi32>,
        %all_reduce_population_count3A = tpu.all_reduce %and3A_242 {dim = 0 : i64, kind = #tpu.reduction_kind<sum>} : vector<16xi1> -> vector<16xi32>
        %add3A_265 = arith.addi %scan3A_234, %all_reduce_population_count3A : vector<16xi32>
        %mul3A_266 = arith.constant 64 : i32
        %mul3A_267 = arith.muli %scan3A_233, %mul3A_266 : i32
        %add3A_268 = arith.constant 16 : i32
        %add3A_269 = arith.addi %mul3A_267, %add3A_268 : i32
        %get3A_270 = arith.index_cast %add3A_269 : i32 to index
        %get3A_271 = tpu.vector_load %arg6[%get3A_270] {strides = array<i32>} : memref<4096xi32, #tpu.memory_space<vmem>>, vector<16xi32>,
        %ge3A_272 = vector.broadcast %mul3A_48 : i32 to vector<16xi32>
        %ge3A_273 = arith.cmpi sge, %get3A_271, %ge3A_272 : vector<16xi32>
        %lt3A_274 = vector.broadcast %select_n3A_53 : i32 to vector<16xi32>
        %lt3A_275 = arith.cmpi slt, %get3A_271, %lt3A_274 : vector<16xi32>
        %and3A_276 = arith.andi %ge3A_273, %lt3A_275 : vector<16xi1>
        %convert_element_type3A_277 = arith.extui %and3A_276 : vector<16xi1> to vector<16xi32>
        %broadcast_in_dim3A_278 = arith.constant true
        %broadcast_in_dim3A_279 = vector.broadcast %broadcast_in_dim3A_278 : i1 to vector<16xi1>
        %masked_cumsum3A_280 = tpu.scan <sum>, %convert_element_type3A_277 masked %broadcast_in_dim3A_279 : vector<16xi32>, vector<16xi1> -> vector<16xi32>
        %add3A_281 = arith.addi %add3A_265, %masked_cumsum3A_280 : vector<16xi32>
        %sub3A_282 = arith.constant 1 : i32
        %sub3A_283 = vector.broadcast %sub3A_282 : i32 to vector<16xi32>
        %sub3A_284 = arith.subi %add3A_281, %sub3A_283 : vector<16xi32>
        %jit3A_285 = arith.constant 16390 : i32
        %broadcast_in_dim3A_286 = vector.broadcast %jit3A_285 : i32 to vector<16xi32>
        %select_n3A_287 = arith.select %and3A_276, %sub3A_284, %broadcast_in_dim3A_286 : vector<16xi1>, vector<16xi32>
        %mul3A_288 = arith.constant 16384 : i32
        %mul3A_289 = vector.broadcast %mul3A_288 : i32 to vector<16xi32>
        %mul3A_290 = arith.muli %get3A_271, %mul3A_289 : vector<16xi32>
        %mul3A_291 = arith.constant 4096 : i32
        %mul3A_292 = arith.muli %scan3A_223, %mul3A_291 : i32
        %mul3A_293 = arith.constant 64 : i32
        %mul3A_294 = arith.muli %scan3A_233, %mul3A_293 : i32
        %add3A_295 = arith.addi %mul3A_292, %mul3A_294 : i32
        %add3A_296 = arith.constant 16 : i32
        %add3A_297 = arith.addi %add3A_295, %add3A_296 : i32
        %add3A_298 = vector.broadcast %add3A_297 : i32 to vector<16xi32>
        %add3A_299 = arith.addi %iota3A, %add3A_298 : vector<16xi32>
        %add3A_300 = arith.addi %mul3A_290, %add3A_299 : vector<16xi32>
        tpu.vector_store_idx %arg7[%select_n3A_287], %add3A_300 : memref<16400xi32, #tpu.memory_space<vmem>>[vector<16xi32>], vector<16xi32>,
        %all_reduce_population_count3A_301 = tpu.all_reduce %and3A_276 {dim = 0 : i64, kind = #tpu.reduction_kind<sum>} : vector<16xi1> -> vector<16xi32>
        %add3A_302 = arith.addi %add3A_265, %all_reduce_population_count3A_301 : vector<16xi32>
        %mul3A_303 = arith.constant 64 : i32
        %mul3A_304 = arith.muli %scan3A_233, %mul3A_303 : i32
        %add3A_305 = arith.constant 32 : i32
        %add3A_306 = arith.addi %mul3A_304, %add3A_305 : i32
        %get3A_307 = arith.index_cast %add3A_306 : i32 to index
        %get3A_308 = tpu.vector_load %arg6[%get3A_307] {strides = array<i32>} : memref<4096xi32, #tpu.memory_space<vmem>>, vector<16xi32>,
        %ge3A_309 = vector.broadcast %mul3A_48 : i32 to vector<16xi32>
        %ge3A_310 = arith.cmpi sge, %get3A_308, %ge3A_309 : vector<16xi32>
        %lt3A_311 = vector.broadcast %select_n3A_53 : i32 to vector<16xi32>
        %lt3A_312 = arith.cmpi slt, %get3A_308, %lt3A_311 : vector<16xi32>
        %and3A_313 = arith.andi %ge3A_310, %lt3A_312 : vector<16xi1>
        %convert_element_type3A_314 = arith.extui %and3A_313 : vector<16xi1> to vector<16xi32>
        %broadcast_in_dim3A_315 = arith.constant true
        %broadcast_in_dim3A_316 = vector.broadcast %broadcast_in_dim3A_315 : i1 to vector<16xi1>
        %masked_cumsum3A_317 = tpu.scan <sum>, %convert_element_type3A_314 masked %broadcast_in_dim3A_316 : vector<16xi32>, vector<16xi1> -> vector<16xi32>
        %add3A_318 = arith.addi %add3A_302, %masked_cumsum3A_317 : vector<16xi32>
        %sub3A_319 = arith.constant 1 : i32
        %sub3A_320 = vector.broadcast %sub3A_319 : i32 to vector<16xi32>
        %sub3A_321 = arith.subi %add3A_318, %sub3A_320 : vector<16xi32>
        %jit3A_322 = arith.constant 16390 : i32
        %broadcast_in_dim3A_323 = vector.broadcast %jit3A_322 : i32 to vector<16xi32>
        %select_n3A_324 = arith.select %and3A_313, %sub3A_321, %broadcast_in_dim3A_323 : vector<16xi1>, vector<16xi32>
        %mul3A_325 = arith.constant 16384 : i32
        %mul3A_326 = vector.broadcast %mul3A_325 : i32 to vector<16xi32>
        %mul3A_327 = arith.muli %get3A_308, %mul3A_326 : vector<16xi32>
        %mul3A_328 = arith.constant 4096 : i32
        %mul3A_329 = arith.muli %scan3A_223, %mul3A_328 : i32
        %mul3A_330 = arith.constant 64 : i32
        %mul3A_331 = arith.muli %scan3A_233, %mul3A_330 : i32
        %add3A_332 = arith.addi %mul3A_329, %mul3A_331 : i32
        %add3A_333 = arith.constant 32 : i32
        %add3A_334 = arith.addi %add3A_332, %add3A_333 : i32
        %add3A_335 = vector.broadcast %add3A_334 : i32 to vector<16xi32>
        %add3A_336 = arith.addi %iota3A, %add3A_335 : vector<16xi32>
        %add3A_337 = arith.addi %mul3A_327, %add3A_336 : vector<16xi32>
        tpu.vector_store_idx %arg7[%select_n3A_324], %add3A_337 : memref<16400xi32, #tpu.memory_space<vmem>>[vector<16xi32>], vector<16xi32>,
        %all_reduce_population_count3A_338 = tpu.all_reduce %and3A_313 {dim = 0 : i64, kind = #tpu.reduction_kind<sum>} : vector<16xi1> -> vector<16xi32>
        %add3A_339 = arith.addi %add3A_302, %all_reduce_population_count3A_338 : vector<16xi32>
        %mul3A_340 = arith.constant 64 : i32
        %mul3A_341 = arith.muli %scan3A_233, %mul3A_340 : i32
        %add3A_342 = arith.constant 48 : i32
        %add3A_343 = arith.addi %mul3A_341, %add3A_342 : i32
        %get3A_344 = arith.index_cast %add3A_343 : i32 to index
        %get3A_345 = tpu.vector_load %arg6[%get3A_344] {strides = array<i32>} : memref<4096xi32, #tpu.memory_space<vmem>>, vector<16xi32>,
        %ge3A_346 = vector.broadcast %mul3A_48 : i32 to vector<16xi32>
        %ge3A_347 = arith.cmpi sge, %get3A_345, %ge3A_346 : vector<16xi32>
        %lt3A_348 = vector.broadcast %select_n3A_53 : i32 to vector<16xi32>
        %lt3A_349 = arith.cmpi slt, %get3A_345, %lt3A_348 : vector<16xi32>
        %and3A_350 = arith.andi %ge3A_347, %lt3A_349 : vector<16xi1>
        %convert_element_type3A_351 = arith.extui %and3A_350 : vector<16xi1> to vector<16xi32>
        %broadcast_in_dim3A_352 = arith.constant true
        %broadcast_in_dim3A_353 = vector.broadcast %broadcast_in_dim3A_352 : i1 to vector<16xi1>
        %masked_cumsum3A_354 = tpu.scan <sum>, %convert_element_type3A_351 masked %broadcast_in_dim3A_353 : vector<16xi32>, vector<16xi1> -> vector<16xi32>
        %add3A_355 = arith.addi %add3A_339, %masked_cumsum3A_354 : vector<16xi32>
        %sub3A_356 = arith.constant 1 : i32
        %sub3A_357 = vector.broadcast %sub3A_356 : i32 to vector<16xi32>
        %sub3A_358 = arith.subi %add3A_355, %sub3A_357 : vector<16xi32>
        %jit3A_359 = arith.constant 16390 : i32
        %broadcast_in_dim3A_360 = vector.broadcast %jit3A_359 : i32 to vector<16xi32>
        %select_n3A_361 = arith.select %and3A_350, %sub3A_358, %broadcast_in_dim3A_360 : vector<16xi1>, vector<16xi32>
        %mul3A_362 = arith.constant 16384 : i32
        %mul3A_363 = vector.broadcast %mul3A_362 : i32 to vector<16xi32>
        %mul3A_364 = arith.muli %get3A_345, %mul3A_363 : vector<16xi32>
        %mul3A_365 = arith.constant 4096 : i32
        %mul3A_366 = arith.muli %scan3A_223, %mul3A_365 : i32
        %mul3A_367 = arith.constant 64 : i32
        %mul3A_368 = arith.muli %scan3A_233, %mul3A_367 : i32
        %add3A_369 = arith.addi %mul3A_366, %mul3A_368 : i32
        %add3A_370 = arith.constant 48 : i32
        %add3A_371 = arith.addi %add3A_369, %add3A_370 : i32
        %add3A_372 = vector.broadcast %add3A_371 : i32 to vector<16xi32>
        %add3A_373 = arith.addi %iota3A, %add3A_372 : vector<16xi32>
        %add3A_374 = arith.addi %mul3A_364, %add3A_373 : vector<16xi32>
        tpu.vector_store_idx %arg7[%select_n3A_361], %add3A_374 : memref<16400xi32, #tpu.memory_space<vmem>>[vector<16xi32>], vector<16xi32>,
        %all_reduce_population_count3A_375 = tpu.all_reduce %and3A_350 {dim = 0 : i64, kind = #tpu.reduction_kind<sum>} : vector<16xi1> -> vector<16xi32>
        %add3A_376 = arith.addi %add3A_339, %all_reduce_population_count3A_375 : vector<16xi32>
        scf.yield %add3A_376 : vector<16xi32>
      }
      %scan3A_232 = arith.constant 64 : i32
      scf.yield %scan3A_231 : vector<16xi32>
    }
    %scan3A_94 = arith.constant 4 : i32
    %reduce_max3A = arith.constant true
    %reduce_max3A_95 = vector.broadcast %reduce_max3A : i1 to vector<16xi1>
    %reduce_max3A_96 = arith.constant -2147483648 : i32
    %reduce_max3A_97 = vector.broadcast %reduce_max3A_96 : i32 to vector<16xi32>
    %reduce_max3A_98 = arith.xori %scan3A_93, %reduce_max3A_97 : vector<16xi32>
    %reduce_max3A_99 = tpu.scan <max>, %reduce_max3A_98 masked %reduce_max3A_95 : vector<16xi32>, vector<16xi1> -> vector<16xi32>
    %reduce_max3A_100 = arith.xori %reduce_max3A_99, %reduce_max3A_97 : vector<16xi32>
    %reduce_max3A_101 = vector.extract %reduce_max3A_100[15] : i32 from vector<16xi32>
    %add3A_102 = arith.constant 15 : i32
    %add3A_103 = arith.addi %reduce_max3A_101, %add3A_102 : i32
    %jit3A_104 = arith.constant 16 : i32
    %div3A_105 = arith.divsi %add3A_103, %jit3A_104 : i32
    %sign3A_106 = arith.constant 0 : i32
    %sign3A_107 = arith.cmpi sgt, %add3A_103, %sign3A_106 : i32
    %sign3A_108 = arith.extui %sign3A_107 : i1 to i32
    %sign3A_109 = arith.constant 0 : i32
    %sign3A_110 = arith.cmpi slt, %add3A_103, %sign3A_109 : i32
    %sign3A_111 = arith.extui %sign3A_110 : i1 to i32
    %sign3A_112 = arith.subi %sign3A_108, %sign3A_111 : i32
    %sign3A_113 = arith.constant 0 : i32
    %sign3A_114 = arith.cmpi sgt, %jit3A_104, %sign3A_113 : i32
    %sign3A_115 = arith.extui %sign3A_114 : i1 to i32
    %sign3A_116 = arith.constant 0 : i32
    %sign3A_117 = arith.cmpi slt, %jit3A_104, %sign3A_116 : i32
    %sign3A_118 = arith.extui %sign3A_117 : i1 to i32
    %sign3A_119 = arith.subi %sign3A_115, %sign3A_118 : i32
    %ne3A_120 = arith.cmpi ne, %sign3A_112, %sign3A_119 : i32
    %rem3A_121 = arith.remsi %add3A_103, %jit3A_104 : i32
    %ne3A_122 = arith.constant 0 : i32
    %ne3A_123 = arith.cmpi ne, %rem3A_121, %ne3A_122 : i32
    %and3A_124 = arith.andi %ne3A_120, %ne3A_123 : i1
    %sub3A_125 = arith.constant 1 : i32
    %sub3A_126 = arith.subi %div3A_105, %sub3A_125 : i32
    %select_n3A_127 = arith.select %and3A_124, %sub3A_126, %div3A_105 : i32
    %scan3A_128 = arith.constant 0 : i32
    %scan3A_129 = arith.constant 0 : i32
    %scan3A_130 = arith.constant 3 : i32
    %scan3A_131 = arith.addi %scan3A_129, %scan3A_130 : i32
    %scan3A_132 = arith.constant 1 : i32
    %scan3A_133 = scf.for %scan3A_223 = %scan3A_129 to %scan3A_131 step %scan3A_132 iter_args(%scan3A_224 = %scan3A_128) -> (i32)  : i32 {
      %mul3A_225 = arith.constant 9 : i32
      %mul3A_226 = arith.muli %scan3A_223, %mul3A_225 : i32
      %add3A_227 = arith.addi %select_n3A, %mul3A_226 : i32
      %add3A_228 = arith.constant 0 : i32
      %add3A_229 = arith.addi %add3A_227, %add3A_228 : i32
      %min3A = arith.constant 780 : i32
      %min3A_230 = arith.minsi %add3A_229, %min3A : i32
      %mul3A_231 = arith.constant 128 : i32
      %mul3A_232 = arith.muli %min3A_230, %mul3A_231 : i32
      %dma_start3A = arith.constant 0 : i32
      %dma_start3A_233 = arith.constant 0 : i32
      %dma_start3A_234 = tpu.memref_slice %arg9[%dma_start3A, %dma_start3A_233] : memref<64x1152xf32, #tpu.memory_space<vmem>> -> memref<64x128xf32, #tpu.memory_space<vmem>>
      %dma_start3A_235 = arith.constant 0 : i32
      %dma_start3A_236 = tpu.memref_slice %arg2[%dma_start3A_235, %mul3A_232] : memref<64x100000xf32, #tpu.memory_space<hbm>> -> memref<64x128xf32, #tpu.memory_space<hbm>>
      %dma_start3A_237 = arith.constant 0 : i32
      %dma_start3A_238 = arith.constant 0 : i32
      %dma_start3A_239 = tpu.memref_slice %arg9[%dma_start3A_237, %dma_start3A_238] : memref<64x1152xf32, #tpu.memory_space<vmem>> -> memref<64x128xf32, #tpu.memory_space<vmem>>
      %dma_start3A_240 = arith.constant 0 : i32
      %dma_start3A_241 = tpu.memref_slice %arg2[%dma_start3A_240, %mul3A_232] : memref<64x100000xf32, #tpu.memory_space<hbm>> -> memref<64x128xf32, #tpu.memory_space<hbm>>
      tpu.enqueue_dma source(%dma_start3A_241 : memref<64x128xf32, #tpu.memory_space<hbm>>) target(%dma_start3A_239 : memref<64x128xf32, #tpu.memory_space<vmem>>) target_semaphore(%arg12 : memref<!tpu.dma_semaphore, #tpu.memory_space<semaphore_mem>>)
      %add3A_242 = arith.constant 1 : i32
      %add3A_243 = arith.addi %add3A_227, %add3A_242 : i32
      %min3A_244 = arith.constant 780 : i32
      %min3A_245 = arith.minsi %add3A_243, %min3A_244 : i32
      %mul3A_246 = arith.constant 128 : i32
      %mul3A_247 = arith.muli %min3A_245, %mul3A_246 : i32
      %dma_start3A_248 = arith.constant 0 : i32
      %dma_start3A_249 = arith.constant 128 : i32
      %dma_start3A_250 = tpu.memref_slice %arg9[%dma_start3A_248, %dma_start3A_249] : memref<64x1152xf32, #tpu.memory_space<vmem>> -> memref<64x128xf32, #tpu.memory_space<vmem>>
      %dma_start3A_251 = arith.constant 0 : i32
      %dma_start3A_252 = tpu.memref_slice %arg2[%dma_start3A_251, %mul3A_247] : memref<64x100000xf32, #tpu.memory_space<hbm>> -> memref<64x128xf32, #tpu.memory_space<hbm>>
      %dma_start3A_253 = arith.constant 0 : i32
      %dma_start3A_254 = arith.constant 128 : i32
      %dma_start3A_255 = tpu.memref_slice %arg9[%dma_start3A_253, %dma_start3A_254] : memref<64x1152xf32, #tpu.memory_space<vmem>> -> memref<64x128xf32, #tpu.memory_space<vmem>>
      %dma_start3A_256 = arith.constant 0 : i32
      %dma_start3A_257 = tpu.memref_slice %arg2[%dma_start3A_256, %mul3A_247] : memref<64x100000xf32, #tpu.memory_space<hbm>> -> memref<64x128xf32, #tpu.memory_space<hbm>>
      tpu.enqueue_dma source(%dma_start3A_257 : memref<64x128xf32, #tpu.memory_space<hbm>>) target(%dma_start3A_255 : memref<64x128xf32, #tpu.memory_space<vmem>>) target_semaphore(%arg12 : memref<!tpu.dma_semaphore, #tpu.memory_space<semaphore_mem>>)
      %add3A_258 = arith.constant 2 : i32
      %add3A_259 = arith.addi %add3A_227, %add3A_258 : i32
      %min3A_260 = arith.constant 780 : i32
      %min3A_261 = arith.minsi %add3A_259, %min3A_260 : i32
      %mul3A_262 = arith.constant 128 : i32
      %mul3A_263 = arith.muli %min3A_261, %mul3A_262 : i32
      %dma_start3A_264 = arith.constant 0 : i32
      %dma_start3A_265 = arith.constant 256 : i32
      %dma_start3A_266 = tpu.memref_slice %arg9[%dma_start3A_264, %dma_start3A_265] : memref<64x1152xf32, #tpu.memory_space<vmem>> -> memref<64x128xf32, #tpu.memory_space<vmem>>
      %dma_start3A_267 = arith.constant 0 : i32
      %dma_start3A_268 = tpu.memref_slice %arg2[%dma_start3A_267, %mul3A_263] : memref<64x100000xf32, #tpu.memory_space<hbm>> -> memref<64x128xf32, #tpu.memory_space<hbm>>
      %dma_start3A_269 = arith.constant 0 : i32
      %dma_start3A_270 = arith.constant 256 : i32
      %dma_start3A_271 = tpu.memref_slice %arg9[%dma_start3A_269, %dma_start3A_270] : memref<64x1152xf32, #tpu.memory_space<vmem>> -> memref<64x128xf32, #tpu.memory_space<vmem>>
      %dma_start3A_272 = arith.constant 0 : i32
      %dma_start3A_273 = tpu.memref_slice %arg2[%dma_start3A_272, %mul3A_263] : memref<64x100000xf32, #tpu.memory_space<hbm>> -> memref<64x128xf32, #tpu.memory_space<hbm>>
      tpu.enqueue_dma source(%dma_start3A_273 : memref<64x128xf32, #tpu.memory_space<hbm>>) target(%dma_start3A_271 : memref<64x128xf32, #tpu.memory_space<vmem>>) target_semaphore(%arg12 : memref<!tpu.dma_semaphore, #tpu.memory_space<semaphore_mem>>)
      %add3A_274 = arith.constant 3 : i32
      %add3A_275 = arith.addi %add3A_227, %add3A_274 : i32
      %min3A_276 = arith.constant 780 : i32
      %min3A_277 = arith.minsi %add3A_275, %min3A_276 : i32
      %mul3A_278 = arith.constant 128 : i32
      %mul3A_279 = arith.muli %min3A_277, %mul3A_278 : i32
      %dma_start3A_280 = arith.constant 0 : i32
      %dma_start3A_281 = arith.constant 384 : i32
      %dma_start3A_282 = tpu.memref_slice %arg9[%dma_start3A_280, %dma_start3A_281] : memref<64x1152xf32, #tpu.memory_space<vmem>> -> memref<64x128xf32, #tpu.memory_space<vmem>>
      %dma_start3A_283 = arith.constant 0 : i32
      %dma_start3A_284 = tpu.memref_slice %arg2[%dma_start3A_283, %mul3A_279] : memref<64x100000xf32, #tpu.memory_space<hbm>> -> memref<64x128xf32, #tpu.memory_space<hbm>>
      %dma_start3A_285 = arith.constant 0 : i32
      %dma_start3A_286 = arith.constant 384 : i32
      %dma_start3A_287 = tpu.memref_slice %arg9[%dma_start3A_285, %dma_start3A_286] : memref<64x1152xf32, #tpu.memory_space<vmem>> -> memref<64x128xf32, #tpu.memory_space<vmem>>
      %dma_start3A_288 = arith.constant 0 : i32
      %dma_start3A_289 = tpu.memref_slice %arg2[%dma_start3A_288, %mul3A_279] : memref<64x100000xf32, #tpu.memory_space<hbm>> -> memref<64x128xf32, #tpu.memory_space<hbm>>
      tpu.enqueue_dma source(%dma_start3A_289 : memref<64x128xf32, #tpu.memory_space<hbm>>) target(%dma_start3A_287 : memref<64x128xf32, #tpu.memory_space<vmem>>) target_semaphore(%arg12 : memref<!tpu.dma_semaphore, #tpu.memory_space<semaphore_mem>>)
      %add3A_290 = arith.constant 4 : i32
      %add3A_291 = arith.addi %add3A_227, %add3A_290 : i32
      %min3A_292 = arith.constant 780 : i32
      %min3A_293 = arith.minsi %add3A_291, %min3A_292 : i32
      %mul3A_294 = arith.constant 128 : i32
      %mul3A_295 = arith.muli %min3A_293, %mul3A_294 : i32
      %dma_start3A_296 = arith.constant 0 : i32
      %dma_start3A_297 = arith.constant 512 : i32
      %dma_start3A_298 = tpu.memref_slice %arg9[%dma_start3A_296, %dma_start3A_297] : memref<64x1152xf32, #tpu.memory_space<vmem>> -> memref<64x128xf32, #tpu.memory_space<vmem>>
      %dma_start3A_299 = arith.constant 0 : i32
      %dma_start3A_300 = tpu.memref_slice %arg2[%dma_start3A_299, %mul3A_295] : memref<64x100000xf32, #tpu.memory_space<hbm>> -> memref<64x128xf32, #tpu.memory_space<hbm>>
      %dma_start3A_301 = arith.constant 0 : i32
      %dma_start3A_302 = arith.constant 512 : i32
      %dma_start3A_303 = tpu.memref_slice %arg9[%dma_start3A_301, %dma_start3A_302] : memref<64x1152xf32, #tpu.memory_space<vmem>> -> memref<64x128xf32, #tpu.memory_space<vmem>>
      %dma_start3A_304 = arith.constant 0 : i32
      %dma_start3A_305 = tpu.memref_slice %arg2[%dma_start3A_304, %mul3A_295] : memref<64x100000xf32, #tpu.memory_space<hbm>> -> memref<64x128xf32, #tpu.memory_space<hbm>>
      tpu.enqueue_dma source(%dma_start3A_305 : memref<64x128xf32, #tpu.memory_space<hbm>>) target(%dma_start3A_303 : memref<64x128xf32, #tpu.memory_space<vmem>>) target_semaphore(%arg12 : memref<!tpu.dma_semaphore, #tpu.memory_space<semaphore_mem>>)
      %add3A_306 = arith.constant 5 : i32
      %add3A_307 = arith.addi %add3A_227, %add3A_306 : i32
      %min3A_308 = arith.constant 780 : i32
      %min3A_309 = arith.minsi %add3A_307, %min3A_308 : i32
      %mul3A_310 = arith.constant 128 : i32
      %mul3A_311 = arith.muli %min3A_309, %mul3A_310 : i32
      %dma_start3A_312 = arith.constant 0 : i32
      %dma_start3A_313 = arith.constant 640 : i32
      %dma_start3A_314 = tpu.memref_slice %arg9[%dma_start3A_312, %dma_start3A_313] : memref<64x1152xf32, #tpu.memory_space<vmem>> -> memref<64x128xf32, #tpu.memory_space<vmem>>
      %dma_start3A_315 = arith.constant 0 : i32
      %dma_start3A_316 = tpu.memref_slice %arg2[%dma_start3A_315, %mul3A_311] : memref<64x100000xf32, #tpu.memory_space<hbm>> -> memref<64x128xf32, #tpu.memory_space<hbm>>
      %dma_start3A_317 = arith.constant 0 : i32
      %dma_start3A_318 = arith.constant 640 : i32
      %dma_start3A_319 = tpu.memref_slice %arg9[%dma_start3A_317, %dma_start3A_318] : memref<64x1152xf32, #tpu.memory_space<vmem>> -> memref<64x128xf32, #tpu.memory_space<vmem>>
      %dma_start3A_320 = arith.constant 0 : i32
      %dma_start3A_321 = tpu.memref_slice %arg2[%dma_start3A_320, %mul3A_311] : memref<64x100000xf32, #tpu.memory_space<hbm>> -> memref<64x128xf32, #tpu.memory_space<hbm>>
      tpu.enqueue_dma source(%dma_start3A_321 : memref<64x128xf32, #tpu.memory_space<hbm>>) target(%dma_start3A_319 : memref<64x128xf32, #tpu.memory_space<vmem>>) target_semaphore(%arg12 : memref<!tpu.dma_semaphore, #tpu.memory_space<semaphore_mem>>)
      %add3A_322 = arith.constant 6 : i32
      %add3A_323 = arith.addi %add3A_227, %add3A_322 : i32
      %min3A_324 = arith.constant 780 : i32
      %min3A_325 = arith.minsi %add3A_323, %min3A_324 : i32
      %mul3A_326 = arith.constant 128 : i32
      %mul3A_327 = arith.muli %min3A_325, %mul3A_326 : i32
      %dma_start3A_328 = arith.constant 0 : i32
      %dma_start3A_329 = arith.constant 768 : i32
      %dma_start3A_330 = tpu.memref_slice %arg9[%dma_start3A_328, %dma_start3A_329] : memref<64x1152xf32, #tpu.memory_space<vmem>> -> memref<64x128xf32, #tpu.memory_space<vmem>>
      %dma_start3A_331 = arith.constant 0 : i32
      %dma_start3A_332 = tpu.memref_slice %arg2[%dma_start3A_331, %mul3A_327] : memref<64x100000xf32, #tpu.memory_space<hbm>> -> memref<64x128xf32, #tpu.memory_space<hbm>>
      %dma_start3A_333 = arith.constant 0 : i32
      %dma_start3A_334 = arith.constant 768 : i32
      %dma_start3A_335 = tpu.memref_slice %arg9[%dma_start3A_333, %dma_start3A_334] : memref<64x1152xf32, #tpu.memory_space<vmem>> -> memref<64x128xf32, #tpu.memory_space<vmem>>
      %dma_start3A_336 = arith.constant 0 : i32
      %dma_start3A_337 = tpu.memref_slice %arg2[%dma_start3A_336, %mul3A_327] : memref<64x100000xf32, #tpu.memory_space<hbm>> -> memref<64x128xf32, #tpu.memory_space<hbm>>
      tpu.enqueue_dma source(%dma_start3A_337 : memref<64x128xf32, #tpu.memory_space<hbm>>) target(%dma_start3A_335 : memref<64x128xf32, #tpu.memory_space<vmem>>) target_semaphore(%arg12 : memref<!tpu.dma_semaphore, #tpu.memory_space<semaphore_mem>>)
      %add3A_338 = arith.constant 7 : i32
      %add3A_339 = arith.addi %add3A_227, %add3A_338 : i32
      %min3A_340 = arith.constant 780 : i32
      %min3A_341 = arith.minsi %add3A_339, %min3A_340 : i32
      %mul3A_342 = arith.constant 128 : i32
      %mul3A_343 = arith.muli %min3A_341, %mul3A_342 : i32
      %dma_start3A_344 = arith.constant 0 : i32
      %dma_start3A_345 = arith.constant 896 : i32
      %dma_start3A_346 = tpu.memref_slice %arg9[%dma_start3A_344, %dma_start3A_345] : memref<64x1152xf32, #tpu.memory_space<vmem>> -> memref<64x128xf32, #tpu.memory_space<vmem>>
      %dma_start3A_347 = arith.constant 0 : i32
      %dma_start3A_348 = tpu.memref_slice %arg2[%dma_start3A_347, %mul3A_343] : memref<64x100000xf32, #tpu.memory_space<hbm>> -> memref<64x128xf32, #tpu.memory_space<hbm>>
      %dma_start3A_349 = arith.constant 0 : i32
      %dma_start3A_350 = arith.constant 896 : i32
      %dma_start3A_351 = tpu.memref_slice %arg9[%dma_start3A_349, %dma_start3A_350] : memref<64x1152xf32, #tpu.memory_space<vmem>> -> memref<64x128xf32, #tpu.memory_space<vmem>>
      %dma_start3A_352 = arith.constant 0 : i32
      %dma_start3A_353 = tpu.memref_slice %arg2[%dma_start3A_352, %mul3A_343] : memref<64x100000xf32, #tpu.memory_space<hbm>> -> memref<64x128xf32, #tpu.memory_space<hbm>>
      tpu.enqueue_dma source(%dma_start3A_353 : memref<64x128xf32, #tpu.memory_space<hbm>>) target(%dma_start3A_351 : memref<64x128xf32, #tpu.memory_space<vmem>>) target_semaphore(%arg12 : memref<!tpu.dma_semaphore, #tpu.memory_space<semaphore_mem>>)
      %add3A_354 = arith.constant 8 : i32
      %add3A_355 = arith.addi %add3A_227, %add3A_354 : i32
      %min3A_356 = arith.constant 780 : i32
      %min3A_357 = arith.minsi %add3A_355, %min3A_356 : i32
      %mul3A_358 = arith.constant 128 : i32
      %mul3A_359 = arith.muli %min3A_357, %mul3A_358 : i32
      %dma_start3A_360 = arith.constant 0 : i32
      %dma_start3A_361 = arith.constant 1024 : i32
      %dma_start3A_362 = tpu.memref_slice %arg9[%dma_start3A_360, %dma_start3A_361] : memref<64x1152xf32, #tpu.memory_space<vmem>> -> memref<64x128xf32, #tpu.memory_space<vmem>>
      %dma_start3A_363 = arith.constant 0 : i32
      %dma_start3A_364 = tpu.memref_slice %arg2[%dma_start3A_363, %mul3A_359] : memref<64x100000xf32, #tpu.memory_space<hbm>> -> memref<64x128xf32, #tpu.memory_space<hbm>>
      %dma_start3A_365 = arith.constant 0 : i32
      %dma_start3A_366 = arith.constant 1024 : i32
      %dma_start3A_367 = tpu.memref_slice %arg9[%dma_start3A_365, %dma_start3A_366] : memref<64x1152xf32, #tpu.memory_space<vmem>> -> memref<64x128xf32, #tpu.memory_space<vmem>>
      %dma_start3A_368 = arith.constant 0 : i32
      %dma_start3A_369 = tpu.memref_slice %arg2[%dma_start3A_368, %mul3A_359] : memref<64x100000xf32, #tpu.memory_space<hbm>> -> memref<64x128xf32, #tpu.memory_space<hbm>>
      tpu.enqueue_dma source(%dma_start3A_369 : memref<64x128xf32, #tpu.memory_space<hbm>>) target(%dma_start3A_367 : memref<64x128xf32, #tpu.memory_space<vmem>>) target_semaphore(%arg12 : memref<!tpu.dma_semaphore, #tpu.memory_space<semaphore_mem>>)
      %mul3A_370 = arith.constant 128 : i32
      %mul3A_371 = arith.muli %add3A_227, %mul3A_370 : i32
      %add3A_372 = arith.constant 9 : i32
      %add3A_373 = arith.addi %add3A_227, %add3A_372 : i32
      %mul3A_374 = arith.constant 128 : i32
      %mul3A_375 = arith.muli %add3A_373, %mul3A_374 : i32
      %min3A_376 = arith.minsi %mul3A_50, %mul3A_375 : i32
      %mul3A_377 = arith.constant 16384 : i32
      %mul3A_378 = arith.muli %mul3A_371, %mul3A_377 : i32
      %mul3A_379 = arith.constant 16384 : i32
      %mul3A_380 = arith.muli %min3A_376, %mul3A_379 : i32
      %while3A_381 = arith.constant 0 : i32
      %while3A_382 = arith.subi %select_n3A_127, %while3A_381 : i32
      %while3A_383 = arith.addi %while3A_381, %while3A_382 : i32
      %while3A_384 = arith.constant 1 : i32
      %while3A_385 = arith.divsi %while3A_382, %while3A_384 : i32
      %while3A_386 = arith.muli %while3A_385, %while3A_384 : i32
      %while3A_387 = arith.addi %while3A_381, %while3A_386 : i32
      %while3A_388 = arith.constant 1 : i32
      %while3A_389 = scf.for %while3A_556 = %while3A_381 to %while3A_387 step %while3A_388 iter_args(%while3A_557 = %broadcast_in_dim3A_56) -> (vector<16xi32>)  : i32 {
        %mul3A_558 = arith.constant 16 : i32
        %mul3A_559 = arith.muli %while3A_556, %mul3A_558 : i32
        %add3A_560 = vector.broadcast %mul3A_559 : i32 to vector<16xi32>
        %add3A_561 = arith.addi %iota3A, %add3A_560 : vector<16xi32>
        %lt3A = vector.broadcast %reduce_max3A_101 : i32 to vector<16xi32>
        %lt3A_562 = arith.cmpi slt, %add3A_561, %lt3A : vector<16xi32>
        %mul3A_563 = arith.constant 16 : i32
        %mul3A_564 = arith.muli %while3A_556, %mul3A_563 : i32
        %get3A = arith.index_cast %mul3A_564 : i32 to index
        %get3A_565 = tpu.vector_load %arg7[%get3A] {strides = array<i32>} : memref<16400xi32, #tpu.memory_space<vmem>>, vector<16xi32>,
        %ge3A = vector.broadcast %mul3A_378 : i32 to vector<16xi32>
        %ge3A_566 = arith.cmpi sge, %get3A_565, %ge3A : vector<16xi32>
        %and3A_567 = arith.andi %lt3A_562, %ge3A_566 : vector<16xi1>
        %lt3A_568 = vector.broadcast %mul3A_380 : i32 to vector<16xi32>
        %lt3A_569 = arith.cmpi slt, %get3A_565, %lt3A_568 : vector<16xi32>
        %and3A_570 = arith.andi %and3A_567, %lt3A_569 : vector<16xi1>
        %convert_element_type3A = arith.extui %and3A_570 : vector<16xi1> to vector<16xi32>
        %broadcast_in_dim3A_571 = arith.constant true
        %broadcast_in_dim3A_572 = vector.broadcast %broadcast_in_dim3A_571 : i1 to vector<16xi1>
        %masked_cumsum3A = tpu.scan <sum>, %convert_element_type3A masked %broadcast_in_dim3A_572 : vector<16xi32>, vector<16xi1> -> vector<16xi32>
        %add3A_573 = arith.addi %while3A_557, %masked_cumsum3A : vector<16xi32>
        %sub3A_574 = arith.constant 1 : i32
        %sub3A_575 = vector.broadcast %sub3A_574 : i32 to vector<16xi32>
        %sub3A_576 = arith.subi %add3A_573, %sub3A_575 : vector<16xi32>
        %jit3A_577 = arith.constant 16390 : i32
        %broadcast_in_dim3A_578 = vector.broadcast %jit3A_577 : i32 to vector<16xi32>
        %select_n3A_579 = arith.select %and3A_570, %sub3A_576, %broadcast_in_dim3A_578 : vector<16xi1>, vector<16xi32>
        tpu.vector_store_idx %arg8[%select_n3A_579], %get3A_565 : memref<16400xi32, #tpu.memory_space<vmem>>[vector<16xi32>], vector<16xi32>,
        %all_reduce_population_count3A = tpu.all_reduce %and3A_570 {dim = 0 : i64, kind = #tpu.reduction_kind<sum>} : vector<16xi1> -> vector<16xi32>
        %add3A_580 = arith.addi %while3A_557, %all_reduce_population_count3A : vector<16xi32>
        scf.yield %add3A_580 : vector<16xi32>
      }
      %while3A_390 = arith.constant 1 : i32
      %while3A_391 = scf.for %while3A_556 = %while3A_387 to %while3A_383 step %while3A_390 iter_args(%while3A_557 = %while3A_389) -> (vector<16xi32>)  : i32 {
        %mul3A_558 = arith.constant 16 : i32
        %mul3A_559 = arith.muli %while3A_556, %mul3A_558 : i32
        %add3A_560 = vector.broadcast %mul3A_559 : i32 to vector<16xi32>
        %add3A_561 = arith.addi %iota3A, %add3A_560 : vector<16xi32>
        %lt3A = vector.broadcast %reduce_max3A_101 : i32 to vector<16xi32>
        %lt3A_562 = arith.cmpi slt, %add3A_561, %lt3A : vector<16xi32>
        %mul3A_563 = arith.constant 16 : i32
        %mul3A_564 = arith.muli %while3A_556, %mul3A_563 : i32
        %get3A = arith.index_cast %mul3A_564 : i32 to index
        %get3A_565 = tpu.vector_load %arg7[%get3A] {strides = array<i32>} : memref<16400xi32, #tpu.memory_space<vmem>>, vector<16xi32>,
        %ge3A = vector.broadcast %mul3A_378 : i32 to vector<16xi32>
        %ge3A_566 = arith.cmpi sge, %get3A_565, %ge3A : vector<16xi32>
        %and3A_567 = arith.andi %lt3A_562, %ge3A_566 : vector<16xi1>
        %lt3A_568 = vector.broadcast %mul3A_380 : i32 to vector<16xi32>
        %lt3A_569 = arith.cmpi slt, %get3A_565, %lt3A_568 : vector<16xi32>
        %and3A_570 = arith.andi %and3A_567, %lt3A_569 : vector<16xi1>
        %convert_element_type3A = arith.extui %and3A_570 : vector<16xi1> to vector<16xi32>
        %broadcast_in_dim3A_571 = arith.constant true
        %broadcast_in_dim3A_572 = vector.broadcast %broadcast_in_dim3A_571 : i1 to vector<16xi1>
        %masked_cumsum3A = tpu.scan <sum>, %convert_element_type3A masked %broadcast_in_dim3A_572 : vector<16xi32>, vector<16xi1> -> vector<16xi32>
        %add3A_573 = arith.addi %while3A_557, %masked_cumsum3A : vector<16xi32>
        %sub3A_574 = arith.constant 1 : i32
        %sub3A_575 = vector.broadcast %sub3A_574 : i32 to vector<16xi32>
        %sub3A_576 = arith.subi %add3A_573, %sub3A_575 : vector<16xi32>
        %jit3A_577 = arith.constant 16390 : i32
        %broadcast_in_dim3A_578 = vector.broadcast %jit3A_577 : i32 to vector<16xi32>
        %select_n3A_579 = arith.select %and3A_570, %sub3A_576, %broadcast_in_dim3A_578 : vector<16xi1>, vector<16xi32>
        tpu.vector_store_idx %arg8[%select_n3A_579], %get3A_565 : memref<16400xi32, #tpu.memory_space<vmem>>[vector<16xi32>], vector<16xi32>,
        %all_reduce_population_count3A = tpu.all_reduce %and3A_570 {dim = 0 : i64, kind = #tpu.reduction_kind<sum>} : vector<16xi1> -> vector<16xi32>
        %add3A_580 = arith.addi %while3A_557, %all_reduce_population_count3A : vector<16xi32>
        scf.yield %add3A_580 : vector<16xi32>
      }
      %reduce_max3A_392 = arith.constant true
      %reduce_max3A_393 = vector.broadcast %reduce_max3A_392 : i1 to vector<16xi1>
      %reduce_max3A_394 = arith.constant -2147483648 : i32
      %reduce_max3A_395 = vector.broadcast %reduce_max3A_394 : i32 to vector<16xi32>
      %reduce_max3A_396 = arith.xori %while3A_391, %reduce_max3A_395 : vector<16xi32>
      %reduce_max3A_397 = tpu.scan <max>, %reduce_max3A_396 masked %reduce_max3A_393 : vector<16xi32>, vector<16xi1> -> vector<16xi32>
      %reduce_max3A_398 = arith.xori %reduce_max3A_397, %reduce_max3A_395 : vector<16xi32>
      %reduce_max3A_399 = vector.extract %reduce_max3A_398[15] : i32 from vector<16xi32>
      %dma_wait3A = arith.constant 0 : i32
      %dma_wait3A_400 = arith.constant 0 : i32
      %dma_wait3A_401 = tpu.memref_slice %arg9[%dma_wait3A, %dma_wait3A_400] : memref<64x1152xf32, #tpu.memory_space<vmem>> -> memref<64x128xf32, #tpu.memory_space<vmem>>
      %dma_wait3A_402 = arith.constant 0 : i32
      %dma_wait3A_403 = tpu.memref_slice %arg2[%dma_wait3A_402, %mul3A_232] : memref<64x100000xf32, #tpu.memory_space<hbm>> -> memref<64x128xf32, #tpu.memory_space<hbm>>
      %dma_wait3A_404 = arith.constant 0 : i32
      %dma_wait3A_405 = arith.constant 0 : i32
      %dma_wait3A_406 = tpu.memref_slice %arg9[%dma_wait3A_404, %dma_wait3A_405] : memref<64x1152xf32, #tpu.memory_space<vmem>> -> memref<64x128xf32, #tpu.memory_space<vmem>>
      %dma_wait3A_407 = arith.constant 0 : i32
      %dma_wait3A_408 = tpu.memref_slice %arg2[%dma_wait3A_407, %mul3A_232] : memref<64x100000xf32, #tpu.memory_space<hbm>> -> memref<64x128xf32, #tpu.memory_space<hbm>>
      tpu.wait_dma2 semaphore(%arg12 : memref<!tpu.dma_semaphore, #tpu.memory_space<semaphore_mem>>) src(%dma_wait3A_408 : memref<64x128xf32, #tpu.memory_space<hbm>>) dst(%dma_wait3A_406 : memref<64x128xf32, #tpu.memory_space<vmem>>)
      %dma_wait3A_409 = arith.constant 0 : i32
      %dma_wait3A_410 = arith.constant 128 : i32
      %dma_wait3A_411 = tpu.memref_slice %arg9[%dma_wait3A_409, %dma_wait3A_410] : memref<64x1152xf32, #tpu.memory_space<vmem>> -> memref<64x128xf32, #tpu.memory_space<vmem>>
      %dma_wait3A_412 = arith.constant 0 : i32
      %dma_wait3A_413 = tpu.memref_slice %arg2[%dma_wait3A_412, %mul3A_247] : memref<64x100000xf32, #tpu.memory_space<hbm>> -> memref<64x128xf32, #tpu.memory_space<hbm>>
      %dma_wait3A_414 = arith.constant 0 : i32
      %dma_wait3A_415 = arith.constant 128 : i32
      %dma_wait3A_416 = tpu.memref_slice %arg9[%dma_wait3A_414, %dma_wait3A_415] : memref<64x1152xf32, #tpu.memory_space<vmem>> -> memref<64x128xf32, #tpu.memory_space<vmem>>
      %dma_wait3A_417 = arith.constant 0 : i32
      %dma_wait3A_418 = tpu.memref_slice %arg2[%dma_wait3A_417, %mul3A_247] : memref<64x100000xf32, #tpu.memory_space<hbm>> -> memref<64x128xf32, #tpu.memory_space<hbm>>
      tpu.wait_dma2 semaphore(%arg12 : memref<!tpu.dma_semaphore, #tpu.memory_space<semaphore_mem>>) src(%dma_wait3A_418 : memref<64x128xf32, #tpu.memory_space<hbm>>) dst(%dma_wait3A_416 : memref<64x128xf32, #tpu.memory_space<vmem>>)
      %dma_wait3A_419 = arith.constant 0 : i32
      %dma_wait3A_420 = arith.constant 256 : i32
      %dma_wait3A_421 = tpu.memref_slice %arg9[%dma_wait3A_419, %dma_wait3A_420] : memref<64x1152xf32, #tpu.memory_space<vmem>> -> memref<64x128xf32, #tpu.memory_space<vmem>>
      %dma_wait3A_422 = arith.constant 0 : i32
      %dma_wait3A_423 = tpu.memref_slice %arg2[%dma_wait3A_422, %mul3A_263] : memref<64x100000xf32, #tpu.memory_space<hbm>> -> memref<64x128xf32, #tpu.memory_space<hbm>>
      %dma_wait3A_424 = arith.constant 0 : i32
      %dma_wait3A_425 = arith.constant 256 : i32
      %dma_wait3A_426 = tpu.memref_slice %arg9[%dma_wait3A_424, %dma_wait3A_425] : memref<64x1152xf32, #tpu.memory_space<vmem>> -> memref<64x128xf32, #tpu.memory_space<vmem>>
      %dma_wait3A_427 = arith.constant 0 : i32
      %dma_wait3A_428 = tpu.memref_slice %arg2[%dma_wait3A_427, %mul3A_263] : memref<64x100000xf32, #tpu.memory_space<hbm>> -> memref<64x128xf32, #tpu.memory_space<hbm>>
      tpu.wait_dma2 semaphore(%arg12 : memref<!tpu.dma_semaphore, #tpu.memory_space<semaphore_mem>>) src(%dma_wait3A_428 : memref<64x128xf32, #tpu.memory_space<hbm>>) dst(%dma_wait3A_426 : memref<64x128xf32, #tpu.memory_space<vmem>>)
      %dma_wait3A_429 = arith.constant 0 : i32
      %dma_wait3A_430 = arith.constant 384 : i32
      %dma_wait3A_431 = tpu.memref_slice %arg9[%dma_wait3A_429, %dma_wait3A_430] : memref<64x1152xf32, #tpu.memory_space<vmem>> -> memref<64x128xf32, #tpu.memory_space<vmem>>
      %dma_wait3A_432 = arith.constant 0 : i32
      %dma_wait3A_433 = tpu.memref_slice %arg2[%dma_wait3A_432, %mul3A_279] : memref<64x100000xf32, #tpu.memory_space<hbm>> -> memref<64x128xf32, #tpu.memory_space<hbm>>
      %dma_wait3A_434 = arith.constant 0 : i32
      %dma_wait3A_435 = arith.constant 384 : i32
      %dma_wait3A_436 = tpu.memref_slice %arg9[%dma_wait3A_434, %dma_wait3A_435] : memref<64x1152xf32, #tpu.memory_space<vmem>> -> memref<64x128xf32, #tpu.memory_space<vmem>>
      %dma_wait3A_437 = arith.constant 0 : i32
      %dma_wait3A_438 = tpu.memref_slice %arg2[%dma_wait3A_437, %mul3A_279] : memref<64x100000xf32, #tpu.memory_space<hbm>> -> memref<64x128xf32, #tpu.memory_space<hbm>>
      tpu.wait_dma2 semaphore(%arg12 : memref<!tpu.dma_semaphore, #tpu.memory_space<semaphore_mem>>) src(%dma_wait3A_438 : memref<64x128xf32, #tpu.memory_space<hbm>>) dst(%dma_wait3A_436 : memref<64x128xf32, #tpu.memory_space<vmem>>)
      %dma_wait3A_439 = arith.constant 0 : i32
      %dma_wait3A_440 = arith.constant 512 : i32
      %dma_wait3A_441 = tpu.memref_slice %arg9[%dma_wait3A_439, %dma_wait3A_440] : memref<64x1152xf32, #tpu.memory_space<vmem>> -> memref<64x128xf32, #tpu.memory_space<vmem>>
      %dma_wait3A_442 = arith.constant 0 : i32
      %dma_wait3A_443 = tpu.memref_slice %arg2[%dma_wait3A_442, %mul3A_295] : memref<64x100000xf32, #tpu.memory_space<hbm>> -> memref<64x128xf32, #tpu.memory_space<hbm>>
      %dma_wait3A_444 = arith.constant 0 : i32
      %dma_wait3A_445 = arith.constant 512 : i32
      %dma_wait3A_446 = tpu.memref_slice %arg9[%dma_wait3A_444, %dma_wait3A_445] : memref<64x1152xf32, #tpu.memory_space<vmem>> -> memref<64x128xf32, #tpu.memory_space<vmem>>
      %dma_wait3A_447 = arith.constant 0 : i32
      %dma_wait3A_448 = tpu.memref_slice %arg2[%dma_wait3A_447, %mul3A_295] : memref<64x100000xf32, #tpu.memory_space<hbm>> -> memref<64x128xf32, #tpu.memory_space<hbm>>
      tpu.wait_dma2 semaphore(%arg12 : memref<!tpu.dma_semaphore, #tpu.memory_space<semaphore_mem>>) src(%dma_wait3A_448 : memref<64x128xf32, #tpu.memory_space<hbm>>) dst(%dma_wait3A_446 : memref<64x128xf32, #tpu.memory_space<vmem>>)
      %dma_wait3A_449 = arith.constant 0 : i32
      %dma_wait3A_450 = arith.constant 640 : i32
      %dma_wait3A_451 = tpu.memref_slice %arg9[%dma_wait3A_449, %dma_wait3A_450] : memref<64x1152xf32, #tpu.memory_space<vmem>> -> memref<64x128xf32, #tpu.memory_space<vmem>>
      %dma_wait3A_452 = arith.constant 0 : i32
      %dma_wait3A_453 = tpu.memref_slice %arg2[%dma_wait3A_452, %mul3A_311] : memref<64x100000xf32, #tpu.memory_space<hbm>> -> memref<64x128xf32, #tpu.memory_space<hbm>>
      %dma_wait3A_454 = arith.constant 0 : i32
      %dma_wait3A_455 = arith.constant 640 : i32
      %dma_wait3A_456 = tpu.memref_slice %arg9[%dma_wait3A_454, %dma_wait3A_455] : memref<64x1152xf32, #tpu.memory_space<vmem>> -> memref<64x128xf32, #tpu.memory_space<vmem>>
      %dma_wait3A_457 = arith.constant 0 : i32
      %dma_wait3A_458 = tpu.memref_slice %arg2[%dma_wait3A_457, %mul3A_311] : memref<64x100000xf32, #tpu.memory_space<hbm>> -> memref<64x128xf32, #tpu.memory_space<hbm>>
      tpu.wait_dma2 semaphore(%arg12 : memref<!tpu.dma_semaphore, #tpu.memory_space<semaphore_mem>>) src(%dma_wait3A_458 : memref<64x128xf32, #tpu.memory_space<hbm>>) dst(%dma_wait3A_456 : memref<64x128xf32, #tpu.memory_space<vmem>>)
      %dma_wait3A_459 = arith.constant 0 : i32
      %dma_wait3A_460 = arith.constant 768 : i32
      %dma_wait3A_461 = tpu.memref_slice %arg9[%dma_wait3A_459, %dma_wait3A_460] : memref<64x1152xf32, #tpu.memory_space<vmem>> -> memref<64x128xf32, #tpu.memory_space<vmem>>
      %dma_wait3A_462 = arith.constant 0 : i32
      %dma_wait3A_463 = tpu.memref_slice %arg2[%dma_wait3A_462, %mul3A_327] : memref<64x100000xf32, #tpu.memory_space<hbm>> -> memref<64x128xf32, #tpu.memory_space<hbm>>
      %dma_wait3A_464 = arith.constant 0 : i32
      %dma_wait3A_465 = arith.constant 768 : i32
      %dma_wait3A_466 = tpu.memref_slice %arg9[%dma_wait3A_464, %dma_wait3A_465] : memref<64x1152xf32, #tpu.memory_space<vmem>> -> memref<64x128xf32, #tpu.memory_space<vmem>>
      %dma_wait3A_467 = arith.constant 0 : i32
      %dma_wait3A_468 = tpu.memref_slice %arg2[%dma_wait3A_467, %mul3A_327] : memref<64x100000xf32, #tpu.memory_space<hbm>> -> memref<64x128xf32, #tpu.memory_space<hbm>>
      tpu.wait_dma2 semaphore(%arg12 : memref<!tpu.dma_semaphore, #tpu.memory_space<semaphore_mem>>) src(%dma_wait3A_468 : memref<64x128xf32, #tpu.memory_space<hbm>>) dst(%dma_wait3A_466 : memref<64x128xf32, #tpu.memory_space<vmem>>)
      %dma_wait3A_469 = arith.constant 0 : i32
      %dma_wait3A_470 = arith.constant 896 : i32
      %dma_wait3A_471 = tpu.memref_slice %arg9[%dma_wait3A_469, %dma_wait3A_470] : memref<64x1152xf32, #tpu.memory_space<vmem>> -> memref<64x128xf32, #tpu.memory_space<vmem>>
      %dma_wait3A_472 = arith.constant 0 : i32
      %dma_wait3A_473 = tpu.memref_slice %arg2[%dma_wait3A_472, %mul3A_343] : memref<64x100000xf32, #tpu.memory_space<hbm>> -> memref<64x128xf32, #tpu.memory_space<hbm>>
      %dma_wait3A_474 = arith.constant 0 : i32
      %dma_wait3A_475 = arith.constant 896 : i32
      %dma_wait3A_476 = tpu.memref_slice %arg9[%dma_wait3A_474, %dma_wait3A_475] : memref<64x1152xf32, #tpu.memory_space<vmem>> -> memref<64x128xf32, #tpu.memory_space<vmem>>
      %dma_wait3A_477 = arith.constant 0 : i32
      %dma_wait3A_478 = tpu.memref_slice %arg2[%dma_wait3A_477, %mul3A_343] : memref<64x100000xf32, #tpu.memory_space<hbm>> -> memref<64x128xf32, #tpu.memory_space<hbm>>
      tpu.wait_dma2 semaphore(%arg12 : memref<!tpu.dma_semaphore, #tpu.memory_space<semaphore_mem>>) src(%dma_wait3A_478 : memref<64x128xf32, #tpu.memory_space<hbm>>) dst(%dma_wait3A_476 : memref<64x128xf32, #tpu.memory_space<vmem>>)
      %dma_wait3A_479 = arith.constant 0 : i32
      %dma_wait3A_480 = arith.constant 1024 : i32
      %dma_wait3A_481 = tpu.memref_slice %arg9[%dma_wait3A_479, %dma_wait3A_480] : memref<64x1152xf32, #tpu.memory_space<vmem>> -> memref<64x128xf32, #tpu.memory_space<vmem>>
      %dma_wait3A_482 = arith.constant 0 : i32
      %dma_wait3A_483 = tpu.memref_slice %arg2[%dma_wait3A_482, %mul3A_359] : memref<64x100000xf32, #tpu.memory_space<hbm>> -> memref<64x128xf32, #tpu.memory_space<hbm>>
      %dma_wait3A_484 = arith.constant 0 : i32
      %dma_wait3A_485 = arith.constant 1024 : i32
      %dma_wait3A_486 = tpu.memref_slice %arg9[%dma_wait3A_484, %dma_wait3A_485] : memref<64x1152xf32, #tpu.memory_space<vmem>> -> memref<64x128xf32, #tpu.memory_space<vmem>>
      %dma_wait3A_487 = arith.constant 0 : i32
      %dma_wait3A_488 = tpu.memref_slice %arg2[%dma_wait3A_487, %mul3A_359] : memref<64x100000xf32, #tpu.memory_space<hbm>> -> memref<64x128xf32, #tpu.memory_space<hbm>>
      tpu.wait_dma2 semaphore(%arg12 : memref<!tpu.dma_semaphore, #tpu.memory_space<semaphore_mem>>) src(%dma_wait3A_488 : memref<64x128xf32, #tpu.memory_space<hbm>>) dst(%dma_wait3A_486 : memref<64x128xf32, #tpu.memory_space<vmem>>)
      %mul3A_489 = arith.constant 128 : i32
      %mul3A_490 = arith.muli %add3A_227, %mul3A_489 : i32
      %add3A_491 = arith.constant 15 : i32
      %add3A_492 = arith.addi %reduce_max3A_399, %add3A_491 : i32
      %jit3A_493 = arith.constant 16 : i32
      %div3A_494 = arith.divsi %add3A_492, %jit3A_493 : i32
      %sign3A_495 = arith.constant 0 : i32
      %sign3A_496 = arith.cmpi sgt, %add3A_492, %sign3A_495 : i32
      %sign3A_497 = arith.extui %sign3A_496 : i1 to i32
      %sign3A_498 = arith.constant 0 : i32
      %sign3A_499 = arith.cmpi slt, %add3A_492, %sign3A_498 : i32
      %sign3A_500 = arith.extui %sign3A_499 : i1 to i32
      %sign3A_501 = arith.subi %sign3A_497, %sign3A_500 : i32
      %sign3A_502 = arith.constant 0 : i32
      %sign3A_503 = arith.cmpi sgt, %jit3A_493, %sign3A_502 : i32
      %sign3A_504 = arith.extui %sign3A_503 : i1 to i32
      %sign3A_505 = arith.constant 0 : i32
      %sign3A_506 = arith.cmpi slt, %jit3A_493, %sign3A_505 : i32
      %sign3A_507 = arith.extui %sign3A_506 : i1 to i32
      %sign3A_508 = arith.subi %sign3A_504, %sign3A_507 : i32
      %ne3A_509 = arith.cmpi ne, %sign3A_501, %sign3A_508 : i32
      %rem3A_510 = arith.remsi %add3A_492, %jit3A_493 : i32
      %ne3A_511 = arith.constant 0 : i32
      %ne3A_512 = arith.cmpi ne, %rem3A_510, %ne3A_511 : i32
      %and3A_513 = arith.andi %ne3A_509, %ne3A_512 : i1
      %sub3A_514 = arith.constant 1 : i32
      %sub3A_515 = arith.subi %div3A_494, %sub3A_514 : i32
      %select_n3A_516 = arith.select %and3A_513, %sub3A_515, %div3A_494 : i32
      %add3A_517 = arith.constant 127 : i32
      %add3A_518 = arith.addi %reduce_max3A_399, %add3A_517 : i32
      %jit3A_519 = arith.constant 128 : i32
      %div3A_520 = arith.divsi %add3A_518, %jit3A_519 : i32
      %sign3A_521 = arith.constant 0 : i32
      %sign3A_522 = arith.cmpi sgt, %add3A_518, %sign3A_521 : i32
      %sign3A_523 = arith.extui %sign3A_522 : i1 to i32
      %sign3A_524 = arith.constant 0 : i32
      %sign3A_525 = arith.cmpi slt, %add3A_518, %sign3A_524 : i32
      %sign3A_526 = arith.extui %sign3A_525 : i1 to i32
      %sign3A_527 = arith.subi %sign3A_523, %sign3A_526 : i32
      %sign3A_528 = arith.constant 0 : i32
      %sign3A_529 = arith.cmpi sgt, %jit3A_519, %sign3A_528 : i32
      %sign3A_530 = arith.extui %sign3A_529 : i1 to i32
      %sign3A_531 = arith.constant 0 : i32
      %sign3A_532 = arith.cmpi slt, %jit3A_519, %sign3A_531 : i32
      %sign3A_533 = arith.extui %sign3A_532 : i1 to i32
      %sign3A_534 = arith.subi %sign3A_530, %sign3A_533 : i32
      %ne3A_535 = arith.cmpi ne, %sign3A_527, %sign3A_534 : i32
      %rem3A_536 = arith.remsi %add3A_518, %jit3A_519 : i32
      %ne3A_537 = arith.constant 0 : i32
      %ne3A_538 = arith.cmpi ne, %rem3A_536, %ne3A_537 : i32
      %and3A_539 = arith.andi %ne3A_535, %ne3A_538 : i1
      %sub3A_540 = arith.constant 1 : i32
      %sub3A_541 = arith.subi %div3A_520, %sub3A_540 : i32
      %select_n3A_542 = arith.select %and3A_539, %sub3A_541, %div3A_520 : i32
      %while3A_543 = arith.constant 0 : i32
      %while3A_544 = arith.constant 0 : i32
      %while3A_545 = arith.subi %select_n3A_542, %while3A_543 : i32
      %while3A_546 = arith.addi %while3A_543, %while3A_545 : i32
      %while3A_547 = arith.constant 1 : i32
      %while3A_548 = arith.divsi %while3A_545, %while3A_547 : i32
      %while3A_549 = arith.muli %while3A_548, %while3A_547 : i32
      %while3A_550 = arith.addi %while3A_543, %while3A_549 : i32
      %while3A_551 = arith.constant 1 : i32
      %while3A_552 = scf.for %while3A_556 = %while3A_543 to %while3A_550 step %while3A_551 iter_args(%while3A_557 = %while3A_544) -> (i32)  : i32 {
        %mul3A_558 = arith.constant 8 : i32
        %mul3A_559 = arith.muli %while3A_556, %mul3A_558 : i32
        %sub3A_560 = arith.subi %select_n3A_516, %mul3A_559 : i32
        %min3A_561 = arith.constant 8 : i32
        %min3A_562 = arith.minsi %sub3A_560, %min3A_561 : i32
        %while3A_563 = arith.constant 0 : i32
        %while3A_564 = arith.constant 0 : i32
        %while3A_565 = arith.subi %min3A_562, %while3A_563 : i32
        %while3A_566 = arith.addi %while3A_563, %while3A_565 : i32
        %while3A_567 = arith.constant 1 : i32
        %while3A_568 = arith.divsi %while3A_565, %while3A_567 : i32
        %while3A_569 = arith.muli %while3A_568, %while3A_567 : i32
        %while3A_570 = arith.addi %while3A_563, %while3A_569 : i32
        %while3A_571 = arith.constant 1 : i32
        %while3A_572 = scf.for %while3A_590 = %while3A_563 to %while3A_570 step %while3A_571 iter_args(%while3A_591 = %while3A_564) -> (i32)  : i32 {
          %mul3A_592 = arith.constant 128 : i32
          %mul3A_593 = arith.muli %while3A_556, %mul3A_592 : i32
          %mul3A_594 = arith.constant 16 : i32
          %mul3A_595 = arith.muli %while3A_590, %mul3A_594 : i32
          %add3A_596 = arith.addi %mul3A_593, %mul3A_595 : i32
          %get3A = arith.index_cast %add3A_596 : i32 to index
          %get3A_597 = tpu.vector_load %arg8[%get3A] {strides = array<i32>} : memref<16400xi32, #tpu.memory_space<vmem>>, vector<16xi32>,
          %shift_right_logical3A = arith.constant 14 : i32
          %shift_right_logical3A_598 = vector.broadcast %shift_right_logical3A : i32 to vector<16xi32>
          %shift_right_logical3A_599 = arith.shrui %get3A_597, %shift_right_logical3A_598 : vector<16xi32>
          %and3A_600 = arith.constant 16383 : i32
          %and3A_601 = vector.broadcast %and3A_600 : i32 to vector<16xi32>
          %and3A_602 = arith.andi %get3A_597, %and3A_601 : vector<16xi32>
          %add3A_603 = vector.broadcast %add3A_596 : i32 to vector<16xi32>
          %add3A_604 = arith.addi %iota3A, %add3A_603 : vector<16xi32>
          %lt3A = vector.broadcast %reduce_max3A_399 : i32 to vector<16xi32>
          %lt3A_605 = arith.cmpi slt, %add3A_604, %lt3A : vector<16xi32>
          %mul3A_606 = arith.constant 16 : i32
          %mul3A_607 = arith.muli %while3A_590, %mul3A_606 : i32
          %add3A_608 = vector.broadcast %mul3A_607 : i32 to vector<16xi32>
          %add3A_609 = arith.addi %iota3A, %add3A_608 : vector<16xi32>
          %sub3A_610 = vector.broadcast %mul3A_490 : i32 to vector<16xi32>
          %sub3A_611 = arith.subi %shift_right_logical3A_599, %sub3A_610 : vector<16xi32>
          %clamp3A = arith.constant 0 : i32
          %clamp3A_612 = arith.constant 1151 : i32
          %clamp3A_613 = vector.broadcast %clamp3A : i32 to vector<16xi32>
          %clamp3A_614 = arith.maxsi %sub3A_611, %clamp3A_613 : vector<16xi32>
          %clamp3A_615 = vector.broadcast %clamp3A_612 : i32 to vector<16xi32>
          %clamp3A_616 = arith.minsi %clamp3A_614, %clamp3A_615 : vector<16xi32>
          %broadcast_in_dim3A_617 = arith.constant 0 : i32
          %broadcast_in_dim3A_618 = vector.broadcast %broadcast_in_dim3A_617 : i32 to vector<16xi32>
          %gather3A = tpu.vector_load_idx %arg9[%broadcast_in_dim3A_618, %clamp3A_616] : memref<64x1152xf32, #tpu.memory_space<vmem>>[vector<16xi32>, vector<16xi32>], vector<16xf32>,
          tpu.vector_store_idx %arg10[%add3A_609, %broadcast_in_dim3A_618], %gather3A : memref<128x128xf32, #tpu.memory_space<vmem>>[vector<16xi32>, vector<16xi32>], vector<16xf32>,
          %broadcast_in_dim3A_619 = arith.constant 1 : i32
          %broadcast_in_dim3A_620 = vector.broadcast %broadcast_in_dim3A_619 : i32 to vector<16xi32>
          %gather3A_621 = tpu.vector_load_idx %arg9[%broadcast_in_dim3A_620, %clamp3A_616] : memref<64x1152xf32, #tpu.memory_space<vmem>>[vector<16xi32>, vector<16xi32>], vector<16xf32>,
          tpu.vector_store_idx %arg10[%add3A_609, %broadcast_in_dim3A_620], %gather3A_621 : memref<128x128xf32, #tpu.memory_space<vmem>>[vector<16xi32>, vector<16xi32>], vector<16xf32>,
          %broadcast_in_dim3A_622 = arith.constant 2 : i32
          %broadcast_in_dim3A_623 = vector.broadcast %broadcast_in_dim3A_622 : i32 to vector<16xi32>
          %gather3A_624 = tpu.vector_load_idx %arg9[%broadcast_in_dim3A_623, %clamp3A_616] : memref<64x1152xf32, #tpu.memory_space<vmem>>[vector<16xi32>, vector<16xi32>], vector<16xf32>,
          tpu.vector_store_idx %arg10[%add3A_609, %broadcast_in_dim3A_623], %gather3A_624 : memref<128x128xf32, #tpu.memory_space<vmem>>[vector<16xi32>, vector<16xi32>], vector<16xf32>,
          %broadcast_in_dim3A_625 = arith.constant 3 : i32
          %broadcast_in_dim3A_626 = vector.broadcast %broadcast_in_dim3A_625 : i32 to vector<16xi32>
          %gather3A_627 = tpu.vector_load_idx %arg9[%broadcast_in_dim3A_626, %clamp3A_616] : memref<64x1152xf32, #tpu.memory_space<vmem>>[vector<16xi32>, vector<16xi32>], vector<16xf32>,
          tpu.vector_store_idx %arg10[%add3A_609, %broadcast_in_dim3A_626], %gather3A_627 : memref<128x128xf32, #tpu.memory_space<vmem>>[vector<16xi32>, vector<16xi32>], vector<16xf32>,
          %broadcast_in_dim3A_628 = arith.constant 4 : i32
          %broadcast_in_dim3A_629 = vector.broadcast %broadcast_in_dim3A_628 : i32 to vector<16xi32>
          %gather3A_630 = tpu.vector_load_idx %arg9[%broadcast_in_dim3A_629, %clamp3A_616] : memref<64x1152xf32, #tpu.memory_space<vmem>>[vector<16xi32>, vector<16xi32>], vector<16xf32>,
          tpu.vector_store_idx %arg10[%add3A_609, %broadcast_in_dim3A_629], %gather3A_630 : memref<128x128xf32, #tpu.memory_space<vmem>>[vector<16xi32>, vector<16xi32>], vector<16xf32>,
          %broadcast_in_dim3A_631 = arith.constant 5 : i32
          %broadcast_in_dim3A_632 = vector.broadcast %broadcast_in_dim3A_631 : i32 to vector<16xi32>
          %gather3A_633 = tpu.vector_load_idx %arg9[%broadcast_in_dim3A_632, %clamp3A_616] : memref<64x1152xf32, #tpu.memory_space<vmem>>[vector<16xi32>, vector<16xi32>], vector<16xf32>,
          tpu.vector_store_idx %arg10[%add3A_609, %broadcast_in_dim3A_632], %gather3A_633 : memref<128x128xf32, #tpu.memory_space<vmem>>[vector<16xi32>, vector<16xi32>], vector<16xf32>,
          %broadcast_in_dim3A_634 = arith.constant 6 : i32
          %broadcast_in_dim3A_635 = vector.broadcast %broadcast_in_dim3A_634 : i32 to vector<16xi32>
          %gather3A_636 = tpu.vector_load_idx %arg9[%broadcast_in_dim3A_635, %clamp3A_616] : memref<64x1152xf32, #tpu.memory_space<vmem>>[vector<16xi32>, vector<16xi32>], vector<16xf32>,
          tpu.vector_store_idx %arg10[%add3A_609, %broadcast_in_dim3A_635], %gather3A_636 : memref<128x128xf32, #tpu.memory_space<vmem>>[vector<16xi32>, vector<16xi32>], vector<16xf32>,
          %broadcast_in_dim3A_637 = arith.constant 7 : i32
          %broadcast_in_dim3A_638 = vector.broadcast %broadcast_in_dim3A_637 : i32 to vector<16xi32>
          %gather3A_639 = tpu.vector_load_idx %arg9[%broadcast_in_dim3A_638, %clamp3A_616] : memref<64x1152xf32, #tpu.memory_space<vmem>>[vector<16xi32>, vector<16xi32>], vector<16xf32>,
          tpu.vector_store_idx %arg10[%add3A_609, %broadcast_in_dim3A_638], %gather3A_639 : memref<128x128xf32, #tpu.memory_space<vmem>>[vector<16xi32>, vector<16xi32>], vector<16xf32>,
          %broadcast_in_dim3A_640 = arith.constant 8 : i32
          %broadcast_in_dim3A_641 = vector.broadcast %broadcast_in_dim3A_640 : i32 to vector<16xi32>
          %gather3A_642 = tpu.vector_load_idx %arg9[%broadcast_in_dim3A_641, %clamp3A_616] : memref<64x1152xf32, #tpu.memory_space<vmem>>[vector<16xi32>, vector<16xi32>], vector<16xf32>,
          tpu.vector_store_idx %arg10[%add3A_609, %broadcast_in_dim3A_641], %gather3A_642 : memref<128x128xf32, #tpu.memory_space<vmem>>[vector<16xi32>, vector<16xi32>], vector<16xf32>,
          %broadcast_in_dim3A_643 = arith.constant 9 : i32
          %broadcast_in_dim3A_644 = vector.broadcast %broadcast_in_dim3A_643 : i32 to vector<16xi32>
          %gather3A_645 = tpu.vector_load_idx %arg9[%broadcast_in_dim3A_644, %clamp3A_616] : memref<64x1152xf32, #tpu.memory_space<vmem>>[vector<16xi32>, vector<16xi32>], vector<16xf32>,
          tpu.vector_store_idx %arg10[%add3A_609, %broadcast_in_dim3A_644], %gather3A_645 : memref<128x128xf32, #tpu.memory_space<vmem>>[vector<16xi32>, vector<16xi32>], vector<16xf32>,
          %broadcast_in_dim3A_646 = arith.constant 10 : i32
          %broadcast_in_dim3A_647 = vector.broadcast %broadcast_in_dim3A_646 : i32 to vector<16xi32>
          %gather3A_648 = tpu.vector_load_idx %arg9[%broadcast_in_dim3A_647, %clamp3A_616] : memref<64x1152xf32, #tpu.memory_space<vmem>>[vector<16xi32>, vector<16xi32>], vector<16xf32>,
          tpu.vector_store_idx %arg10[%add3A_609, %broadcast_in_dim3A_647], %gather3A_648 : memref<128x128xf32, #tpu.memory_space<vmem>>[vector<16xi32>, vector<16xi32>], vector<16xf32>,
          %broadcast_in_dim3A_649 = arith.constant 11 : i32
          %broadcast_in_dim3A_650 = vector.broadcast %broadcast_in_dim3A_649 : i32 to vector<16xi32>
          %gather3A_651 = tpu.vector_load_idx %arg9[%broadcast_in_dim3A_650, %clamp3A_616] : memref<64x1152xf32, #tpu.memory_space<vmem>>[vector<16xi32>, vector<16xi32>], vector<16xf32>,
          tpu.vector_store_idx %arg10[%add3A_609, %broadcast_in_dim3A_650], %gather3A_651 : memref<128x128xf32, #tpu.memory_space<vmem>>[vector<16xi32>, vector<16xi32>], vector<16xf32>,
          %broadcast_in_dim3A_652 = arith.constant 12 : i32
          %broadcast_in_dim3A_653 = vector.broadcast %broadcast_in_dim3A_652 : i32 to vector<16xi32>
          %gather3A_654 = tpu.vector_load_idx %arg9[%broadcast_in_dim3A_653, %clamp3A_616] : memref<64x1152xf32, #tpu.memory_space<vmem>>[vector<16xi32>, vector<16xi32>], vector<16xf32>,
          tpu.vector_store_idx %arg10[%add3A_609, %broadcast_in_dim3A_653], %gather3A_654 : memref<128x128xf32, #tpu.memory_space<vmem>>[vector<16xi32>, vector<16xi32>], vector<16xf32>,
          %broadcast_in_dim3A_655 = arith.constant 13 : i32
          %broadcast_in_dim3A_656 = vector.broadcast %broadcast_in_dim3A_655 : i32 to vector<16xi32>
          %gather3A_657 = tpu.vector_load_idx %arg9[%broadcast_in_dim3A_656, %clamp3A_616] : memref<64x1152xf32, #tpu.memory_space<vmem>>[vector<16xi32>, vector<16xi32>], vector<16xf32>,
          tpu.vector_store_idx %arg10[%add3A_609, %broadcast_in_dim3A_656], %gather3A_657 : memref<128x128xf32, #tpu.memory_space<vmem>>[vector<16xi32>, vector<16xi32>], vector<16xf32>,
          %broadcast_in_dim3A_658 = arith.constant 14 : i32
          %broadcast_in_dim3A_659 = vector.broadcast %broadcast_in_dim3A_658 : i32 to vector<16xi32>
          %gather3A_660 = tpu.vector_load_idx %arg9[%broadcast_in_dim3A_659, %clamp3A_616] : memref<64x1152xf32, #tpu.memory_space<vmem>>[vector<16xi32>, vector<16xi32>], vector<16xf32>,
          tpu.vector_store_idx %arg10[%add3A_609, %broadcast_in_dim3A_659], %gather3A_660 : memref<128x128xf32, #tpu.memory_space<vmem>>[vector<16xi32>, vector<16xi32>], vector<16xf32>,
          %broadcast_in_dim3A_661 = arith.constant 15 : i32
          %broadcast_in_dim3A_662 = vector.broadcast %broadcast_in_dim3A_661 : i32 to vector<16xi32>
          %gather3A_663 = tpu.vector_load_idx %arg9[%broadcast_in_dim3A_662, %clamp3A_616] : memref<64x1152xf32, #tpu.memory_space<vmem>>[vector<16xi32>, vector<16xi32>], vector<16xf32>,
          tpu.vector_store_idx %arg10[%add3A_609, %broadcast_in_dim3A_662], %gather3A_663 : memref<128x128xf32, #tpu.memory_space<vmem>>[vector<16xi32>, vector<16xi32>], vector<16xf32>,
          %broadcast_in_dim3A_664 = arith.constant 16 : i32
          %broadcast_in_dim3A_665 = vector.broadcast %broadcast_in_dim3A_664 : i32 to vector<16xi32>
          %gather3A_666 = tpu.vector_load_idx %arg9[%broadcast_in_dim3A_665, %clamp3A_616] : memref<64x1152xf32, #tpu.memory_space<vmem>>[vector<16xi32>, vector<16xi32>], vector<16xf32>,
          tpu.vector_store_idx %arg10[%add3A_609, %broadcast_in_dim3A_665], %gather3A_666 : memref<128x128xf32, #tpu.memory_space<vmem>>[vector<16xi32>, vector<16xi32>], vector<16xf32>,
          %broadcast_in_dim3A_667 = arith.constant 17 : i32
          %broadcast_in_dim3A_668 = vector.broadcast %broadcast_in_dim3A_667 : i32 to vector<16xi32>
          %gather3A_669 = tpu.vector_load_idx %arg9[%broadcast_in_dim3A_668, %clamp3A_616] : memref<64x1152xf32, #tpu.memory_space<vmem>>[vector<16xi32>, vector<16xi32>], vector<16xf32>,
          tpu.vector_store_idx %arg10[%add3A_609, %broadcast_in_dim3A_668], %gather3A_669 : memref<128x128xf32, #tpu.memory_space<vmem>>[vector<16xi32>, vector<16xi32>], vector<16xf32>,
          %broadcast_in_dim3A_670 = arith.constant 18 : i32
          %broadcast_in_dim3A_671 = vector.broadcast %broadcast_in_dim3A_670 : i32 to vector<16xi32>
          %gather3A_672 = tpu.vector_load_idx %arg9[%broadcast_in_dim3A_671, %clamp3A_616] : memref<64x1152xf32, #tpu.memory_space<vmem>>[vector<16xi32>, vector<16xi32>], vector<16xf32>,
          tpu.vector_store_idx %arg10[%add3A_609, %broadcast_in_dim3A_671], %gather3A_672 : memref<128x128xf32, #tpu.memory_space<vmem>>[vector<16xi32>, vector<16xi32>], vector<16xf32>,
          %broadcast_in_dim3A_673 = arith.constant 19 : i32
          %broadcast_in_dim3A_674 = vector.broadcast %broadcast_in_dim3A_673 : i32 to vector<16xi32>
          %gather3A_675 = tpu.vector_load_idx %arg9[%broadcast_in_dim3A_674, %clamp3A_616] : memref<64x1152xf32, #tpu.memory_space<vmem>>[vector<16xi32>, vector<16xi32>], vector<16xf32>,
          tpu.vector_store_idx %arg10[%add3A_609, %broadcast_in_dim3A_674], %gather3A_675 : memref<128x128xf32, #tpu.memory_space<vmem>>[vector<16xi32>, vector<16xi32>], vector<16xf32>,
          %broadcast_in_dim3A_676 = arith.constant 20 : i32
          %broadcast_in_dim3A_677 = vector.broadcast %broadcast_in_dim3A_676 : i32 to vector<16xi32>
          %gather3A_678 = tpu.vector_load_idx %arg9[%broadcast_in_dim3A_677, %clamp3A_616] : memref<64x1152xf32, #tpu.memory_space<vmem>>[vector<16xi32>, vector<16xi32>], vector<16xf32>,
          tpu.vector_store_idx %arg10[%add3A_609, %broadcast_in_dim3A_677], %gather3A_678 : memref<128x128xf32, #tpu.memory_space<vmem>>[vector<16xi32>, vector<16xi32>], vector<16xf32>,
          %broadcast_in_dim3A_679 = arith.constant 21 : i32
          %broadcast_in_dim3A_680 = vector.broadcast %broadcast_in_dim3A_679 : i32 to vector<16xi32>
          %gather3A_681 = tpu.vector_load_idx %arg9[%broadcast_in_dim3A_680, %clamp3A_616] : memref<64x1152xf32, #tpu.memory_space<vmem>>[vector<16xi32>, vector<16xi32>], vector<16xf32>,
          tpu.vector_store_idx %arg10[%add3A_609, %broadcast_in_dim3A_680], %gather3A_681 : memref<128x128xf32, #tpu.memory_space<vmem>>[vector<16xi32>, vector<16xi32>], vector<16xf32>,
          %broadcast_in_dim3A_682 = arith.constant 22 : i32
          %broadcast_in_dim3A_683 = vector.broadcast %broadcast_in_dim3A_682 : i32 to vector<16xi32>
          %gather3A_684 = tpu.vector_load_idx %arg9[%broadcast_in_dim3A_683, %clamp3A_616] : memref<64x1152xf32, #tpu.memory_space<vmem>>[vector<16xi32>, vector<16xi32>], vector<16xf32>,
          tpu.vector_store_idx %arg10[%add3A_609, %broadcast_in_dim3A_683], %gather3A_684 : memref<128x128xf32, #tpu.memory_space<vmem>>[vector<16xi32>, vector<16xi32>], vector<16xf32>,
          %broadcast_in_dim3A_685 = arith.constant 23 : i32
          %broadcast_in_dim3A_686 = vector.broadcast %broadcast_in_dim3A_685 : i32 to vector<16xi32>
          %gather3A_687 = tpu.vector_load_idx %arg9[%broadcast_in_dim3A_686, %clamp3A_616] : memref<64x1152xf32, #tpu.memory_space<vmem>>[vector<16xi32>, vector<16xi32>], vector<16xf32>,
          tpu.vector_store_idx %arg10[%add3A_609, %broadcast_in_dim3A_686], %gather3A_687 : memref<128x128xf32, #tpu.memory_space<vmem>>[vector<16xi32>, vector<16xi32>], vector<16xf32>,
          %broadcast_in_dim3A_688 = arith.constant 24 : i32
          %broadcast_in_dim3A_689 = vector.broadcast %broadcast_in_dim3A_688 : i32 to vector<16xi32>
          %gather3A_690 = tpu.vector_load_idx %arg9[%broadcast_in_dim3A_689, %clamp3A_616] : memref<64x1152xf32, #tpu.memory_space<vmem>>[vector<16xi32>, vector<16xi32>], vector<16xf32>,
          tpu.vector_store_idx %arg10[%add3A_609, %broadcast_in_dim3A_689], %gather3A_690 : memref<128x128xf32, #tpu.memory_space<vmem>>[vector<16xi32>, vector<16xi32>], vector<16xf32>,
          %broadcast_in_dim3A_691 = arith.constant 25 : i32
          %broadcast_in_dim3A_692 = vector.broadcast %broadcast_in_dim3A_691 : i32 to vector<16xi32>
          %gather3A_693 = tpu.vector_load_idx %arg9[%broadcast_in_dim3A_692, %clamp3A_616] : memref<64x1152xf32, #tpu.memory_space<vmem>>[vector<16xi32>, vector<16xi32>], vector<16xf32>,
          tpu.vector_store_idx %arg10[%add3A_609, %broadcast_in_dim3A_692], %gather3A_693 : memref<128x128xf32, #tpu.memory_space<vmem>>[vector<16xi32>, vector<16xi32>], vector<16xf32>,
          %broadcast_in_dim3A_694 = arith.constant 26 : i32
          %broadcast_in_dim3A_695 = vector.broadcast %broadcast_in_dim3A_694 : i32 to vector<16xi32>
          %gather3A_696 = tpu.vector_load_idx %arg9[%broadcast_in_dim3A_695, %clamp3A_616] : memref<64x1152xf32, #tpu.memory_space<vmem>>[vector<16xi32>, vector<16xi32>], vector<16xf32>,
          tpu.vector_store_idx %arg10[%add3A_609, %broadcast_in_dim3A_695], %gather3A_696 : memref<128x128xf32, #tpu.memory_space<vmem>>[vector<16xi32>, vector<16xi32>], vector<16xf32>,
          %broadcast_in_dim3A_697 = arith.constant 27 : i32
          %broadcast_in_dim3A_698 = vector.broadcast %broadcast_in_dim3A_697 : i32 to vector<16xi32>
          %gather3A_699 = tpu.vector_load_idx %arg9[%broadcast_in_dim3A_698, %clamp3A_616] : memref<64x1152xf32, #tpu.memory_space<vmem>>[vector<16xi32>, vector<16xi32>], vector<16xf32>,
          tpu.vector_store_idx %arg10[%add3A_609, %broadcast_in_dim3A_698], %gather3A_699 : memref<128x128xf32, #tpu.memory_space<vmem>>[vector<16xi32>, vector<16xi32>], vector<16xf32>,
          %broadcast_in_dim3A_700 = arith.constant 28 : i32
          %broadcast_in_dim3A_701 = vector.broadcast %broadcast_in_dim3A_700 : i32 to vector<16xi32>
          %gather3A_702 = tpu.vector_load_idx %arg9[%broadcast_in_dim3A_701, %clamp3A_616] : memref<64x1152xf32, #tpu.memory_space<vmem>>[vector<16xi32>, vector<16xi32>], vector<16xf32>,
          tpu.vector_store_idx %arg10[%add3A_609, %broadcast_in_dim3A_701], %gather3A_702 : memref<128x128xf32, #tpu.memory_space<vmem>>[vector<16xi32>, vector<16xi32>], vector<16xf32>,
          %broadcast_in_dim3A_703 = arith.constant 29 : i32
          %broadcast_in_dim3A_704 = vector.broadcast %broadcast_in_dim3A_703 : i32 to vector<16xi32>
          %gather3A_705 = tpu.vector_load_idx %arg9[%broadcast_in_dim3A_704, %clamp3A_616] : memref<64x1152xf32, #tpu.memory_space<vmem>>[vector<16xi32>, vector<16xi32>], vector<16xf32>,
          tpu.vector_store_idx %arg10[%add3A_609, %broadcast_in_dim3A_704], %gather3A_705 : memref<128x128xf32, #tpu.memory_space<vmem>>[vector<16xi32>, vector<16xi32>], vector<16xf32>,
          %broadcast_in_dim3A_706 = arith.constant 30 : i32
          %broadcast_in_dim3A_707 = vector.broadcast %broadcast_in_dim3A_706 : i32 to vector<16xi32>
          %gather3A_708 = tpu.vector_load_idx %arg9[%broadcast_in_dim3A_707, %clamp3A_616] : memref<64x1152xf32, #tpu.memory_space<vmem>>[vector<16xi32>, vector<16xi32>], vector<16xf32>,
          tpu.vector_store_idx %arg10[%add3A_609, %broadcast_in_dim3A_707], %gather3A_708 : memref<128x128xf32, #tpu.memory_space<vmem>>[vector<16xi32>, vector<16xi32>], vector<16xf32>,
          %broadcast_in_dim3A_709 = arith.constant 31 : i32
          %broadcast_in_dim3A_710 = vector.broadcast %broadcast_in_dim3A_709 : i32 to vector<16xi32>
          %gather3A_711 = tpu.vector_load_idx %arg9[%broadcast_in_dim3A_710, %clamp3A_616] : memref<64x1152xf32, #tpu.memory_space<vmem>>[vector<16xi32>, vector<16xi32>], vector<16xf32>,
          tpu.vector_store_idx %arg10[%add3A_609, %broadcast_in_dim3A_710], %gather3A_711 : memref<128x128xf32, #tpu.memory_space<vmem>>[vector<16xi32>, vector<16xi32>], vector<16xf32>,
          %broadcast_in_dim3A_712 = arith.constant 32 : i32
          %broadcast_in_dim3A_713 = vector.broadcast %broadcast_in_dim3A_712 : i32 to vector<16xi32>
          %gather3A_714 = tpu.vector_load_idx %arg9[%broadcast_in_dim3A_713, %clamp3A_616] : memref<64x1152xf32, #tpu.memory_space<vmem>>[vector<16xi32>, vector<16xi32>], vector<16xf32>,
          tpu.vector_store_idx %arg10[%add3A_609, %broadcast_in_dim3A_713], %gather3A_714 : memref<128x128xf32, #tpu.memory_space<vmem>>[vector<16xi32>, vector<16xi32>], vector<16xf32>,
          %broadcast_in_dim3A_715 = arith.constant 33 : i32
          %broadcast_in_dim3A_716 = vector.broadcast %broadcast_in_dim3A_715 : i32 to vector<16xi32>
          %gather3A_717 = tpu.vector_load_idx %arg9[%broadcast_in_dim3A_716, %clamp3A_616] : memref<64x1152xf32, #tpu.memory_space<vmem>>[vector<16xi32>, vector<16xi32>], vector<16xf32>,
          tpu.vector_store_idx %arg10[%add3A_609, %broadcast_in_dim3A_716], %gather3A_717 : memref<128x128xf32, #tpu.memory_space<vmem>>[vector<16xi32>, vector<16xi32>], vector<16xf32>,
          %broadcast_in_dim3A_718 = arith.constant 34 : i32
          %broadcast_in_dim3A_719 = vector.broadcast %broadcast_in_dim3A_718 : i32 to vector<16xi32>
          %gather3A_720 = tpu.vector_load_idx %arg9[%broadcast_in_dim3A_719, %clamp3A_616] : memref<64x1152xf32, #tpu.memory_space<vmem>>[vector<16xi32>, vector<16xi32>], vector<16xf32>,
          tpu.vector_store_idx %arg10[%add3A_609, %broadcast_in_dim3A_719], %gather3A_720 : memref<128x128xf32, #tpu.memory_space<vmem>>[vector<16xi32>, vector<16xi32>], vector<16xf32>,
          %broadcast_in_dim3A_721 = arith.constant 35 : i32
          %broadcast_in_dim3A_722 = vector.broadcast %broadcast_in_dim3A_721 : i32 to vector<16xi32>
          %gather3A_723 = tpu.vector_load_idx %arg9[%broadcast_in_dim3A_722, %clamp3A_616] : memref<64x1152xf32, #tpu.memory_space<vmem>>[vector<16xi32>, vector<16xi32>], vector<16xf32>,
          tpu.vector_store_idx %arg10[%add3A_609, %broadcast_in_dim3A_722], %gather3A_723 : memref<128x128xf32, #tpu.memory_space<vmem>>[vector<16xi32>, vector<16xi32>], vector<16xf32>,
          %broadcast_in_dim3A_724 = arith.constant 36 : i32
          %broadcast_in_dim3A_725 = vector.broadcast %broadcast_in_dim3A_724 : i32 to vector<16xi32>
          %gather3A_726 = tpu.vector_load_idx %arg9[%broadcast_in_dim3A_725, %clamp3A_616] : memref<64x1152xf32, #tpu.memory_space<vmem>>[vector<16xi32>, vector<16xi32>], vector<16xf32>,
          tpu.vector_store_idx %arg10[%add3A_609, %broadcast_in_dim3A_725], %gather3A_726 : memref<128x128xf32, #tpu.memory_space<vmem>>[vector<16xi32>, vector<16xi32>], vector<16xf32>,
          %broadcast_in_dim3A_727 = arith.constant 37 : i32
          %broadcast_in_dim3A_728 = vector.broadcast %broadcast_in_dim3A_727 : i32 to vector<16xi32>
          %gather3A_729 = tpu.vector_load_idx %arg9[%broadcast_in_dim3A_728, %clamp3A_616] : memref<64x1152xf32, #tpu.memory_space<vmem>>[vector<16xi32>, vector<16xi32>], vector<16xf32>,
          tpu.vector_store_idx %arg10[%add3A_609, %broadcast_in_dim3A_728], %gather3A_729 : memref<128x128xf32, #tpu.memory_space<vmem>>[vector<16xi32>, vector<16xi32>], vector<16xf32>,
          %broadcast_in_dim3A_730 = arith.constant 38 : i32
          %broadcast_in_dim3A_731 = vector.broadcast %broadcast_in_dim3A_730 : i32 to vector<16xi32>
          %gather3A_732 = tpu.vector_load_idx %arg9[%broadcast_in_dim3A_731, %clamp3A_616] : memref<64x1152xf32, #tpu.memory_space<vmem>>[vector<16xi32>, vector<16xi32>], vector<16xf32>,
          tpu.vector_store_idx %arg10[%add3A_609, %broadcast_in_dim3A_731], %gather3A_732 : memref<128x128xf32, #tpu.memory_space<vmem>>[vector<16xi32>, vector<16xi32>], vector<16xf32>,
          %broadcast_in_dim3A_733 = arith.constant 39 : i32
          %broadcast_in_dim3A_734 = vector.broadcast %broadcast_in_dim3A_733 : i32 to vector<16xi32>
          %gather3A_735 = tpu.vector_load_idx %arg9[%broadcast_in_dim3A_734, %clamp3A_616] : memref<64x1152xf32, #tpu.memory_space<vmem>>[vector<16xi32>, vector<16xi32>], vector<16xf32>,
          tpu.vector_store_idx %arg10[%add3A_609, %broadcast_in_dim3A_734], %gather3A_735 : memref<128x128xf32, #tpu.memory_space<vmem>>[vector<16xi32>, vector<16xi32>], vector<16xf32>,
          %broadcast_in_dim3A_736 = arith.constant 40 : i32
          %broadcast_in_dim3A_737 = vector.broadcast %broadcast_in_dim3A_736 : i32 to vector<16xi32>
          %gather3A_738 = tpu.vector_load_idx %arg9[%broadcast_in_dim3A_737, %clamp3A_616] : memref<64x1152xf32, #tpu.memory_space<vmem>>[vector<16xi32>, vector<16xi32>], vector<16xf32>,
          tpu.vector_store_idx %arg10[%add3A_609, %broadcast_in_dim3A_737], %gather3A_738 : memref<128x128xf32, #tpu.memory_space<vmem>>[vector<16xi32>, vector<16xi32>], vector<16xf32>,
          %broadcast_in_dim3A_739 = arith.constant 41 : i32
          %broadcast_in_dim3A_740 = vector.broadcast %broadcast_in_dim3A_739 : i32 to vector<16xi32>
          %gather3A_741 = tpu.vector_load_idx %arg9[%broadcast_in_dim3A_740, %clamp3A_616] : memref<64x1152xf32, #tpu.memory_space<vmem>>[vector<16xi32>, vector<16xi32>], vector<16xf32>,
          tpu.vector_store_idx %arg10[%add3A_609, %broadcast_in_dim3A_740], %gather3A_741 : memref<128x128xf32, #tpu.memory_space<vmem>>[vector<16xi32>, vector<16xi32>], vector<16xf32>,
          %broadcast_in_dim3A_742 = arith.constant 42 : i32
          %broadcast_in_dim3A_743 = vector.broadcast %broadcast_in_dim3A_742 : i32 to vector<16xi32>
          %gather3A_744 = tpu.vector_load_idx %arg9[%broadcast_in_dim3A_743, %clamp3A_616] : memref<64x1152xf32, #tpu.memory_space<vmem>>[vector<16xi32>, vector<16xi32>], vector<16xf32>,
          tpu.vector_store_idx %arg10[%add3A_609, %broadcast_in_dim3A_743], %gather3A_744 : memref<128x128xf32, #tpu.memory_space<vmem>>[vector<16xi32>, vector<16xi32>], vector<16xf32>,
          %broadcast_in_dim3A_745 = arith.constant 43 : i32
          %broadcast_in_dim3A_746 = vector.broadcast %broadcast_in_dim3A_745 : i32 to vector<16xi32>
          %gather3A_747 = tpu.vector_load_idx %arg9[%broadcast_in_dim3A_746, %clamp3A_616] : memref<64x1152xf32, #tpu.memory_space<vmem>>[vector<16xi32>, vector<16xi32>], vector<16xf32>,
          tpu.vector_store_idx %arg10[%add3A_609, %broadcast_in_dim3A_746], %gather3A_747 : memref<128x128xf32, #tpu.memory_space<vmem>>[vector<16xi32>, vector<16xi32>], vector<16xf32>,
          %broadcast_in_dim3A_748 = arith.constant 44 : i32
          %broadcast_in_dim3A_749 = vector.broadcast %broadcast_in_dim3A_748 : i32 to vector<16xi32>
          %gather3A_750 = tpu.vector_load_idx %arg9[%broadcast_in_dim3A_749, %clamp3A_616] : memref<64x1152xf32, #tpu.memory_space<vmem>>[vector<16xi32>, vector<16xi32>], vector<16xf32>,
          tpu.vector_store_idx %arg10[%add3A_609, %broadcast_in_dim3A_749], %gather3A_750 : memref<128x128xf32, #tpu.memory_space<vmem>>[vector<16xi32>, vector<16xi32>], vector<16xf32>,
          %broadcast_in_dim3A_751 = arith.constant 45 : i32
          %broadcast_in_dim3A_752 = vector.broadcast %broadcast_in_dim3A_751 : i32 to vector<16xi32>
          %gather3A_753 = tpu.vector_load_idx %arg9[%broadcast_in_dim3A_752, %clamp3A_616] : memref<64x1152xf32, #tpu.memory_space<vmem>>[vector<16xi32>, vector<16xi32>], vector<16xf32>,
          tpu.vector_store_idx %arg10[%add3A_609, %broadcast_in_dim3A_752], %gather3A_753 : memref<128x128xf32, #tpu.memory_space<vmem>>[vector<16xi32>, vector<16xi32>], vector<16xf32>,
          %broadcast_in_dim3A_754 = arith.constant 46 : i32
          %broadcast_in_dim3A_755 = vector.broadcast %broadcast_in_dim3A_754 : i32 to vector<16xi32>
          %gather3A_756 = tpu.vector_load_idx %arg9[%broadcast_in_dim3A_755, %clamp3A_616] : memref<64x1152xf32, #tpu.memory_space<vmem>>[vector<16xi32>, vector<16xi32>], vector<16xf32>,
          tpu.vector_store_idx %arg10[%add3A_609, %broadcast_in_dim3A_755], %gather3A_756 : memref<128x128xf32, #tpu.memory_space<vmem>>[vector<16xi32>, vector<16xi32>], vector<16xf32>,
          %broadcast_in_dim3A_757 = arith.constant 47 : i32
          %broadcast_in_dim3A_758 = vector.broadcast %broadcast_in_dim3A_757 : i32 to vector<16xi32>
          %gather3A_759 = tpu.vector_load_idx %arg9[%broadcast_in_dim3A_758, %clamp3A_616] : memref<64x1152xf32, #tpu.memory_space<vmem>>[vector<16xi32>, vector<16xi32>], vector<16xf32>,
          tpu.vector_store_idx %arg10[%add3A_609, %broadcast_in_dim3A_758], %gather3A_759 : memref<128x128xf32, #tpu.memory_space<vmem>>[vector<16xi32>, vector<16xi32>], vector<16xf32>,
          %broadcast_in_dim3A_760 = arith.constant 48 : i32
          %broadcast_in_dim3A_761 = vector.broadcast %broadcast_in_dim3A_760 : i32 to vector<16xi32>
          %gather3A_762 = tpu.vector_load_idx %arg9[%broadcast_in_dim3A_761, %clamp3A_616] : memref<64x1152xf32, #tpu.memory_space<vmem>>[vector<16xi32>, vector<16xi32>], vector<16xf32>,
          tpu.vector_store_idx %arg10[%add3A_609, %broadcast_in_dim3A_761], %gather3A_762 : memref<128x128xf32, #tpu.memory_space<vmem>>[vector<16xi32>, vector<16xi32>], vector<16xf32>,
          %broadcast_in_dim3A_763 = arith.constant 49 : i32
          %broadcast_in_dim3A_764 = vector.broadcast %broadcast_in_dim3A_763 : i32 to vector<16xi32>
          %gather3A_765 = tpu.vector_load_idx %arg9[%broadcast_in_dim3A_764, %clamp3A_616] : memref<64x1152xf32, #tpu.memory_space<vmem>>[vector<16xi32>, vector<16xi32>], vector<16xf32>,
          tpu.vector_store_idx %arg10[%add3A_609, %broadcast_in_dim3A_764], %gather3A_765 : memref<128x128xf32, #tpu.memory_space<vmem>>[vector<16xi32>, vector<16xi32>], vector<16xf32>,
          %broadcast_in_dim3A_766 = arith.constant 50 : i32
          %broadcast_in_dim3A_767 = vector.broadcast %broadcast_in_dim3A_766 : i32 to vector<16xi32>
          %gather3A_768 = tpu.vector_load_idx %arg9[%broadcast_in_dim3A_767, %clamp3A_616] : memref<64x1152xf32, #tpu.memory_space<vmem>>[vector<16xi32>, vector<16xi32>], vector<16xf32>,
          tpu.vector_store_idx %arg10[%add3A_609, %broadcast_in_dim3A_767], %gather3A_768 : memref<128x128xf32, #tpu.memory_space<vmem>>[vector<16xi32>, vector<16xi32>], vector<16xf32>,
          %broadcast_in_dim3A_769 = arith.constant 51 : i32
          %broadcast_in_dim3A_770 = vector.broadcast %broadcast_in_dim3A_769 : i32 to vector<16xi32>
          %gather3A_771 = tpu.vector_load_idx %arg9[%broadcast_in_dim3A_770, %clamp3A_616] : memref<64x1152xf32, #tpu.memory_space<vmem>>[vector<16xi32>, vector<16xi32>], vector<16xf32>,
          tpu.vector_store_idx %arg10[%add3A_609, %broadcast_in_dim3A_770], %gather3A_771 : memref<128x128xf32, #tpu.memory_space<vmem>>[vector<16xi32>, vector<16xi32>], vector<16xf32>,
          %broadcast_in_dim3A_772 = arith.constant 52 : i32
          %broadcast_in_dim3A_773 = vector.broadcast %broadcast_in_dim3A_772 : i32 to vector<16xi32>
          %gather3A_774 = tpu.vector_load_idx %arg9[%broadcast_in_dim3A_773, %clamp3A_616] : memref<64x1152xf32, #tpu.memory_space<vmem>>[vector<16xi32>, vector<16xi32>], vector<16xf32>,
          tpu.vector_store_idx %arg10[%add3A_609, %broadcast_in_dim3A_773], %gather3A_774 : memref<128x128xf32, #tpu.memory_space<vmem>>[vector<16xi32>, vector<16xi32>], vector<16xf32>,
          %broadcast_in_dim3A_775 = arith.constant 53 : i32
          %broadcast_in_dim3A_776 = vector.broadcast %broadcast_in_dim3A_775 : i32 to vector<16xi32>
          %gather3A_777 = tpu.vector_load_idx %arg9[%broadcast_in_dim3A_776, %clamp3A_616] : memref<64x1152xf32, #tpu.memory_space<vmem>>[vector<16xi32>, vector<16xi32>], vector<16xf32>,
          tpu.vector_store_idx %arg10[%add3A_609, %broadcast_in_dim3A_776], %gather3A_777 : memref<128x128xf32, #tpu.memory_space<vmem>>[vector<16xi32>, vector<16xi32>], vector<16xf32>,
          %broadcast_in_dim3A_778 = arith.constant 54 : i32
          %broadcast_in_dim3A_779 = vector.broadcast %broadcast_in_dim3A_778 : i32 to vector<16xi32>
          %gather3A_780 = tpu.vector_load_idx %arg9[%broadcast_in_dim3A_779, %clamp3A_616] : memref<64x1152xf32, #tpu.memory_space<vmem>>[vector<16xi32>, vector<16xi32>], vector<16xf32>,
          tpu.vector_store_idx %arg10[%add3A_609, %broadcast_in_dim3A_779], %gather3A_780 : memref<128x128xf32, #tpu.memory_space<vmem>>[vector<16xi32>, vector<16xi32>], vector<16xf32>,
          %broadcast_in_dim3A_781 = arith.constant 55 : i32
          %broadcast_in_dim3A_782 = vector.broadcast %broadcast_in_dim3A_781 : i32 to vector<16xi32>
          %gather3A_783 = tpu.vector_load_idx %arg9[%broadcast_in_dim3A_782, %clamp3A_616] : memref<64x1152xf32, #tpu.memory_space<vmem>>[vector<16xi32>, vector<16xi32>], vector<16xf32>,
          tpu.vector_store_idx %arg10[%add3A_609, %broadcast_in_dim3A_782], %gather3A_783 : memref<128x128xf32, #tpu.memory_space<vmem>>[vector<16xi32>, vector<16xi32>], vector<16xf32>,
          %broadcast_in_dim3A_784 = arith.constant 56 : i32
          %broadcast_in_dim3A_785 = vector.broadcast %broadcast_in_dim3A_784 : i32 to vector<16xi32>
          %gather3A_786 = tpu.vector_load_idx %arg9[%broadcast_in_dim3A_785, %clamp3A_616] : memref<64x1152xf32, #tpu.memory_space<vmem>>[vector<16xi32>, vector<16xi32>], vector<16xf32>,
          tpu.vector_store_idx %arg10[%add3A_609, %broadcast_in_dim3A_785], %gather3A_786 : memref<128x128xf32, #tpu.memory_space<vmem>>[vector<16xi32>, vector<16xi32>], vector<16xf32>,
          %broadcast_in_dim3A_787 = arith.constant 57 : i32
          %broadcast_in_dim3A_788 = vector.broadcast %broadcast_in_dim3A_787 : i32 to vector<16xi32>
          %gather3A_789 = tpu.vector_load_idx %arg9[%broadcast_in_dim3A_788, %clamp3A_616] : memref<64x1152xf32, #tpu.memory_space<vmem>>[vector<16xi32>, vector<16xi32>], vector<16xf32>,
          tpu.vector_store_idx %arg10[%add3A_609, %broadcast_in_dim3A_788], %gather3A_789 : memref<128x128xf32, #tpu.memory_space<vmem>>[vector<16xi32>, vector<16xi32>], vector<16xf32>,
          %broadcast_in_dim3A_790 = arith.constant 58 : i32
          %broadcast_in_dim3A_791 = vector.broadcast %broadcast_in_dim3A_790 : i32 to vector<16xi32>
          %gather3A_792 = tpu.vector_load_idx %arg9[%broadcast_in_dim3A_791, %clamp3A_616] : memref<64x1152xf32, #tpu.memory_space<vmem>>[vector<16xi32>, vector<16xi32>], vector<16xf32>,
          tpu.vector_store_idx %arg10[%add3A_609, %broadcast_in_dim3A_791], %gather3A_792 : memref<128x128xf32, #tpu.memory_space<vmem>>[vector<16xi32>, vector<16xi32>], vector<16xf32>,
          %broadcast_in_dim3A_793 = arith.constant 59 : i32
          %broadcast_in_dim3A_794 = vector.broadcast %broadcast_in_dim3A_793 : i32 to vector<16xi32>
          %gather3A_795 = tpu.vector_load_idx %arg9[%broadcast_in_dim3A_794, %clamp3A_616] : memref<64x1152xf32, #tpu.memory_space<vmem>>[vector<16xi32>, vector<16xi32>], vector<16xf32>,
          tpu.vector_store_idx %arg10[%add3A_609, %broadcast_in_dim3A_794], %gather3A_795 : memref<128x128xf32, #tpu.memory_space<vmem>>[vector<16xi32>, vector<16xi32>], vector<16xf32>,
          %broadcast_in_dim3A_796 = arith.constant 60 : i32
          %broadcast_in_dim3A_797 = vector.broadcast %broadcast_in_dim3A_796 : i32 to vector<16xi32>
          %gather3A_798 = tpu.vector_load_idx %arg9[%broadcast_in_dim3A_797, %clamp3A_616] : memref<64x1152xf32, #tpu.memory_space<vmem>>[vector<16xi32>, vector<16xi32>], vector<16xf32>,
          tpu.vector_store_idx %arg10[%add3A_609, %broadcast_in_dim3A_797], %gather3A_798 : memref<128x128xf32, #tpu.memory_space<vmem>>[vector<16xi32>, vector<16xi32>], vector<16xf32>,
          %broadcast_in_dim3A_799 = arith.constant 61 : i32
          %broadcast_in_dim3A_800 = vector.broadcast %broadcast_in_dim3A_799 : i32 to vector<16xi32>
          %gather3A_801 = tpu.vector_load_idx %arg9[%broadcast_in_dim3A_800, %clamp3A_616] : memref<64x1152xf32, #tpu.memory_space<vmem>>[vector<16xi32>, vector<16xi32>], vector<16xf32>,
          tpu.vector_store_idx %arg10[%add3A_609, %broadcast_in_dim3A_800], %gather3A_801 : memref<128x128xf32, #tpu.memory_space<vmem>>[vector<16xi32>, vector<16xi32>], vector<16xf32>,
          %broadcast_in_dim3A_802 = arith.constant 62 : i32
          %broadcast_in_dim3A_803 = vector.broadcast %broadcast_in_dim3A_802 : i32 to vector<16xi32>
          %gather3A_804 = tpu.vector_load_idx %arg9[%broadcast_in_dim3A_803, %clamp3A_616] : memref<64x1152xf32, #tpu.memory_space<vmem>>[vector<16xi32>, vector<16xi32>], vector<16xf32>,
          tpu.vector_store_idx %arg10[%add3A_609, %broadcast_in_dim3A_803], %gather3A_804 : memref<128x128xf32, #tpu.memory_space<vmem>>[vector<16xi32>, vector<16xi32>], vector<16xf32>,
          %broadcast_in_dim3A_805 = arith.constant 63 : i32
          %broadcast_in_dim3A_806 = vector.broadcast %broadcast_in_dim3A_805 : i32 to vector<16xi32>
          %gather3A_807 = tpu.vector_load_idx %arg9[%broadcast_in_dim3A_806, %clamp3A_616] : memref<64x1152xf32, #tpu.memory_space<vmem>>[vector<16xi32>, vector<16xi32>], vector<16xf32>,
          tpu.vector_store_idx %arg10[%add3A_609, %broadcast_in_dim3A_806], %gather3A_807 : memref<128x128xf32, #tpu.memory_space<vmem>>[vector<16xi32>, vector<16xi32>], vector<16xf32>,
          %broadcast_in_dim3A_808 = vector.broadcast %add3A_55 : i32 to vector<16xi32>
          %select_n3A_809 = arith.select %lt3A_605, %and3A_602, %broadcast_in_dim3A_808 : vector<16xi1>, vector<16xi32>
          %mul3A_810 = arith.constant 16 : i32
          %mul3A_811 = arith.muli %while3A_590, %mul3A_810 : i32
          %swap3A_812 = arith.constant 0 : i32
          %swap3A_813 = arith.index_cast %swap3A_812 : i32 to index
          %swap3A_814 = arith.index_cast %mul3A_811 : i32 to index
          %swap3A_815 = tpu.vector_load %arg11[%swap3A_813, %swap3A_814] {strides = array<i32>} : memref<2x128xi32, #tpu.memory_space<vmem>>, vector<16xi32>,
          tpu.vector_store %arg11[%swap3A_813, %swap3A_814], %select_n3A_809 {strides = array<i32>} : memref<2x128xi32, #tpu.memory_space<vmem>>, vector<16xi32>,
          %while3A_816 = arith.constant 0 : i32
          scf.yield %while3A_816 : i32
        }
        %while3A_573 = arith.constant 1 : i32
        %while3A_574 = scf.for %while3A_590 = %while3A_570 to %while3A_566 step %while3A_573 iter_args(%while3A_591 = %while3A_572) -> (i32)  : i32 {
          %mul3A_592 = arith.constant 128 : i32
          %mul3A_593 = arith.muli %while3A_556, %mul3A_592 : i32
          %mul3A_594 = arith.constant 16 : i32
          %mul3A_595 = arith.muli %while3A_590, %mul3A_594 : i32
          %add3A_596 = arith.addi %mul3A_593, %mul3A_595 : i32
          %get3A = arith.index_cast %add3A_596 : i32 to index
          %get3A_597 = tpu.vector_load %arg8[%get3A] {strides = array<i32>} : memref<16400xi32, #tpu.memory_space<vmem>>, vector<16xi32>,
          %shift_right_logical3A = arith.constant 14 : i32
          %shift_right_logical3A_598 = vector.broadcast %shift_right_logical3A : i32 to vector<16xi32>
          %shift_right_logical3A_599 = arith.shrui %get3A_597, %shift_right_logical3A_598 : vector<16xi32>
          %and3A_600 = arith.constant 16383 : i32
          %and3A_601 = vector.broadcast %and3A_600 : i32 to vector<16xi32>
          %and3A_602 = arith.andi %get3A_597, %and3A_601 : vector<16xi32>
          %add3A_603 = vector.broadcast %add3A_596 : i32 to vector<16xi32>
          %add3A_604 = arith.addi %iota3A, %add3A_603 : vector<16xi32>
          %lt3A = vector.broadcast %reduce_max3A_399 : i32 to vector<16xi32>
          %lt3A_605 = arith.cmpi slt, %add3A_604, %lt3A : vector<16xi32>
          %mul3A_606 = arith.constant 16 : i32
          %mul3A_607 = arith.muli %while3A_590, %mul3A_606 : i32
          %add3A_608 = vector.broadcast %mul3A_607 : i32 to vector<16xi32>
          %add3A_609 = arith.addi %iota3A, %add3A_608 : vector<16xi32>
          %sub3A_610 = vector.broadcast %mul3A_490 : i32 to vector<16xi32>
          %sub3A_611 = arith.subi %shift_right_logical3A_599, %sub3A_610 : vector<16xi32>
          %clamp3A = arith.constant 0 : i32
          %clamp3A_612 = arith.constant 1151 : i32
          %clamp3A_613 = vector.broadcast %clamp3A : i32 to vector<16xi32>
          %clamp3A_614 = arith.maxsi %sub3A_611, %clamp3A_613 : vector<16xi32>
          %clamp3A_615 = vector.broadcast %clamp3A_612 : i32 to vector<16xi32>
          %clamp3A_616 = arith.minsi %clamp3A_614, %clamp3A_615 : vector<16xi32>
          %broadcast_in_dim3A_617 = arith.constant 0 : i32
          %broadcast_in_dim3A_618 = vector.broadcast %broadcast_in_dim3A_617 : i32 to vector<16xi32>
          %gather3A = tpu.vector_load_idx %arg9[%broadcast_in_dim3A_618, %clamp3A_616] : memref<64x1152xf32, #tpu.memory_space<vmem>>[vector<16xi32>, vector<16xi32>], vector<16xf32>,
          tpu.vector_store_idx %arg10[%add3A_609, %broadcast_in_dim3A_618], %gather3A : memref<128x128xf32, #tpu.memory_space<vmem>>[vector<16xi32>, vector<16xi32>], vector<16xf32>,
          %broadcast_in_dim3A_619 = arith.constant 1 : i32
          %broadcast_in_dim3A_620 = vector.broadcast %broadcast_in_dim3A_619 : i32 to vector<16xi32>
          %gather3A_621 = tpu.vector_load_idx %arg9[%broadcast_in_dim3A_620, %clamp3A_616] : memref<64x1152xf32, #tpu.memory_space<vmem>>[vector<16xi32>, vector<16xi32>], vector<16xf32>,
          tpu.vector_store_idx %arg10[%add3A_609, %broadcast_in_dim3A_620], %gather3A_621 : memref<128x128xf32, #tpu.memory_space<vmem>>[vector<16xi32>, vector<16xi32>], vector<16xf32>,
          %broadcast_in_dim3A_622 = arith.constant 2 : i32
          %broadcast_in_dim3A_623 = vector.broadcast %broadcast_in_dim3A_622 : i32 to vector<16xi32>
          %gather3A_624 = tpu.vector_load_idx %arg9[%broadcast_in_dim3A_623, %clamp3A_616] : memref<64x1152xf32, #tpu.memory_space<vmem>>[vector<16xi32>, vector<16xi32>], vector<16xf32>,
          tpu.vector_store_idx %arg10[%add3A_609, %broadcast_in_dim3A_623], %gather3A_624 : memref<128x128xf32, #tpu.memory_space<vmem>>[vector<16xi32>, vector<16xi32>], vector<16xf32>,
          %broadcast_in_dim3A_625 = arith.constant 3 : i32
          %broadcast_in_dim3A_626 = vector.broadcast %broadcast_in_dim3A_625 : i32 to vector<16xi32>
          %gather3A_627 = tpu.vector_load_idx %arg9[%broadcast_in_dim3A_626, %clamp3A_616] : memref<64x1152xf32, #tpu.memory_space<vmem>>[vector<16xi32>, vector<16xi32>], vector<16xf32>,
          tpu.vector_store_idx %arg10[%add3A_609, %broadcast_in_dim3A_626], %gather3A_627 : memref<128x128xf32, #tpu.memory_space<vmem>>[vector<16xi32>, vector<16xi32>], vector<16xf32>,
          %broadcast_in_dim3A_628 = arith.constant 4 : i32
          %broadcast_in_dim3A_629 = vector.broadcast %broadcast_in_dim3A_628 : i32 to vector<16xi32>
          %gather3A_630 = tpu.vector_load_idx %arg9[%broadcast_in_dim3A_629, %clamp3A_616] : memref<64x1152xf32, #tpu.memory_space<vmem>>[vector<16xi32>, vector<16xi32>], vector<16xf32>,
          tpu.vector_store_idx %arg10[%add3A_609, %broadcast_in_dim3A_629], %gather3A_630 : memref<128x128xf32, #tpu.memory_space<vmem>>[vector<16xi32>, vector<16xi32>], vector<16xf32>,
          %broadcast_in_dim3A_631 = arith.constant 5 : i32
          %broadcast_in_dim3A_632 = vector.broadcast %broadcast_in_dim3A_631 : i32 to vector<16xi32>
          %gather3A_633 = tpu.vector_load_idx %arg9[%broadcast_in_dim3A_632, %clamp3A_616] : memref<64x1152xf32, #tpu.memory_space<vmem>>[vector<16xi32>, vector<16xi32>], vector<16xf32>,
          tpu.vector_store_idx %arg10[%add3A_609, %broadcast_in_dim3A_632], %gather3A_633 : memref<128x128xf32, #tpu.memory_space<vmem>>[vector<16xi32>, vector<16xi32>], vector<16xf32>,
          %broadcast_in_dim3A_634 = arith.constant 6 : i32
          %broadcast_in_dim3A_635 = vector.broadcast %broadcast_in_dim3A_634 : i32 to vector<16xi32>
          %gather3A_636 = tpu.vector_load_idx %arg9[%broadcast_in_dim3A_635, %clamp3A_616] : memref<64x1152xf32, #tpu.memory_space<vmem>>[vector<16xi32>, vector<16xi32>], vector<16xf32>,
          tpu.vector_store_idx %arg10[%add3A_609, %broadcast_in_dim3A_635], %gather3A_636 : memref<128x128xf32, #tpu.memory_space<vmem>>[vector<16xi32>, vector<16xi32>], vector<16xf32>,
          %broadcast_in_dim3A_637 = arith.constant 7 : i32
          %broadcast_in_dim3A_638 = vector.broadcast %broadcast_in_dim3A_637 : i32 to vector<16xi32>
          %gather3A_639 = tpu.vector_load_idx %arg9[%broadcast_in_dim3A_638, %clamp3A_616] : memref<64x1152xf32, #tpu.memory_space<vmem>>[vector<16xi32>, vector<16xi32>], vector<16xf32>,
          tpu.vector_store_idx %arg10[%add3A_609, %broadcast_in_dim3A_638], %gather3A_639 : memref<128x128xf32, #tpu.memory_space<vmem>>[vector<16xi32>, vector<16xi32>], vector<16xf32>,
          %broadcast_in_dim3A_640 = arith.constant 8 : i32
          %broadcast_in_dim3A_641 = vector.broadcast %broadcast_in_dim3A_640 : i32 to vector<16xi32>
          %gather3A_642 = tpu.vector_load_idx %arg9[%broadcast_in_dim3A_641, %clamp3A_616] : memref<64x1152xf32, #tpu.memory_space<vmem>>[vector<16xi32>, vector<16xi32>], vector<16xf32>,
          tpu.vector_store_idx %arg10[%add3A_609, %broadcast_in_dim3A_641], %gather3A_642 : memref<128x128xf32, #tpu.memory_space<vmem>>[vector<16xi32>, vector<16xi32>], vector<16xf32>,
          %broadcast_in_dim3A_643 = arith.constant 9 : i32
          %broadcast_in_dim3A_644 = vector.broadcast %broadcast_in_dim3A_643 : i32 to vector<16xi32>
          %gather3A_645 = tpu.vector_load_idx %arg9[%broadcast_in_dim3A_644, %clamp3A_616] : memref<64x1152xf32, #tpu.memory_space<vmem>>[vector<16xi32>, vector<16xi32>], vector<16xf32>,
          tpu.vector_store_idx %arg10[%add3A_609, %broadcast_in_dim3A_644], %gather3A_645 : memref<128x128xf32, #tpu.memory_space<vmem>>[vector<16xi32>, vector<16xi32>], vector<16xf32>,
          %broadcast_in_dim3A_646 = arith.constant 10 : i32
          %broadcast_in_dim3A_647 = vector.broadcast %broadcast_in_dim3A_646 : i32 to vector<16xi32>
          %gather3A_648 = tpu.vector_load_idx %arg9[%broadcast_in_dim3A_647, %clamp3A_616] : memref<64x1152xf32, #tpu.memory_space<vmem>>[vector<16xi32>, vector<16xi32>], vector<16xf32>,
          tpu.vector_store_idx %arg10[%add3A_609, %broadcast_in_dim3A_647], %gather3A_648 : memref<128x128xf32, #tpu.memory_space<vmem>>[vector<16xi32>, vector<16xi32>], vector<16xf32>,
          %broadcast_in_dim3A_649 = arith.constant 11 : i32
          %broadcast_in_dim3A_650 = vector.broadcast %broadcast_in_dim3A_649 : i32 to vector<16xi32>
          %gather3A_651 = tpu.vector_load_idx %arg9[%broadcast_in_dim3A_650, %clamp3A_616] : memref<64x1152xf32, #tpu.memory_space<vmem>>[vector<16xi32>, vector<16xi32>], vector<16xf32>,
          tpu.vector_store_idx %arg10[%add3A_609, %broadcast_in_dim3A_650], %gather3A_651 : memref<128x128xf32, #tpu.memory_space<vmem>>[vector<16xi32>, vector<16xi32>], vector<16xf32>,
          %broadcast_in_dim3A_652 = arith.constant 12 : i32
          %broadcast_in_dim3A_653 = vector.broadcast %broadcast_in_dim3A_652 : i32 to vector<16xi32>
          %gather3A_654 = tpu.vector_load_idx %arg9[%broadcast_in_dim3A_653, %clamp3A_616] : memref<64x1152xf32, #tpu.memory_space<vmem>>[vector<16xi32>, vector<16xi32>], vector<16xf32>,
          tpu.vector_store_idx %arg10[%add3A_609, %broadcast_in_dim3A_653], %gather3A_654 : memref<128x128xf32, #tpu.memory_space<vmem>>[vector<16xi32>, vector<16xi32>], vector<16xf32>,
          %broadcast_in_dim3A_655 = arith.constant 13 : i32
          %broadcast_in_dim3A_656 = vector.broadcast %broadcast_in_dim3A_655 : i32 to vector<16xi32>
          %gather3A_657 = tpu.vector_load_idx %arg9[%broadcast_in_dim3A_656, %clamp3A_616] : memref<64x1152xf32, #tpu.memory_space<vmem>>[vector<16xi32>, vector<16xi32>], vector<16xf32>,
          tpu.vector_store_idx %arg10[%add3A_609, %broadcast_in_dim3A_656], %gather3A_657 : memref<128x128xf32, #tpu.memory_space<vmem>>[vector<16xi32>, vector<16xi32>], vector<16xf32>,
          %broadcast_in_dim3A_658 = arith.constant 14 : i32
          %broadcast_in_dim3A_659 = vector.broadcast %broadcast_in_dim3A_658 : i32 to vector<16xi32>
          %gather3A_660 = tpu.vector_load_idx %arg9[%broadcast_in_dim3A_659, %clamp3A_616] : memref<64x1152xf32, #tpu.memory_space<vmem>>[vector<16xi32>, vector<16xi32>], vector<16xf32>,
          tpu.vector_store_idx %arg10[%add3A_609, %broadcast_in_dim3A_659], %gather3A_660 : memref<128x128xf32, #tpu.memory_space<vmem>>[vector<16xi32>, vector<16xi32>], vector<16xf32>,
          %broadcast_in_dim3A_661 = arith.constant 15 : i32
          %broadcast_in_dim3A_662 = vector.broadcast %broadcast_in_dim3A_661 : i32 to vector<16xi32>
          %gather3A_663 = tpu.vector_load_idx %arg9[%broadcast_in_dim3A_662, %clamp3A_616] : memref<64x1152xf32, #tpu.memory_space<vmem>>[vector<16xi32>, vector<16xi32>], vector<16xf32>,
          tpu.vector_store_idx %arg10[%add3A_609, %broadcast_in_dim3A_662], %gather3A_663 : memref<128x128xf32, #tpu.memory_space<vmem>>[vector<16xi32>, vector<16xi32>], vector<16xf32>,
          %broadcast_in_dim3A_664 = arith.constant 16 : i32
          %broadcast_in_dim3A_665 = vector.broadcast %broadcast_in_dim3A_664 : i32 to vector<16xi32>
          %gather3A_666 = tpu.vector_load_idx %arg9[%broadcast_in_dim3A_665, %clamp3A_616] : memref<64x1152xf32, #tpu.memory_space<vmem>>[vector<16xi32>, vector<16xi32>], vector<16xf32>,
          tpu.vector_store_idx %arg10[%add3A_609, %broadcast_in_dim3A_665], %gather3A_666 : memref<128x128xf32, #tpu.memory_space<vmem>>[vector<16xi32>, vector<16xi32>], vector<16xf32>,
          %broadcast_in_dim3A_667 = arith.constant 17 : i32
          %broadcast_in_dim3A_668 = vector.broadcast %broadcast_in_dim3A_667 : i32 to vector<16xi32>
          %gather3A_669 = tpu.vector_load_idx %arg9[%broadcast_in_dim3A_668, %clamp3A_616] : memref<64x1152xf32, #tpu.memory_space<vmem>>[vector<16xi32>, vector<16xi32>], vector<16xf32>,
          tpu.vector_store_idx %arg10[%add3A_609, %broadcast_in_dim3A_668], %gather3A_669 : memref<128x128xf32, #tpu.memory_space<vmem>>[vector<16xi32>, vector<16xi32>], vector<16xf32>,
          %broadcast_in_dim3A_670 = arith.constant 18 : i32
          %broadcast_in_dim3A_671 = vector.broadcast %broadcast_in_dim3A_670 : i32 to vector<16xi32>
          %gather3A_672 = tpu.vector_load_idx %arg9[%broadcast_in_dim3A_671, %clamp3A_616] : memref<64x1152xf32, #tpu.memory_space<vmem>>[vector<16xi32>, vector<16xi32>], vector<16xf32>,
          tpu.vector_store_idx %arg10[%add3A_609, %broadcast_in_dim3A_671], %gather3A_672 : memref<128x128xf32, #tpu.memory_space<vmem>>[vector<16xi32>, vector<16xi32>], vector<16xf32>,
          %broadcast_in_dim3A_673 = arith.constant 19 : i32
          %broadcast_in_dim3A_674 = vector.broadcast %broadcast_in_dim3A_673 : i32 to vector<16xi32>
          %gather3A_675 = tpu.vector_load_idx %arg9[%broadcast_in_dim3A_674, %clamp3A_616] : memref<64x1152xf32, #tpu.memory_space<vmem>>[vector<16xi32>, vector<16xi32>], vector<16xf32>,
          tpu.vector_store_idx %arg10[%add3A_609, %broadcast_in_dim3A_674], %gather3A_675 : memref<128x128xf32, #tpu.memory_space<vmem>>[vector<16xi32>, vector<16xi32>], vector<16xf32>,
          %broadcast_in_dim3A_676 = arith.constant 20 : i32
          %broadcast_in_dim3A_677 = vector.broadcast %broadcast_in_dim3A_676 : i32 to vector<16xi32>
          %gather3A_678 = tpu.vector_load_idx %arg9[%broadcast_in_dim3A_677, %clamp3A_616] : memref<64x1152xf32, #tpu.memory_space<vmem>>[vector<16xi32>, vector<16xi32>], vector<16xf32>,
          tpu.vector_store_idx %arg10[%add3A_609, %broadcast_in_dim3A_677], %gather3A_678 : memref<128x128xf32, #tpu.memory_space<vmem>>[vector<16xi32>, vector<16xi32>], vector<16xf32>,
          %broadcast_in_dim3A_679 = arith.constant 21 : i32
          %broadcast_in_dim3A_680 = vector.broadcast %broadcast_in_dim3A_679 : i32 to vector<16xi32>
          %gather3A_681 = tpu.vector_load_idx %arg9[%broadcast_in_dim3A_680, %clamp3A_616] : memref<64x1152xf32, #tpu.memory_space<vmem>>[vector<16xi32>, vector<16xi32>], vector<16xf32>,
          tpu.vector_store_idx %arg10[%add3A_609, %broadcast_in_dim3A_680], %gather3A_681 : memref<128x128xf32, #tpu.memory_space<vmem>>[vector<16xi32>, vector<16xi32>], vector<16xf32>,
          %broadcast_in_dim3A_682 = arith.constant 22 : i32
          %broadcast_in_dim3A_683 = vector.broadcast %broadcast_in_dim3A_682 : i32 to vector<16xi32>
          %gather3A_684 = tpu.vector_load_idx %arg9[%broadcast_in_dim3A_683, %clamp3A_616] : memref<64x1152xf32, #tpu.memory_space<vmem>>[vector<16xi32>, vector<16xi32>], vector<16xf32>,
          tpu.vector_store_idx %arg10[%add3A_609, %broadcast_in_dim3A_683], %gather3A_684 : memref<128x128xf32, #tpu.memory_space<vmem>>[vector<16xi32>, vector<16xi32>], vector<16xf32>,
          %broadcast_in_dim3A_685 = arith.constant 23 : i32
          %broadcast_in_dim3A_686 = vector.broadcast %broadcast_in_dim3A_685 : i32 to vector<16xi32>
          %gather3A_687 = tpu.vector_load_idx %arg9[%broadcast_in_dim3A_686, %clamp3A_616] : memref<64x1152xf32, #tpu.memory_space<vmem>>[vector<16xi32>, vector<16xi32>], vector<16xf32>,
          tpu.vector_store_idx %arg10[%add3A_609, %broadcast_in_dim3A_686], %gather3A_687 : memref<128x128xf32, #tpu.memory_space<vmem>>[vector<16xi32>, vector<16xi32>], vector<16xf32>,
          %broadcast_in_dim3A_688 = arith.constant 24 : i32
          %broadcast_in_dim3A_689 = vector.broadcast %broadcast_in_dim3A_688 : i32 to vector<16xi32>
          %gather3A_690 = tpu.vector_load_idx %arg9[%broadcast_in_dim3A_689, %clamp3A_616] : memref<64x1152xf32, #tpu.memory_space<vmem>>[vector<16xi32>, vector<16xi32>], vector<16xf32>,
          tpu.vector_store_idx %arg10[%add3A_609, %broadcast_in_dim3A_689], %gather3A_690 : memref<128x128xf32, #tpu.memory_space<vmem>>[vector<16xi32>, vector<16xi32>], vector<16xf32>,
          %broadcast_in_dim3A_691 = arith.constant 25 : i32
          %broadcast_in_dim3A_692 = vector.broadcast %broadcast_in_dim3A_691 : i32 to vector<16xi32>
          %gather3A_693 = tpu.vector_load_idx %arg9[%broadcast_in_dim3A_692, %clamp3A_616] : memref<64x1152xf32, #tpu.memory_space<vmem>>[vector<16xi32>, vector<16xi32>], vector<16xf32>,
          tpu.vector_store_idx %arg10[%add3A_609, %broadcast_in_dim3A_692], %gather3A_693 : memref<128x128xf32, #tpu.memory_space<vmem>>[vector<16xi32>, vector<16xi32>], vector<16xf32>,
          %broadcast_in_dim3A_694 = arith.constant 26 : i32
          %broadcast_in_dim3A_695 = vector.broadcast %broadcast_in_dim3A_694 : i32 to vector<16xi32>
          %gather3A_696 = tpu.vector_load_idx %arg9[%broadcast_in_dim3A_695, %clamp3A_616] : memref<64x1152xf32, #tpu.memory_space<vmem>>[vector<16xi32>, vector<16xi32>], vector<16xf32>,
          tpu.vector_store_idx %arg10[%add3A_609, %broadcast_in_dim3A_695], %gather3A_696 : memref<128x128xf32, #tpu.memory_space<vmem>>[vector<16xi32>, vector<16xi32>], vector<16xf32>,
          %broadcast_in_dim3A_697 = arith.constant 27 : i32
          %broadcast_in_dim3A_698 = vector.broadcast %broadcast_in_dim3A_697 : i32 to vector<16xi32>
          %gather3A_699 = tpu.vector_load_idx %arg9[%broadcast_in_dim3A_698, %clamp3A_616] : memref<64x1152xf32, #tpu.memory_space<vmem>>[vector<16xi32>, vector<16xi32>], vector<16xf32>,
          tpu.vector_store_idx %arg10[%add3A_609, %broadcast_in_dim3A_698], %gather3A_699 : memref<128x128xf32, #tpu.memory_space<vmem>>[vector<16xi32>, vector<16xi32>], vector<16xf32>,
          %broadcast_in_dim3A_700 = arith.constant 28 : i32
          %broadcast_in_dim3A_701 = vector.broadcast %broadcast_in_dim3A_700 : i32 to vector<16xi32>
          %gather3A_702 = tpu.vector_load_idx %arg9[%broadcast_in_dim3A_701, %clamp3A_616] : memref<64x1152xf32, #tpu.memory_space<vmem>>[vector<16xi32>, vector<16xi32>], vector<16xf32>,
          tpu.vector_store_idx %arg10[%add3A_609, %broadcast_in_dim3A_701], %gather3A_702 : memref<128x128xf32, #tpu.memory_space<vmem>>[vector<16xi32>, vector<16xi32>], vector<16xf32>,
          %broadcast_in_dim3A_703 = arith.constant 29 : i32
          %broadcast_in_dim3A_704 = vector.broadcast %broadcast_in_dim3A_703 : i32 to vector<16xi32>
          %gather3A_705 = tpu.vector_load_idx %arg9[%broadcast_in_dim3A_704, %clamp3A_616] : memref<64x1152xf32, #tpu.memory_space<vmem>>[vector<16xi32>, vector<16xi32>], vector<16xf32>,
          tpu.vector_store_idx %arg10[%add3A_609, %broadcast_in_dim3A_704], %gather3A_705 : memref<128x128xf32, #tpu.memory_space<vmem>>[vector<16xi32>, vector<16xi32>], vector<16xf32>,
          %broadcast_in_dim3A_706 = arith.constant 30 : i32
          %broadcast_in_dim3A_707 = vector.broadcast %broadcast_in_dim3A_706 : i32 to vector<16xi32>
          %gather3A_708 = tpu.vector_load_idx %arg9[%broadcast_in_dim3A_707, %clamp3A_616] : memref<64x1152xf32, #tpu.memory_space<vmem>>[vector<16xi32>, vector<16xi32>], vector<16xf32>,
          tpu.vector_store_idx %arg10[%add3A_609, %broadcast_in_dim3A_707], %gather3A_708 : memref<128x128xf32, #tpu.memory_space<vmem>>[vector<16xi32>, vector<16xi32>], vector<16xf32>,
          %broadcast_in_dim3A_709 = arith.constant 31 : i32
          %broadcast_in_dim3A_710 = vector.broadcast %broadcast_in_dim3A_709 : i32 to vector<16xi32>
          %gather3A_711 = tpu.vector_load_idx %arg9[%broadcast_in_dim3A_710, %clamp3A_616] : memref<64x1152xf32, #tpu.memory_space<vmem>>[vector<16xi32>, vector<16xi32>], vector<16xf32>,
          tpu.vector_store_idx %arg10[%add3A_609, %broadcast_in_dim3A_710], %gather3A_711 : memref<128x128xf32, #tpu.memory_space<vmem>>[vector<16xi32>, vector<16xi32>], vector<16xf32>,
          %broadcast_in_dim3A_712 = arith.constant 32 : i32
          %broadcast_in_dim3A_713 = vector.broadcast %broadcast_in_dim3A_712 : i32 to vector<16xi32>
          %gather3A_714 = tpu.vector_load_idx %arg9[%broadcast_in_dim3A_713, %clamp3A_616] : memref<64x1152xf32, #tpu.memory_space<vmem>>[vector<16xi32>, vector<16xi32>], vector<16xf32>,
          tpu.vector_store_idx %arg10[%add3A_609, %broadcast_in_dim3A_713], %gather3A_714 : memref<128x128xf32, #tpu.memory_space<vmem>>[vector<16xi32>, vector<16xi32>], vector<16xf32>,
          %broadcast_in_dim3A_715 = arith.constant 33 : i32
          %broadcast_in_dim3A_716 = vector.broadcast %broadcast_in_dim3A_715 : i32 to vector<16xi32>
          %gather3A_717 = tpu.vector_load_idx %arg9[%broadcast_in_dim3A_716, %clamp3A_616] : memref<64x1152xf32, #tpu.memory_space<vmem>>[vector<16xi32>, vector<16xi32>], vector<16xf32>,
          tpu.vector_store_idx %arg10[%add3A_609, %broadcast_in_dim3A_716], %gather3A_717 : memref<128x128xf32, #tpu.memory_space<vmem>>[vector<16xi32>, vector<16xi32>], vector<16xf32>,
          %broadcast_in_dim3A_718 = arith.constant 34 : i32
          %broadcast_in_dim3A_719 = vector.broadcast %broadcast_in_dim3A_718 : i32 to vector<16xi32>
          %gather3A_720 = tpu.vector_load_idx %arg9[%broadcast_in_dim3A_719, %clamp3A_616] : memref<64x1152xf32, #tpu.memory_space<vmem>>[vector<16xi32>, vector<16xi32>], vector<16xf32>,
          tpu.vector_store_idx %arg10[%add3A_609, %broadcast_in_dim3A_719], %gather3A_720 : memref<128x128xf32, #tpu.memory_space<vmem>>[vector<16xi32>, vector<16xi32>], vector<16xf32>,
          %broadcast_in_dim3A_721 = arith.constant 35 : i32
          %broadcast_in_dim3A_722 = vector.broadcast %broadcast_in_dim3A_721 : i32 to vector<16xi32>
          %gather3A_723 = tpu.vector_load_idx %arg9[%broadcast_in_dim3A_722, %clamp3A_616] : memref<64x1152xf32, #tpu.memory_space<vmem>>[vector<16xi32>, vector<16xi32>], vector<16xf32>,
          tpu.vector_store_idx %arg10[%add3A_609, %broadcast_in_dim3A_722], %gather3A_723 : memref<128x128xf32, #tpu.memory_space<vmem>>[vector<16xi32>, vector<16xi32>], vector<16xf32>,
          %broadcast_in_dim3A_724 = arith.constant 36 : i32
          %broadcast_in_dim3A_725 = vector.broadcast %broadcast_in_dim3A_724 : i32 to vector<16xi32>
          %gather3A_726 = tpu.vector_load_idx %arg9[%broadcast_in_dim3A_725, %clamp3A_616] : memref<64x1152xf32, #tpu.memory_space<vmem>>[vector<16xi32>, vector<16xi32>], vector<16xf32>,
          tpu.vector_store_idx %arg10[%add3A_609, %broadcast_in_dim3A_725], %gather3A_726 : memref<128x128xf32, #tpu.memory_space<vmem>>[vector<16xi32>, vector<16xi32>], vector<16xf32>,
          %broadcast_in_dim3A_727 = arith.constant 37 : i32
          %broadcast_in_dim3A_728 = vector.broadcast %broadcast_in_dim3A_727 : i32 to vector<16xi32>
          %gather3A_729 = tpu.vector_load_idx %arg9[%broadcast_in_dim3A_728, %clamp3A_616] : memref<64x1152xf32, #tpu.memory_space<vmem>>[vector<16xi32>, vector<16xi32>], vector<16xf32>,
          tpu.vector_store_idx %arg10[%add3A_609, %broadcast_in_dim3A_728], %gather3A_729 : memref<128x128xf32, #tpu.memory_space<vmem>>[vector<16xi32>, vector<16xi32>], vector<16xf32>,
          %broadcast_in_dim3A_730 = arith.constant 38 : i32
          %broadcast_in_dim3A_731 = vector.broadcast %broadcast_in_dim3A_730 : i32 to vector<16xi32>
          %gather3A_732 = tpu.vector_load_idx %arg9[%broadcast_in_dim3A_731, %clamp3A_616] : memref<64x1152xf32, #tpu.memory_space<vmem>>[vector<16xi32>, vector<16xi32>], vector<16xf32>,
          tpu.vector_store_idx %arg10[%add3A_609, %broadcast_in_dim3A_731], %gather3A_732 : memref<128x128xf32, #tpu.memory_space<vmem>>[vector<16xi32>, vector<16xi32>], vector<16xf32>,
          %broadcast_in_dim3A_733 = arith.constant 39 : i32
          %broadcast_in_dim3A_734 = vector.broadcast %broadcast_in_dim3A_733 : i32 to vector<16xi32>
          %gather3A_735 = tpu.vector_load_idx %arg9[%broadcast_in_dim3A_734, %clamp3A_616] : memref<64x1152xf32, #tpu.memory_space<vmem>>[vector<16xi32>, vector<16xi32>], vector<16xf32>,
          tpu.vector_store_idx %arg10[%add3A_609, %broadcast_in_dim3A_734], %gather3A_735 : memref<128x128xf32, #tpu.memory_space<vmem>>[vector<16xi32>, vector<16xi32>], vector<16xf32>,
          %broadcast_in_dim3A_736 = arith.constant 40 : i32
          %broadcast_in_dim3A_737 = vector.broadcast %broadcast_in_dim3A_736 : i32 to vector<16xi32>
          %gather3A_738 = tpu.vector_load_idx %arg9[%broadcast_in_dim3A_737, %clamp3A_616] : memref<64x1152xf32, #tpu.memory_space<vmem>>[vector<16xi32>, vector<16xi32>], vector<16xf32>,
          tpu.vector_store_idx %arg10[%add3A_609, %broadcast_in_dim3A_737], %gather3A_738 : memref<128x128xf32, #tpu.memory_space<vmem>>[vector<16xi32>, vector<16xi32>], vector<16xf32>,
          %broadcast_in_dim3A_739 = arith.constant 41 : i32
          %broadcast_in_dim3A_740 = vector.broadcast %broadcast_in_dim3A_739 : i32 to vector<16xi32>
          %gather3A_741 = tpu.vector_load_idx %arg9[%broadcast_in_dim3A_740, %clamp3A_616] : memref<64x1152xf32, #tpu.memory_space<vmem>>[vector<16xi32>, vector<16xi32>], vector<16xf32>,
          tpu.vector_store_idx %arg10[%add3A_609, %broadcast_in_dim3A_740], %gather3A_741 : memref<128x128xf32, #tpu.memory_space<vmem>>[vector<16xi32>, vector<16xi32>], vector<16xf32>,
          %broadcast_in_dim3A_742 = arith.constant 42 : i32
          %broadcast_in_dim3A_743 = vector.broadcast %broadcast_in_dim3A_742 : i32 to vector<16xi32>
          %gather3A_744 = tpu.vector_load_idx %arg9[%broadcast_in_dim3A_743, %clamp3A_616] : memref<64x1152xf32, #tpu.memory_space<vmem>>[vector<16xi32>, vector<16xi32>], vector<16xf32>,
          tpu.vector_store_idx %arg10[%add3A_609, %broadcast_in_dim3A_743], %gather3A_744 : memref<128x128xf32, #tpu.memory_space<vmem>>[vector<16xi32>, vector<16xi32>], vector<16xf32>,
          %broadcast_in_dim3A_745 = arith.constant 43 : i32
          %broadcast_in_dim3A_746 = vector.broadcast %broadcast_in_dim3A_745 : i32 to vector<16xi32>
          %gather3A_747 = tpu.vector_load_idx %arg9[%broadcast_in_dim3A_746, %clamp3A_616] : memref<64x1152xf32, #tpu.memory_space<vmem>>[vector<16xi32>, vector<16xi32>], vector<16xf32>,
          tpu.vector_store_idx %arg10[%add3A_609, %broadcast_in_dim3A_746], %gather3A_747 : memref<128x128xf32, #tpu.memory_space<vmem>>[vector<16xi32>, vector<16xi32>], vector<16xf32>,
          %broadcast_in_dim3A_748 = arith.constant 44 : i32
          %broadcast_in_dim3A_749 = vector.broadcast %broadcast_in_dim3A_748 : i32 to vector<16xi32>
          %gather3A_750 = tpu.vector_load_idx %arg9[%broadcast_in_dim3A_749, %clamp3A_616] : memref<64x1152xf32, #tpu.memory_space<vmem>>[vector<16xi32>, vector<16xi32>], vector<16xf32>,
          tpu.vector_store_idx %arg10[%add3A_609, %broadcast_in_dim3A_749], %gather3A_750 : memref<128x128xf32, #tpu.memory_space<vmem>>[vector<16xi32>, vector<16xi32>], vector<16xf32>,
          %broadcast_in_dim3A_751 = arith.constant 45 : i32
          %broadcast_in_dim3A_752 = vector.broadcast %broadcast_in_dim3A_751 : i32 to vector<16xi32>
          %gather3A_753 = tpu.vector_load_idx %arg9[%broadcast_in_dim3A_752, %clamp3A_616] : memref<64x1152xf32, #tpu.memory_space<vmem>>[vector<16xi32>, vector<16xi32>], vector<16xf32>,
          tpu.vector_store_idx %arg10[%add3A_609, %broadcast_in_dim3A_752], %gather3A_753 : memref<128x128xf32, #tpu.memory_space<vmem>>[vector<16xi32>, vector<16xi32>], vector<16xf32>,
          %broadcast_in_dim3A_754 = arith.constant 46 : i32
          %broadcast_in_dim3A_755 = vector.broadcast %broadcast_in_dim3A_754 : i32 to vector<16xi32>
          %gather3A_756 = tpu.vector_load_idx %arg9[%broadcast_in_dim3A_755, %clamp3A_616] : memref<64x1152xf32, #tpu.memory_space<vmem>>[vector<16xi32>, vector<16xi32>], vector<16xf32>,
          tpu.vector_store_idx %arg10[%add3A_609, %broadcast_in_dim3A_755], %gather3A_756 : memref<128x128xf32, #tpu.memory_space<vmem>>[vector<16xi32>, vector<16xi32>], vector<16xf32>,
          %broadcast_in_dim3A_757 = arith.constant 47 : i32
          %broadcast_in_dim3A_758 = vector.broadcast %broadcast_in_dim3A_757 : i32 to vector<16xi32>
          %gather3A_759 = tpu.vector_load_idx %arg9[%broadcast_in_dim3A_758, %clamp3A_616] : memref<64x1152xf32, #tpu.memory_space<vmem>>[vector<16xi32>, vector<16xi32>], vector<16xf32>,
          tpu.vector_store_idx %arg10[%add3A_609, %broadcast_in_dim3A_758], %gather3A_759 : memref<128x128xf32, #tpu.memory_space<vmem>>[vector<16xi32>, vector<16xi32>], vector<16xf32>,
          %broadcast_in_dim3A_760 = arith.constant 48 : i32
          %broadcast_in_dim3A_761 = vector.broadcast %broadcast_in_dim3A_760 : i32 to vector<16xi32>
          %gather3A_762 = tpu.vector_load_idx %arg9[%broadcast_in_dim3A_761, %clamp3A_616] : memref<64x1152xf32, #tpu.memory_space<vmem>>[vector<16xi32>, vector<16xi32>], vector<16xf32>,
          tpu.vector_store_idx %arg10[%add3A_609, %broadcast_in_dim3A_761], %gather3A_762 : memref<128x128xf32, #tpu.memory_space<vmem>>[vector<16xi32>, vector<16xi32>], vector<16xf32>,
          %broadcast_in_dim3A_763 = arith.constant 49 : i32
          %broadcast_in_dim3A_764 = vector.broadcast %broadcast_in_dim3A_763 : i32 to vector<16xi32>
          %gather3A_765 = tpu.vector_load_idx %arg9[%broadcast_in_dim3A_764, %clamp3A_616] : memref<64x1152xf32, #tpu.memory_space<vmem>>[vector<16xi32>, vector<16xi32>], vector<16xf32>,
          tpu.vector_store_idx %arg10[%add3A_609, %broadcast_in_dim3A_764], %gather3A_765 : memref<128x128xf32, #tpu.memory_space<vmem>>[vector<16xi32>, vector<16xi32>], vector<16xf32>,
          %broadcast_in_dim3A_766 = arith.constant 50 : i32
          %broadcast_in_dim3A_767 = vector.broadcast %broadcast_in_dim3A_766 : i32 to vector<16xi32>
          %gather3A_768 = tpu.vector_load_idx %arg9[%broadcast_in_dim3A_767, %clamp3A_616] : memref<64x1152xf32, #tpu.memory_space<vmem>>[vector<16xi32>, vector<16xi32>], vector<16xf32>,
          tpu.vector_store_idx %arg10[%add3A_609, %broadcast_in_dim3A_767], %gather3A_768 : memref<128x128xf32, #tpu.memory_space<vmem>>[vector<16xi32>, vector<16xi32>], vector<16xf32>,
          %broadcast_in_dim3A_769 = arith.constant 51 : i32
          %broadcast_in_dim3A_770 = vector.broadcast %broadcast_in_dim3A_769 : i32 to vector<16xi32>
          %gather3A_771 = tpu.vector_load_idx %arg9[%broadcast_in_dim3A_770, %clamp3A_616] : memref<64x1152xf32, #tpu.memory_space<vmem>>[vector<16xi32>, vector<16xi32>], vector<16xf32>,
          tpu.vector_store_idx %arg10[%add3A_609, %broadcast_in_dim3A_770], %gather3A_771 : memref<128x128xf32, #tpu.memory_space<vmem>>[vector<16xi32>, vector<16xi32>], vector<16xf32>,
          %broadcast_in_dim3A_772 = arith.constant 52 : i32
          %broadcast_in_dim3A_773 = vector.broadcast %broadcast_in_dim3A_772 : i32 to vector<16xi32>
          %gather3A_774 = tpu.vector_load_idx %arg9[%broadcast_in_dim3A_773, %clamp3A_616] : memref<64x1152xf32, #tpu.memory_space<vmem>>[vector<16xi32>, vector<16xi32>], vector<16xf32>,
          tpu.vector_store_idx %arg10[%add3A_609, %broadcast_in_dim3A_773], %gather3A_774 : memref<128x128xf32, #tpu.memory_space<vmem>>[vector<16xi32>, vector<16xi32>], vector<16xf32>,
          %broadcast_in_dim3A_775 = arith.constant 53 : i32
          %broadcast_in_dim3A_776 = vector.broadcast %broadcast_in_dim3A_775 : i32 to vector<16xi32>
          %gather3A_777 = tpu.vector_load_idx %arg9[%broadcast_in_dim3A_776, %clamp3A_616] : memref<64x1152xf32, #tpu.memory_space<vmem>>[vector<16xi32>, vector<16xi32>], vector<16xf32>,
          tpu.vector_store_idx %arg10[%add3A_609, %broadcast_in_dim3A_776], %gather3A_777 : memref<128x128xf32, #tpu.memory_space<vmem>>[vector<16xi32>, vector<16xi32>], vector<16xf32>,
          %broadcast_in_dim3A_778 = arith.constant 54 : i32
          %broadcast_in_dim3A_779 = vector.broadcast %broadcast_in_dim3A_778 : i32 to vector<16xi32>
          %gather3A_780 = tpu.vector_load_idx %arg9[%broadcast_in_dim3A_779, %clamp3A_616] : memref<64x1152xf32, #tpu.memory_space<vmem>>[vector<16xi32>, vector<16xi32>], vector<16xf32>,
          tpu.vector_store_idx %arg10[%add3A_609, %broadcast_in_dim3A_779], %gather3A_780 : memref<128x128xf32, #tpu.memory_space<vmem>>[vector<16xi32>, vector<16xi32>], vector<16xf32>,
          %broadcast_in_dim3A_781 = arith.constant 55 : i32
          %broadcast_in_dim3A_782 = vector.broadcast %broadcast_in_dim3A_781 : i32 to vector<16xi32>
          %gather3A_783 = tpu.vector_load_idx %arg9[%broadcast_in_dim3A_782, %clamp3A_616] : memref<64x1152xf32, #tpu.memory_space<vmem>>[vector<16xi32>, vector<16xi32>], vector<16xf32>,
          tpu.vector_store_idx %arg10[%add3A_609, %broadcast_in_dim3A_782], %gather3A_783 : memref<128x128xf32, #tpu.memory_space<vmem>>[vector<16xi32>, vector<16xi32>], vector<16xf32>,
          %broadcast_in_dim3A_784 = arith.constant 56 : i32
          %broadcast_in_dim3A_785 = vector.broadcast %broadcast_in_dim3A_784 : i32 to vector<16xi32>
          %gather3A_786 = tpu.vector_load_idx %arg9[%broadcast_in_dim3A_785, %clamp3A_616] : memref<64x1152xf32, #tpu.memory_space<vmem>>[vector<16xi32>, vector<16xi32>], vector<16xf32>,
          tpu.vector_store_idx %arg10[%add3A_609, %broadcast_in_dim3A_785], %gather3A_786 : memref<128x128xf32, #tpu.memory_space<vmem>>[vector<16xi32>, vector<16xi32>], vector<16xf32>,
          %broadcast_in_dim3A_787 = arith.constant 57 : i32
          %broadcast_in_dim3A_788 = vector.broadcast %broadcast_in_dim3A_787 : i32 to vector<16xi32>
          %gather3A_789 = tpu.vector_load_idx %arg9[%broadcast_in_dim3A_788, %clamp3A_616] : memref<64x1152xf32, #tpu.memory_space<vmem>>[vector<16xi32>, vector<16xi32>], vector<16xf32>,
          tpu.vector_store_idx %arg10[%add3A_609, %broadcast_in_dim3A_788], %gather3A_789 : memref<128x128xf32, #tpu.memory_space<vmem>>[vector<16xi32>, vector<16xi32>], vector<16xf32>,
          %broadcast_in_dim3A_790 = arith.constant 58 : i32
          %broadcast_in_dim3A_791 = vector.broadcast %broadcast_in_dim3A_790 : i32 to vector<16xi32>
          %gather3A_792 = tpu.vector_load_idx %arg9[%broadcast_in_dim3A_791, %clamp3A_616] : memref<64x1152xf32, #tpu.memory_space<vmem>>[vector<16xi32>, vector<16xi32>], vector<16xf32>,
          tpu.vector_store_idx %arg10[%add3A_609, %broadcast_in_dim3A_791], %gather3A_792 : memref<128x128xf32, #tpu.memory_space<vmem>>[vector<16xi32>, vector<16xi32>], vector<16xf32>,
          %broadcast_in_dim3A_793 = arith.constant 59 : i32
          %broadcast_in_dim3A_794 = vector.broadcast %broadcast_in_dim3A_793 : i32 to vector<16xi32>
          %gather3A_795 = tpu.vector_load_idx %arg9[%broadcast_in_dim3A_794, %clamp3A_616] : memref<64x1152xf32, #tpu.memory_space<vmem>>[vector<16xi32>, vector<16xi32>], vector<16xf32>,
          tpu.vector_store_idx %arg10[%add3A_609, %broadcast_in_dim3A_794], %gather3A_795 : memref<128x128xf32, #tpu.memory_space<vmem>>[vector<16xi32>, vector<16xi32>], vector<16xf32>,
          %broadcast_in_dim3A_796 = arith.constant 60 : i32
          %broadcast_in_dim3A_797 = vector.broadcast %broadcast_in_dim3A_796 : i32 to vector<16xi32>
          %gather3A_798 = tpu.vector_load_idx %arg9[%broadcast_in_dim3A_797, %clamp3A_616] : memref<64x1152xf32, #tpu.memory_space<vmem>>[vector<16xi32>, vector<16xi32>], vector<16xf32>,
          tpu.vector_store_idx %arg10[%add3A_609, %broadcast_in_dim3A_797], %gather3A_798 : memref<128x128xf32, #tpu.memory_space<vmem>>[vector<16xi32>, vector<16xi32>], vector<16xf32>,
          %broadcast_in_dim3A_799 = arith.constant 61 : i32
          %broadcast_in_dim3A_800 = vector.broadcast %broadcast_in_dim3A_799 : i32 to vector<16xi32>
          %gather3A_801 = tpu.vector_load_idx %arg9[%broadcast_in_dim3A_800, %clamp3A_616] : memref<64x1152xf32, #tpu.memory_space<vmem>>[vector<16xi32>, vector<16xi32>], vector<16xf32>,
          tpu.vector_store_idx %arg10[%add3A_609, %broadcast_in_dim3A_800], %gather3A_801 : memref<128x128xf32, #tpu.memory_space<vmem>>[vector<16xi32>, vector<16xi32>], vector<16xf32>,
          %broadcast_in_dim3A_802 = arith.constant 62 : i32
          %broadcast_in_dim3A_803 = vector.broadcast %broadcast_in_dim3A_802 : i32 to vector<16xi32>
          %gather3A_804 = tpu.vector_load_idx %arg9[%broadcast_in_dim3A_803, %clamp3A_616] : memref<64x1152xf32, #tpu.memory_space<vmem>>[vector<16xi32>, vector<16xi32>], vector<16xf32>,
          tpu.vector_store_idx %arg10[%add3A_609, %broadcast_in_dim3A_803], %gather3A_804 : memref<128x128xf32, #tpu.memory_space<vmem>>[vector<16xi32>, vector<16xi32>], vector<16xf32>,
          %broadcast_in_dim3A_805 = arith.constant 63 : i32
          %broadcast_in_dim3A_806 = vector.broadcast %broadcast_in_dim3A_805 : i32 to vector<16xi32>
          %gather3A_807 = tpu.vector_load_idx %arg9[%broadcast_in_dim3A_806, %clamp3A_616] : memref<64x1152xf32, #tpu.memory_space<vmem>>[vector<16xi32>, vector<16xi32>], vector<16xf32>,
          tpu.vector_store_idx %arg10[%add3A_609, %broadcast_in_dim3A_806], %gather3A_807 : memref<128x128xf32, #tpu.memory_space<vmem>>[vector<16xi32>, vector<16xi32>], vector<16xf32>,
          %broadcast_in_dim3A_808 = vector.broadcast %add3A_55 : i32 to vector<16xi32>
          %select_n3A_809 = arith.select %lt3A_605, %and3A_602, %broadcast_in_dim3A_808 : vector<16xi1>, vector<16xi32>
          %mul3A_810 = arith.constant 16 : i32
          %mul3A_811 = arith.muli %while3A_590, %mul3A_810 : i32
          %swap3A_812 = arith.constant 0 : i32
          %swap3A_813 = arith.index_cast %swap3A_812 : i32 to index
          %swap3A_814 = arith.index_cast %mul3A_811 : i32 to index
          %swap3A_815 = tpu.vector_load %arg11[%swap3A_813, %swap3A_814] {strides = array<i32>} : memref<2x128xi32, #tpu.memory_space<vmem>>, vector<16xi32>,
          tpu.vector_store %arg11[%swap3A_813, %swap3A_814], %select_n3A_809 {strides = array<i32>} : memref<2x128xi32, #tpu.memory_space<vmem>>, vector<16xi32>,
          %while3A_816 = arith.constant 0 : i32
          scf.yield %while3A_816 : i32
        }
        %dma_start3A_575 = arith.constant 0 : i32
        %dma_start3A_576 = arith.constant 0 : i32
        %dma_start3A_577 = tpu.memref_slice %arg11[%dma_start3A_575, %dma_start3A_576] : memref<2x128xi32, #tpu.memory_space<vmem>> -> memref<1x128xi32, #tpu.memory_space<vmem>>
        %dma_start3A_578 = tpu.memref_squeeze %dma_start3A_577 : memref<1x128xi32, #tpu.memory_space<vmem>> -> memref<128xi32, #tpu.memory_space<vmem>>
        %dma_start3A_579 = arith.constant 0 : i32
        %dma_start3A_580 = arith.constant 0 : i32
        %dma_start3A_581 = tpu.memref_slice %arg5[%dma_start3A_579, %dma_start3A_580] : memref<16416x128xf32, #tpu.memory_space<hbm>> -> memref<16416x128xf32, #tpu.memory_space<hbm>>
        tpu.enqueue_indirect_dma source(%arg10 : memref<128x128xf32, #tpu.memory_space<vmem>>) target(%dma_start3A_581 : memref<16416x128xf32, #tpu.memory_space<hbm>>) offsets(%dma_start3A_578 : memref<128xi32, #tpu.memory_space<vmem>>) semaphore(%arg13 : memref<!tpu.dma_semaphore, #tpu.memory_space<semaphore_mem>>)
        %dma_wait3A_582 = arith.constant 0 : i32
        %dma_wait3A_583 = arith.constant 0 : i32
        %dma_wait3A_584 = tpu.memref_slice %arg11[%dma_wait3A_582, %dma_wait3A_583] : memref<2x128xi32, #tpu.memory_space<vmem>> -> memref<1x128xi32, #tpu.memory_space<vmem>>
        %dma_wait3A_585 = tpu.memref_squeeze %dma_wait3A_584 : memref<1x128xi32, #tpu.memory_space<vmem>> -> memref<128xi32, #tpu.memory_space<vmem>>
        %dma_wait3A_586 = arith.constant 0 : i32
        %dma_wait3A_587 = arith.constant 0 : i32
        %dma_wait3A_588 = tpu.memref_slice %arg5[%dma_wait3A_586, %dma_wait3A_587] : memref<16416x128xf32, #tpu.memory_space<hbm>> -> memref<16416x128xf32, #tpu.memory_space<hbm>>
        tpu.wait_indirect_dma semaphore(%arg13 : memref<!tpu.dma_semaphore, #tpu.memory_space<semaphore_mem>>) src(%arg10 : memref<128x128xf32, #tpu.memory_space<vmem>>) dst(%dma_wait3A_588 : memref<16416x128xf32, #tpu.memory_space<hbm>>)
        %while3A_589 = arith.constant 0 : i32
        scf.yield %while3A_589 : i32
      }
      %while3A_553 = arith.constant 1 : i32
      %while3A_554 = scf.for %while3A_556 = %while3A_550 to %while3A_546 step %while3A_553 iter_args(%while3A_557 = %while3A_552) -> (i32)  : i32 {
        %mul3A_558 = arith.constant 8 : i32
        %mul3A_559 = arith.muli %while3A_556, %mul3A_558 : i32
        %sub3A_560 = arith.subi %select_n3A_516, %mul3A_559 : i32
        %min3A_561 = arith.constant 8 : i32
        %min3A_562 = arith.minsi %sub3A_560, %min3A_561 : i32
        %while3A_563 = arith.constant 0 : i32
        %while3A_564 = arith.constant 0 : i32
        %while3A_565 = arith.subi %min3A_562, %while3A_563 : i32
        %while3A_566 = arith.addi %while3A_563, %while3A_565 : i32
        %while3A_567 = arith.constant 1 : i32
        %while3A_568 = arith.divsi %while3A_565, %while3A_567 : i32
        %while3A_569 = arith.muli %while3A_568, %while3A_567 : i32
        %while3A_570 = arith.addi %while3A_563, %while3A_569 : i32
        %while3A_571 = arith.constant 1 : i32
        %while3A_572 = scf.for %while3A_590 = %while3A_563 to %while3A_570 step %while3A_571 iter_args(%while3A_591 = %while3A_564) -> (i32)  : i32 {
          %mul3A_592 = arith.constant 128 : i32
          %mul3A_593 = arith.muli %while3A_556, %mul3A_592 : i32
          %mul3A_594 = arith.constant 16 : i32
          %mul3A_595 = arith.muli %while3A_590, %mul3A_594 : i32
          %add3A_596 = arith.addi %mul3A_593, %mul3A_595 : i32
          %get3A = arith.index_cast %add3A_596 : i32 to index
          %get3A_597 = tpu.vector_load %arg8[%get3A] {strides = array<i32>} : memref<16400xi32, #tpu.memory_space<vmem>>, vector<16xi32>,
          %shift_right_logical3A = arith.constant 14 : i32
          %shift_right_logical3A_598 = vector.broadcast %shift_right_logical3A : i32 to vector<16xi32>
          %shift_right_logical3A_599 = arith.shrui %get3A_597, %shift_right_logical3A_598 : vector<16xi32>
          %and3A_600 = arith.constant 16383 : i32
          %and3A_601 = vector.broadcast %and3A_600 : i32 to vector<16xi32>
          %and3A_602 = arith.andi %get3A_597, %and3A_601 : vector<16xi32>
          %add3A_603 = vector.broadcast %add3A_596 : i32 to vector<16xi32>
          %add3A_604 = arith.addi %iota3A, %add3A_603 : vector<16xi32>
          %lt3A = vector.broadcast %reduce_max3A_399 : i32 to vector<16xi32>
          %lt3A_605 = arith.cmpi slt, %add3A_604, %lt3A : vector<16xi32>
          %mul3A_606 = arith.constant 16 : i32
          %mul3A_607 = arith.muli %while3A_590, %mul3A_606 : i32
          %add3A_608 = vector.broadcast %mul3A_607 : i32 to vector<16xi32>
          %add3A_609 = arith.addi %iota3A, %add3A_608 : vector<16xi32>
          %sub3A_610 = vector.broadcast %mul3A_490 : i32 to vector<16xi32>
          %sub3A_611 = arith.subi %shift_right_logical3A_599, %sub3A_610 : vector<16xi32>
          %clamp3A = arith.constant 0 : i32
          %clamp3A_612 = arith.constant 1151 : i32
          %clamp3A_613 = vector.broadcast %clamp3A : i32 to vector<16xi32>
          %clamp3A_614 = arith.maxsi %sub3A_611, %clamp3A_613 : vector<16xi32>
          %clamp3A_615 = vector.broadcast %clamp3A_612 : i32 to vector<16xi32>
          %clamp3A_616 = arith.minsi %clamp3A_614, %clamp3A_615 : vector<16xi32>
          %broadcast_in_dim3A_617 = arith.constant 0 : i32
          %broadcast_in_dim3A_618 = vector.broadcast %broadcast_in_dim3A_617 : i32 to vector<16xi32>
          %gather3A = tpu.vector_load_idx %arg9[%broadcast_in_dim3A_618, %clamp3A_616] : memref<64x1152xf32, #tpu.memory_space<vmem>>[vector<16xi32>, vector<16xi32>], vector<16xf32>,
          tpu.vector_store_idx %arg10[%add3A_609, %broadcast_in_dim3A_618], %gather3A : memref<128x128xf32, #tpu.memory_space<vmem>>[vector<16xi32>, vector<16xi32>], vector<16xf32>,
          %broadcast_in_dim3A_619 = arith.constant 1 : i32
          %broadcast_in_dim3A_620 = vector.broadcast %broadcast_in_dim3A_619 : i32 to vector<16xi32>
          %gather3A_621 = tpu.vector_load_idx %arg9[%broadcast_in_dim3A_620, %clamp3A_616] : memref<64x1152xf32, #tpu.memory_space<vmem>>[vector<16xi32>, vector<16xi32>], vector<16xf32>,
          tpu.vector_store_idx %arg10[%add3A_609, %broadcast_in_dim3A_620], %gather3A_621 : memref<128x128xf32, #tpu.memory_space<vmem>>[vector<16xi32>, vector<16xi32>], vector<16xf32>,
          %broadcast_in_dim3A_622 = arith.constant 2 : i32
          %broadcast_in_dim3A_623 = vector.broadcast %broadcast_in_dim3A_622 : i32 to vector<16xi32>
          %gather3A_624 = tpu.vector_load_idx %arg9[%broadcast_in_dim3A_623, %clamp3A_616] : memref<64x1152xf32, #tpu.memory_space<vmem>>[vector<16xi32>, vector<16xi32>], vector<16xf32>,
          tpu.vector_store_idx %arg10[%add3A_609, %broadcast_in_dim3A_623], %gather3A_624 : memref<128x128xf32, #tpu.memory_space<vmem>>[vector<16xi32>, vector<16xi32>], vector<16xf32>,
          %broadcast_in_dim3A_625 = arith.constant 3 : i32
          %broadcast_in_dim3A_626 = vector.broadcast %broadcast_in_dim3A_625 : i32 to vector<16xi32>
          %gather3A_627 = tpu.vector_load_idx %arg9[%broadcast_in_dim3A_626, %clamp3A_616] : memref<64x1152xf32, #tpu.memory_space<vmem>>[vector<16xi32>, vector<16xi32>], vector<16xf32>,
          tpu.vector_store_idx %arg10[%add3A_609, %broadcast_in_dim3A_626], %gather3A_627 : memref<128x128xf32, #tpu.memory_space<vmem>>[vector<16xi32>, vector<16xi32>], vector<16xf32>,
          %broadcast_in_dim3A_628 = arith.constant 4 : i32
          %broadcast_in_dim3A_629 = vector.broadcast %broadcast_in_dim3A_628 : i32 to vector<16xi32>
          %gather3A_630 = tpu.vector_load_idx %arg9[%broadcast_in_dim3A_629, %clamp3A_616] : memref<64x1152xf32, #tpu.memory_space<vmem>>[vector<16xi32>, vector<16xi32>], vector<16xf32>,
          tpu.vector_store_idx %arg10[%add3A_609, %broadcast_in_dim3A_629], %gather3A_630 : memref<128x128xf32, #tpu.memory_space<vmem>>[vector<16xi32>, vector<16xi32>], vector<16xf32>,
          %broadcast_in_dim3A_631 = arith.constant 5 : i32
          %broadcast_in_dim3A_632 = vector.broadcast %broadcast_in_dim3A_631 : i32 to vector<16xi32>
          %gather3A_633 = tpu.vector_load_idx %arg9[%broadcast_in_dim3A_632, %clamp3A_616] : memref<64x1152xf32, #tpu.memory_space<vmem>>[vector<16xi32>, vector<16xi32>], vector<16xf32>,
          tpu.vector_store_idx %arg10[%add3A_609, %broadcast_in_dim3A_632], %gather3A_633 : memref<128x128xf32, #tpu.memory_space<vmem>>[vector<16xi32>, vector<16xi32>], vector<16xf32>,
          %broadcast_in_dim3A_634 = arith.constant 6 : i32
          %broadcast_in_dim3A_635 = vector.broadcast %broadcast_in_dim3A_634 : i32 to vector<16xi32>
          %gather3A_636 = tpu.vector_load_idx %arg9[%broadcast_in_dim3A_635, %clamp3A_616] : memref<64x1152xf32, #tpu.memory_space<vmem>>[vector<16xi32>, vector<16xi32>], vector<16xf32>,
          tpu.vector_store_idx %arg10[%add3A_609, %broadcast_in_dim3A_635], %gather3A_636 : memref<128x128xf32, #tpu.memory_space<vmem>>[vector<16xi32>, vector<16xi32>], vector<16xf32>,
          %broadcast_in_dim3A_637 = arith.constant 7 : i32
          %broadcast_in_dim3A_638 = vector.broadcast %broadcast_in_dim3A_637 : i32 to vector<16xi32>
          %gather3A_639 = tpu.vector_load_idx %arg9[%broadcast_in_dim3A_638, %clamp3A_616] : memref<64x1152xf32, #tpu.memory_space<vmem>>[vector<16xi32>, vector<16xi32>], vector<16xf32>,
          tpu.vector_store_idx %arg10[%add3A_609, %broadcast_in_dim3A_638], %gather3A_639 : memref<128x128xf32, #tpu.memory_space<vmem>>[vector<16xi32>, vector<16xi32>], vector<16xf32>,
          %broadcast_in_dim3A_640 = arith.constant 8 : i32
          %broadcast_in_dim3A_641 = vector.broadcast %broadcast_in_dim3A_640 : i32 to vector<16xi32>
          %gather3A_642 = tpu.vector_load_idx %arg9[%broadcast_in_dim3A_641, %clamp3A_616] : memref<64x1152xf32, #tpu.memory_space<vmem>>[vector<16xi32>, vector<16xi32>], vector<16xf32>,
          tpu.vector_store_idx %arg10[%add3A_609, %broadcast_in_dim3A_641], %gather3A_642 : memref<128x128xf32, #tpu.memory_space<vmem>>[vector<16xi32>, vector<16xi32>], vector<16xf32>,
          %broadcast_in_dim3A_643 = arith.constant 9 : i32
          %broadcast_in_dim3A_644 = vector.broadcast %broadcast_in_dim3A_643 : i32 to vector<16xi32>
          %gather3A_645 = tpu.vector_load_idx %arg9[%broadcast_in_dim3A_644, %clamp3A_616] : memref<64x1152xf32, #tpu.memory_space<vmem>>[vector<16xi32>, vector<16xi32>], vector<16xf32>,
          tpu.vector_store_idx %arg10[%add3A_609, %broadcast_in_dim3A_644], %gather3A_645 : memref<128x128xf32, #tpu.memory_space<vmem>>[vector<16xi32>, vector<16xi32>], vector<16xf32>,
          %broadcast_in_dim3A_646 = arith.constant 10 : i32
          %broadcast_in_dim3A_647 = vector.broadcast %broadcast_in_dim3A_646 : i32 to vector<16xi32>
          %gather3A_648 = tpu.vector_load_idx %arg9[%broadcast_in_dim3A_647, %clamp3A_616] : memref<64x1152xf32, #tpu.memory_space<vmem>>[vector<16xi32>, vector<16xi32>], vector<16xf32>,
          tpu.vector_store_idx %arg10[%add3A_609, %broadcast_in_dim3A_647], %gather3A_648 : memref<128x128xf32, #tpu.memory_space<vmem>>[vector<16xi32>, vector<16xi32>], vector<16xf32>,
          %broadcast_in_dim3A_649 = arith.constant 11 : i32
          %broadcast_in_dim3A_650 = vector.broadcast %broadcast_in_dim3A_649 : i32 to vector<16xi32>
          %gather3A_651 = tpu.vector_load_idx %arg9[%broadcast_in_dim3A_650, %clamp3A_616] : memref<64x1152xf32, #tpu.memory_space<vmem>>[vector<16xi32>, vector<16xi32>], vector<16xf32>,
          tpu.vector_store_idx %arg10[%add3A_609, %broadcast_in_dim3A_650], %gather3A_651 : memref<128x128xf32, #tpu.memory_space<vmem>>[vector<16xi32>, vector<16xi32>], vector<16xf32>,
          %broadcast_in_dim3A_652 = arith.constant 12 : i32
          %broadcast_in_dim3A_653 = vector.broadcast %broadcast_in_dim3A_652 : i32 to vector<16xi32>
          %gather3A_654 = tpu.vector_load_idx %arg9[%broadcast_in_dim3A_653, %clamp3A_616] : memref<64x1152xf32, #tpu.memory_space<vmem>>[vector<16xi32>, vector<16xi32>], vector<16xf32>,
          tpu.vector_store_idx %arg10[%add3A_609, %broadcast_in_dim3A_653], %gather3A_654 : memref<128x128xf32, #tpu.memory_space<vmem>>[vector<16xi32>, vector<16xi32>], vector<16xf32>,
          %broadcast_in_dim3A_655 = arith.constant 13 : i32
          %broadcast_in_dim3A_656 = vector.broadcast %broadcast_in_dim3A_655 : i32 to vector<16xi32>
          %gather3A_657 = tpu.vector_load_idx %arg9[%broadcast_in_dim3A_656, %clamp3A_616] : memref<64x1152xf32, #tpu.memory_space<vmem>>[vector<16xi32>, vector<16xi32>], vector<16xf32>,
          tpu.vector_store_idx %arg10[%add3A_609, %broadcast_in_dim3A_656], %gather3A_657 : memref<128x128xf32, #tpu.memory_space<vmem>>[vector<16xi32>, vector<16xi32>], vector<16xf32>,
          %broadcast_in_dim3A_658 = arith.constant 14 : i32
          %broadcast_in_dim3A_659 = vector.broadcast %broadcast_in_dim3A_658 : i32 to vector<16xi32>
          %gather3A_660 = tpu.vector_load_idx %arg9[%broadcast_in_dim3A_659, %clamp3A_616] : memref<64x1152xf32, #tpu.memory_space<vmem>>[vector<16xi32>, vector<16xi32>], vector<16xf32>,
          tpu.vector_store_idx %arg10[%add3A_609, %broadcast_in_dim3A_659], %gather3A_660 : memref<128x128xf32, #tpu.memory_space<vmem>>[vector<16xi32>, vector<16xi32>], vector<16xf32>,
          %broadcast_in_dim3A_661 = arith.constant 15 : i32
          %broadcast_in_dim3A_662 = vector.broadcast %broadcast_in_dim3A_661 : i32 to vector<16xi32>
          %gather3A_663 = tpu.vector_load_idx %arg9[%broadcast_in_dim3A_662, %clamp3A_616] : memref<64x1152xf32, #tpu.memory_space<vmem>>[vector<16xi32>, vector<16xi32>], vector<16xf32>,
          tpu.vector_store_idx %arg10[%add3A_609, %broadcast_in_dim3A_662], %gather3A_663 : memref<128x128xf32, #tpu.memory_space<vmem>>[vector<16xi32>, vector<16xi32>], vector<16xf32>,
          %broadcast_in_dim3A_664 = arith.constant 16 : i32
          %broadcast_in_dim3A_665 = vector.broadcast %broadcast_in_dim3A_664 : i32 to vector<16xi32>
          %gather3A_666 = tpu.vector_load_idx %arg9[%broadcast_in_dim3A_665, %clamp3A_616] : memref<64x1152xf32, #tpu.memory_space<vmem>>[vector<16xi32>, vector<16xi32>], vector<16xf32>,
          tpu.vector_store_idx %arg10[%add3A_609, %broadcast_in_dim3A_665], %gather3A_666 : memref<128x128xf32, #tpu.memory_space<vmem>>[vector<16xi32>, vector<16xi32>], vector<16xf32>,
          %broadcast_in_dim3A_667 = arith.constant 17 : i32
          %broadcast_in_dim3A_668 = vector.broadcast %broadcast_in_dim3A_667 : i32 to vector<16xi32>
          %gather3A_669 = tpu.vector_load_idx %arg9[%broadcast_in_dim3A_668, %clamp3A_616] : memref<64x1152xf32, #tpu.memory_space<vmem>>[vector<16xi32>, vector<16xi32>], vector<16xf32>,
          tpu.vector_store_idx %arg10[%add3A_609, %broadcast_in_dim3A_668], %gather3A_669 : memref<128x128xf32, #tpu.memory_space<vmem>>[vector<16xi32>, vector<16xi32>], vector<16xf32>,
          %broadcast_in_dim3A_670 = arith.constant 18 : i32
          %broadcast_in_dim3A_671 = vector.broadcast %broadcast_in_dim3A_670 : i32 to vector<16xi32>
          %gather3A_672 = tpu.vector_load_idx %arg9[%broadcast_in_dim3A_671, %clamp3A_616] : memref<64x1152xf32, #tpu.memory_space<vmem>>[vector<16xi32>, vector<16xi32>], vector<16xf32>,
          tpu.vector_store_idx %arg10[%add3A_609, %broadcast_in_dim3A_671], %gather3A_672 : memref<128x128xf32, #tpu.memory_space<vmem>>[vector<16xi32>, vector<16xi32>], vector<16xf32>,
          %broadcast_in_dim3A_673 = arith.constant 19 : i32
          %broadcast_in_dim3A_674 = vector.broadcast %broadcast_in_dim3A_673 : i32 to vector<16xi32>
          %gather3A_675 = tpu.vector_load_idx %arg9[%broadcast_in_dim3A_674, %clamp3A_616] : memref<64x1152xf32, #tpu.memory_space<vmem>>[vector<16xi32>, vector<16xi32>], vector<16xf32>,
          tpu.vector_store_idx %arg10[%add3A_609, %broadcast_in_dim3A_674], %gather3A_675 : memref<128x128xf32, #tpu.memory_space<vmem>>[vector<16xi32>, vector<16xi32>], vector<16xf32>,
          %broadcast_in_dim3A_676 = arith.constant 20 : i32
          %broadcast_in_dim3A_677 = vector.broadcast %broadcast_in_dim3A_676 : i32 to vector<16xi32>
          %gather3A_678 = tpu.vector_load_idx %arg9[%broadcast_in_dim3A_677, %clamp3A_616] : memref<64x1152xf32, #tpu.memory_space<vmem>>[vector<16xi32>, vector<16xi32>], vector<16xf32>,
          tpu.vector_store_idx %arg10[%add3A_609, %broadcast_in_dim3A_677], %gather3A_678 : memref<128x128xf32, #tpu.memory_space<vmem>>[vector<16xi32>, vector<16xi32>], vector<16xf32>,
          %broadcast_in_dim3A_679 = arith.constant 21 : i32
          %broadcast_in_dim3A_680 = vector.broadcast %broadcast_in_dim3A_679 : i32 to vector<16xi32>
          %gather3A_681 = tpu.vector_load_idx %arg9[%broadcast_in_dim3A_680, %clamp3A_616] : memref<64x1152xf32, #tpu.memory_space<vmem>>[vector<16xi32>, vector<16xi32>], vector<16xf32>,
          tpu.vector_store_idx %arg10[%add3A_609, %broadcast_in_dim3A_680], %gather3A_681 : memref<128x128xf32, #tpu.memory_space<vmem>>[vector<16xi32>, vector<16xi32>], vector<16xf32>,
          %broadcast_in_dim3A_682 = arith.constant 22 : i32
          %broadcast_in_dim3A_683 = vector.broadcast %broadcast_in_dim3A_682 : i32 to vector<16xi32>
          %gather3A_684 = tpu.vector_load_idx %arg9[%broadcast_in_dim3A_683, %clamp3A_616] : memref<64x1152xf32, #tpu.memory_space<vmem>>[vector<16xi32>, vector<16xi32>], vector<16xf32>,
          tpu.vector_store_idx %arg10[%add3A_609, %broadcast_in_dim3A_683], %gather3A_684 : memref<128x128xf32, #tpu.memory_space<vmem>>[vector<16xi32>, vector<16xi32>], vector<16xf32>,
          %broadcast_in_dim3A_685 = arith.constant 23 : i32
          %broadcast_in_dim3A_686 = vector.broadcast %broadcast_in_dim3A_685 : i32 to vector<16xi32>
          %gather3A_687 = tpu.vector_load_idx %arg9[%broadcast_in_dim3A_686, %clamp3A_616] : memref<64x1152xf32, #tpu.memory_space<vmem>>[vector<16xi32>, vector<16xi32>], vector<16xf32>,
          tpu.vector_store_idx %arg10[%add3A_609, %broadcast_in_dim3A_686], %gather3A_687 : memref<128x128xf32, #tpu.memory_space<vmem>>[vector<16xi32>, vector<16xi32>], vector<16xf32>,
          %broadcast_in_dim3A_688 = arith.constant 24 : i32
          %broadcast_in_dim3A_689 = vector.broadcast %broadcast_in_dim3A_688 : i32 to vector<16xi32>
          %gather3A_690 = tpu.vector_load_idx %arg9[%broadcast_in_dim3A_689, %clamp3A_616] : memref<64x1152xf32, #tpu.memory_space<vmem>>[vector<16xi32>, vector<16xi32>], vector<16xf32>,
          tpu.vector_store_idx %arg10[%add3A_609, %broadcast_in_dim3A_689], %gather3A_690 : memref<128x128xf32, #tpu.memory_space<vmem>>[vector<16xi32>, vector<16xi32>], vector<16xf32>,
          %broadcast_in_dim3A_691 = arith.constant 25 : i32
          %broadcast_in_dim3A_692 = vector.broadcast %broadcast_in_dim3A_691 : i32 to vector<16xi32>
          %gather3A_693 = tpu.vector_load_idx %arg9[%broadcast_in_dim3A_692, %clamp3A_616] : memref<64x1152xf32, #tpu.memory_space<vmem>>[vector<16xi32>, vector<16xi32>], vector<16xf32>,
          tpu.vector_store_idx %arg10[%add3A_609, %broadcast_in_dim3A_692], %gather3A_693 : memref<128x128xf32, #tpu.memory_space<vmem>>[vector<16xi32>, vector<16xi32>], vector<16xf32>,
          %broadcast_in_dim3A_694 = arith.constant 26 : i32
          %broadcast_in_dim3A_695 = vector.broadcast %broadcast_in_dim3A_694 : i32 to vector<16xi32>
          %gather3A_696 = tpu.vector_load_idx %arg9[%broadcast_in_dim3A_695, %clamp3A_616] : memref<64x1152xf32, #tpu.memory_space<vmem>>[vector<16xi32>, vector<16xi32>], vector<16xf32>,
          tpu.vector_store_idx %arg10[%add3A_609, %broadcast_in_dim3A_695], %gather3A_696 : memref<128x128xf32, #tpu.memory_space<vmem>>[vector<16xi32>, vector<16xi32>], vector<16xf32>,
          %broadcast_in_dim3A_697 = arith.constant 27 : i32
          %broadcast_in_dim3A_698 = vector.broadcast %broadcast_in_dim3A_697 : i32 to vector<16xi32>
          %gather3A_699 = tpu.vector_load_idx %arg9[%broadcast_in_dim3A_698, %clamp3A_616] : memref<64x1152xf32, #tpu.memory_space<vmem>>[vector<16xi32>, vector<16xi32>], vector<16xf32>,
          tpu.vector_store_idx %arg10[%add3A_609, %broadcast_in_dim3A_698], %gather3A_699 : memref<128x128xf32, #tpu.memory_space<vmem>>[vector<16xi32>, vector<16xi32>], vector<16xf32>,
          %broadcast_in_dim3A_700 = arith.constant 28 : i32
          %broadcast_in_dim3A_701 = vector.broadcast %broadcast_in_dim3A_700 : i32 to vector<16xi32>
          %gather3A_702 = tpu.vector_load_idx %arg9[%broadcast_in_dim3A_701, %clamp3A_616] : memref<64x1152xf32, #tpu.memory_space<vmem>>[vector<16xi32>, vector<16xi32>], vector<16xf32>,
          tpu.vector_store_idx %arg10[%add3A_609, %broadcast_in_dim3A_701], %gather3A_702 : memref<128x128xf32, #tpu.memory_space<vmem>>[vector<16xi32>, vector<16xi32>], vector<16xf32>,
          %broadcast_in_dim3A_703 = arith.constant 29 : i32
          %broadcast_in_dim3A_704 = vector.broadcast %broadcast_in_dim3A_703 : i32 to vector<16xi32>
          %gather3A_705 = tpu.vector_load_idx %arg9[%broadcast_in_dim3A_704, %clamp3A_616] : memref<64x1152xf32, #tpu.memory_space<vmem>>[vector<16xi32>, vector<16xi32>], vector<16xf32>,
          tpu.vector_store_idx %arg10[%add3A_609, %broadcast_in_dim3A_704], %gather3A_705 : memref<128x128xf32, #tpu.memory_space<vmem>>[vector<16xi32>, vector<16xi32>], vector<16xf32>,
          %broadcast_in_dim3A_706 = arith.constant 30 : i32
          %broadcast_in_dim3A_707 = vector.broadcast %broadcast_in_dim3A_706 : i32 to vector<16xi32>
          %gather3A_708 = tpu.vector_load_idx %arg9[%broadcast_in_dim3A_707, %clamp3A_616] : memref<64x1152xf32, #tpu.memory_space<vmem>>[vector<16xi32>, vector<16xi32>], vector<16xf32>,
          tpu.vector_store_idx %arg10[%add3A_609, %broadcast_in_dim3A_707], %gather3A_708 : memref<128x128xf32, #tpu.memory_space<vmem>>[vector<16xi32>, vector<16xi32>], vector<16xf32>,
          %broadcast_in_dim3A_709 = arith.constant 31 : i32
          %broadcast_in_dim3A_710 = vector.broadcast %broadcast_in_dim3A_709 : i32 to vector<16xi32>
          %gather3A_711 = tpu.vector_load_idx %arg9[%broadcast_in_dim3A_710, %clamp3A_616] : memref<64x1152xf32, #tpu.memory_space<vmem>>[vector<16xi32>, vector<16xi32>], vector<16xf32>,
          tpu.vector_store_idx %arg10[%add3A_609, %broadcast_in_dim3A_710], %gather3A_711 : memref<128x128xf32, #tpu.memory_space<vmem>>[vector<16xi32>, vector<16xi32>], vector<16xf32>,
          %broadcast_in_dim3A_712 = arith.constant 32 : i32
          %broadcast_in_dim3A_713 = vector.broadcast %broadcast_in_dim3A_712 : i32 to vector<16xi32>
          %gather3A_714 = tpu.vector_load_idx %arg9[%broadcast_in_dim3A_713, %clamp3A_616] : memref<64x1152xf32, #tpu.memory_space<vmem>>[vector<16xi32>, vector<16xi32>], vector<16xf32>,
          tpu.vector_store_idx %arg10[%add3A_609, %broadcast_in_dim3A_713], %gather3A_714 : memref<128x128xf32, #tpu.memory_space<vmem>>[vector<16xi32>, vector<16xi32>], vector<16xf32>,
          %broadcast_in_dim3A_715 = arith.constant 33 : i32
          %broadcast_in_dim3A_716 = vector.broadcast %broadcast_in_dim3A_715 : i32 to vector<16xi32>
          %gather3A_717 = tpu.vector_load_idx %arg9[%broadcast_in_dim3A_716, %clamp3A_616] : memref<64x1152xf32, #tpu.memory_space<vmem>>[vector<16xi32>, vector<16xi32>], vector<16xf32>,
          tpu.vector_store_idx %arg10[%add3A_609, %broadcast_in_dim3A_716], %gather3A_717 : memref<128x128xf32, #tpu.memory_space<vmem>>[vector<16xi32>, vector<16xi32>], vector<16xf32>,
          %broadcast_in_dim3A_718 = arith.constant 34 : i32
          %broadcast_in_dim3A_719 = vector.broadcast %broadcast_in_dim3A_718 : i32 to vector<16xi32>
          %gather3A_720 = tpu.vector_load_idx %arg9[%broadcast_in_dim3A_719, %clamp3A_616] : memref<64x1152xf32, #tpu.memory_space<vmem>>[vector<16xi32>, vector<16xi32>], vector<16xf32>,
          tpu.vector_store_idx %arg10[%add3A_609, %broadcast_in_dim3A_719], %gather3A_720 : memref<128x128xf32, #tpu.memory_space<vmem>>[vector<16xi32>, vector<16xi32>], vector<16xf32>,
          %broadcast_in_dim3A_721 = arith.constant 35 : i32
          %broadcast_in_dim3A_722 = vector.broadcast %broadcast_in_dim3A_721 : i32 to vector<16xi32>
          %gather3A_723 = tpu.vector_load_idx %arg9[%broadcast_in_dim3A_722, %clamp3A_616] : memref<64x1152xf32, #tpu.memory_space<vmem>>[vector<16xi32>, vector<16xi32>], vector<16xf32>,
          tpu.vector_store_idx %arg10[%add3A_609, %broadcast_in_dim3A_722], %gather3A_723 : memref<128x128xf32, #tpu.memory_space<vmem>>[vector<16xi32>, vector<16xi32>], vector<16xf32>,
          %broadcast_in_dim3A_724 = arith.constant 36 : i32
          %broadcast_in_dim3A_725 = vector.broadcast %broadcast_in_dim3A_724 : i32 to vector<16xi32>
          %gather3A_726 = tpu.vector_load_idx %arg9[%broadcast_in_dim3A_725, %clamp3A_616] : memref<64x1152xf32, #tpu.memory_space<vmem>>[vector<16xi32>, vector<16xi32>], vector<16xf32>,
          tpu.vector_store_idx %arg10[%add3A_609, %broadcast_in_dim3A_725], %gather3A_726 : memref<128x128xf32, #tpu.memory_space<vmem>>[vector<16xi32>, vector<16xi32>], vector<16xf32>,
          %broadcast_in_dim3A_727 = arith.constant 37 : i32
          %broadcast_in_dim3A_728 = vector.broadcast %broadcast_in_dim3A_727 : i32 to vector<16xi32>
          %gather3A_729 = tpu.vector_load_idx %arg9[%broadcast_in_dim3A_728, %clamp3A_616] : memref<64x1152xf32, #tpu.memory_space<vmem>>[vector<16xi32>, vector<16xi32>], vector<16xf32>,
          tpu.vector_store_idx %arg10[%add3A_609, %broadcast_in_dim3A_728], %gather3A_729 : memref<128x128xf32, #tpu.memory_space<vmem>>[vector<16xi32>, vector<16xi32>], vector<16xf32>,
          %broadcast_in_dim3A_730 = arith.constant 38 : i32
          %broadcast_in_dim3A_731 = vector.broadcast %broadcast_in_dim3A_730 : i32 to vector<16xi32>
          %gather3A_732 = tpu.vector_load_idx %arg9[%broadcast_in_dim3A_731, %clamp3A_616] : memref<64x1152xf32, #tpu.memory_space<vmem>>[vector<16xi32>, vector<16xi32>], vector<16xf32>,
          tpu.vector_store_idx %arg10[%add3A_609, %broadcast_in_dim3A_731], %gather3A_732 : memref<128x128xf32, #tpu.memory_space<vmem>>[vector<16xi32>, vector<16xi32>], vector<16xf32>,
          %broadcast_in_dim3A_733 = arith.constant 39 : i32
          %broadcast_in_dim3A_734 = vector.broadcast %broadcast_in_dim3A_733 : i32 to vector<16xi32>
          %gather3A_735 = tpu.vector_load_idx %arg9[%broadcast_in_dim3A_734, %clamp3A_616] : memref<64x1152xf32, #tpu.memory_space<vmem>>[vector<16xi32>, vector<16xi32>], vector<16xf32>,
          tpu.vector_store_idx %arg10[%add3A_609, %broadcast_in_dim3A_734], %gather3A_735 : memref<128x128xf32, #tpu.memory_space<vmem>>[vector<16xi32>, vector<16xi32>], vector<16xf32>,
          %broadcast_in_dim3A_736 = arith.constant 40 : i32
          %broadcast_in_dim3A_737 = vector.broadcast %broadcast_in_dim3A_736 : i32 to vector<16xi32>
          %gather3A_738 = tpu.vector_load_idx %arg9[%broadcast_in_dim3A_737, %clamp3A_616] : memref<64x1152xf32, #tpu.memory_space<vmem>>[vector<16xi32>, vector<16xi32>], vector<16xf32>,
          tpu.vector_store_idx %arg10[%add3A_609, %broadcast_in_dim3A_737], %gather3A_738 : memref<128x128xf32, #tpu.memory_space<vmem>>[vector<16xi32>, vector<16xi32>], vector<16xf32>,
          %broadcast_in_dim3A_739 = arith.constant 41 : i32
          %broadcast_in_dim3A_740 = vector.broadcast %broadcast_in_dim3A_739 : i32 to vector<16xi32>
          %gather3A_741 = tpu.vector_load_idx %arg9[%broadcast_in_dim3A_740, %clamp3A_616] : memref<64x1152xf32, #tpu.memory_space<vmem>>[vector<16xi32>, vector<16xi32>], vector<16xf32>,
          tpu.vector_store_idx %arg10[%add3A_609, %broadcast_in_dim3A_740], %gather3A_741 : memref<128x128xf32, #tpu.memory_space<vmem>>[vector<16xi32>, vector<16xi32>], vector<16xf32>,
          %broadcast_in_dim3A_742 = arith.constant 42 : i32
          %broadcast_in_dim3A_743 = vector.broadcast %broadcast_in_dim3A_742 : i32 to vector<16xi32>
          %gather3A_744 = tpu.vector_load_idx %arg9[%broadcast_in_dim3A_743, %clamp3A_616] : memref<64x1152xf32, #tpu.memory_space<vmem>>[vector<16xi32>, vector<16xi32>], vector<16xf32>,
          tpu.vector_store_idx %arg10[%add3A_609, %broadcast_in_dim3A_743], %gather3A_744 : memref<128x128xf32, #tpu.memory_space<vmem>>[vector<16xi32>, vector<16xi32>], vector<16xf32>,
          %broadcast_in_dim3A_745 = arith.constant 43 : i32
          %broadcast_in_dim3A_746 = vector.broadcast %broadcast_in_dim3A_745 : i32 to vector<16xi32>
          %gather3A_747 = tpu.vector_load_idx %arg9[%broadcast_in_dim3A_746, %clamp3A_616] : memref<64x1152xf32, #tpu.memory_space<vmem>>[vector<16xi32>, vector<16xi32>], vector<16xf32>,
          tpu.vector_store_idx %arg10[%add3A_609, %broadcast_in_dim3A_746], %gather3A_747 : memref<128x128xf32, #tpu.memory_space<vmem>>[vector<16xi32>, vector<16xi32>], vector<16xf32>,
          %broadcast_in_dim3A_748 = arith.constant 44 : i32
          %broadcast_in_dim3A_749 = vector.broadcast %broadcast_in_dim3A_748 : i32 to vector<16xi32>
          %gather3A_750 = tpu.vector_load_idx %arg9[%broadcast_in_dim3A_749, %clamp3A_616] : memref<64x1152xf32, #tpu.memory_space<vmem>>[vector<16xi32>, vector<16xi32>], vector<16xf32>,
          tpu.vector_store_idx %arg10[%add3A_609, %broadcast_in_dim3A_749], %gather3A_750 : memref<128x128xf32, #tpu.memory_space<vmem>>[vector<16xi32>, vector<16xi32>], vector<16xf32>,
          %broadcast_in_dim3A_751 = arith.constant 45 : i32
          %broadcast_in_dim3A_752 = vector.broadcast %broadcast_in_dim3A_751 : i32 to vector<16xi32>
          %gather3A_753 = tpu.vector_load_idx %arg9[%broadcast_in_dim3A_752, %clamp3A_616] : memref<64x1152xf32, #tpu.memory_space<vmem>>[vector<16xi32>, vector<16xi32>], vector<16xf32>,
          tpu.vector_store_idx %arg10[%add3A_609, %broadcast_in_dim3A_752], %gather3A_753 : memref<128x128xf32, #tpu.memory_space<vmem>>[vector<16xi32>, vector<16xi32>], vector<16xf32>,
          %broadcast_in_dim3A_754 = arith.constant 46 : i32
          %broadcast_in_dim3A_755 = vector.broadcast %broadcast_in_dim3A_754 : i32 to vector<16xi32>
          %gather3A_756 = tpu.vector_load_idx %arg9[%broadcast_in_dim3A_755, %clamp3A_616] : memref<64x1152xf32, #tpu.memory_space<vmem>>[vector<16xi32>, vector<16xi32>], vector<16xf32>,
          tpu.vector_store_idx %arg10[%add3A_609, %broadcast_in_dim3A_755], %gather3A_756 : memref<128x128xf32, #tpu.memory_space<vmem>>[vector<16xi32>, vector<16xi32>], vector<16xf32>,
          %broadcast_in_dim3A_757 = arith.constant 47 : i32
          %broadcast_in_dim3A_758 = vector.broadcast %broadcast_in_dim3A_757 : i32 to vector<16xi32>
          %gather3A_759 = tpu.vector_load_idx %arg9[%broadcast_in_dim3A_758, %clamp3A_616] : memref<64x1152xf32, #tpu.memory_space<vmem>>[vector<16xi32>, vector<16xi32>], vector<16xf32>,
          tpu.vector_store_idx %arg10[%add3A_609, %broadcast_in_dim3A_758], %gather3A_759 : memref<128x128xf32, #tpu.memory_space<vmem>>[vector<16xi32>, vector<16xi32>], vector<16xf32>,
          %broadcast_in_dim3A_760 = arith.constant 48 : i32
          %broadcast_in_dim3A_761 = vector.broadcast %broadcast_in_dim3A_760 : i32 to vector<16xi32>
          %gather3A_762 = tpu.vector_load_idx %arg9[%broadcast_in_dim3A_761, %clamp3A_616] : memref<64x1152xf32, #tpu.memory_space<vmem>>[vector<16xi32>, vector<16xi32>], vector<16xf32>,
          tpu.vector_store_idx %arg10[%add3A_609, %broadcast_in_dim3A_761], %gather3A_762 : memref<128x128xf32, #tpu.memory_space<vmem>>[vector<16xi32>, vector<16xi32>], vector<16xf32>,
          %broadcast_in_dim3A_763 = arith.constant 49 : i32
          %broadcast_in_dim3A_764 = vector.broadcast %broadcast_in_dim3A_763 : i32 to vector<16xi32>
          %gather3A_765 = tpu.vector_load_idx %arg9[%broadcast_in_dim3A_764, %clamp3A_616] : memref<64x1152xf32, #tpu.memory_space<vmem>>[vector<16xi32>, vector<16xi32>], vector<16xf32>,
          tpu.vector_store_idx %arg10[%add3A_609, %broadcast_in_dim3A_764], %gather3A_765 : memref<128x128xf32, #tpu.memory_space<vmem>>[vector<16xi32>, vector<16xi32>], vector<16xf32>,
          %broadcast_in_dim3A_766 = arith.constant 50 : i32
          %broadcast_in_dim3A_767 = vector.broadcast %broadcast_in_dim3A_766 : i32 to vector<16xi32>
          %gather3A_768 = tpu.vector_load_idx %arg9[%broadcast_in_dim3A_767, %clamp3A_616] : memref<64x1152xf32, #tpu.memory_space<vmem>>[vector<16xi32>, vector<16xi32>], vector<16xf32>,
          tpu.vector_store_idx %arg10[%add3A_609, %broadcast_in_dim3A_767], %gather3A_768 : memref<128x128xf32, #tpu.memory_space<vmem>>[vector<16xi32>, vector<16xi32>], vector<16xf32>,
          %broadcast_in_dim3A_769 = arith.constant 51 : i32
          %broadcast_in_dim3A_770 = vector.broadcast %broadcast_in_dim3A_769 : i32 to vector<16xi32>
          %gather3A_771 = tpu.vector_load_idx %arg9[%broadcast_in_dim3A_770, %clamp3A_616] : memref<64x1152xf32, #tpu.memory_space<vmem>>[vector<16xi32>, vector<16xi32>], vector<16xf32>,
          tpu.vector_store_idx %arg10[%add3A_609, %broadcast_in_dim3A_770], %gather3A_771 : memref<128x128xf32, #tpu.memory_space<vmem>>[vector<16xi32>, vector<16xi32>], vector<16xf32>,
          %broadcast_in_dim3A_772 = arith.constant 52 : i32
          %broadcast_in_dim3A_773 = vector.broadcast %broadcast_in_dim3A_772 : i32 to vector<16xi32>
          %gather3A_774 = tpu.vector_load_idx %arg9[%broadcast_in_dim3A_773, %clamp3A_616] : memref<64x1152xf32, #tpu.memory_space<vmem>>[vector<16xi32>, vector<16xi32>], vector<16xf32>,
          tpu.vector_store_idx %arg10[%add3A_609, %broadcast_in_dim3A_773], %gather3A_774 : memref<128x128xf32, #tpu.memory_space<vmem>>[vector<16xi32>, vector<16xi32>], vector<16xf32>,
          %broadcast_in_dim3A_775 = arith.constant 53 : i32
          %broadcast_in_dim3A_776 = vector.broadcast %broadcast_in_dim3A_775 : i32 to vector<16xi32>
          %gather3A_777 = tpu.vector_load_idx %arg9[%broadcast_in_dim3A_776, %clamp3A_616] : memref<64x1152xf32, #tpu.memory_space<vmem>>[vector<16xi32>, vector<16xi32>], vector<16xf32>,
          tpu.vector_store_idx %arg10[%add3A_609, %broadcast_in_dim3A_776], %gather3A_777 : memref<128x128xf32, #tpu.memory_space<vmem>>[vector<16xi32>, vector<16xi32>], vector<16xf32>,
          %broadcast_in_dim3A_778 = arith.constant 54 : i32
          %broadcast_in_dim3A_779 = vector.broadcast %broadcast_in_dim3A_778 : i32 to vector<16xi32>
          %gather3A_780 = tpu.vector_load_idx %arg9[%broadcast_in_dim3A_779, %clamp3A_616] : memref<64x1152xf32, #tpu.memory_space<vmem>>[vector<16xi32>, vector<16xi32>], vector<16xf32>,
          tpu.vector_store_idx %arg10[%add3A_609, %broadcast_in_dim3A_779], %gather3A_780 : memref<128x128xf32, #tpu.memory_space<vmem>>[vector<16xi32>, vector<16xi32>], vector<16xf32>,
          %broadcast_in_dim3A_781 = arith.constant 55 : i32
          %broadcast_in_dim3A_782 = vector.broadcast %broadcast_in_dim3A_781 : i32 to vector<16xi32>
          %gather3A_783 = tpu.vector_load_idx %arg9[%broadcast_in_dim3A_782, %clamp3A_616] : memref<64x1152xf32, #tpu.memory_space<vmem>>[vector<16xi32>, vector<16xi32>], vector<16xf32>,
          tpu.vector_store_idx %arg10[%add3A_609, %broadcast_in_dim3A_782], %gather3A_783 : memref<128x128xf32, #tpu.memory_space<vmem>>[vector<16xi32>, vector<16xi32>], vector<16xf32>,
          %broadcast_in_dim3A_784 = arith.constant 56 : i32
          %broadcast_in_dim3A_785 = vector.broadcast %broadcast_in_dim3A_784 : i32 to vector<16xi32>
          %gather3A_786 = tpu.vector_load_idx %arg9[%broadcast_in_dim3A_785, %clamp3A_616] : memref<64x1152xf32, #tpu.memory_space<vmem>>[vector<16xi32>, vector<16xi32>], vector<16xf32>,
          tpu.vector_store_idx %arg10[%add3A_609, %broadcast_in_dim3A_785], %gather3A_786 : memref<128x128xf32, #tpu.memory_space<vmem>>[vector<16xi32>, vector<16xi32>], vector<16xf32>,
          %broadcast_in_dim3A_787 = arith.constant 57 : i32
          %broadcast_in_dim3A_788 = vector.broadcast %broadcast_in_dim3A_787 : i32 to vector<16xi32>
          %gather3A_789 = tpu.vector_load_idx %arg9[%broadcast_in_dim3A_788, %clamp3A_616] : memref<64x1152xf32, #tpu.memory_space<vmem>>[vector<16xi32>, vector<16xi32>], vector<16xf32>,
          tpu.vector_store_idx %arg10[%add3A_609, %broadcast_in_dim3A_788], %gather3A_789 : memref<128x128xf32, #tpu.memory_space<vmem>>[vector<16xi32>, vector<16xi32>], vector<16xf32>,
          %broadcast_in_dim3A_790 = arith.constant 58 : i32
          %broadcast_in_dim3A_791 = vector.broadcast %broadcast_in_dim3A_790 : i32 to vector<16xi32>
          %gather3A_792 = tpu.vector_load_idx %arg9[%broadcast_in_dim3A_791, %clamp3A_616] : memref<64x1152xf32, #tpu.memory_space<vmem>>[vector<16xi32>, vector<16xi32>], vector<16xf32>,
          tpu.vector_store_idx %arg10[%add3A_609, %broadcast_in_dim3A_791], %gather3A_792 : memref<128x128xf32, #tpu.memory_space<vmem>>[vector<16xi32>, vector<16xi32>], vector<16xf32>,
          %broadcast_in_dim3A_793 = arith.constant 59 : i32
          %broadcast_in_dim3A_794 = vector.broadcast %broadcast_in_dim3A_793 : i32 to vector<16xi32>
          %gather3A_795 = tpu.vector_load_idx %arg9[%broadcast_in_dim3A_794, %clamp3A_616] : memref<64x1152xf32, #tpu.memory_space<vmem>>[vector<16xi32>, vector<16xi32>], vector<16xf32>,
          tpu.vector_store_idx %arg10[%add3A_609, %broadcast_in_dim3A_794], %gather3A_795 : memref<128x128xf32, #tpu.memory_space<vmem>>[vector<16xi32>, vector<16xi32>], vector<16xf32>,
          %broadcast_in_dim3A_796 = arith.constant 60 : i32
          %broadcast_in_dim3A_797 = vector.broadcast %broadcast_in_dim3A_796 : i32 to vector<16xi32>
          %gather3A_798 = tpu.vector_load_idx %arg9[%broadcast_in_dim3A_797, %clamp3A_616] : memref<64x1152xf32, #tpu.memory_space<vmem>>[vector<16xi32>, vector<16xi32>], vector<16xf32>,
          tpu.vector_store_idx %arg10[%add3A_609, %broadcast_in_dim3A_797], %gather3A_798 : memref<128x128xf32, #tpu.memory_space<vmem>>[vector<16xi32>, vector<16xi32>], vector<16xf32>,
          %broadcast_in_dim3A_799 = arith.constant 61 : i32
          %broadcast_in_dim3A_800 = vector.broadcast %broadcast_in_dim3A_799 : i32 to vector<16xi32>
          %gather3A_801 = tpu.vector_load_idx %arg9[%broadcast_in_dim3A_800, %clamp3A_616] : memref<64x1152xf32, #tpu.memory_space<vmem>>[vector<16xi32>, vector<16xi32>], vector<16xf32>,
          tpu.vector_store_idx %arg10[%add3A_609, %broadcast_in_dim3A_800], %gather3A_801 : memref<128x128xf32, #tpu.memory_space<vmem>>[vector<16xi32>, vector<16xi32>], vector<16xf32>,
          %broadcast_in_dim3A_802 = arith.constant 62 : i32
          %broadcast_in_dim3A_803 = vector.broadcast %broadcast_in_dim3A_802 : i32 to vector<16xi32>
          %gather3A_804 = tpu.vector_load_idx %arg9[%broadcast_in_dim3A_803, %clamp3A_616] : memref<64x1152xf32, #tpu.memory_space<vmem>>[vector<16xi32>, vector<16xi32>], vector<16xf32>,
          tpu.vector_store_idx %arg10[%add3A_609, %broadcast_in_dim3A_803], %gather3A_804 : memref<128x128xf32, #tpu.memory_space<vmem>>[vector<16xi32>, vector<16xi32>], vector<16xf32>,
          %broadcast_in_dim3A_805 = arith.constant 63 : i32
          %broadcast_in_dim3A_806 = vector.broadcast %broadcast_in_dim3A_805 : i32 to vector<16xi32>
          %gather3A_807 = tpu.vector_load_idx %arg9[%broadcast_in_dim3A_806, %clamp3A_616] : memref<64x1152xf32, #tpu.memory_space<vmem>>[vector<16xi32>, vector<16xi32>], vector<16xf32>,
          tpu.vector_store_idx %arg10[%add3A_609, %broadcast_in_dim3A_806], %gather3A_807 : memref<128x128xf32, #tpu.memory_space<vmem>>[vector<16xi32>, vector<16xi32>], vector<16xf32>,
          %broadcast_in_dim3A_808 = vector.broadcast %add3A_55 : i32 to vector<16xi32>
          %select_n3A_809 = arith.select %lt3A_605, %and3A_602, %broadcast_in_dim3A_808 : vector<16xi1>, vector<16xi32>
          %mul3A_810 = arith.constant 16 : i32
          %mul3A_811 = arith.muli %while3A_590, %mul3A_810 : i32
          %swap3A_812 = arith.constant 0 : i32
          %swap3A_813 = arith.index_cast %swap3A_812 : i32 to index
          %swap3A_814 = arith.index_cast %mul3A_811 : i32 to index
          %swap3A_815 = tpu.vector_load %arg11[%swap3A_813, %swap3A_814] {strides = array<i32>} : memref<2x128xi32, #tpu.memory_space<vmem>>, vector<16xi32>,
          tpu.vector_store %arg11[%swap3A_813, %swap3A_814], %select_n3A_809 {strides = array<i32>} : memref<2x128xi32, #tpu.memory_space<vmem>>, vector<16xi32>,
          %while3A_816 = arith.constant 0 : i32
          scf.yield %while3A_816 : i32
        }
        %while3A_573 = arith.constant 1 : i32
        %while3A_574 = scf.for %while3A_590 = %while3A_570 to %while3A_566 step %while3A_573 iter_args(%while3A_591 = %while3A_572) -> (i32)  : i32 {
          %mul3A_592 = arith.constant 128 : i32
          %mul3A_593 = arith.muli %while3A_556, %mul3A_592 : i32
          %mul3A_594 = arith.constant 16 : i32
          %mul3A_595 = arith.muli %while3A_590, %mul3A_594 : i32
          %add3A_596 = arith.addi %mul3A_593, %mul3A_595 : i32
          %get3A = arith.index_cast %add3A_596 : i32 to index
          %get3A_597 = tpu.vector_load %arg8[%get3A] {strides = array<i32>} : memref<16400xi32, #tpu.memory_space<vmem>>, vector<16xi32>,
          %shift_right_logical3A = arith.constant 14 : i32
          %shift_right_logical3A_598 = vector.broadcast %shift_right_logical3A : i32 to vector<16xi32>
          %shift_right_logical3A_599 = arith.shrui %get3A_597, %shift_right_logical3A_598 : vector<16xi32>
          %and3A_600 = arith.constant 16383 : i32
          %and3A_601 = vector.broadcast %and3A_600 : i32 to vector<16xi32>
          %and3A_602 = arith.andi %get3A_597, %and3A_601 : vector<16xi32>
          %add3A_603 = vector.broadcast %add3A_596 : i32 to vector<16xi32>
          %add3A_604 = arith.addi %iota3A, %add3A_603 : vector<16xi32>
          %lt3A = vector.broadcast %reduce_max3A_399 : i32 to vector<16xi32>
          %lt3A_605 = arith.cmpi slt, %add3A_604, %lt3A : vector<16xi32>
          %mul3A_606 = arith.constant 16 : i32
          %mul3A_607 = arith.muli %while3A_590, %mul3A_606 : i32
          %add3A_608 = vector.broadcast %mul3A_607 : i32 to vector<16xi32>
          %add3A_609 = arith.addi %iota3A, %add3A_608 : vector<16xi32>
          %sub3A_610 = vector.broadcast %mul3A_490 : i32 to vector<16xi32>
          %sub3A_611 = arith.subi %shift_right_logical3A_599, %sub3A_610 : vector<16xi32>
          %clamp3A = arith.constant 0 : i32
          %clamp3A_612 = arith.constant 1151 : i32
          %clamp3A_613 = vector.broadcast %clamp3A : i32 to vector<16xi32>
          %clamp3A_614 = arith.maxsi %sub3A_611, %clamp3A_613 : vector<16xi32>
          %clamp3A_615 = vector.broadcast %clamp3A_612 : i32 to vector<16xi32>
          %clamp3A_616 = arith.minsi %clamp3A_614, %clamp3A_615 : vector<16xi32>
          %broadcast_in_dim3A_617 = arith.constant 0 : i32
          %broadcast_in_dim3A_618 = vector.broadcast %broadcast_in_dim3A_617 : i32 to vector<16xi32>
          %gather3A = tpu.vector_load_idx %arg9[%broadcast_in_dim3A_618, %clamp3A_616] : memref<64x1152xf32, #tpu.memory_space<vmem>>[vector<16xi32>, vector<16xi32>], vector<16xf32>,
          tpu.vector_store_idx %arg10[%add3A_609, %broadcast_in_dim3A_618], %gather3A : memref<128x128xf32, #tpu.memory_space<vmem>>[vector<16xi32>, vector<16xi32>], vector<16xf32>,
          %broadcast_in_dim3A_619 = arith.constant 1 : i32
          %broadcast_in_dim3A_620 = vector.broadcast %broadcast_in_dim3A_619 : i32 to vector<16xi32>
          %gather3A_621 = tpu.vector_load_idx %arg9[%broadcast_in_dim3A_620, %clamp3A_616] : memref<64x1152xf32, #tpu.memory_space<vmem>>[vector<16xi32>, vector<16xi32>], vector<16xf32>,
          tpu.vector_store_idx %arg10[%add3A_609, %broadcast_in_dim3A_620], %gather3A_621 : memref<128x128xf32, #tpu.memory_space<vmem>>[vector<16xi32>, vector<16xi32>], vector<16xf32>,
          %broadcast_in_dim3A_622 = arith.constant 2 : i32
          %broadcast_in_dim3A_623 = vector.broadcast %broadcast_in_dim3A_622 : i32 to vector<16xi32>
          %gather3A_624 = tpu.vector_load_idx %arg9[%broadcast_in_dim3A_623, %clamp3A_616] : memref<64x1152xf32, #tpu.memory_space<vmem>>[vector<16xi32>, vector<16xi32>], vector<16xf32>,
          tpu.vector_store_idx %arg10[%add3A_609, %broadcast_in_dim3A_623], %gather3A_624 : memref<128x128xf32, #tpu.memory_space<vmem>>[vector<16xi32>, vector<16xi32>], vector<16xf32>,
          %broadcast_in_dim3A_625 = arith.constant 3 : i32
          %broadcast_in_dim3A_626 = vector.broadcast %broadcast_in_dim3A_625 : i32 to vector<16xi32>
          %gather3A_627 = tpu.vector_load_idx %arg9[%broadcast_in_dim3A_626, %clamp3A_616] : memref<64x1152xf32, #tpu.memory_space<vmem>>[vector<16xi32>, vector<16xi32>], vector<16xf32>,
          tpu.vector_store_idx %arg10[%add3A_609, %broadcast_in_dim3A_626], %gather3A_627 : memref<128x128xf32, #tpu.memory_space<vmem>>[vector<16xi32>, vector<16xi32>], vector<16xf32>,
          %broadcast_in_dim3A_628 = arith.constant 4 : i32
          %broadcast_in_dim3A_629 = vector.broadcast %broadcast_in_dim3A_628 : i32 to vector<16xi32>
          %gather3A_630 = tpu.vector_load_idx %arg9[%broadcast_in_dim3A_629, %clamp3A_616] : memref<64x1152xf32, #tpu.memory_space<vmem>>[vector<16xi32>, vector<16xi32>], vector<16xf32>,
          tpu.vector_store_idx %arg10[%add3A_609, %broadcast_in_dim3A_629], %gather3A_630 : memref<128x128xf32, #tpu.memory_space<vmem>>[vector<16xi32>, vector<16xi32>], vector<16xf32>,
          %broadcast_in_dim3A_631 = arith.constant 5 : i32
          %broadcast_in_dim3A_632 = vector.broadcast %broadcast_in_dim3A_631 : i32 to vector<16xi32>
          %gather3A_633 = tpu.vector_load_idx %arg9[%broadcast_in_dim3A_632, %clamp3A_616] : memref<64x1152xf32, #tpu.memory_space<vmem>>[vector<16xi32>, vector<16xi32>], vector<16xf32>,
          tpu.vector_store_idx %arg10[%add3A_609, %broadcast_in_dim3A_632], %gather3A_633 : memref<128x128xf32, #tpu.memory_space<vmem>>[vector<16xi32>, vector<16xi32>], vector<16xf32>,
          %broadcast_in_dim3A_634 = arith.constant 6 : i32
          %broadcast_in_dim3A_635 = vector.broadcast %broadcast_in_dim3A_634 : i32 to vector<16xi32>
          %gather3A_636 = tpu.vector_load_idx %arg9[%broadcast_in_dim3A_635, %clamp3A_616] : memref<64x1152xf32, #tpu.memory_space<vmem>>[vector<16xi32>, vector<16xi32>], vector<16xf32>,
          tpu.vector_store_idx %arg10[%add3A_609, %broadcast_in_dim3A_635], %gather3A_636 : memref<128x128xf32, #tpu.memory_space<vmem>>[vector<16xi32>, vector<16xi32>], vector<16xf32>,
          %broadcast_in_dim3A_637 = arith.constant 7 : i32
          %broadcast_in_dim3A_638 = vector.broadcast %broadcast_in_dim3A_637 : i32 to vector<16xi32>
          %gather3A_639 = tpu.vector_load_idx %arg9[%broadcast_in_dim3A_638, %clamp3A_616] : memref<64x1152xf32, #tpu.memory_space<vmem>>[vector<16xi32>, vector<16xi32>], vector<16xf32>,
          tpu.vector_store_idx %arg10[%add3A_609, %broadcast_in_dim3A_638], %gather3A_639 : memref<128x128xf32, #tpu.memory_space<vmem>>[vector<16xi32>, vector<16xi32>], vector<16xf32>,
          %broadcast_in_dim3A_640 = arith.constant 8 : i32
          %broadcast_in_dim3A_641 = vector.broadcast %broadcast_in_dim3A_640 : i32 to vector<16xi32>
          %gather3A_642 = tpu.vector_load_idx %arg9[%broadcast_in_dim3A_641, %clamp3A_616] : memref<64x1152xf32, #tpu.memory_space<vmem>>[vector<16xi32>, vector<16xi32>], vector<16xf32>,
          tpu.vector_store_idx %arg10[%add3A_609, %broadcast_in_dim3A_641], %gather3A_642 : memref<128x128xf32, #tpu.memory_space<vmem>>[vector<16xi32>, vector<16xi32>], vector<16xf32>,
          %broadcast_in_dim3A_643 = arith.constant 9 : i32
          %broadcast_in_dim3A_644 = vector.broadcast %broadcast_in_dim3A_643 : i32 to vector<16xi32>
          %gather3A_645 = tpu.vector_load_idx %arg9[%broadcast_in_dim3A_644, %clamp3A_616] : memref<64x1152xf32, #tpu.memory_space<vmem>>[vector<16xi32>, vector<16xi32>], vector<16xf32>,
          tpu.vector_store_idx %arg10[%add3A_609, %broadcast_in_dim3A_644], %gather3A_645 : memref<128x128xf32, #tpu.memory_space<vmem>>[vector<16xi32>, vector<16xi32>], vector<16xf32>,
          %broadcast_in_dim3A_646 = arith.constant 10 : i32
          %broadcast_in_dim3A_647 = vector.broadcast %broadcast_in_dim3A_646 : i32 to vector<16xi32>
          %gather3A_648 = tpu.vector_load_idx %arg9[%broadcast_in_dim3A_647, %clamp3A_616] : memref<64x1152xf32, #tpu.memory_space<vmem>>[vector<16xi32>, vector<16xi32>], vector<16xf32>,
          tpu.vector_store_idx %arg10[%add3A_609, %broadcast_in_dim3A_647], %gather3A_648 : memref<128x128xf32, #tpu.memory_space<vmem>>[vector<16xi32>, vector<16xi32>], vector<16xf32>,
          %broadcast_in_dim3A_649 = arith.constant 11 : i32
          %broadcast_in_dim3A_650 = vector.broadcast %broadcast_in_dim3A_649 : i32 to vector<16xi32>
          %gather3A_651 = tpu.vector_load_idx %arg9[%broadcast_in_dim3A_650, %clamp3A_616] : memref<64x1152xf32, #tpu.memory_space<vmem>>[vector<16xi32>, vector<16xi32>], vector<16xf32>,
          tpu.vector_store_idx %arg10[%add3A_609, %broadcast_in_dim3A_650], %gather3A_651 : memref<128x128xf32, #tpu.memory_space<vmem>>[vector<16xi32>, vector<16xi32>], vector<16xf32>,
          %broadcast_in_dim3A_652 = arith.constant 12 : i32
          %broadcast_in_dim3A_653 = vector.broadcast %broadcast_in_dim3A_652 : i32 to vector<16xi32>
          %gather3A_654 = tpu.vector_load_idx %arg9[%broadcast_in_dim3A_653, %clamp3A_616] : memref<64x1152xf32, #tpu.memory_space<vmem>>[vector<16xi32>, vector<16xi32>], vector<16xf32>,
          tpu.vector_store_idx %arg10[%add3A_609, %broadcast_in_dim3A_653], %gather3A_654 : memref<128x128xf32, #tpu.memory_space<vmem>>[vector<16xi32>, vector<16xi32>], vector<16xf32>,
          %broadcast_in_dim3A_655 = arith.constant 13 : i32
          %broadcast_in_dim3A_656 = vector.broadcast %broadcast_in_dim3A_655 : i32 to vector<16xi32>
          %gather3A_657 = tpu.vector_load_idx %arg9[%broadcast_in_dim3A_656, %clamp3A_616] : memref<64x1152xf32, #tpu.memory_space<vmem>>[vector<16xi32>, vector<16xi32>], vector<16xf32>,
          tpu.vector_store_idx %arg10[%add3A_609, %broadcast_in_dim3A_656], %gather3A_657 : memref<128x128xf32, #tpu.memory_space<vmem>>[vector<16xi32>, vector<16xi32>], vector<16xf32>,
          %broadcast_in_dim3A_658 = arith.constant 14 : i32
          %broadcast_in_dim3A_659 = vector.broadcast %broadcast_in_dim3A_658 : i32 to vector<16xi32>
          %gather3A_660 = tpu.vector_load_idx %arg9[%broadcast_in_dim3A_659, %clamp3A_616] : memref<64x1152xf32, #tpu.memory_space<vmem>>[vector<16xi32>, vector<16xi32>], vector<16xf32>,
          tpu.vector_store_idx %arg10[%add3A_609, %broadcast_in_dim3A_659], %gather3A_660 : memref<128x128xf32, #tpu.memory_space<vmem>>[vector<16xi32>, vector<16xi32>], vector<16xf32>,
          %broadcast_in_dim3A_661 = arith.constant 15 : i32
          %broadcast_in_dim3A_662 = vector.broadcast %broadcast_in_dim3A_661 : i32 to vector<16xi32>
          %gather3A_663 = tpu.vector_load_idx %arg9[%broadcast_in_dim3A_662, %clamp3A_616] : memref<64x1152xf32, #tpu.memory_space<vmem>>[vector<16xi32>, vector<16xi32>], vector<16xf32>,
          tpu.vector_store_idx %arg10[%add3A_609, %broadcast_in_dim3A_662], %gather3A_663 : memref<128x128xf32, #tpu.memory_space<vmem>>[vector<16xi32>, vector<16xi32>], vector<16xf32>,
          %broadcast_in_dim3A_664 = arith.constant 16 : i32
          %broadcast_in_dim3A_665 = vector.broadcast %broadcast_in_dim3A_664 : i32 to vector<16xi32>
          %gather3A_666 = tpu.vector_load_idx %arg9[%broadcast_in_dim3A_665, %clamp3A_616] : memref<64x1152xf32, #tpu.memory_space<vmem>>[vector<16xi32>, vector<16xi32>], vector<16xf32>,
          tpu.vector_store_idx %arg10[%add3A_609, %broadcast_in_dim3A_665], %gather3A_666 : memref<128x128xf32, #tpu.memory_space<vmem>>[vector<16xi32>, vector<16xi32>], vector<16xf32>,
          %broadcast_in_dim3A_667 = arith.constant 17 : i32
          %broadcast_in_dim3A_668 = vector.broadcast %broadcast_in_dim3A_667 : i32 to vector<16xi32>
          %gather3A_669 = tpu.vector_load_idx %arg9[%broadcast_in_dim3A_668, %clamp3A_616] : memref<64x1152xf32, #tpu.memory_space<vmem>>[vector<16xi32>, vector<16xi32>], vector<16xf32>,
          tpu.vector_store_idx %arg10[%add3A_609, %broadcast_in_dim3A_668], %gather3A_669 : memref<128x128xf32, #tpu.memory_space<vmem>>[vector<16xi32>, vector<16xi32>], vector<16xf32>,
          %broadcast_in_dim3A_670 = arith.constant 18 : i32
          %broadcast_in_dim3A_671 = vector.broadcast %broadcast_in_dim3A_670 : i32 to vector<16xi32>
          %gather3A_672 = tpu.vector_load_idx %arg9[%broadcast_in_dim3A_671, %clamp3A_616] : memref<64x1152xf32, #tpu.memory_space<vmem>>[vector<16xi32>, vector<16xi32>], vector<16xf32>,
          tpu.vector_store_idx %arg10[%add3A_609, %broadcast_in_dim3A_671], %gather3A_672 : memref<128x128xf32, #tpu.memory_space<vmem>>[vector<16xi32>, vector<16xi32>], vector<16xf32>,
          %broadcast_in_dim3A_673 = arith.constant 19 : i32
          %broadcast_in_dim3A_674 = vector.broadcast %broadcast_in_dim3A_673 : i32 to vector<16xi32>
          %gather3A_675 = tpu.vector_load_idx %arg9[%broadcast_in_dim3A_674, %clamp3A_616] : memref<64x1152xf32, #tpu.memory_space<vmem>>[vector<16xi32>, vector<16xi32>], vector<16xf32>,
          tpu.vector_store_idx %arg10[%add3A_609, %broadcast_in_dim3A_674], %gather3A_675 : memref<128x128xf32, #tpu.memory_space<vmem>>[vector<16xi32>, vector<16xi32>], vector<16xf32>,
          %broadcast_in_dim3A_676 = arith.constant 20 : i32
          %broadcast_in_dim3A_677 = vector.broadcast %broadcast_in_dim3A_676 : i32 to vector<16xi32>
          %gather3A_678 = tpu.vector_load_idx %arg9[%broadcast_in_dim3A_677, %clamp3A_616] : memref<64x1152xf32, #tpu.memory_space<vmem>>[vector<16xi32>, vector<16xi32>], vector<16xf32>,
          tpu.vector_store_idx %arg10[%add3A_609, %broadcast_in_dim3A_677], %gather3A_678 : memref<128x128xf32, #tpu.memory_space<vmem>>[vector<16xi32>, vector<16xi32>], vector<16xf32>,
          %broadcast_in_dim3A_679 = arith.constant 21 : i32
          %broadcast_in_dim3A_680 = vector.broadcast %broadcast_in_dim3A_679 : i32 to vector<16xi32>
          %gather3A_681 = tpu.vector_load_idx %arg9[%broadcast_in_dim3A_680, %clamp3A_616] : memref<64x1152xf32, #tpu.memory_space<vmem>>[vector<16xi32>, vector<16xi32>], vector<16xf32>,
          tpu.vector_store_idx %arg10[%add3A_609, %broadcast_in_dim3A_680], %gather3A_681 : memref<128x128xf32, #tpu.memory_space<vmem>>[vector<16xi32>, vector<16xi32>], vector<16xf32>,
          %broadcast_in_dim3A_682 = arith.constant 22 : i32
          %broadcast_in_dim3A_683 = vector.broadcast %broadcast_in_dim3A_682 : i32 to vector<16xi32>
          %gather3A_684 = tpu.vector_load_idx %arg9[%broadcast_in_dim3A_683, %clamp3A_616] : memref<64x1152xf32, #tpu.memory_space<vmem>>[vector<16xi32>, vector<16xi32>], vector<16xf32>,
          tpu.vector_store_idx %arg10[%add3A_609, %broadcast_in_dim3A_683], %gather3A_684 : memref<128x128xf32, #tpu.memory_space<vmem>>[vector<16xi32>, vector<16xi32>], vector<16xf32>,
          %broadcast_in_dim3A_685 = arith.constant 23 : i32
          %broadcast_in_dim3A_686 = vector.broadcast %broadcast_in_dim3A_685 : i32 to vector<16xi32>
          %gather3A_687 = tpu.vector_load_idx %arg9[%broadcast_in_dim3A_686, %clamp3A_616] : memref<64x1152xf32, #tpu.memory_space<vmem>>[vector<16xi32>, vector<16xi32>], vector<16xf32>,
          tpu.vector_store_idx %arg10[%add3A_609, %broadcast_in_dim3A_686], %gather3A_687 : memref<128x128xf32, #tpu.memory_space<vmem>>[vector<16xi32>, vector<16xi32>], vector<16xf32>,
          %broadcast_in_dim3A_688 = arith.constant 24 : i32
          %broadcast_in_dim3A_689 = vector.broadcast %broadcast_in_dim3A_688 : i32 to vector<16xi32>
          %gather3A_690 = tpu.vector_load_idx %arg9[%broadcast_in_dim3A_689, %clamp3A_616] : memref<64x1152xf32, #tpu.memory_space<vmem>>[vector<16xi32>, vector<16xi32>], vector<16xf32>,
          tpu.vector_store_idx %arg10[%add3A_609, %broadcast_in_dim3A_689], %gather3A_690 : memref<128x128xf32, #tpu.memory_space<vmem>>[vector<16xi32>, vector<16xi32>], vector<16xf32>,
          %broadcast_in_dim3A_691 = arith.constant 25 : i32
          %broadcast_in_dim3A_692 = vector.broadcast %broadcast_in_dim3A_691 : i32 to vector<16xi32>
          %gather3A_693 = tpu.vector_load_idx %arg9[%broadcast_in_dim3A_692, %clamp3A_616] : memref<64x1152xf32, #tpu.memory_space<vmem>>[vector<16xi32>, vector<16xi32>], vector<16xf32>,
          tpu.vector_store_idx %arg10[%add3A_609, %broadcast_in_dim3A_692], %gather3A_693 : memref<128x128xf32, #tpu.memory_space<vmem>>[vector<16xi32>, vector<16xi32>], vector<16xf32>,
          %broadcast_in_dim3A_694 = arith.constant 26 : i32
          %broadcast_in_dim3A_695 = vector.broadcast %broadcast_in_dim3A_694 : i32 to vector<16xi32>
          %gather3A_696 = tpu.vector_load_idx %arg9[%broadcast_in_dim3A_695, %clamp3A_616] : memref<64x1152xf32, #tpu.memory_space<vmem>>[vector<16xi32>, vector<16xi32>], vector<16xf32>,
          tpu.vector_store_idx %arg10[%add3A_609, %broadcast_in_dim3A_695], %gather3A_696 : memref<128x128xf32, #tpu.memory_space<vmem>>[vector<16xi32>, vector<16xi32>], vector<16xf32>,
          %broadcast_in_dim3A_697 = arith.constant 27 : i32
          %broadcast_in_dim3A_698 = vector.broadcast %broadcast_in_dim3A_697 : i32 to vector<16xi32>
          %gather3A_699 = tpu.vector_load_idx %arg9[%broadcast_in_dim3A_698, %clamp3A_616] : memref<64x1152xf32, #tpu.memory_space<vmem>>[vector<16xi32>, vector<16xi32>], vector<16xf32>,
          tpu.vector_store_idx %arg10[%add3A_609, %broadcast_in_dim3A_698], %gather3A_699 : memref<128x128xf32, #tpu.memory_space<vmem>>[vector<16xi32>, vector<16xi32>], vector<16xf32>,
          %broadcast_in_dim3A_700 = arith.constant 28 : i32
          %broadcast_in_dim3A_701 = vector.broadcast %broadcast_in_dim3A_700 : i32 to vector<16xi32>
          %gather3A_702 = tpu.vector_load_idx %arg9[%broadcast_in_dim3A_701, %clamp3A_616] : memref<64x1152xf32, #tpu.memory_space<vmem>>[vector<16xi32>, vector<16xi32>], vector<16xf32>,
          tpu.vector_store_idx %arg10[%add3A_609, %broadcast_in_dim3A_701], %gather3A_702 : memref<128x128xf32, #tpu.memory_space<vmem>>[vector<16xi32>, vector<16xi32>], vector<16xf32>,
          %broadcast_in_dim3A_703 = arith.constant 29 : i32
          %broadcast_in_dim3A_704 = vector.broadcast %broadcast_in_dim3A_703 : i32 to vector<16xi32>
          %gather3A_705 = tpu.vector_load_idx %arg9[%broadcast_in_dim3A_704, %clamp3A_616] : memref<64x1152xf32, #tpu.memory_space<vmem>>[vector<16xi32>, vector<16xi32>], vector<16xf32>,
          tpu.vector_store_idx %arg10[%add3A_609, %broadcast_in_dim3A_704], %gather3A_705 : memref<128x128xf32, #tpu.memory_space<vmem>>[vector<16xi32>, vector<16xi32>], vector<16xf32>,
          %broadcast_in_dim3A_706 = arith.constant 30 : i32
          %broadcast_in_dim3A_707 = vector.broadcast %broadcast_in_dim3A_706 : i32 to vector<16xi32>
          %gather3A_708 = tpu.vector_load_idx %arg9[%broadcast_in_dim3A_707, %clamp3A_616] : memref<64x1152xf32, #tpu.memory_space<vmem>>[vector<16xi32>, vector<16xi32>], vector<16xf32>,
          tpu.vector_store_idx %arg10[%add3A_609, %broadcast_in_dim3A_707], %gather3A_708 : memref<128x128xf32, #tpu.memory_space<vmem>>[vector<16xi32>, vector<16xi32>], vector<16xf32>,
          %broadcast_in_dim3A_709 = arith.constant 31 : i32
          %broadcast_in_dim3A_710 = vector.broadcast %broadcast_in_dim3A_709 : i32 to vector<16xi32>
          %gather3A_711 = tpu.vector_load_idx %arg9[%broadcast_in_dim3A_710, %clamp3A_616] : memref<64x1152xf32, #tpu.memory_space<vmem>>[vector<16xi32>, vector<16xi32>], vector<16xf32>,
          tpu.vector_store_idx %arg10[%add3A_609, %broadcast_in_dim3A_710], %gather3A_711 : memref<128x128xf32, #tpu.memory_space<vmem>>[vector<16xi32>, vector<16xi32>], vector<16xf32>,
          %broadcast_in_dim3A_712 = arith.constant 32 : i32
          %broadcast_in_dim3A_713 = vector.broadcast %broadcast_in_dim3A_712 : i32 to vector<16xi32>
          %gather3A_714 = tpu.vector_load_idx %arg9[%broadcast_in_dim3A_713, %clamp3A_616] : memref<64x1152xf32, #tpu.memory_space<vmem>>[vector<16xi32>, vector<16xi32>], vector<16xf32>,
          tpu.vector_store_idx %arg10[%add3A_609, %broadcast_in_dim3A_713], %gather3A_714 : memref<128x128xf32, #tpu.memory_space<vmem>>[vector<16xi32>, vector<16xi32>], vector<16xf32>,
          %broadcast_in_dim3A_715 = arith.constant 33 : i32
          %broadcast_in_dim3A_716 = vector.broadcast %broadcast_in_dim3A_715 : i32 to vector<16xi32>
          %gather3A_717 = tpu.vector_load_idx %arg9[%broadcast_in_dim3A_716, %clamp3A_616] : memref<64x1152xf32, #tpu.memory_space<vmem>>[vector<16xi32>, vector<16xi32>], vector<16xf32>,
          tpu.vector_store_idx %arg10[%add3A_609, %broadcast_in_dim3A_716], %gather3A_717 : memref<128x128xf32, #tpu.memory_space<vmem>>[vector<16xi32>, vector<16xi32>], vector<16xf32>,
          %broadcast_in_dim3A_718 = arith.constant 34 : i32
          %broadcast_in_dim3A_719 = vector.broadcast %broadcast_in_dim3A_718 : i32 to vector<16xi32>
          %gather3A_720 = tpu.vector_load_idx %arg9[%broadcast_in_dim3A_719, %clamp3A_616] : memref<64x1152xf32, #tpu.memory_space<vmem>>[vector<16xi32>, vector<16xi32>], vector<16xf32>,
          tpu.vector_store_idx %arg10[%add3A_609, %broadcast_in_dim3A_719], %gather3A_720 : memref<128x128xf32, #tpu.memory_space<vmem>>[vector<16xi32>, vector<16xi32>], vector<16xf32>,
          %broadcast_in_dim3A_721 = arith.constant 35 : i32
          %broadcast_in_dim3A_722 = vector.broadcast %broadcast_in_dim3A_721 : i32 to vector<16xi32>
          %gather3A_723 = tpu.vector_load_idx %arg9[%broadcast_in_dim3A_722, %clamp3A_616] : memref<64x1152xf32, #tpu.memory_space<vmem>>[vector<16xi32>, vector<16xi32>], vector<16xf32>,
          tpu.vector_store_idx %arg10[%add3A_609, %broadcast_in_dim3A_722], %gather3A_723 : memref<128x128xf32, #tpu.memory_space<vmem>>[vector<16xi32>, vector<16xi32>], vector<16xf32>,
          %broadcast_in_dim3A_724 = arith.constant 36 : i32
          %broadcast_in_dim3A_725 = vector.broadcast %broadcast_in_dim3A_724 : i32 to vector<16xi32>
          %gather3A_726 = tpu.vector_load_idx %arg9[%broadcast_in_dim3A_725, %clamp3A_616] : memref<64x1152xf32, #tpu.memory_space<vmem>>[vector<16xi32>, vector<16xi32>], vector<16xf32>,
          tpu.vector_store_idx %arg10[%add3A_609, %broadcast_in_dim3A_725], %gather3A_726 : memref<128x128xf32, #tpu.memory_space<vmem>>[vector<16xi32>, vector<16xi32>], vector<16xf32>,
          %broadcast_in_dim3A_727 = arith.constant 37 : i32
          %broadcast_in_dim3A_728 = vector.broadcast %broadcast_in_dim3A_727 : i32 to vector<16xi32>
          %gather3A_729 = tpu.vector_load_idx %arg9[%broadcast_in_dim3A_728, %clamp3A_616] : memref<64x1152xf32, #tpu.memory_space<vmem>>[vector<16xi32>, vector<16xi32>], vector<16xf32>,
          tpu.vector_store_idx %arg10[%add3A_609, %broadcast_in_dim3A_728], %gather3A_729 : memref<128x128xf32, #tpu.memory_space<vmem>>[vector<16xi32>, vector<16xi32>], vector<16xf32>,
          %broadcast_in_dim3A_730 = arith.constant 38 : i32
          %broadcast_in_dim3A_731 = vector.broadcast %broadcast_in_dim3A_730 : i32 to vector<16xi32>
          %gather3A_732 = tpu.vector_load_idx %arg9[%broadcast_in_dim3A_731, %clamp3A_616] : memref<64x1152xf32, #tpu.memory_space<vmem>>[vector<16xi32>, vector<16xi32>], vector<16xf32>,
          tpu.vector_store_idx %arg10[%add3A_609, %broadcast_in_dim3A_731], %gather3A_732 : memref<128x128xf32, #tpu.memory_space<vmem>>[vector<16xi32>, vector<16xi32>], vector<16xf32>,
          %broadcast_in_dim3A_733 = arith.constant 39 : i32
          %broadcast_in_dim3A_734 = vector.broadcast %broadcast_in_dim3A_733 : i32 to vector<16xi32>
          %gather3A_735 = tpu.vector_load_idx %arg9[%broadcast_in_dim3A_734, %clamp3A_616] : memref<64x1152xf32, #tpu.memory_space<vmem>>[vector<16xi32>, vector<16xi32>], vector<16xf32>,
          tpu.vector_store_idx %arg10[%add3A_609, %broadcast_in_dim3A_734], %gather3A_735 : memref<128x128xf32, #tpu.memory_space<vmem>>[vector<16xi32>, vector<16xi32>], vector<16xf32>,
          %broadcast_in_dim3A_736 = arith.constant 40 : i32
          %broadcast_in_dim3A_737 = vector.broadcast %broadcast_in_dim3A_736 : i32 to vector<16xi32>
          %gather3A_738 = tpu.vector_load_idx %arg9[%broadcast_in_dim3A_737, %clamp3A_616] : memref<64x1152xf32, #tpu.memory_space<vmem>>[vector<16xi32>, vector<16xi32>], vector<16xf32>,
          tpu.vector_store_idx %arg10[%add3A_609, %broadcast_in_dim3A_737], %gather3A_738 : memref<128x128xf32, #tpu.memory_space<vmem>>[vector<16xi32>, vector<16xi32>], vector<16xf32>,
          %broadcast_in_dim3A_739 = arith.constant 41 : i32
          %broadcast_in_dim3A_740 = vector.broadcast %broadcast_in_dim3A_739 : i32 to vector<16xi32>
          %gather3A_741 = tpu.vector_load_idx %arg9[%broadcast_in_dim3A_740, %clamp3A_616] : memref<64x1152xf32, #tpu.memory_space<vmem>>[vector<16xi32>, vector<16xi32>], vector<16xf32>,
          tpu.vector_store_idx %arg10[%add3A_609, %broadcast_in_dim3A_740], %gather3A_741 : memref<128x128xf32, #tpu.memory_space<vmem>>[vector<16xi32>, vector<16xi32>], vector<16xf32>,
          %broadcast_in_dim3A_742 = arith.constant 42 : i32
          %broadcast_in_dim3A_743 = vector.broadcast %broadcast_in_dim3A_742 : i32 to vector<16xi32>
          %gather3A_744 = tpu.vector_load_idx %arg9[%broadcast_in_dim3A_743, %clamp3A_616] : memref<64x1152xf32, #tpu.memory_space<vmem>>[vector<16xi32>, vector<16xi32>], vector<16xf32>,
          tpu.vector_store_idx %arg10[%add3A_609, %broadcast_in_dim3A_743], %gather3A_744 : memref<128x128xf32, #tpu.memory_space<vmem>>[vector<16xi32>, vector<16xi32>], vector<16xf32>,
          %broadcast_in_dim3A_745 = arith.constant 43 : i32
          %broadcast_in_dim3A_746 = vector.broadcast %broadcast_in_dim3A_745 : i32 to vector<16xi32>
          %gather3A_747 = tpu.vector_load_idx %arg9[%broadcast_in_dim3A_746, %clamp3A_616] : memref<64x1152xf32, #tpu.memory_space<vmem>>[vector<16xi32>, vector<16xi32>], vector<16xf32>,
          tpu.vector_store_idx %arg10[%add3A_609, %broadcast_in_dim3A_746], %gather3A_747 : memref<128x128xf32, #tpu.memory_space<vmem>>[vector<16xi32>, vector<16xi32>], vector<16xf32>,
          %broadcast_in_dim3A_748 = arith.constant 44 : i32
          %broadcast_in_dim3A_749 = vector.broadcast %broadcast_in_dim3A_748 : i32 to vector<16xi32>
          %gather3A_750 = tpu.vector_load_idx %arg9[%broadcast_in_dim3A_749, %clamp3A_616] : memref<64x1152xf32, #tpu.memory_space<vmem>>[vector<16xi32>, vector<16xi32>], vector<16xf32>,
          tpu.vector_store_idx %arg10[%add3A_609, %broadcast_in_dim3A_749], %gather3A_750 : memref<128x128xf32, #tpu.memory_space<vmem>>[vector<16xi32>, vector<16xi32>], vector<16xf32>,
          %broadcast_in_dim3A_751 = arith.constant 45 : i32
          %broadcast_in_dim3A_752 = vector.broadcast %broadcast_in_dim3A_751 : i32 to vector<16xi32>
          %gather3A_753 = tpu.vector_load_idx %arg9[%broadcast_in_dim3A_752, %clamp3A_616] : memref<64x1152xf32, #tpu.memory_space<vmem>>[vector<16xi32>, vector<16xi32>], vector<16xf32>,
          tpu.vector_store_idx %arg10[%add3A_609, %broadcast_in_dim3A_752], %gather3A_753 : memref<128x128xf32, #tpu.memory_space<vmem>>[vector<16xi32>, vector<16xi32>], vector<16xf32>,
          %broadcast_in_dim3A_754 = arith.constant 46 : i32
          %broadcast_in_dim3A_755 = vector.broadcast %broadcast_in_dim3A_754 : i32 to vector<16xi32>
          %gather3A_756 = tpu.vector_load_idx %arg9[%broadcast_in_dim3A_755, %clamp3A_616] : memref<64x1152xf32, #tpu.memory_space<vmem>>[vector<16xi32>, vector<16xi32>], vector<16xf32>,
          tpu.vector_store_idx %arg10[%add3A_609, %broadcast_in_dim3A_755], %gather3A_756 : memref<128x128xf32, #tpu.memory_space<vmem>>[vector<16xi32>, vector<16xi32>], vector<16xf32>,
          %broadcast_in_dim3A_757 = arith.constant 47 : i32
          %broadcast_in_dim3A_758 = vector.broadcast %broadcast_in_dim3A_757 : i32 to vector<16xi32>
          %gather3A_759 = tpu.vector_load_idx %arg9[%broadcast_in_dim3A_758, %clamp3A_616] : memref<64x1152xf32, #tpu.memory_space<vmem>>[vector<16xi32>, vector<16xi32>], vector<16xf32>,
          tpu.vector_store_idx %arg10[%add3A_609, %broadcast_in_dim3A_758], %gather3A_759 : memref<128x128xf32, #tpu.memory_space<vmem>>[vector<16xi32>, vector<16xi32>], vector<16xf32>,
          %broadcast_in_dim3A_760 = arith.constant 48 : i32
          %broadcast_in_dim3A_761 = vector.broadcast %broadcast_in_dim3A_760 : i32 to vector<16xi32>
          %gather3A_762 = tpu.vector_load_idx %arg9[%broadcast_in_dim3A_761, %clamp3A_616] : memref<64x1152xf32, #tpu.memory_space<vmem>>[vector<16xi32>, vector<16xi32>], vector<16xf32>,
          tpu.vector_store_idx %arg10[%add3A_609, %broadcast_in_dim3A_761], %gather3A_762 : memref<128x128xf32, #tpu.memory_space<vmem>>[vector<16xi32>, vector<16xi32>], vector<16xf32>,
          %broadcast_in_dim3A_763 = arith.constant 49 : i32
          %broadcast_in_dim3A_764 = vector.broadcast %broadcast_in_dim3A_763 : i32 to vector<16xi32>
          %gather3A_765 = tpu.vector_load_idx %arg9[%broadcast_in_dim3A_764, %clamp3A_616] : memref<64x1152xf32, #tpu.memory_space<vmem>>[vector<16xi32>, vector<16xi32>], vector<16xf32>,
          tpu.vector_store_idx %arg10[%add3A_609, %broadcast_in_dim3A_764], %gather3A_765 : memref<128x128xf32, #tpu.memory_space<vmem>>[vector<16xi32>, vector<16xi32>], vector<16xf32>,
          %broadcast_in_dim3A_766 = arith.constant 50 : i32
          %broadcast_in_dim3A_767 = vector.broadcast %broadcast_in_dim3A_766 : i32 to vector<16xi32>
          %gather3A_768 = tpu.vector_load_idx %arg9[%broadcast_in_dim3A_767, %clamp3A_616] : memref<64x1152xf32, #tpu.memory_space<vmem>>[vector<16xi32>, vector<16xi32>], vector<16xf32>,
          tpu.vector_store_idx %arg10[%add3A_609, %broadcast_in_dim3A_767], %gather3A_768 : memref<128x128xf32, #tpu.memory_space<vmem>>[vector<16xi32>, vector<16xi32>], vector<16xf32>,
          %broadcast_in_dim3A_769 = arith.constant 51 : i32
          %broadcast_in_dim3A_770 = vector.broadcast %broadcast_in_dim3A_769 : i32 to vector<16xi32>
          %gather3A_771 = tpu.vector_load_idx %arg9[%broadcast_in_dim3A_770, %clamp3A_616] : memref<64x1152xf32, #tpu.memory_space<vmem>>[vector<16xi32>, vector<16xi32>], vector<16xf32>,
          tpu.vector_store_idx %arg10[%add3A_609, %broadcast_in_dim3A_770], %gather3A_771 : memref<128x128xf32, #tpu.memory_space<vmem>>[vector<16xi32>, vector<16xi32>], vector<16xf32>,
          %broadcast_in_dim3A_772 = arith.constant 52 : i32
          %broadcast_in_dim3A_773 = vector.broadcast %broadcast_in_dim3A_772 : i32 to vector<16xi32>
          %gather3A_774 = tpu.vector_load_idx %arg9[%broadcast_in_dim3A_773, %clamp3A_616] : memref<64x1152xf32, #tpu.memory_space<vmem>>[vector<16xi32>, vector<16xi32>], vector<16xf32>,
          tpu.vector_store_idx %arg10[%add3A_609, %broadcast_in_dim3A_773], %gather3A_774 : memref<128x128xf32, #tpu.memory_space<vmem>>[vector<16xi32>, vector<16xi32>], vector<16xf32>,
          %broadcast_in_dim3A_775 = arith.constant 53 : i32
          %broadcast_in_dim3A_776 = vector.broadcast %broadcast_in_dim3A_775 : i32 to vector<16xi32>
          %gather3A_777 = tpu.vector_load_idx %arg9[%broadcast_in_dim3A_776, %clamp3A_616] : memref<64x1152xf32, #tpu.memory_space<vmem>>[vector<16xi32>, vector<16xi32>], vector<16xf32>,
          tpu.vector_store_idx %arg10[%add3A_609, %broadcast_in_dim3A_776], %gather3A_777 : memref<128x128xf32, #tpu.memory_space<vmem>>[vector<16xi32>, vector<16xi32>], vector<16xf32>,
          %broadcast_in_dim3A_778 = arith.constant 54 : i32
          %broadcast_in_dim3A_779 = vector.broadcast %broadcast_in_dim3A_778 : i32 to vector<16xi32>
          %gather3A_780 = tpu.vector_load_idx %arg9[%broadcast_in_dim3A_779, %clamp3A_616] : memref<64x1152xf32, #tpu.memory_space<vmem>>[vector<16xi32>, vector<16xi32>], vector<16xf32>,
          tpu.vector_store_idx %arg10[%add3A_609, %broadcast_in_dim3A_779], %gather3A_780 : memref<128x128xf32, #tpu.memory_space<vmem>>[vector<16xi32>, vector<16xi32>], vector<16xf32>,
          %broadcast_in_dim3A_781 = arith.constant 55 : i32
          %broadcast_in_dim3A_782 = vector.broadcast %broadcast_in_dim3A_781 : i32 to vector<16xi32>
          %gather3A_783 = tpu.vector_load_idx %arg9[%broadcast_in_dim3A_782, %clamp3A_616] : memref<64x1152xf32, #tpu.memory_space<vmem>>[vector<16xi32>, vector<16xi32>], vector<16xf32>,
          tpu.vector_store_idx %arg10[%add3A_609, %broadcast_in_dim3A_782], %gather3A_783 : memref<128x128xf32, #tpu.memory_space<vmem>>[vector<16xi32>, vector<16xi32>], vector<16xf32>,
          %broadcast_in_dim3A_784 = arith.constant 56 : i32
          %broadcast_in_dim3A_785 = vector.broadcast %broadcast_in_dim3A_784 : i32 to vector<16xi32>
          %gather3A_786 = tpu.vector_load_idx %arg9[%broadcast_in_dim3A_785, %clamp3A_616] : memref<64x1152xf32, #tpu.memory_space<vmem>>[vector<16xi32>, vector<16xi32>], vector<16xf32>,
          tpu.vector_store_idx %arg10[%add3A_609, %broadcast_in_dim3A_785], %gather3A_786 : memref<128x128xf32, #tpu.memory_space<vmem>>[vector<16xi32>, vector<16xi32>], vector<16xf32>,
          %broadcast_in_dim3A_787 = arith.constant 57 : i32
          %broadcast_in_dim3A_788 = vector.broadcast %broadcast_in_dim3A_787 : i32 to vector<16xi32>
          %gather3A_789 = tpu.vector_load_idx %arg9[%broadcast_in_dim3A_788, %clamp3A_616] : memref<64x1152xf32, #tpu.memory_space<vmem>>[vector<16xi32>, vector<16xi32>], vector<16xf32>,
          tpu.vector_store_idx %arg10[%add3A_609, %broadcast_in_dim3A_788], %gather3A_789 : memref<128x128xf32, #tpu.memory_space<vmem>>[vector<16xi32>, vector<16xi32>], vector<16xf32>,
          %broadcast_in_dim3A_790 = arith.constant 58 : i32
          %broadcast_in_dim3A_791 = vector.broadcast %broadcast_in_dim3A_790 : i32 to vector<16xi32>
          %gather3A_792 = tpu.vector_load_idx %arg9[%broadcast_in_dim3A_791, %clamp3A_616] : memref<64x1152xf32, #tpu.memory_space<vmem>>[vector<16xi32>, vector<16xi32>], vector<16xf32>,
          tpu.vector_store_idx %arg10[%add3A_609, %broadcast_in_dim3A_791], %gather3A_792 : memref<128x128xf32, #tpu.memory_space<vmem>>[vector<16xi32>, vector<16xi32>], vector<16xf32>,
          %broadcast_in_dim3A_793 = arith.constant 59 : i32
          %broadcast_in_dim3A_794 = vector.broadcast %broadcast_in_dim3A_793 : i32 to vector<16xi32>
          %gather3A_795 = tpu.vector_load_idx %arg9[%broadcast_in_dim3A_794, %clamp3A_616] : memref<64x1152xf32, #tpu.memory_space<vmem>>[vector<16xi32>, vector<16xi32>], vector<16xf32>,
          tpu.vector_store_idx %arg10[%add3A_609, %broadcast_in_dim3A_794], %gather3A_795 : memref<128x128xf32, #tpu.memory_space<vmem>>[vector<16xi32>, vector<16xi32>], vector<16xf32>,
          %broadcast_in_dim3A_796 = arith.constant 60 : i32
          %broadcast_in_dim3A_797 = vector.broadcast %broadcast_in_dim3A_796 : i32 to vector<16xi32>
          %gather3A_798 = tpu.vector_load_idx %arg9[%broadcast_in_dim3A_797, %clamp3A_616] : memref<64x1152xf32, #tpu.memory_space<vmem>>[vector<16xi32>, vector<16xi32>], vector<16xf32>,
          tpu.vector_store_idx %arg10[%add3A_609, %broadcast_in_dim3A_797], %gather3A_798 : memref<128x128xf32, #tpu.memory_space<vmem>>[vector<16xi32>, vector<16xi32>], vector<16xf32>,
          %broadcast_in_dim3A_799 = arith.constant 61 : i32
          %broadcast_in_dim3A_800 = vector.broadcast %broadcast_in_dim3A_799 : i32 to vector<16xi32>
          %gather3A_801 = tpu.vector_load_idx %arg9[%broadcast_in_dim3A_800, %clamp3A_616] : memref<64x1152xf32, #tpu.memory_space<vmem>>[vector<16xi32>, vector<16xi32>], vector<16xf32>,
          tpu.vector_store_idx %arg10[%add3A_609, %broadcast_in_dim3A_800], %gather3A_801 : memref<128x128xf32, #tpu.memory_space<vmem>>[vector<16xi32>, vector<16xi32>], vector<16xf32>,
          %broadcast_in_dim3A_802 = arith.constant 62 : i32
          %broadcast_in_dim3A_803 = vector.broadcast %broadcast_in_dim3A_802 : i32 to vector<16xi32>
          %gather3A_804 = tpu.vector_load_idx %arg9[%broadcast_in_dim3A_803, %clamp3A_616] : memref<64x1152xf32, #tpu.memory_space<vmem>>[vector<16xi32>, vector<16xi32>], vector<16xf32>,
          tpu.vector_store_idx %arg10[%add3A_609, %broadcast_in_dim3A_803], %gather3A_804 : memref<128x128xf32, #tpu.memory_space<vmem>>[vector<16xi32>, vector<16xi32>], vector<16xf32>,
          %broadcast_in_dim3A_805 = arith.constant 63 : i32
          %broadcast_in_dim3A_806 = vector.broadcast %broadcast_in_dim3A_805 : i32 to vector<16xi32>
          %gather3A_807 = tpu.vector_load_idx %arg9[%broadcast_in_dim3A_806, %clamp3A_616] : memref<64x1152xf32, #tpu.memory_space<vmem>>[vector<16xi32>, vector<16xi32>], vector<16xf32>,
          tpu.vector_store_idx %arg10[%add3A_609, %broadcast_in_dim3A_806], %gather3A_807 : memref<128x128xf32, #tpu.memory_space<vmem>>[vector<16xi32>, vector<16xi32>], vector<16xf32>,
          %broadcast_in_dim3A_808 = vector.broadcast %add3A_55 : i32 to vector<16xi32>
          %select_n3A_809 = arith.select %lt3A_605, %and3A_602, %broadcast_in_dim3A_808 : vector<16xi1>, vector<16xi32>
          %mul3A_810 = arith.constant 16 : i32
          %mul3A_811 = arith.muli %while3A_590, %mul3A_810 : i32
          %swap3A_812 = arith.constant 0 : i32
          %swap3A_813 = arith.index_cast %swap3A_812 : i32 to index
          %swap3A_814 = arith.index_cast %mul3A_811 : i32 to index
          %swap3A_815 = tpu.vector_load %arg11[%swap3A_813, %swap3A_814] {strides = array<i32>} : memref<2x128xi32, #tpu.memory_space<vmem>>, vector<16xi32>,
          tpu.vector_store %arg11[%swap3A_813, %swap3A_814], %select_n3A_809 {strides = array<i32>} : memref<2x128xi32, #tpu.memory_space<vmem>>, vector<16xi32>,
          %while3A_816 = arith.constant 0 : i32
          scf.yield %while3A_816 : i32
        }
        %dma_start3A_575 = arith.constant 0 : i32
        %dma_start3A_576 = arith.constant 0 : i32
        %dma_start3A_577 = tpu.memref_slice %arg11[%dma_start3A_575, %dma_start3A_576] : memref<2x128xi32, #tpu.memory_space<vmem>> -> memref<1x128xi32, #tpu.memory_space<vmem>>
        %dma_start3A_578 = tpu.memref_squeeze %dma_start3A_577 : memref<1x128xi32, #tpu.memory_space<vmem>> -> memref<128xi32, #tpu.memory_space<vmem>>
        %dma_start3A_579 = arith.constant 0 : i32
        %dma_start3A_580 = arith.constant 0 : i32
        %dma_start3A_581 = tpu.memref_slice %arg5[%dma_start3A_579, %dma_start3A_580] : memref<16416x128xf32, #tpu.memory_space<hbm>> -> memref<16416x128xf32, #tpu.memory_space<hbm>>
        tpu.enqueue_indirect_dma source(%arg10 : memref<128x128xf32, #tpu.memory_space<vmem>>) target(%dma_start3A_581 : memref<16416x128xf32, #tpu.memory_space<hbm>>) offsets(%dma_start3A_578 : memref<128xi32, #tpu.memory_space<vmem>>) semaphore(%arg13 : memref<!tpu.dma_semaphore, #tpu.memory_space<semaphore_mem>>)
        %dma_wait3A_582 = arith.constant 0 : i32
        %dma_wait3A_583 = arith.constant 0 : i32
        %dma_wait3A_584 = tpu.memref_slice %arg11[%dma_wait3A_582, %dma_wait3A_583] : memref<2x128xi32, #tpu.memory_space<vmem>> -> memref<1x128xi32, #tpu.memory_space<vmem>>
        %dma_wait3A_585 = tpu.memref_squeeze %dma_wait3A_584 : memref<1x128xi32, #tpu.memory_space<vmem>> -> memref<128xi32, #tpu.memory_space<vmem>>
        %dma_wait3A_586 = arith.constant 0 : i32
        %dma_wait3A_587 = arith.constant 0 : i32
        %dma_wait3A_588 = tpu.memref_slice %arg5[%dma_wait3A_586, %dma_wait3A_587] : memref<16416x128xf32, #tpu.memory_space<hbm>> -> memref<16416x128xf32, #tpu.memory_space<hbm>>
        tpu.wait_indirect_dma semaphore(%arg13 : memref<!tpu.dma_semaphore, #tpu.memory_space<semaphore_mem>>) src(%arg10 : memref<128x128xf32, #tpu.memory_space<vmem>>) dst(%dma_wait3A_588 : memref<16416x128xf32, #tpu.memory_space<hbm>>)
        %while3A_589 = arith.constant 0 : i32
        scf.yield %while3A_589 : i32
      }
      %scan3A_555 = arith.constant 0 : i32
      scf.yield %scan3A_555 : i32
    }
    %scan3A_134 = arith.constant 3 : i32
    "tpu.region"() ({
      %run_scoped3A = tpu.sem_alloc : memref<!tpu.dma_semaphore, #tpu.memory_space<semaphore_mem>>
      %dma_start3A = arith.constant 0 : i32
      %dma_start3A_223 = arith.constant 0 : i32
      %dma_start3A_224 = tpu.memref_slice %arg9[%dma_start3A, %dma_start3A_223] : memref<64x1152xf32, #tpu.memory_space<vmem>> -> memref<16x128xf32, #tpu.memory_space<vmem>>
      %dma_start3A_225 = arith.constant 0 : i32
      %dma_start3A_226 = arith.constant 0 : i32
      %dma_start3A_227 = tpu.memref_slice %arg9[%dma_start3A_225, %dma_start3A_226] : memref<64x1152xf32, #tpu.memory_space<vmem>> -> memref<16x128xf32, #tpu.memory_space<vmem>>
      tpu.enqueue_dma source(%arg3 : memref<16x128xf32, #tpu.memory_space<hbm>>) target(%dma_start3A_227 : memref<16x128xf32, #tpu.memory_space<vmem>>) target_semaphore(%run_scoped3A : memref<!tpu.dma_semaphore, #tpu.memory_space<semaphore_mem>>)
      %dma_wait3A = arith.constant 0 : i32
      %dma_wait3A_228 = arith.constant 0 : i32
      %dma_wait3A_229 = tpu.memref_slice %arg9[%dma_wait3A, %dma_wait3A_228] : memref<64x1152xf32, #tpu.memory_space<vmem>> -> memref<16x128xf32, #tpu.memory_space<vmem>>
      %dma_wait3A_230 = arith.constant 0 : i32
      %dma_wait3A_231 = arith.constant 0 : i32
      %dma_wait3A_232 = tpu.memref_slice %arg9[%dma_wait3A_230, %dma_wait3A_231] : memref<64x1152xf32, #tpu.memory_space<vmem>> -> memref<16x128xf32, #tpu.memory_space<vmem>>
      tpu.wait_dma2 semaphore(%run_scoped3A : memref<!tpu.dma_semaphore, #tpu.memory_space<semaphore_mem>>) src(%arg3 : memref<16x128xf32, #tpu.memory_space<hbm>>) dst(%dma_wait3A_232 : memref<16x128xf32, #tpu.memory_space<vmem>>)
      tpu.yield
    }) : () -> ()
    %mul3A_135 = arith.constant 99968 : i32
    %mul3A_136 = arith.constant 16384 : i32
    %mul3A_137 = arith.muli %mul3A_135, %mul3A_136 : i32
    %mul3A_138 = arith.constant 100000 : i32
    %mul3A_139 = arith.constant 16384 : i32
    %mul3A_140 = arith.muli %mul3A_138, %mul3A_139 : i32
    %while3A = arith.constant 0 : i32
    %while3A_141 = arith.subi %select_n3A_127, %while3A : i32
    %while3A_142 = arith.addi %while3A, %while3A_141 : i32
    %while3A_143 = arith.constant 1 : i32
    %while3A_144 = arith.divsi %while3A_141, %while3A_143 : i32
    %while3A_145 = arith.muli %while3A_144, %while3A_143 : i32
    %while3A_146 = arith.addi %while3A, %while3A_145 : i32
    %while3A_147 = arith.constant 1 : i32
    %while3A_148 = scf.for %while3A_223 = %while3A to %while3A_146 step %while3A_147 iter_args(%while3A_224 = %broadcast_in_dim3A_56) -> (vector<16xi32>)  : i32 {
      %mul3A_225 = arith.constant 16 : i32
      %mul3A_226 = arith.muli %while3A_223, %mul3A_225 : i32
      %add3A_227 = vector.broadcast %mul3A_226 : i32 to vector<16xi32>
      %add3A_228 = arith.addi %iota3A, %add3A_227 : vector<16xi32>
      %lt3A = vector.broadcast %reduce_max3A_101 : i32 to vector<16xi32>
      %lt3A_229 = arith.cmpi slt, %add3A_228, %lt3A : vector<16xi32>
      %mul3A_230 = arith.constant 16 : i32
      %mul3A_231 = arith.muli %while3A_223, %mul3A_230 : i32
      %get3A = arith.index_cast %mul3A_231 : i32 to index
      %get3A_232 = tpu.vector_load %arg7[%get3A] {strides = array<i32>} : memref<16400xi32, #tpu.memory_space<vmem>>, vector<16xi32>,
      %ge3A = vector.broadcast %mul3A_137 : i32 to vector<16xi32>
      %ge3A_233 = arith.cmpi sge, %get3A_232, %ge3A : vector<16xi32>
      %and3A_234 = arith.andi %lt3A_229, %ge3A_233 : vector<16xi1>
      %lt3A_235 = vector.broadcast %mul3A_140 : i32 to vector<16xi32>
      %lt3A_236 = arith.cmpi slt, %get3A_232, %lt3A_235 : vector<16xi32>
      %and3A_237 = arith.andi %and3A_234, %lt3A_236 : vector<16xi1>
      %convert_element_type3A = arith.extui %and3A_237 : vector<16xi1> to vector<16xi32>
      %broadcast_in_dim3A_238 = arith.constant true
      %broadcast_in_dim3A_239 = vector.broadcast %broadcast_in_dim3A_238 : i1 to vector<16xi1>
      %masked_cumsum3A = tpu.scan <sum>, %convert_element_type3A masked %broadcast_in_dim3A_239 : vector<16xi32>, vector<16xi1> -> vector<16xi32>
      %add3A_240 = arith.addi %while3A_224, %masked_cumsum3A : vector<16xi32>
      %sub3A_241 = arith.constant 1 : i32
      %sub3A_242 = vector.broadcast %sub3A_241 : i32 to vector<16xi32>
      %sub3A_243 = arith.subi %add3A_240, %sub3A_242 : vector<16xi32>
      %jit3A_244 = arith.constant 16390 : i32
      %broadcast_in_dim3A_245 = vector.broadcast %jit3A_244 : i32 to vector<16xi32>
      %select_n3A_246 = arith.select %and3A_237, %sub3A_243, %broadcast_in_dim3A_245 : vector<16xi1>, vector<16xi32>
      tpu.vector_store_idx %arg8[%select_n3A_246], %get3A_232 : memref<16400xi32, #tpu.memory_space<vmem>>[vector<16xi32>], vector<16xi32>,
      %all_reduce_population_count3A = tpu.all_reduce %and3A_237 {dim = 0 : i64, kind = #tpu.reduction_kind<sum>} : vector<16xi1> -> vector<16xi32>
      %add3A_247 = arith.addi %while3A_224, %all_reduce_population_count3A : vector<16xi32>
      scf.yield %add3A_247 : vector<16xi32>
    }
    %while3A_149 = arith.constant 1 : i32
    %while3A_150 = scf.for %while3A_223 = %while3A_146 to %while3A_142 step %while3A_149 iter_args(%while3A_224 = %while3A_148) -> (vector<16xi32>)  : i32 {
      %mul3A_225 = arith.constant 16 : i32
      %mul3A_226 = arith.muli %while3A_223, %mul3A_225 : i32
      %add3A_227 = vector.broadcast %mul3A_226 : i32 to vector<16xi32>
      %add3A_228 = arith.addi %iota3A, %add3A_227 : vector<16xi32>
      %lt3A = vector.broadcast %reduce_max3A_101 : i32 to vector<16xi32>
      %lt3A_229 = arith.cmpi slt, %add3A_228, %lt3A : vector<16xi32>
      %mul3A_230 = arith.constant 16 : i32
      %mul3A_231 = arith.muli %while3A_223, %mul3A_230 : i32
      %get3A = arith.index_cast %mul3A_231 : i32 to index
      %get3A_232 = tpu.vector_load %arg7[%get3A] {strides = array<i32>} : memref<16400xi32, #tpu.memory_space<vmem>>, vector<16xi32>,
      %ge3A = vector.broadcast %mul3A_137 : i32 to vector<16xi32>
      %ge3A_233 = arith.cmpi sge, %get3A_232, %ge3A : vector<16xi32>
      %and3A_234 = arith.andi %lt3A_229, %ge3A_233 : vector<16xi1>
      %lt3A_235 = vector.broadcast %mul3A_140 : i32 to vector<16xi32>
      %lt3A_236 = arith.cmpi slt, %get3A_232, %lt3A_235 : vector<16xi32>
      %and3A_237 = arith.andi %and3A_234, %lt3A_236 : vector<16xi1>
      %convert_element_type3A = arith.extui %and3A_237 : vector<16xi1> to vector<16xi32>
      %broadcast_in_dim3A_238 = arith.constant true
      %broadcast_in_dim3A_239 = vector.broadcast %broadcast_in_dim3A_238 : i1 to vector<16xi1>
      %masked_cumsum3A = tpu.scan <sum>, %convert_element_type3A masked %broadcast_in_dim3A_239 : vector<16xi32>, vector<16xi1> -> vector<16xi32>
      %add3A_240 = arith.addi %while3A_224, %masked_cumsum3A : vector<16xi32>
      %sub3A_241 = arith.constant 1 : i32
      %sub3A_242 = vector.broadcast %sub3A_241 : i32 to vector<16xi32>
      %sub3A_243 = arith.subi %add3A_240, %sub3A_242 : vector<16xi32>
      %jit3A_244 = arith.constant 16390 : i32
      %broadcast_in_dim3A_245 = vector.broadcast %jit3A_244 : i32 to vector<16xi32>
      %select_n3A_246 = arith.select %and3A_237, %sub3A_243, %broadcast_in_dim3A_245 : vector<16xi1>, vector<16xi32>
      tpu.vector_store_idx %arg8[%select_n3A_246], %get3A_232 : memref<16400xi32, #tpu.memory_space<vmem>>[vector<16xi32>], vector<16xi32>,
      %all_reduce_population_count3A = tpu.all_reduce %and3A_237 {dim = 0 : i64, kind = #tpu.reduction_kind<sum>} : vector<16xi1> -> vector<16xi32>
      %add3A_247 = arith.addi %while3A_224, %all_reduce_population_count3A : vector<16xi32>
      scf.yield %add3A_247 : vector<16xi32>
    }
    %reduce_max3A_151 = arith.constant true
    %reduce_max3A_152 = vector.broadcast %reduce_max3A_151 : i1 to vector<16xi1>
    %reduce_max3A_153 = arith.constant -2147483648 : i32
    %reduce_max3A_154 = vector.broadcast %reduce_max3A_153 : i32 to vector<16xi32>
    %reduce_max3A_155 = arith.xori %while3A_150, %reduce_max3A_154 : vector<16xi32>
    %reduce_max3A_156 = tpu.scan <max>, %reduce_max3A_155 masked %reduce_max3A_152 : vector<16xi32>, vector<16xi1> -> vector<16xi32>
    %reduce_max3A_157 = arith.xori %reduce_max3A_156, %reduce_max3A_154 : vector<16xi32>
    %reduce_max3A_158 = vector.extract %reduce_max3A_157[15] : i32 from vector<16xi32>
    %add3A_159 = arith.constant 15 : i32
    %add3A_160 = arith.addi %reduce_max3A_158, %add3A_159 : i32
    %jit3A_161 = arith.constant 16 : i32
    %div3A_162 = arith.divsi %add3A_160, %jit3A_161 : i32
    %sign3A_163 = arith.constant 0 : i32
    %sign3A_164 = arith.cmpi sgt, %add3A_160, %sign3A_163 : i32
    %sign3A_165 = arith.extui %sign3A_164 : i1 to i32
    %sign3A_166 = arith.constant 0 : i32
    %sign3A_167 = arith.cmpi slt, %add3A_160, %sign3A_166 : i32
    %sign3A_168 = arith.extui %sign3A_167 : i1 to i32
    %sign3A_169 = arith.subi %sign3A_165, %sign3A_168 : i32
    %sign3A_170 = arith.constant 0 : i32
    %sign3A_171 = arith.cmpi sgt, %jit3A_161, %sign3A_170 : i32
    %sign3A_172 = arith.extui %sign3A_171 : i1 to i32
    %sign3A_173 = arith.constant 0 : i32
    %sign3A_174 = arith.cmpi slt, %jit3A_161, %sign3A_173 : i32
    %sign3A_175 = arith.extui %sign3A_174 : i1 to i32
    %sign3A_176 = arith.subi %sign3A_172, %sign3A_175 : i32
    %ne3A_177 = arith.cmpi ne, %sign3A_169, %sign3A_176 : i32
    %rem3A_178 = arith.remsi %add3A_160, %jit3A_161 : i32
    %ne3A_179 = arith.constant 0 : i32
    %ne3A_180 = arith.cmpi ne, %rem3A_178, %ne3A_179 : i32
    %and3A_181 = arith.andi %ne3A_177, %ne3A_180 : i1
    %sub3A_182 = arith.constant 1 : i32
    %sub3A_183 = arith.subi %div3A_162, %sub3A_182 : i32
    %select_n3A_184 = arith.select %and3A_181, %sub3A_183, %div3A_162 : i32
    %add3A_185 = arith.constant 127 : i32
    %add3A_186 = arith.addi %reduce_max3A_158, %add3A_185 : i32
    %jit3A_187 = arith.constant 128 : i32
    %div3A_188 = arith.divsi %add3A_186, %jit3A_187 : i32
    %sign3A_189 = arith.constant 0 : i32
    %sign3A_190 = arith.cmpi sgt, %add3A_186, %sign3A_189 : i32
    %sign3A_191 = arith.extui %sign3A_190 : i1 to i32
    %sign3A_192 = arith.constant 0 : i32
    %sign3A_193 = arith.cmpi slt, %add3A_186, %sign3A_192 : i32
    %sign3A_194 = arith.extui %sign3A_193 : i1 to i32
    %sign3A_195 = arith.subi %sign3A_191, %sign3A_194 : i32
    %sign3A_196 = arith.constant 0 : i32
    %sign3A_197 = arith.cmpi sgt, %jit3A_187, %sign3A_196 : i32
    %sign3A_198 = arith.extui %sign3A_197 : i1 to i32
    %sign3A_199 = arith.constant 0 : i32
    %sign3A_200 = arith.cmpi slt, %jit3A_187, %sign3A_199 : i32
    %sign3A_201 = arith.extui %sign3A_200 : i1 to i32
    %sign3A_202 = arith.subi %sign3A_198, %sign3A_201 : i32
    %ne3A_203 = arith.cmpi ne, %sign3A_195, %sign3A_202 : i32
    %rem3A_204 = arith.remsi %add3A_186, %jit3A_187 : i32
    %ne3A_205 = arith.constant 0 : i32
    %ne3A_206 = arith.cmpi ne, %rem3A_204, %ne3A_205 : i32
    %and3A_207 = arith.andi %ne3A_203, %ne3A_206 : i1
    %sub3A_208 = arith.constant 1 : i32
    %sub3A_209 = arith.subi %div3A_188, %sub3A_208 : i32
    %select_n3A_210 = arith.select %and3A_207, %sub3A_209, %div3A_188 : i32
    %while3A_211 = arith.constant 0 : i32
    %while3A_212 = arith.constant 0 : i32
    %while3A_213 = arith.subi %select_n3A_210, %while3A_211 : i32
    %while3A_214 = arith.addi %while3A_211, %while3A_213 : i32
    %while3A_215 = arith.constant 1 : i32
    %while3A_216 = arith.divsi %while3A_213, %while3A_215 : i32
    %while3A_217 = arith.muli %while3A_216, %while3A_215 : i32
    %while3A_218 = arith.addi %while3A_211, %while3A_217 : i32
    %while3A_219 = arith.constant 1 : i32
    %while3A_220 = scf.for %while3A_223 = %while3A_211 to %while3A_218 step %while3A_219 iter_args(%while3A_224 = %while3A_212) -> (i32)  : i32 {
      %mul3A_225 = arith.constant 8 : i32
      %mul3A_226 = arith.muli %while3A_223, %mul3A_225 : i32
      %sub3A_227 = arith.subi %select_n3A_184, %mul3A_226 : i32
      %min3A = arith.constant 8 : i32
      %min3A_228 = arith.minsi %sub3A_227, %min3A : i32
      %while3A_229 = arith.constant 0 : i32
      %while3A_230 = arith.constant 0 : i32
      %while3A_231 = arith.subi %min3A_228, %while3A_229 : i32
      %while3A_232 = arith.addi %while3A_229, %while3A_231 : i32
      %while3A_233 = arith.constant 1 : i32
      %while3A_234 = arith.divsi %while3A_231, %while3A_233 : i32
      %while3A_235 = arith.muli %while3A_234, %while3A_233 : i32
      %while3A_236 = arith.addi %while3A_229, %while3A_235 : i32
      %while3A_237 = arith.constant 1 : i32
      %while3A_238 = scf.for %while3A_254 = %while3A_229 to %while3A_236 step %while3A_237 iter_args(%while3A_255 = %while3A_230) -> (i32)  : i32 {
        %mul3A_256 = arith.constant 128 : i32
        %mul3A_257 = arith.muli %while3A_223, %mul3A_256 : i32
        %mul3A_258 = arith.constant 16 : i32
        %mul3A_259 = arith.muli %while3A_254, %mul3A_258 : i32
        %add3A_260 = arith.addi %mul3A_257, %mul3A_259 : i32
        %get3A = arith.index_cast %add3A_260 : i32 to index
        %get3A_261 = tpu.vector_load %arg8[%get3A] {strides = array<i32>} : memref<16400xi32, #tpu.memory_space<vmem>>, vector<16xi32>,
        %shift_right_logical3A = arith.constant 14 : i32
        %shift_right_logical3A_262 = vector.broadcast %shift_right_logical3A : i32 to vector<16xi32>
        %shift_right_logical3A_263 = arith.shrui %get3A_261, %shift_right_logical3A_262 : vector<16xi32>
        %and3A_264 = arith.constant 16383 : i32
        %and3A_265 = vector.broadcast %and3A_264 : i32 to vector<16xi32>
        %and3A_266 = arith.andi %get3A_261, %and3A_265 : vector<16xi32>
        %add3A_267 = vector.broadcast %add3A_260 : i32 to vector<16xi32>
        %add3A_268 = arith.addi %iota3A, %add3A_267 : vector<16xi32>
        %lt3A = vector.broadcast %reduce_max3A_158 : i32 to vector<16xi32>
        %lt3A_269 = arith.cmpi slt, %add3A_268, %lt3A : vector<16xi32>
        %mul3A_270 = arith.constant 16 : i32
        %mul3A_271 = arith.muli %while3A_254, %mul3A_270 : i32
        %add3A_272 = vector.broadcast %mul3A_271 : i32 to vector<16xi32>
        %add3A_273 = arith.addi %iota3A, %add3A_272 : vector<16xi32>
        %sub3A_274 = arith.constant 99968 : i32
        %sub3A_275 = vector.broadcast %sub3A_274 : i32 to vector<16xi32>
        %sub3A_276 = arith.subi %shift_right_logical3A_263, %sub3A_275 : vector<16xi32>
        %clamp3A = arith.constant 0 : i32
        %clamp3A_277 = arith.constant 31 : i32
        %clamp3A_278 = vector.broadcast %clamp3A : i32 to vector<16xi32>
        %clamp3A_279 = arith.maxsi %sub3A_276, %clamp3A_278 : vector<16xi32>
        %clamp3A_280 = vector.broadcast %clamp3A_277 : i32 to vector<16xi32>
        %clamp3A_281 = arith.minsi %clamp3A_279, %clamp3A_280 : vector<16xi32>
        %shift_right_logical3A_282 = arith.constant 1 : i32
        %shift_right_logical3A_283 = vector.broadcast %shift_right_logical3A_282 : i32 to vector<16xi32>
        %shift_right_logical3A_284 = arith.shrui %clamp3A_281, %shift_right_logical3A_283 : vector<16xi32>
        %and3A_285 = arith.constant 1 : i32
        %and3A_286 = vector.broadcast %and3A_285 : i32 to vector<16xi32>
        %and3A_287 = arith.andi %clamp3A_281, %and3A_286 : vector<16xi32>
        %mul3A_288 = arith.constant 64 : i32
        %mul3A_289 = vector.broadcast %mul3A_288 : i32 to vector<16xi32>
        %mul3A_290 = arith.muli %and3A_287, %mul3A_289 : vector<16xi32>
        %broadcast_in_dim3A_291 = arith.constant 0 : i32
        %broadcast_in_dim3A_292 = vector.broadcast %broadcast_in_dim3A_291 : i32 to vector<16xi32>
        %add3A_293 = arith.constant 0 : i32
        %add3A_294 = vector.broadcast %add3A_293 : i32 to vector<16xi32>
        %add3A_295 = arith.addi %mul3A_290, %add3A_294 : vector<16xi32>
        %gather3A = tpu.vector_load_idx %arg9[%shift_right_logical3A_284, %add3A_295] : memref<64x1152xf32, #tpu.memory_space<vmem>>[vector<16xi32>, vector<16xi32>], vector<16xf32>,
        tpu.vector_store_idx %arg10[%add3A_273, %broadcast_in_dim3A_292], %gather3A : memref<128x128xf32, #tpu.memory_space<vmem>>[vector<16xi32>, vector<16xi32>], vector<16xf32>,
        %broadcast_in_dim3A_296 = arith.constant 1 : i32
        %broadcast_in_dim3A_297 = vector.broadcast %broadcast_in_dim3A_296 : i32 to vector<16xi32>
        %add3A_298 = arith.constant 1 : i32
        %add3A_299 = vector.broadcast %add3A_298 : i32 to vector<16xi32>
        %add3A_300 = arith.addi %mul3A_290, %add3A_299 : vector<16xi32>
        %gather3A_301 = tpu.vector_load_idx %arg9[%shift_right_logical3A_284, %add3A_300] : memref<64x1152xf32, #tpu.memory_space<vmem>>[vector<16xi32>, vector<16xi32>], vector<16xf32>,
        tpu.vector_store_idx %arg10[%add3A_273, %broadcast_in_dim3A_297], %gather3A_301 : memref<128x128xf32, #tpu.memory_space<vmem>>[vector<16xi32>, vector<16xi32>], vector<16xf32>,
        %broadcast_in_dim3A_302 = arith.constant 2 : i32
        %broadcast_in_dim3A_303 = vector.broadcast %broadcast_in_dim3A_302 : i32 to vector<16xi32>
        %add3A_304 = arith.constant 2 : i32
        %add3A_305 = vector.broadcast %add3A_304 : i32 to vector<16xi32>
        %add3A_306 = arith.addi %mul3A_290, %add3A_305 : vector<16xi32>
        %gather3A_307 = tpu.vector_load_idx %arg9[%shift_right_logical3A_284, %add3A_306] : memref<64x1152xf32, #tpu.memory_space<vmem>>[vector<16xi32>, vector<16xi32>], vector<16xf32>,
        tpu.vector_store_idx %arg10[%add3A_273, %broadcast_in_dim3A_303], %gather3A_307 : memref<128x128xf32, #tpu.memory_space<vmem>>[vector<16xi32>, vector<16xi32>], vector<16xf32>,
        %broadcast_in_dim3A_308 = arith.constant 3 : i32
        %broadcast_in_dim3A_309 = vector.broadcast %broadcast_in_dim3A_308 : i32 to vector<16xi32>
        %add3A_310 = arith.constant 3 : i32
        %add3A_311 = vector.broadcast %add3A_310 : i32 to vector<16xi32>
        %add3A_312 = arith.addi %mul3A_290, %add3A_311 : vector<16xi32>
        %gather3A_313 = tpu.vector_load_idx %arg9[%shift_right_logical3A_284, %add3A_312] : memref<64x1152xf32, #tpu.memory_space<vmem>>[vector<16xi32>, vector<16xi32>], vector<16xf32>,
        tpu.vector_store_idx %arg10[%add3A_273, %broadcast_in_dim3A_309], %gather3A_313 : memref<128x128xf32, #tpu.memory_space<vmem>>[vector<16xi32>, vector<16xi32>], vector<16xf32>,
        %broadcast_in_dim3A_314 = arith.constant 4 : i32
        %broadcast_in_dim3A_315 = vector.broadcast %broadcast_in_dim3A_314 : i32 to vector<16xi32>
        %add3A_316 = arith.constant 4 : i32
        %add3A_317 = vector.broadcast %add3A_316 : i32 to vector<16xi32>
        %add3A_318 = arith.addi %mul3A_290, %add3A_317 : vector<16xi32>
        %gather3A_319 = tpu.vector_load_idx %arg9[%shift_right_logical3A_284, %add3A_318] : memref<64x1152xf32, #tpu.memory_space<vmem>>[vector<16xi32>, vector<16xi32>], vector<16xf32>,
        tpu.vector_store_idx %arg10[%add3A_273, %broadcast_in_dim3A_315], %gather3A_319 : memref<128x128xf32, #tpu.memory_space<vmem>>[vector<16xi32>, vector<16xi32>], vector<16xf32>,
        %broadcast_in_dim3A_320 = arith.constant 5 : i32
        %broadcast_in_dim3A_321 = vector.broadcast %broadcast_in_dim3A_320 : i32 to vector<16xi32>
        %add3A_322 = arith.constant 5 : i32
        %add3A_323 = vector.broadcast %add3A_322 : i32 to vector<16xi32>
        %add3A_324 = arith.addi %mul3A_290, %add3A_323 : vector<16xi32>
        %gather3A_325 = tpu.vector_load_idx %arg9[%shift_right_logical3A_284, %add3A_324] : memref<64x1152xf32, #tpu.memory_space<vmem>>[vector<16xi32>, vector<16xi32>], vector<16xf32>,
        tpu.vector_store_idx %arg10[%add3A_273, %broadcast_in_dim3A_321], %gather3A_325 : memref<128x128xf32, #tpu.memory_space<vmem>>[vector<16xi32>, vector<16xi32>], vector<16xf32>,
        %broadcast_in_dim3A_326 = arith.constant 6 : i32
        %broadcast_in_dim3A_327 = vector.broadcast %broadcast_in_dim3A_326 : i32 to vector<16xi32>
        %add3A_328 = arith.constant 6 : i32
        %add3A_329 = vector.broadcast %add3A_328 : i32 to vector<16xi32>
        %add3A_330 = arith.addi %mul3A_290, %add3A_329 : vector<16xi32>
        %gather3A_331 = tpu.vector_load_idx %arg9[%shift_right_logical3A_284, %add3A_330] : memref<64x1152xf32, #tpu.memory_space<vmem>>[vector<16xi32>, vector<16xi32>], vector<16xf32>,
        tpu.vector_store_idx %arg10[%add3A_273, %broadcast_in_dim3A_327], %gather3A_331 : memref<128x128xf32, #tpu.memory_space<vmem>>[vector<16xi32>, vector<16xi32>], vector<16xf32>,
        %broadcast_in_dim3A_332 = arith.constant 7 : i32
        %broadcast_in_dim3A_333 = vector.broadcast %broadcast_in_dim3A_332 : i32 to vector<16xi32>
        %add3A_334 = arith.constant 7 : i32
        %add3A_335 = vector.broadcast %add3A_334 : i32 to vector<16xi32>
        %add3A_336 = arith.addi %mul3A_290, %add3A_335 : vector<16xi32>
        %gather3A_337 = tpu.vector_load_idx %arg9[%shift_right_logical3A_284, %add3A_336] : memref<64x1152xf32, #tpu.memory_space<vmem>>[vector<16xi32>, vector<16xi32>], vector<16xf32>,
        tpu.vector_store_idx %arg10[%add3A_273, %broadcast_in_dim3A_333], %gather3A_337 : memref<128x128xf32, #tpu.memory_space<vmem>>[vector<16xi32>, vector<16xi32>], vector<16xf32>,
        %broadcast_in_dim3A_338 = arith.constant 8 : i32
        %broadcast_in_dim3A_339 = vector.broadcast %broadcast_in_dim3A_338 : i32 to vector<16xi32>
        %add3A_340 = arith.constant 8 : i32
        %add3A_341 = vector.broadcast %add3A_340 : i32 to vector<16xi32>
        %add3A_342 = arith.addi %mul3A_290, %add3A_341 : vector<16xi32>
        %gather3A_343 = tpu.vector_load_idx %arg9[%shift_right_logical3A_284, %add3A_342] : memref<64x1152xf32, #tpu.memory_space<vmem>>[vector<16xi32>, vector<16xi32>], vector<16xf32>,
        tpu.vector_store_idx %arg10[%add3A_273, %broadcast_in_dim3A_339], %gather3A_343 : memref<128x128xf32, #tpu.memory_space<vmem>>[vector<16xi32>, vector<16xi32>], vector<16xf32>,
        %broadcast_in_dim3A_344 = arith.constant 9 : i32
        %broadcast_in_dim3A_345 = vector.broadcast %broadcast_in_dim3A_344 : i32 to vector<16xi32>
        %add3A_346 = arith.constant 9 : i32
        %add3A_347 = vector.broadcast %add3A_346 : i32 to vector<16xi32>
        %add3A_348 = arith.addi %mul3A_290, %add3A_347 : vector<16xi32>
        %gather3A_349 = tpu.vector_load_idx %arg9[%shift_right_logical3A_284, %add3A_348] : memref<64x1152xf32, #tpu.memory_space<vmem>>[vector<16xi32>, vector<16xi32>], vector<16xf32>,
        tpu.vector_store_idx %arg10[%add3A_273, %broadcast_in_dim3A_345], %gather3A_349 : memref<128x128xf32, #tpu.memory_space<vmem>>[vector<16xi32>, vector<16xi32>], vector<16xf32>,
        %broadcast_in_dim3A_350 = arith.constant 10 : i32
        %broadcast_in_dim3A_351 = vector.broadcast %broadcast_in_dim3A_350 : i32 to vector<16xi32>
        %add3A_352 = arith.constant 10 : i32
        %add3A_353 = vector.broadcast %add3A_352 : i32 to vector<16xi32>
        %add3A_354 = arith.addi %mul3A_290, %add3A_353 : vector<16xi32>
        %gather3A_355 = tpu.vector_load_idx %arg9[%shift_right_logical3A_284, %add3A_354] : memref<64x1152xf32, #tpu.memory_space<vmem>>[vector<16xi32>, vector<16xi32>], vector<16xf32>,
        tpu.vector_store_idx %arg10[%add3A_273, %broadcast_in_dim3A_351], %gather3A_355 : memref<128x128xf32, #tpu.memory_space<vmem>>[vector<16xi32>, vector<16xi32>], vector<16xf32>,
        %broadcast_in_dim3A_356 = arith.constant 11 : i32
        %broadcast_in_dim3A_357 = vector.broadcast %broadcast_in_dim3A_356 : i32 to vector<16xi32>
        %add3A_358 = arith.constant 11 : i32
        %add3A_359 = vector.broadcast %add3A_358 : i32 to vector<16xi32>
        %add3A_360 = arith.addi %mul3A_290, %add3A_359 : vector<16xi32>
        %gather3A_361 = tpu.vector_load_idx %arg9[%shift_right_logical3A_284, %add3A_360] : memref<64x1152xf32, #tpu.memory_space<vmem>>[vector<16xi32>, vector<16xi32>], vector<16xf32>,
        tpu.vector_store_idx %arg10[%add3A_273, %broadcast_in_dim3A_357], %gather3A_361 : memref<128x128xf32, #tpu.memory_space<vmem>>[vector<16xi32>, vector<16xi32>], vector<16xf32>,
        %broadcast_in_dim3A_362 = arith.constant 12 : i32
        %broadcast_in_dim3A_363 = vector.broadcast %broadcast_in_dim3A_362 : i32 to vector<16xi32>
        %add3A_364 = arith.constant 12 : i32
        %add3A_365 = vector.broadcast %add3A_364 : i32 to vector<16xi32>
        %add3A_366 = arith.addi %mul3A_290, %add3A_365 : vector<16xi32>
        %gather3A_367 = tpu.vector_load_idx %arg9[%shift_right_logical3A_284, %add3A_366] : memref<64x1152xf32, #tpu.memory_space<vmem>>[vector<16xi32>, vector<16xi32>], vector<16xf32>,
        tpu.vector_store_idx %arg10[%add3A_273, %broadcast_in_dim3A_363], %gather3A_367 : memref<128x128xf32, #tpu.memory_space<vmem>>[vector<16xi32>, vector<16xi32>], vector<16xf32>,
        %broadcast_in_dim3A_368 = arith.constant 13 : i32
        %broadcast_in_dim3A_369 = vector.broadcast %broadcast_in_dim3A_368 : i32 to vector<16xi32>
        %add3A_370 = arith.constant 13 : i32
        %add3A_371 = vector.broadcast %add3A_370 : i32 to vector<16xi32>
        %add3A_372 = arith.addi %mul3A_290, %add3A_371 : vector<16xi32>
        %gather3A_373 = tpu.vector_load_idx %arg9[%shift_right_logical3A_284, %add3A_372] : memref<64x1152xf32, #tpu.memory_space<vmem>>[vector<16xi32>, vector<16xi32>], vector<16xf32>,
        tpu.vector_store_idx %arg10[%add3A_273, %broadcast_in_dim3A_369], %gather3A_373 : memref<128x128xf32, #tpu.memory_space<vmem>>[vector<16xi32>, vector<16xi32>], vector<16xf32>,
        %broadcast_in_dim3A_374 = arith.constant 14 : i32
        %broadcast_in_dim3A_375 = vector.broadcast %broadcast_in_dim3A_374 : i32 to vector<16xi32>
        %add3A_376 = arith.constant 14 : i32
        %add3A_377 = vector.broadcast %add3A_376 : i32 to vector<16xi32>
        %add3A_378 = arith.addi %mul3A_290, %add3A_377 : vector<16xi32>
        %gather3A_379 = tpu.vector_load_idx %arg9[%shift_right_logical3A_284, %add3A_378] : memref<64x1152xf32, #tpu.memory_space<vmem>>[vector<16xi32>, vector<16xi32>], vector<16xf32>,
        tpu.vector_store_idx %arg10[%add3A_273, %broadcast_in_dim3A_375], %gather3A_379 : memref<128x128xf32, #tpu.memory_space<vmem>>[vector<16xi32>, vector<16xi32>], vector<16xf32>,
        %broadcast_in_dim3A_380 = arith.constant 15 : i32
        %broadcast_in_dim3A_381 = vector.broadcast %broadcast_in_dim3A_380 : i32 to vector<16xi32>
        %add3A_382 = arith.constant 15 : i32
        %add3A_383 = vector.broadcast %add3A_382 : i32 to vector<16xi32>
        %add3A_384 = arith.addi %mul3A_290, %add3A_383 : vector<16xi32>
        %gather3A_385 = tpu.vector_load_idx %arg9[%shift_right_logical3A_284, %add3A_384] : memref<64x1152xf32, #tpu.memory_space<vmem>>[vector<16xi32>, vector<16xi32>], vector<16xf32>,
        tpu.vector_store_idx %arg10[%add3A_273, %broadcast_in_dim3A_381], %gather3A_385 : memref<128x128xf32, #tpu.memory_space<vmem>>[vector<16xi32>, vector<16xi32>], vector<16xf32>,
        %broadcast_in_dim3A_386 = arith.constant 16 : i32
        %broadcast_in_dim3A_387 = vector.broadcast %broadcast_in_dim3A_386 : i32 to vector<16xi32>
        %add3A_388 = arith.constant 16 : i32
        %add3A_389 = vector.broadcast %add3A_388 : i32 to vector<16xi32>
        %add3A_390 = arith.addi %mul3A_290, %add3A_389 : vector<16xi32>
        %gather3A_391 = tpu.vector_load_idx %arg9[%shift_right_logical3A_284, %add3A_390] : memref<64x1152xf32, #tpu.memory_space<vmem>>[vector<16xi32>, vector<16xi32>], vector<16xf32>,
        tpu.vector_store_idx %arg10[%add3A_273, %broadcast_in_dim3A_387], %gather3A_391 : memref<128x128xf32, #tpu.memory_space<vmem>>[vector<16xi32>, vector<16xi32>], vector<16xf32>,
        %broadcast_in_dim3A_392 = arith.constant 17 : i32
        %broadcast_in_dim3A_393 = vector.broadcast %broadcast_in_dim3A_392 : i32 to vector<16xi32>
        %add3A_394 = arith.constant 17 : i32
        %add3A_395 = vector.broadcast %add3A_394 : i32 to vector<16xi32>
        %add3A_396 = arith.addi %mul3A_290, %add3A_395 : vector<16xi32>
        %gather3A_397 = tpu.vector_load_idx %arg9[%shift_right_logical3A_284, %add3A_396] : memref<64x1152xf32, #tpu.memory_space<vmem>>[vector<16xi32>, vector<16xi32>], vector<16xf32>,
        tpu.vector_store_idx %arg10[%add3A_273, %broadcast_in_dim3A_393], %gather3A_397 : memref<128x128xf32, #tpu.memory_space<vmem>>[vector<16xi32>, vector<16xi32>], vector<16xf32>,
        %broadcast_in_dim3A_398 = arith.constant 18 : i32
        %broadcast_in_dim3A_399 = vector.broadcast %broadcast_in_dim3A_398 : i32 to vector<16xi32>
        %add3A_400 = arith.constant 18 : i32
        %add3A_401 = vector.broadcast %add3A_400 : i32 to vector<16xi32>
        %add3A_402 = arith.addi %mul3A_290, %add3A_401 : vector<16xi32>
        %gather3A_403 = tpu.vector_load_idx %arg9[%shift_right_logical3A_284, %add3A_402] : memref<64x1152xf32, #tpu.memory_space<vmem>>[vector<16xi32>, vector<16xi32>], vector<16xf32>,
        tpu.vector_store_idx %arg10[%add3A_273, %broadcast_in_dim3A_399], %gather3A_403 : memref<128x128xf32, #tpu.memory_space<vmem>>[vector<16xi32>, vector<16xi32>], vector<16xf32>,
        %broadcast_in_dim3A_404 = arith.constant 19 : i32
        %broadcast_in_dim3A_405 = vector.broadcast %broadcast_in_dim3A_404 : i32 to vector<16xi32>
        %add3A_406 = arith.constant 19 : i32
        %add3A_407 = vector.broadcast %add3A_406 : i32 to vector<16xi32>
        %add3A_408 = arith.addi %mul3A_290, %add3A_407 : vector<16xi32>
        %gather3A_409 = tpu.vector_load_idx %arg9[%shift_right_logical3A_284, %add3A_408] : memref<64x1152xf32, #tpu.memory_space<vmem>>[vector<16xi32>, vector<16xi32>], vector<16xf32>,
        tpu.vector_store_idx %arg10[%add3A_273, %broadcast_in_dim3A_405], %gather3A_409 : memref<128x128xf32, #tpu.memory_space<vmem>>[vector<16xi32>, vector<16xi32>], vector<16xf32>,
        %broadcast_in_dim3A_410 = arith.constant 20 : i32
        %broadcast_in_dim3A_411 = vector.broadcast %broadcast_in_dim3A_410 : i32 to vector<16xi32>
        %add3A_412 = arith.constant 20 : i32
        %add3A_413 = vector.broadcast %add3A_412 : i32 to vector<16xi32>
        %add3A_414 = arith.addi %mul3A_290, %add3A_413 : vector<16xi32>
        %gather3A_415 = tpu.vector_load_idx %arg9[%shift_right_logical3A_284, %add3A_414] : memref<64x1152xf32, #tpu.memory_space<vmem>>[vector<16xi32>, vector<16xi32>], vector<16xf32>,
        tpu.vector_store_idx %arg10[%add3A_273, %broadcast_in_dim3A_411], %gather3A_415 : memref<128x128xf32, #tpu.memory_space<vmem>>[vector<16xi32>, vector<16xi32>], vector<16xf32>,
        %broadcast_in_dim3A_416 = arith.constant 21 : i32
        %broadcast_in_dim3A_417 = vector.broadcast %broadcast_in_dim3A_416 : i32 to vector<16xi32>
        %add3A_418 = arith.constant 21 : i32
        %add3A_419 = vector.broadcast %add3A_418 : i32 to vector<16xi32>
        %add3A_420 = arith.addi %mul3A_290, %add3A_419 : vector<16xi32>
        %gather3A_421 = tpu.vector_load_idx %arg9[%shift_right_logical3A_284, %add3A_420] : memref<64x1152xf32, #tpu.memory_space<vmem>>[vector<16xi32>, vector<16xi32>], vector<16xf32>,
        tpu.vector_store_idx %arg10[%add3A_273, %broadcast_in_dim3A_417], %gather3A_421 : memref<128x128xf32, #tpu.memory_space<vmem>>[vector<16xi32>, vector<16xi32>], vector<16xf32>,
        %broadcast_in_dim3A_422 = arith.constant 22 : i32
        %broadcast_in_dim3A_423 = vector.broadcast %broadcast_in_dim3A_422 : i32 to vector<16xi32>
        %add3A_424 = arith.constant 22 : i32
        %add3A_425 = vector.broadcast %add3A_424 : i32 to vector<16xi32>
        %add3A_426 = arith.addi %mul3A_290, %add3A_425 : vector<16xi32>
        %gather3A_427 = tpu.vector_load_idx %arg9[%shift_right_logical3A_284, %add3A_426] : memref<64x1152xf32, #tpu.memory_space<vmem>>[vector<16xi32>, vector<16xi32>], vector<16xf32>,
        tpu.vector_store_idx %arg10[%add3A_273, %broadcast_in_dim3A_423], %gather3A_427 : memref<128x128xf32, #tpu.memory_space<vmem>>[vector<16xi32>, vector<16xi32>], vector<16xf32>,
        %broadcast_in_dim3A_428 = arith.constant 23 : i32
        %broadcast_in_dim3A_429 = vector.broadcast %broadcast_in_dim3A_428 : i32 to vector<16xi32>
        %add3A_430 = arith.constant 23 : i32
        %add3A_431 = vector.broadcast %add3A_430 : i32 to vector<16xi32>
        %add3A_432 = arith.addi %mul3A_290, %add3A_431 : vector<16xi32>
        %gather3A_433 = tpu.vector_load_idx %arg9[%shift_right_logical3A_284, %add3A_432] : memref<64x1152xf32, #tpu.memory_space<vmem>>[vector<16xi32>, vector<16xi32>], vector<16xf32>,
        tpu.vector_store_idx %arg10[%add3A_273, %broadcast_in_dim3A_429], %gather3A_433 : memref<128x128xf32, #tpu.memory_space<vmem>>[vector<16xi32>, vector<16xi32>], vector<16xf32>,
        %broadcast_in_dim3A_434 = arith.constant 24 : i32
        %broadcast_in_dim3A_435 = vector.broadcast %broadcast_in_dim3A_434 : i32 to vector<16xi32>
        %add3A_436 = arith.constant 24 : i32
        %add3A_437 = vector.broadcast %add3A_436 : i32 to vector<16xi32>
        %add3A_438 = arith.addi %mul3A_290, %add3A_437 : vector<16xi32>
        %gather3A_439 = tpu.vector_load_idx %arg9[%shift_right_logical3A_284, %add3A_438] : memref<64x1152xf32, #tpu.memory_space<vmem>>[vector<16xi32>, vector<16xi32>], vector<16xf32>,
        tpu.vector_store_idx %arg10[%add3A_273, %broadcast_in_dim3A_435], %gather3A_439 : memref<128x128xf32, #tpu.memory_space<vmem>>[vector<16xi32>, vector<16xi32>], vector<16xf32>,
        %broadcast_in_dim3A_440 = arith.constant 25 : i32
        %broadcast_in_dim3A_441 = vector.broadcast %broadcast_in_dim3A_440 : i32 to vector<16xi32>
        %add3A_442 = arith.constant 25 : i32
        %add3A_443 = vector.broadcast %add3A_442 : i32 to vector<16xi32>
        %add3A_444 = arith.addi %mul3A_290, %add3A_443 : vector<16xi32>
        %gather3A_445 = tpu.vector_load_idx %arg9[%shift_right_logical3A_284, %add3A_444] : memref<64x1152xf32, #tpu.memory_space<vmem>>[vector<16xi32>, vector<16xi32>], vector<16xf32>,
        tpu.vector_store_idx %arg10[%add3A_273, %broadcast_in_dim3A_441], %gather3A_445 : memref<128x128xf32, #tpu.memory_space<vmem>>[vector<16xi32>, vector<16xi32>], vector<16xf32>,
        %broadcast_in_dim3A_446 = arith.constant 26 : i32
        %broadcast_in_dim3A_447 = vector.broadcast %broadcast_in_dim3A_446 : i32 to vector<16xi32>
        %add3A_448 = arith.constant 26 : i32
        %add3A_449 = vector.broadcast %add3A_448 : i32 to vector<16xi32>
        %add3A_450 = arith.addi %mul3A_290, %add3A_449 : vector<16xi32>
        %gather3A_451 = tpu.vector_load_idx %arg9[%shift_right_logical3A_284, %add3A_450] : memref<64x1152xf32, #tpu.memory_space<vmem>>[vector<16xi32>, vector<16xi32>], vector<16xf32>,
        tpu.vector_store_idx %arg10[%add3A_273, %broadcast_in_dim3A_447], %gather3A_451 : memref<128x128xf32, #tpu.memory_space<vmem>>[vector<16xi32>, vector<16xi32>], vector<16xf32>,
        %broadcast_in_dim3A_452 = arith.constant 27 : i32
        %broadcast_in_dim3A_453 = vector.broadcast %broadcast_in_dim3A_452 : i32 to vector<16xi32>
        %add3A_454 = arith.constant 27 : i32
        %add3A_455 = vector.broadcast %add3A_454 : i32 to vector<16xi32>
        %add3A_456 = arith.addi %mul3A_290, %add3A_455 : vector<16xi32>
        %gather3A_457 = tpu.vector_load_idx %arg9[%shift_right_logical3A_284, %add3A_456] : memref<64x1152xf32, #tpu.memory_space<vmem>>[vector<16xi32>, vector<16xi32>], vector<16xf32>,
        tpu.vector_store_idx %arg10[%add3A_273, %broadcast_in_dim3A_453], %gather3A_457 : memref<128x128xf32, #tpu.memory_space<vmem>>[vector<16xi32>, vector<16xi32>], vector<16xf32>,
        %broadcast_in_dim3A_458 = arith.constant 28 : i32
        %broadcast_in_dim3A_459 = vector.broadcast %broadcast_in_dim3A_458 : i32 to vector<16xi32>
        %add3A_460 = arith.constant 28 : i32
        %add3A_461 = vector.broadcast %add3A_460 : i32 to vector<16xi32>
        %add3A_462 = arith.addi %mul3A_290, %add3A_461 : vector<16xi32>
        %gather3A_463 = tpu.vector_load_idx %arg9[%shift_right_logical3A_284, %add3A_462] : memref<64x1152xf32, #tpu.memory_space<vmem>>[vector<16xi32>, vector<16xi32>], vector<16xf32>,
        tpu.vector_store_idx %arg10[%add3A_273, %broadcast_in_dim3A_459], %gather3A_463 : memref<128x128xf32, #tpu.memory_space<vmem>>[vector<16xi32>, vector<16xi32>], vector<16xf32>,
        %broadcast_in_dim3A_464 = arith.constant 29 : i32
        %broadcast_in_dim3A_465 = vector.broadcast %broadcast_in_dim3A_464 : i32 to vector<16xi32>
        %add3A_466 = arith.constant 29 : i32
        %add3A_467 = vector.broadcast %add3A_466 : i32 to vector<16xi32>
        %add3A_468 = arith.addi %mul3A_290, %add3A_467 : vector<16xi32>
        %gather3A_469 = tpu.vector_load_idx %arg9[%shift_right_logical3A_284, %add3A_468] : memref<64x1152xf32, #tpu.memory_space<vmem>>[vector<16xi32>, vector<16xi32>], vector<16xf32>,
        tpu.vector_store_idx %arg10[%add3A_273, %broadcast_in_dim3A_465], %gather3A_469 : memref<128x128xf32, #tpu.memory_space<vmem>>[vector<16xi32>, vector<16xi32>], vector<16xf32>,
        %broadcast_in_dim3A_470 = arith.constant 30 : i32
        %broadcast_in_dim3A_471 = vector.broadcast %broadcast_in_dim3A_470 : i32 to vector<16xi32>
        %add3A_472 = arith.constant 30 : i32
        %add3A_473 = vector.broadcast %add3A_472 : i32 to vector<16xi32>
        %add3A_474 = arith.addi %mul3A_290, %add3A_473 : vector<16xi32>
        %gather3A_475 = tpu.vector_load_idx %arg9[%shift_right_logical3A_284, %add3A_474] : memref<64x1152xf32, #tpu.memory_space<vmem>>[vector<16xi32>, vector<16xi32>], vector<16xf32>,
        tpu.vector_store_idx %arg10[%add3A_273, %broadcast_in_dim3A_471], %gather3A_475 : memref<128x128xf32, #tpu.memory_space<vmem>>[vector<16xi32>, vector<16xi32>], vector<16xf32>,
        %broadcast_in_dim3A_476 = arith.constant 31 : i32
        %broadcast_in_dim3A_477 = vector.broadcast %broadcast_in_dim3A_476 : i32 to vector<16xi32>
        %add3A_478 = arith.constant 31 : i32
        %add3A_479 = vector.broadcast %add3A_478 : i32 to vector<16xi32>
        %add3A_480 = arith.addi %mul3A_290, %add3A_479 : vector<16xi32>
        %gather3A_481 = tpu.vector_load_idx %arg9[%shift_right_logical3A_284, %add3A_480] : memref<64x1152xf32, #tpu.memory_space<vmem>>[vector<16xi32>, vector<16xi32>], vector<16xf32>,
        tpu.vector_store_idx %arg10[%add3A_273, %broadcast_in_dim3A_477], %gather3A_481 : memref<128x128xf32, #tpu.memory_space<vmem>>[vector<16xi32>, vector<16xi32>], vector<16xf32>,
        %broadcast_in_dim3A_482 = arith.constant 32 : i32
        %broadcast_in_dim3A_483 = vector.broadcast %broadcast_in_dim3A_482 : i32 to vector<16xi32>
        %add3A_484 = arith.constant 32 : i32
        %add3A_485 = vector.broadcast %add3A_484 : i32 to vector<16xi32>
        %add3A_486 = arith.addi %mul3A_290, %add3A_485 : vector<16xi32>
        %gather3A_487 = tpu.vector_load_idx %arg9[%shift_right_logical3A_284, %add3A_486] : memref<64x1152xf32, #tpu.memory_space<vmem>>[vector<16xi32>, vector<16xi32>], vector<16xf32>,
        tpu.vector_store_idx %arg10[%add3A_273, %broadcast_in_dim3A_483], %gather3A_487 : memref<128x128xf32, #tpu.memory_space<vmem>>[vector<16xi32>, vector<16xi32>], vector<16xf32>,
        %broadcast_in_dim3A_488 = arith.constant 33 : i32
        %broadcast_in_dim3A_489 = vector.broadcast %broadcast_in_dim3A_488 : i32 to vector<16xi32>
        %add3A_490 = arith.constant 33 : i32
        %add3A_491 = vector.broadcast %add3A_490 : i32 to vector<16xi32>
        %add3A_492 = arith.addi %mul3A_290, %add3A_491 : vector<16xi32>
        %gather3A_493 = tpu.vector_load_idx %arg9[%shift_right_logical3A_284, %add3A_492] : memref<64x1152xf32, #tpu.memory_space<vmem>>[vector<16xi32>, vector<16xi32>], vector<16xf32>,
        tpu.vector_store_idx %arg10[%add3A_273, %broadcast_in_dim3A_489], %gather3A_493 : memref<128x128xf32, #tpu.memory_space<vmem>>[vector<16xi32>, vector<16xi32>], vector<16xf32>,
        %broadcast_in_dim3A_494 = arith.constant 34 : i32
        %broadcast_in_dim3A_495 = vector.broadcast %broadcast_in_dim3A_494 : i32 to vector<16xi32>
        %add3A_496 = arith.constant 34 : i32
        %add3A_497 = vector.broadcast %add3A_496 : i32 to vector<16xi32>
        %add3A_498 = arith.addi %mul3A_290, %add3A_497 : vector<16xi32>
        %gather3A_499 = tpu.vector_load_idx %arg9[%shift_right_logical3A_284, %add3A_498] : memref<64x1152xf32, #tpu.memory_space<vmem>>[vector<16xi32>, vector<16xi32>], vector<16xf32>,
        tpu.vector_store_idx %arg10[%add3A_273, %broadcast_in_dim3A_495], %gather3A_499 : memref<128x128xf32, #tpu.memory_space<vmem>>[vector<16xi32>, vector<16xi32>], vector<16xf32>,
        %broadcast_in_dim3A_500 = arith.constant 35 : i32
        %broadcast_in_dim3A_501 = vector.broadcast %broadcast_in_dim3A_500 : i32 to vector<16xi32>
        %add3A_502 = arith.constant 35 : i32
        %add3A_503 = vector.broadcast %add3A_502 : i32 to vector<16xi32>
        %add3A_504 = arith.addi %mul3A_290, %add3A_503 : vector<16xi32>
        %gather3A_505 = tpu.vector_load_idx %arg9[%shift_right_logical3A_284, %add3A_504] : memref<64x1152xf32, #tpu.memory_space<vmem>>[vector<16xi32>, vector<16xi32>], vector<16xf32>,
        tpu.vector_store_idx %arg10[%add3A_273, %broadcast_in_dim3A_501], %gather3A_505 : memref<128x128xf32, #tpu.memory_space<vmem>>[vector<16xi32>, vector<16xi32>], vector<16xf32>,
        %broadcast_in_dim3A_506 = arith.constant 36 : i32
        %broadcast_in_dim3A_507 = vector.broadcast %broadcast_in_dim3A_506 : i32 to vector<16xi32>
        %add3A_508 = arith.constant 36 : i32
        %add3A_509 = vector.broadcast %add3A_508 : i32 to vector<16xi32>
        %add3A_510 = arith.addi %mul3A_290, %add3A_509 : vector<16xi32>
        %gather3A_511 = tpu.vector_load_idx %arg9[%shift_right_logical3A_284, %add3A_510] : memref<64x1152xf32, #tpu.memory_space<vmem>>[vector<16xi32>, vector<16xi32>], vector<16xf32>,
        tpu.vector_store_idx %arg10[%add3A_273, %broadcast_in_dim3A_507], %gather3A_511 : memref<128x128xf32, #tpu.memory_space<vmem>>[vector<16xi32>, vector<16xi32>], vector<16xf32>,
        %broadcast_in_dim3A_512 = arith.constant 37 : i32
        %broadcast_in_dim3A_513 = vector.broadcast %broadcast_in_dim3A_512 : i32 to vector<16xi32>
        %add3A_514 = arith.constant 37 : i32
        %add3A_515 = vector.broadcast %add3A_514 : i32 to vector<16xi32>
        %add3A_516 = arith.addi %mul3A_290, %add3A_515 : vector<16xi32>
        %gather3A_517 = tpu.vector_load_idx %arg9[%shift_right_logical3A_284, %add3A_516] : memref<64x1152xf32, #tpu.memory_space<vmem>>[vector<16xi32>, vector<16xi32>], vector<16xf32>,
        tpu.vector_store_idx %arg10[%add3A_273, %broadcast_in_dim3A_513], %gather3A_517 : memref<128x128xf32, #tpu.memory_space<vmem>>[vector<16xi32>, vector<16xi32>], vector<16xf32>,
        %broadcast_in_dim3A_518 = arith.constant 38 : i32
        %broadcast_in_dim3A_519 = vector.broadcast %broadcast_in_dim3A_518 : i32 to vector<16xi32>
        %add3A_520 = arith.constant 38 : i32
        %add3A_521 = vector.broadcast %add3A_520 : i32 to vector<16xi32>
        %add3A_522 = arith.addi %mul3A_290, %add3A_521 : vector<16xi32>
        %gather3A_523 = tpu.vector_load_idx %arg9[%shift_right_logical3A_284, %add3A_522] : memref<64x1152xf32, #tpu.memory_space<vmem>>[vector<16xi32>, vector<16xi32>], vector<16xf32>,
        tpu.vector_store_idx %arg10[%add3A_273, %broadcast_in_dim3A_519], %gather3A_523 : memref<128x128xf32, #tpu.memory_space<vmem>>[vector<16xi32>, vector<16xi32>], vector<16xf32>,
        %broadcast_in_dim3A_524 = arith.constant 39 : i32
        %broadcast_in_dim3A_525 = vector.broadcast %broadcast_in_dim3A_524 : i32 to vector<16xi32>
        %add3A_526 = arith.constant 39 : i32
        %add3A_527 = vector.broadcast %add3A_526 : i32 to vector<16xi32>
        %add3A_528 = arith.addi %mul3A_290, %add3A_527 : vector<16xi32>
        %gather3A_529 = tpu.vector_load_idx %arg9[%shift_right_logical3A_284, %add3A_528] : memref<64x1152xf32, #tpu.memory_space<vmem>>[vector<16xi32>, vector<16xi32>], vector<16xf32>,
        tpu.vector_store_idx %arg10[%add3A_273, %broadcast_in_dim3A_525], %gather3A_529 : memref<128x128xf32, #tpu.memory_space<vmem>>[vector<16xi32>, vector<16xi32>], vector<16xf32>,
        %broadcast_in_dim3A_530 = arith.constant 40 : i32
        %broadcast_in_dim3A_531 = vector.broadcast %broadcast_in_dim3A_530 : i32 to vector<16xi32>
        %add3A_532 = arith.constant 40 : i32
        %add3A_533 = vector.broadcast %add3A_532 : i32 to vector<16xi32>
        %add3A_534 = arith.addi %mul3A_290, %add3A_533 : vector<16xi32>
        %gather3A_535 = tpu.vector_load_idx %arg9[%shift_right_logical3A_284, %add3A_534] : memref<64x1152xf32, #tpu.memory_space<vmem>>[vector<16xi32>, vector<16xi32>], vector<16xf32>,
        tpu.vector_store_idx %arg10[%add3A_273, %broadcast_in_dim3A_531], %gather3A_535 : memref<128x128xf32, #tpu.memory_space<vmem>>[vector<16xi32>, vector<16xi32>], vector<16xf32>,
        %broadcast_in_dim3A_536 = arith.constant 41 : i32
        %broadcast_in_dim3A_537 = vector.broadcast %broadcast_in_dim3A_536 : i32 to vector<16xi32>
        %add3A_538 = arith.constant 41 : i32
        %add3A_539 = vector.broadcast %add3A_538 : i32 to vector<16xi32>
        %add3A_540 = arith.addi %mul3A_290, %add3A_539 : vector<16xi32>
        %gather3A_541 = tpu.vector_load_idx %arg9[%shift_right_logical3A_284, %add3A_540] : memref<64x1152xf32, #tpu.memory_space<vmem>>[vector<16xi32>, vector<16xi32>], vector<16xf32>,
        tpu.vector_store_idx %arg10[%add3A_273, %broadcast_in_dim3A_537], %gather3A_541 : memref<128x128xf32, #tpu.memory_space<vmem>>[vector<16xi32>, vector<16xi32>], vector<16xf32>,
        %broadcast_in_dim3A_542 = arith.constant 42 : i32
        %broadcast_in_dim3A_543 = vector.broadcast %broadcast_in_dim3A_542 : i32 to vector<16xi32>
        %add3A_544 = arith.constant 42 : i32
        %add3A_545 = vector.broadcast %add3A_544 : i32 to vector<16xi32>
        %add3A_546 = arith.addi %mul3A_290, %add3A_545 : vector<16xi32>
        %gather3A_547 = tpu.vector_load_idx %arg9[%shift_right_logical3A_284, %add3A_546] : memref<64x1152xf32, #tpu.memory_space<vmem>>[vector<16xi32>, vector<16xi32>], vector<16xf32>,
        tpu.vector_store_idx %arg10[%add3A_273, %broadcast_in_dim3A_543], %gather3A_547 : memref<128x128xf32, #tpu.memory_space<vmem>>[vector<16xi32>, vector<16xi32>], vector<16xf32>,
        %broadcast_in_dim3A_548 = arith.constant 43 : i32
        %broadcast_in_dim3A_549 = vector.broadcast %broadcast_in_dim3A_548 : i32 to vector<16xi32>
        %add3A_550 = arith.constant 43 : i32
        %add3A_551 = vector.broadcast %add3A_550 : i32 to vector<16xi32>
        %add3A_552 = arith.addi %mul3A_290, %add3A_551 : vector<16xi32>
        %gather3A_553 = tpu.vector_load_idx %arg9[%shift_right_logical3A_284, %add3A_552] : memref<64x1152xf32, #tpu.memory_space<vmem>>[vector<16xi32>, vector<16xi32>], vector<16xf32>,
        tpu.vector_store_idx %arg10[%add3A_273, %broadcast_in_dim3A_549], %gather3A_553 : memref<128x128xf32, #tpu.memory_space<vmem>>[vector<16xi32>, vector<16xi32>], vector<16xf32>,
        %broadcast_in_dim3A_554 = arith.constant 44 : i32
        %broadcast_in_dim3A_555 = vector.broadcast %broadcast_in_dim3A_554 : i32 to vector<16xi32>
        %add3A_556 = arith.constant 44 : i32
        %add3A_557 = vector.broadcast %add3A_556 : i32 to vector<16xi32>
        %add3A_558 = arith.addi %mul3A_290, %add3A_557 : vector<16xi32>
        %gather3A_559 = tpu.vector_load_idx %arg9[%shift_right_logical3A_284, %add3A_558] : memref<64x1152xf32, #tpu.memory_space<vmem>>[vector<16xi32>, vector<16xi32>], vector<16xf32>,
        tpu.vector_store_idx %arg10[%add3A_273, %broadcast_in_dim3A_555], %gather3A_559 : memref<128x128xf32, #tpu.memory_space<vmem>>[vector<16xi32>, vector<16xi32>], vector<16xf32>,
        %broadcast_in_dim3A_560 = arith.constant 45 : i32
        %broadcast_in_dim3A_561 = vector.broadcast %broadcast_in_dim3A_560 : i32 to vector<16xi32>
        %add3A_562 = arith.constant 45 : i32
        %add3A_563 = vector.broadcast %add3A_562 : i32 to vector<16xi32>
        %add3A_564 = arith.addi %mul3A_290, %add3A_563 : vector<16xi32>
        %gather3A_565 = tpu.vector_load_idx %arg9[%shift_right_logical3A_284, %add3A_564] : memref<64x1152xf32, #tpu.memory_space<vmem>>[vector<16xi32>, vector<16xi32>], vector<16xf32>,
        tpu.vector_store_idx %arg10[%add3A_273, %broadcast_in_dim3A_561], %gather3A_565 : memref<128x128xf32, #tpu.memory_space<vmem>>[vector<16xi32>, vector<16xi32>], vector<16xf32>,
        %broadcast_in_dim3A_566 = arith.constant 46 : i32
        %broadcast_in_dim3A_567 = vector.broadcast %broadcast_in_dim3A_566 : i32 to vector<16xi32>
        %add3A_568 = arith.constant 46 : i32
        %add3A_569 = vector.broadcast %add3A_568 : i32 to vector<16xi32>
        %add3A_570 = arith.addi %mul3A_290, %add3A_569 : vector<16xi32>
        %gather3A_571 = tpu.vector_load_idx %arg9[%shift_right_logical3A_284, %add3A_570] : memref<64x1152xf32, #tpu.memory_space<vmem>>[vector<16xi32>, vector<16xi32>], vector<16xf32>,
        tpu.vector_store_idx %arg10[%add3A_273, %broadcast_in_dim3A_567], %gather3A_571 : memref<128x128xf32, #tpu.memory_space<vmem>>[vector<16xi32>, vector<16xi32>], vector<16xf32>,
        %broadcast_in_dim3A_572 = arith.constant 47 : i32
        %broadcast_in_dim3A_573 = vector.broadcast %broadcast_in_dim3A_572 : i32 to vector<16xi32>
        %add3A_574 = arith.constant 47 : i32
        %add3A_575 = vector.broadcast %add3A_574 : i32 to vector<16xi32>
        %add3A_576 = arith.addi %mul3A_290, %add3A_575 : vector<16xi32>
        %gather3A_577 = tpu.vector_load_idx %arg9[%shift_right_logical3A_284, %add3A_576] : memref<64x1152xf32, #tpu.memory_space<vmem>>[vector<16xi32>, vector<16xi32>], vector<16xf32>,
        tpu.vector_store_idx %arg10[%add3A_273, %broadcast_in_dim3A_573], %gather3A_577 : memref<128x128xf32, #tpu.memory_space<vmem>>[vector<16xi32>, vector<16xi32>], vector<16xf32>,
        %broadcast_in_dim3A_578 = arith.constant 48 : i32
        %broadcast_in_dim3A_579 = vector.broadcast %broadcast_in_dim3A_578 : i32 to vector<16xi32>
        %add3A_580 = arith.constant 48 : i32
        %add3A_581 = vector.broadcast %add3A_580 : i32 to vector<16xi32>
        %add3A_582 = arith.addi %mul3A_290, %add3A_581 : vector<16xi32>
        %gather3A_583 = tpu.vector_load_idx %arg9[%shift_right_logical3A_284, %add3A_582] : memref<64x1152xf32, #tpu.memory_space<vmem>>[vector<16xi32>, vector<16xi32>], vector<16xf32>,
        tpu.vector_store_idx %arg10[%add3A_273, %broadcast_in_dim3A_579], %gather3A_583 : memref<128x128xf32, #tpu.memory_space<vmem>>[vector<16xi32>, vector<16xi32>], vector<16xf32>,
        %broadcast_in_dim3A_584 = arith.constant 49 : i32
        %broadcast_in_dim3A_585 = vector.broadcast %broadcast_in_dim3A_584 : i32 to vector<16xi32>
        %add3A_586 = arith.constant 49 : i32
        %add3A_587 = vector.broadcast %add3A_586 : i32 to vector<16xi32>
        %add3A_588 = arith.addi %mul3A_290, %add3A_587 : vector<16xi32>
        %gather3A_589 = tpu.vector_load_idx %arg9[%shift_right_logical3A_284, %add3A_588] : memref<64x1152xf32, #tpu.memory_space<vmem>>[vector<16xi32>, vector<16xi32>], vector<16xf32>,
        tpu.vector_store_idx %arg10[%add3A_273, %broadcast_in_dim3A_585], %gather3A_589 : memref<128x128xf32, #tpu.memory_space<vmem>>[vector<16xi32>, vector<16xi32>], vector<16xf32>,
        %broadcast_in_dim3A_590 = arith.constant 50 : i32
        %broadcast_in_dim3A_591 = vector.broadcast %broadcast_in_dim3A_590 : i32 to vector<16xi32>
        %add3A_592 = arith.constant 50 : i32
        %add3A_593 = vector.broadcast %add3A_592 : i32 to vector<16xi32>
        %add3A_594 = arith.addi %mul3A_290, %add3A_593 : vector<16xi32>
        %gather3A_595 = tpu.vector_load_idx %arg9[%shift_right_logical3A_284, %add3A_594] : memref<64x1152xf32, #tpu.memory_space<vmem>>[vector<16xi32>, vector<16xi32>], vector<16xf32>,
        tpu.vector_store_idx %arg10[%add3A_273, %broadcast_in_dim3A_591], %gather3A_595 : memref<128x128xf32, #tpu.memory_space<vmem>>[vector<16xi32>, vector<16xi32>], vector<16xf32>,
        %broadcast_in_dim3A_596 = arith.constant 51 : i32
        %broadcast_in_dim3A_597 = vector.broadcast %broadcast_in_dim3A_596 : i32 to vector<16xi32>
        %add3A_598 = arith.constant 51 : i32
        %add3A_599 = vector.broadcast %add3A_598 : i32 to vector<16xi32>
        %add3A_600 = arith.addi %mul3A_290, %add3A_599 : vector<16xi32>
        %gather3A_601 = tpu.vector_load_idx %arg9[%shift_right_logical3A_284, %add3A_600] : memref<64x1152xf32, #tpu.memory_space<vmem>>[vector<16xi32>, vector<16xi32>], vector<16xf32>,
        tpu.vector_store_idx %arg10[%add3A_273, %broadcast_in_dim3A_597], %gather3A_601 : memref<128x128xf32, #tpu.memory_space<vmem>>[vector<16xi32>, vector<16xi32>], vector<16xf32>,
        %broadcast_in_dim3A_602 = arith.constant 52 : i32
        %broadcast_in_dim3A_603 = vector.broadcast %broadcast_in_dim3A_602 : i32 to vector<16xi32>
        %add3A_604 = arith.constant 52 : i32
        %add3A_605 = vector.broadcast %add3A_604 : i32 to vector<16xi32>
        %add3A_606 = arith.addi %mul3A_290, %add3A_605 : vector<16xi32>
        %gather3A_607 = tpu.vector_load_idx %arg9[%shift_right_logical3A_284, %add3A_606] : memref<64x1152xf32, #tpu.memory_space<vmem>>[vector<16xi32>, vector<16xi32>], vector<16xf32>,
        tpu.vector_store_idx %arg10[%add3A_273, %broadcast_in_dim3A_603], %gather3A_607 : memref<128x128xf32, #tpu.memory_space<vmem>>[vector<16xi32>, vector<16xi32>], vector<16xf32>,
        %broadcast_in_dim3A_608 = arith.constant 53 : i32
        %broadcast_in_dim3A_609 = vector.broadcast %broadcast_in_dim3A_608 : i32 to vector<16xi32>
        %add3A_610 = arith.constant 53 : i32
        %add3A_611 = vector.broadcast %add3A_610 : i32 to vector<16xi32>
        %add3A_612 = arith.addi %mul3A_290, %add3A_611 : vector<16xi32>
        %gather3A_613 = tpu.vector_load_idx %arg9[%shift_right_logical3A_284, %add3A_612] : memref<64x1152xf32, #tpu.memory_space<vmem>>[vector<16xi32>, vector<16xi32>], vector<16xf32>,
        tpu.vector_store_idx %arg10[%add3A_273, %broadcast_in_dim3A_609], %gather3A_613 : memref<128x128xf32, #tpu.memory_space<vmem>>[vector<16xi32>, vector<16xi32>], vector<16xf32>,
        %broadcast_in_dim3A_614 = arith.constant 54 : i32
        %broadcast_in_dim3A_615 = vector.broadcast %broadcast_in_dim3A_614 : i32 to vector<16xi32>
        %add3A_616 = arith.constant 54 : i32
        %add3A_617 = vector.broadcast %add3A_616 : i32 to vector<16xi32>
        %add3A_618 = arith.addi %mul3A_290, %add3A_617 : vector<16xi32>
        %gather3A_619 = tpu.vector_load_idx %arg9[%shift_right_logical3A_284, %add3A_618] : memref<64x1152xf32, #tpu.memory_space<vmem>>[vector<16xi32>, vector<16xi32>], vector<16xf32>,
        tpu.vector_store_idx %arg10[%add3A_273, %broadcast_in_dim3A_615], %gather3A_619 : memref<128x128xf32, #tpu.memory_space<vmem>>[vector<16xi32>, vector<16xi32>], vector<16xf32>,
        %broadcast_in_dim3A_620 = arith.constant 55 : i32
        %broadcast_in_dim3A_621 = vector.broadcast %broadcast_in_dim3A_620 : i32 to vector<16xi32>
        %add3A_622 = arith.constant 55 : i32
        %add3A_623 = vector.broadcast %add3A_622 : i32 to vector<16xi32>
        %add3A_624 = arith.addi %mul3A_290, %add3A_623 : vector<16xi32>
        %gather3A_625 = tpu.vector_load_idx %arg9[%shift_right_logical3A_284, %add3A_624] : memref<64x1152xf32, #tpu.memory_space<vmem>>[vector<16xi32>, vector<16xi32>], vector<16xf32>,
        tpu.vector_store_idx %arg10[%add3A_273, %broadcast_in_dim3A_621], %gather3A_625 : memref<128x128xf32, #tpu.memory_space<vmem>>[vector<16xi32>, vector<16xi32>], vector<16xf32>,
        %broadcast_in_dim3A_626 = arith.constant 56 : i32
        %broadcast_in_dim3A_627 = vector.broadcast %broadcast_in_dim3A_626 : i32 to vector<16xi32>
        %add3A_628 = arith.constant 56 : i32
        %add3A_629 = vector.broadcast %add3A_628 : i32 to vector<16xi32>
        %add3A_630 = arith.addi %mul3A_290, %add3A_629 : vector<16xi32>
        %gather3A_631 = tpu.vector_load_idx %arg9[%shift_right_logical3A_284, %add3A_630] : memref<64x1152xf32, #tpu.memory_space<vmem>>[vector<16xi32>, vector<16xi32>], vector<16xf32>,
        tpu.vector_store_idx %arg10[%add3A_273, %broadcast_in_dim3A_627], %gather3A_631 : memref<128x128xf32, #tpu.memory_space<vmem>>[vector<16xi32>, vector<16xi32>], vector<16xf32>,
        %broadcast_in_dim3A_632 = arith.constant 57 : i32
        %broadcast_in_dim3A_633 = vector.broadcast %broadcast_in_dim3A_632 : i32 to vector<16xi32>
        %add3A_634 = arith.constant 57 : i32
        %add3A_635 = vector.broadcast %add3A_634 : i32 to vector<16xi32>
        %add3A_636 = arith.addi %mul3A_290, %add3A_635 : vector<16xi32>
        %gather3A_637 = tpu.vector_load_idx %arg9[%shift_right_logical3A_284, %add3A_636] : memref<64x1152xf32, #tpu.memory_space<vmem>>[vector<16xi32>, vector<16xi32>], vector<16xf32>,
        tpu.vector_store_idx %arg10[%add3A_273, %broadcast_in_dim3A_633], %gather3A_637 : memref<128x128xf32, #tpu.memory_space<vmem>>[vector<16xi32>, vector<16xi32>], vector<16xf32>,
        %broadcast_in_dim3A_638 = arith.constant 58 : i32
        %broadcast_in_dim3A_639 = vector.broadcast %broadcast_in_dim3A_638 : i32 to vector<16xi32>
        %add3A_640 = arith.constant 58 : i32
        %add3A_641 = vector.broadcast %add3A_640 : i32 to vector<16xi32>
        %add3A_642 = arith.addi %mul3A_290, %add3A_641 : vector<16xi32>
        %gather3A_643 = tpu.vector_load_idx %arg9[%shift_right_logical3A_284, %add3A_642] : memref<64x1152xf32, #tpu.memory_space<vmem>>[vector<16xi32>, vector<16xi32>], vector<16xf32>,
        tpu.vector_store_idx %arg10[%add3A_273, %broadcast_in_dim3A_639], %gather3A_643 : memref<128x128xf32, #tpu.memory_space<vmem>>[vector<16xi32>, vector<16xi32>], vector<16xf32>,
        %broadcast_in_dim3A_644 = arith.constant 59 : i32
        %broadcast_in_dim3A_645 = vector.broadcast %broadcast_in_dim3A_644 : i32 to vector<16xi32>
        %add3A_646 = arith.constant 59 : i32
        %add3A_647 = vector.broadcast %add3A_646 : i32 to vector<16xi32>
        %add3A_648 = arith.addi %mul3A_290, %add3A_647 : vector<16xi32>
        %gather3A_649 = tpu.vector_load_idx %arg9[%shift_right_logical3A_284, %add3A_648] : memref<64x1152xf32, #tpu.memory_space<vmem>>[vector<16xi32>, vector<16xi32>], vector<16xf32>,
        tpu.vector_store_idx %arg10[%add3A_273, %broadcast_in_dim3A_645], %gather3A_649 : memref<128x128xf32, #tpu.memory_space<vmem>>[vector<16xi32>, vector<16xi32>], vector<16xf32>,
        %broadcast_in_dim3A_650 = arith.constant 60 : i32
        %broadcast_in_dim3A_651 = vector.broadcast %broadcast_in_dim3A_650 : i32 to vector<16xi32>
        %add3A_652 = arith.constant 60 : i32
        %add3A_653 = vector.broadcast %add3A_652 : i32 to vector<16xi32>
        %add3A_654 = arith.addi %mul3A_290, %add3A_653 : vector<16xi32>
        %gather3A_655 = tpu.vector_load_idx %arg9[%shift_right_logical3A_284, %add3A_654] : memref<64x1152xf32, #tpu.memory_space<vmem>>[vector<16xi32>, vector<16xi32>], vector<16xf32>,
        tpu.vector_store_idx %arg10[%add3A_273, %broadcast_in_dim3A_651], %gather3A_655 : memref<128x128xf32, #tpu.memory_space<vmem>>[vector<16xi32>, vector<16xi32>], vector<16xf32>,
        %broadcast_in_dim3A_656 = arith.constant 61 : i32
        %broadcast_in_dim3A_657 = vector.broadcast %broadcast_in_dim3A_656 : i32 to vector<16xi32>
        %add3A_658 = arith.constant 61 : i32
        %add3A_659 = vector.broadcast %add3A_658 : i32 to vector<16xi32>
        %add3A_660 = arith.addi %mul3A_290, %add3A_659 : vector<16xi32>
        %gather3A_661 = tpu.vector_load_idx %arg9[%shift_right_logical3A_284, %add3A_660] : memref<64x1152xf32, #tpu.memory_space<vmem>>[vector<16xi32>, vector<16xi32>], vector<16xf32>,
        tpu.vector_store_idx %arg10[%add3A_273, %broadcast_in_dim3A_657], %gather3A_661 : memref<128x128xf32, #tpu.memory_space<vmem>>[vector<16xi32>, vector<16xi32>], vector<16xf32>,
        %broadcast_in_dim3A_662 = arith.constant 62 : i32
        %broadcast_in_dim3A_663 = vector.broadcast %broadcast_in_dim3A_662 : i32 to vector<16xi32>
        %add3A_664 = arith.constant 62 : i32
        %add3A_665 = vector.broadcast %add3A_664 : i32 to vector<16xi32>
        %add3A_666 = arith.addi %mul3A_290, %add3A_665 : vector<16xi32>
        %gather3A_667 = tpu.vector_load_idx %arg9[%shift_right_logical3A_284, %add3A_666] : memref<64x1152xf32, #tpu.memory_space<vmem>>[vector<16xi32>, vector<16xi32>], vector<16xf32>,
        tpu.vector_store_idx %arg10[%add3A_273, %broadcast_in_dim3A_663], %gather3A_667 : memref<128x128xf32, #tpu.memory_space<vmem>>[vector<16xi32>, vector<16xi32>], vector<16xf32>,
        %broadcast_in_dim3A_668 = arith.constant 63 : i32
        %broadcast_in_dim3A_669 = vector.broadcast %broadcast_in_dim3A_668 : i32 to vector<16xi32>
        %add3A_670 = arith.constant 63 : i32
        %add3A_671 = vector.broadcast %add3A_670 : i32 to vector<16xi32>
        %add3A_672 = arith.addi %mul3A_290, %add3A_671 : vector<16xi32>
        %gather3A_673 = tpu.vector_load_idx %arg9[%shift_right_logical3A_284, %add3A_672] : memref<64x1152xf32, #tpu.memory_space<vmem>>[vector<16xi32>, vector<16xi32>], vector<16xf32>,
        tpu.vector_store_idx %arg10[%add3A_273, %broadcast_in_dim3A_669], %gather3A_673 : memref<128x128xf32, #tpu.memory_space<vmem>>[vector<16xi32>, vector<16xi32>], vector<16xf32>,
        %broadcast_in_dim3A_674 = vector.broadcast %add3A_55 : i32 to vector<16xi32>
        %select_n3A_675 = arith.select %lt3A_269, %and3A_266, %broadcast_in_dim3A_674 : vector<16xi1>, vector<16xi32>
        %mul3A_676 = arith.constant 16 : i32
        %mul3A_677 = arith.muli %while3A_254, %mul3A_676 : i32
        %swap3A_678 = arith.constant 0 : i32
        %swap3A_679 = arith.index_cast %swap3A_678 : i32 to index
        %swap3A_680 = arith.index_cast %mul3A_677 : i32 to index
        %swap3A_681 = tpu.vector_load %arg11[%swap3A_679, %swap3A_680] {strides = array<i32>} : memref<2x128xi32, #tpu.memory_space<vmem>>, vector<16xi32>,
        tpu.vector_store %arg11[%swap3A_679, %swap3A_680], %select_n3A_675 {strides = array<i32>} : memref<2x128xi32, #tpu.memory_space<vmem>>, vector<16xi32>,
        %while3A_682 = arith.constant 0 : i32
        scf.yield %while3A_682 : i32
      }
      %while3A_239 = arith.constant 1 : i32
      %while3A_240 = scf.for %while3A_254 = %while3A_236 to %while3A_232 step %while3A_239 iter_args(%while3A_255 = %while3A_238) -> (i32)  : i32 {
        %mul3A_256 = arith.constant 128 : i32
        %mul3A_257 = arith.muli %while3A_223, %mul3A_256 : i32
        %mul3A_258 = arith.constant 16 : i32
        %mul3A_259 = arith.muli %while3A_254, %mul3A_258 : i32
        %add3A_260 = arith.addi %mul3A_257, %mul3A_259 : i32
        %get3A = arith.index_cast %add3A_260 : i32 to index
        %get3A_261 = tpu.vector_load %arg8[%get3A] {strides = array<i32>} : memref<16400xi32, #tpu.memory_space<vmem>>, vector<16xi32>,
        %shift_right_logical3A = arith.constant 14 : i32
        %shift_right_logical3A_262 = vector.broadcast %shift_right_logical3A : i32 to vector<16xi32>
        %shift_right_logical3A_263 = arith.shrui %get3A_261, %shift_right_logical3A_262 : vector<16xi32>
        %and3A_264 = arith.constant 16383 : i32
        %and3A_265 = vector.broadcast %and3A_264 : i32 to vector<16xi32>
        %and3A_266 = arith.andi %get3A_261, %and3A_265 : vector<16xi32>
        %add3A_267 = vector.broadcast %add3A_260 : i32 to vector<16xi32>
        %add3A_268 = arith.addi %iota3A, %add3A_267 : vector<16xi32>
        %lt3A = vector.broadcast %reduce_max3A_158 : i32 to vector<16xi32>
        %lt3A_269 = arith.cmpi slt, %add3A_268, %lt3A : vector<16xi32>
        %mul3A_270 = arith.constant 16 : i32
        %mul3A_271 = arith.muli %while3A_254, %mul3A_270 : i32
        %add3A_272 = vector.broadcast %mul3A_271 : i32 to vector<16xi32>
        %add3A_273 = arith.addi %iota3A, %add3A_272 : vector<16xi32>
        %sub3A_274 = arith.constant 99968 : i32
        %sub3A_275 = vector.broadcast %sub3A_274 : i32 to vector<16xi32>
        %sub3A_276 = arith.subi %shift_right_logical3A_263, %sub3A_275 : vector<16xi32>
        %clamp3A = arith.constant 0 : i32
        %clamp3A_277 = arith.constant 31 : i32
        %clamp3A_278 = vector.broadcast %clamp3A : i32 to vector<16xi32>
        %clamp3A_279 = arith.maxsi %sub3A_276, %clamp3A_278 : vector<16xi32>
        %clamp3A_280 = vector.broadcast %clamp3A_277 : i32 to vector<16xi32>
        %clamp3A_281 = arith.minsi %clamp3A_279, %clamp3A_280 : vector<16xi32>
        %shift_right_logical3A_282 = arith.constant 1 : i32
        %shift_right_logical3A_283 = vector.broadcast %shift_right_logical3A_282 : i32 to vector<16xi32>
        %shift_right_logical3A_284 = arith.shrui %clamp3A_281, %shift_right_logical3A_283 : vector<16xi32>
        %and3A_285 = arith.constant 1 : i32
        %and3A_286 = vector.broadcast %and3A_285 : i32 to vector<16xi32>
        %and3A_287 = arith.andi %clamp3A_281, %and3A_286 : vector<16xi32>
        %mul3A_288 = arith.constant 64 : i32
        %mul3A_289 = vector.broadcast %mul3A_288 : i32 to vector<16xi32>
        %mul3A_290 = arith.muli %and3A_287, %mul3A_289 : vector<16xi32>
        %broadcast_in_dim3A_291 = arith.constant 0 : i32
        %broadcast_in_dim3A_292 = vector.broadcast %broadcast_in_dim3A_291 : i32 to vector<16xi32>
        %add3A_293 = arith.constant 0 : i32
        %add3A_294 = vector.broadcast %add3A_293 : i32 to vector<16xi32>
        %add3A_295 = arith.addi %mul3A_290, %add3A_294 : vector<16xi32>
        %gather3A = tpu.vector_load_idx %arg9[%shift_right_logical3A_284, %add3A_295] : memref<64x1152xf32, #tpu.memory_space<vmem>>[vector<16xi32>, vector<16xi32>], vector<16xf32>,
        tpu.vector_store_idx %arg10[%add3A_273, %broadcast_in_dim3A_292], %gather3A : memref<128x128xf32, #tpu.memory_space<vmem>>[vector<16xi32>, vector<16xi32>], vector<16xf32>,
        %broadcast_in_dim3A_296 = arith.constant 1 : i32
        %broadcast_in_dim3A_297 = vector.broadcast %broadcast_in_dim3A_296 : i32 to vector<16xi32>
        %add3A_298 = arith.constant 1 : i32
        %add3A_299 = vector.broadcast %add3A_298 : i32 to vector<16xi32>
        %add3A_300 = arith.addi %mul3A_290, %add3A_299 : vector<16xi32>
        %gather3A_301 = tpu.vector_load_idx %arg9[%shift_right_logical3A_284, %add3A_300] : memref<64x1152xf32, #tpu.memory_space<vmem>>[vector<16xi32>, vector<16xi32>], vector<16xf32>,
        tpu.vector_store_idx %arg10[%add3A_273, %broadcast_in_dim3A_297], %gather3A_301 : memref<128x128xf32, #tpu.memory_space<vmem>>[vector<16xi32>, vector<16xi32>], vector<16xf32>,
        %broadcast_in_dim3A_302 = arith.constant 2 : i32
        %broadcast_in_dim3A_303 = vector.broadcast %broadcast_in_dim3A_302 : i32 to vector<16xi32>
        %add3A_304 = arith.constant 2 : i32
        %add3A_305 = vector.broadcast %add3A_304 : i32 to vector<16xi32>
        %add3A_306 = arith.addi %mul3A_290, %add3A_305 : vector<16xi32>
        %gather3A_307 = tpu.vector_load_idx %arg9[%shift_right_logical3A_284, %add3A_306] : memref<64x1152xf32, #tpu.memory_space<vmem>>[vector<16xi32>, vector<16xi32>], vector<16xf32>,
        tpu.vector_store_idx %arg10[%add3A_273, %broadcast_in_dim3A_303], %gather3A_307 : memref<128x128xf32, #tpu.memory_space<vmem>>[vector<16xi32>, vector<16xi32>], vector<16xf32>,
        %broadcast_in_dim3A_308 = arith.constant 3 : i32
        %broadcast_in_dim3A_309 = vector.broadcast %broadcast_in_dim3A_308 : i32 to vector<16xi32>
        %add3A_310 = arith.constant 3 : i32
        %add3A_311 = vector.broadcast %add3A_310 : i32 to vector<16xi32>
        %add3A_312 = arith.addi %mul3A_290, %add3A_311 : vector<16xi32>
        %gather3A_313 = tpu.vector_load_idx %arg9[%shift_right_logical3A_284, %add3A_312] : memref<64x1152xf32, #tpu.memory_space<vmem>>[vector<16xi32>, vector<16xi32>], vector<16xf32>,
        tpu.vector_store_idx %arg10[%add3A_273, %broadcast_in_dim3A_309], %gather3A_313 : memref<128x128xf32, #tpu.memory_space<vmem>>[vector<16xi32>, vector<16xi32>], vector<16xf32>,
        %broadcast_in_dim3A_314 = arith.constant 4 : i32
        %broadcast_in_dim3A_315 = vector.broadcast %broadcast_in_dim3A_314 : i32 to vector<16xi32>
        %add3A_316 = arith.constant 4 : i32
        %add3A_317 = vector.broadcast %add3A_316 : i32 to vector<16xi32>
        %add3A_318 = arith.addi %mul3A_290, %add3A_317 : vector<16xi32>
        %gather3A_319 = tpu.vector_load_idx %arg9[%shift_right_logical3A_284, %add3A_318] : memref<64x1152xf32, #tpu.memory_space<vmem>>[vector<16xi32>, vector<16xi32>], vector<16xf32>,
        tpu.vector_store_idx %arg10[%add3A_273, %broadcast_in_dim3A_315], %gather3A_319 : memref<128x128xf32, #tpu.memory_space<vmem>>[vector<16xi32>, vector<16xi32>], vector<16xf32>,
        %broadcast_in_dim3A_320 = arith.constant 5 : i32
        %broadcast_in_dim3A_321 = vector.broadcast %broadcast_in_dim3A_320 : i32 to vector<16xi32>
        %add3A_322 = arith.constant 5 : i32
        %add3A_323 = vector.broadcast %add3A_322 : i32 to vector<16xi32>
        %add3A_324 = arith.addi %mul3A_290, %add3A_323 : vector<16xi32>
        %gather3A_325 = tpu.vector_load_idx %arg9[%shift_right_logical3A_284, %add3A_324] : memref<64x1152xf32, #tpu.memory_space<vmem>>[vector<16xi32>, vector<16xi32>], vector<16xf32>,
        tpu.vector_store_idx %arg10[%add3A_273, %broadcast_in_dim3A_321], %gather3A_325 : memref<128x128xf32, #tpu.memory_space<vmem>>[vector<16xi32>, vector<16xi32>], vector<16xf32>,
        %broadcast_in_dim3A_326 = arith.constant 6 : i32
        %broadcast_in_dim3A_327 = vector.broadcast %broadcast_in_dim3A_326 : i32 to vector<16xi32>
        %add3A_328 = arith.constant 6 : i32
        %add3A_329 = vector.broadcast %add3A_328 : i32 to vector<16xi32>
        %add3A_330 = arith.addi %mul3A_290, %add3A_329 : vector<16xi32>
        %gather3A_331 = tpu.vector_load_idx %arg9[%shift_right_logical3A_284, %add3A_330] : memref<64x1152xf32, #tpu.memory_space<vmem>>[vector<16xi32>, vector<16xi32>], vector<16xf32>,
        tpu.vector_store_idx %arg10[%add3A_273, %broadcast_in_dim3A_327], %gather3A_331 : memref<128x128xf32, #tpu.memory_space<vmem>>[vector<16xi32>, vector<16xi32>], vector<16xf32>,
        %broadcast_in_dim3A_332 = arith.constant 7 : i32
        %broadcast_in_dim3A_333 = vector.broadcast %broadcast_in_dim3A_332 : i32 to vector<16xi32>
        %add3A_334 = arith.constant 7 : i32
        %add3A_335 = vector.broadcast %add3A_334 : i32 to vector<16xi32>
        %add3A_336 = arith.addi %mul3A_290, %add3A_335 : vector<16xi32>
        %gather3A_337 = tpu.vector_load_idx %arg9[%shift_right_logical3A_284, %add3A_336] : memref<64x1152xf32, #tpu.memory_space<vmem>>[vector<16xi32>, vector<16xi32>], vector<16xf32>,
        tpu.vector_store_idx %arg10[%add3A_273, %broadcast_in_dim3A_333], %gather3A_337 : memref<128x128xf32, #tpu.memory_space<vmem>>[vector<16xi32>, vector<16xi32>], vector<16xf32>,
        %broadcast_in_dim3A_338 = arith.constant 8 : i32
        %broadcast_in_dim3A_339 = vector.broadcast %broadcast_in_dim3A_338 : i32 to vector<16xi32>
        %add3A_340 = arith.constant 8 : i32
        %add3A_341 = vector.broadcast %add3A_340 : i32 to vector<16xi32>
        %add3A_342 = arith.addi %mul3A_290, %add3A_341 : vector<16xi32>
        %gather3A_343 = tpu.vector_load_idx %arg9[%shift_right_logical3A_284, %add3A_342] : memref<64x1152xf32, #tpu.memory_space<vmem>>[vector<16xi32>, vector<16xi32>], vector<16xf32>,
        tpu.vector_store_idx %arg10[%add3A_273, %broadcast_in_dim3A_339], %gather3A_343 : memref<128x128xf32, #tpu.memory_space<vmem>>[vector<16xi32>, vector<16xi32>], vector<16xf32>,
        %broadcast_in_dim3A_344 = arith.constant 9 : i32
        %broadcast_in_dim3A_345 = vector.broadcast %broadcast_in_dim3A_344 : i32 to vector<16xi32>
        %add3A_346 = arith.constant 9 : i32
        %add3A_347 = vector.broadcast %add3A_346 : i32 to vector<16xi32>
        %add3A_348 = arith.addi %mul3A_290, %add3A_347 : vector<16xi32>
        %gather3A_349 = tpu.vector_load_idx %arg9[%shift_right_logical3A_284, %add3A_348] : memref<64x1152xf32, #tpu.memory_space<vmem>>[vector<16xi32>, vector<16xi32>], vector<16xf32>,
        tpu.vector_store_idx %arg10[%add3A_273, %broadcast_in_dim3A_345], %gather3A_349 : memref<128x128xf32, #tpu.memory_space<vmem>>[vector<16xi32>, vector<16xi32>], vector<16xf32>,
        %broadcast_in_dim3A_350 = arith.constant 10 : i32
        %broadcast_in_dim3A_351 = vector.broadcast %broadcast_in_dim3A_350 : i32 to vector<16xi32>
        %add3A_352 = arith.constant 10 : i32
        %add3A_353 = vector.broadcast %add3A_352 : i32 to vector<16xi32>
        %add3A_354 = arith.addi %mul3A_290, %add3A_353 : vector<16xi32>
        %gather3A_355 = tpu.vector_load_idx %arg9[%shift_right_logical3A_284, %add3A_354] : memref<64x1152xf32, #tpu.memory_space<vmem>>[vector<16xi32>, vector<16xi32>], vector<16xf32>,
        tpu.vector_store_idx %arg10[%add3A_273, %broadcast_in_dim3A_351], %gather3A_355 : memref<128x128xf32, #tpu.memory_space<vmem>>[vector<16xi32>, vector<16xi32>], vector<16xf32>,
        %broadcast_in_dim3A_356 = arith.constant 11 : i32
        %broadcast_in_dim3A_357 = vector.broadcast %broadcast_in_dim3A_356 : i32 to vector<16xi32>
        %add3A_358 = arith.constant 11 : i32
        %add3A_359 = vector.broadcast %add3A_358 : i32 to vector<16xi32>
        %add3A_360 = arith.addi %mul3A_290, %add3A_359 : vector<16xi32>
        %gather3A_361 = tpu.vector_load_idx %arg9[%shift_right_logical3A_284, %add3A_360] : memref<64x1152xf32, #tpu.memory_space<vmem>>[vector<16xi32>, vector<16xi32>], vector<16xf32>,
        tpu.vector_store_idx %arg10[%add3A_273, %broadcast_in_dim3A_357], %gather3A_361 : memref<128x128xf32, #tpu.memory_space<vmem>>[vector<16xi32>, vector<16xi32>], vector<16xf32>,
        %broadcast_in_dim3A_362 = arith.constant 12 : i32
        %broadcast_in_dim3A_363 = vector.broadcast %broadcast_in_dim3A_362 : i32 to vector<16xi32>
        %add3A_364 = arith.constant 12 : i32
        %add3A_365 = vector.broadcast %add3A_364 : i32 to vector<16xi32>
        %add3A_366 = arith.addi %mul3A_290, %add3A_365 : vector<16xi32>
        %gather3A_367 = tpu.vector_load_idx %arg9[%shift_right_logical3A_284, %add3A_366] : memref<64x1152xf32, #tpu.memory_space<vmem>>[vector<16xi32>, vector<16xi32>], vector<16xf32>,
        tpu.vector_store_idx %arg10[%add3A_273, %broadcast_in_dim3A_363], %gather3A_367 : memref<128x128xf32, #tpu.memory_space<vmem>>[vector<16xi32>, vector<16xi32>], vector<16xf32>,
        %broadcast_in_dim3A_368 = arith.constant 13 : i32
        %broadcast_in_dim3A_369 = vector.broadcast %broadcast_in_dim3A_368 : i32 to vector<16xi32>
        %add3A_370 = arith.constant 13 : i32
        %add3A_371 = vector.broadcast %add3A_370 : i32 to vector<16xi32>
        %add3A_372 = arith.addi %mul3A_290, %add3A_371 : vector<16xi32>
        %gather3A_373 = tpu.vector_load_idx %arg9[%shift_right_logical3A_284, %add3A_372] : memref<64x1152xf32, #tpu.memory_space<vmem>>[vector<16xi32>, vector<16xi32>], vector<16xf32>,
        tpu.vector_store_idx %arg10[%add3A_273, %broadcast_in_dim3A_369], %gather3A_373 : memref<128x128xf32, #tpu.memory_space<vmem>>[vector<16xi32>, vector<16xi32>], vector<16xf32>,
        %broadcast_in_dim3A_374 = arith.constant 14 : i32
        %broadcast_in_dim3A_375 = vector.broadcast %broadcast_in_dim3A_374 : i32 to vector<16xi32>
        %add3A_376 = arith.constant 14 : i32
        %add3A_377 = vector.broadcast %add3A_376 : i32 to vector<16xi32>
        %add3A_378 = arith.addi %mul3A_290, %add3A_377 : vector<16xi32>
        %gather3A_379 = tpu.vector_load_idx %arg9[%shift_right_logical3A_284, %add3A_378] : memref<64x1152xf32, #tpu.memory_space<vmem>>[vector<16xi32>, vector<16xi32>], vector<16xf32>,
        tpu.vector_store_idx %arg10[%add3A_273, %broadcast_in_dim3A_375], %gather3A_379 : memref<128x128xf32, #tpu.memory_space<vmem>>[vector<16xi32>, vector<16xi32>], vector<16xf32>,
        %broadcast_in_dim3A_380 = arith.constant 15 : i32
        %broadcast_in_dim3A_381 = vector.broadcast %broadcast_in_dim3A_380 : i32 to vector<16xi32>
        %add3A_382 = arith.constant 15 : i32
        %add3A_383 = vector.broadcast %add3A_382 : i32 to vector<16xi32>
        %add3A_384 = arith.addi %mul3A_290, %add3A_383 : vector<16xi32>
        %gather3A_385 = tpu.vector_load_idx %arg9[%shift_right_logical3A_284, %add3A_384] : memref<64x1152xf32, #tpu.memory_space<vmem>>[vector<16xi32>, vector<16xi32>], vector<16xf32>,
        tpu.vector_store_idx %arg10[%add3A_273, %broadcast_in_dim3A_381], %gather3A_385 : memref<128x128xf32, #tpu.memory_space<vmem>>[vector<16xi32>, vector<16xi32>], vector<16xf32>,
        %broadcast_in_dim3A_386 = arith.constant 16 : i32
        %broadcast_in_dim3A_387 = vector.broadcast %broadcast_in_dim3A_386 : i32 to vector<16xi32>
        %add3A_388 = arith.constant 16 : i32
        %add3A_389 = vector.broadcast %add3A_388 : i32 to vector<16xi32>
        %add3A_390 = arith.addi %mul3A_290, %add3A_389 : vector<16xi32>
        %gather3A_391 = tpu.vector_load_idx %arg9[%shift_right_logical3A_284, %add3A_390] : memref<64x1152xf32, #tpu.memory_space<vmem>>[vector<16xi32>, vector<16xi32>], vector<16xf32>,
        tpu.vector_store_idx %arg10[%add3A_273, %broadcast_in_dim3A_387], %gather3A_391 : memref<128x128xf32, #tpu.memory_space<vmem>>[vector<16xi32>, vector<16xi32>], vector<16xf32>,
        %broadcast_in_dim3A_392 = arith.constant 17 : i32
        %broadcast_in_dim3A_393 = vector.broadcast %broadcast_in_dim3A_392 : i32 to vector<16xi32>
        %add3A_394 = arith.constant 17 : i32
        %add3A_395 = vector.broadcast %add3A_394 : i32 to vector<16xi32>
        %add3A_396 = arith.addi %mul3A_290, %add3A_395 : vector<16xi32>
        %gather3A_397 = tpu.vector_load_idx %arg9[%shift_right_logical3A_284, %add3A_396] : memref<64x1152xf32, #tpu.memory_space<vmem>>[vector<16xi32>, vector<16xi32>], vector<16xf32>,
        tpu.vector_store_idx %arg10[%add3A_273, %broadcast_in_dim3A_393], %gather3A_397 : memref<128x128xf32, #tpu.memory_space<vmem>>[vector<16xi32>, vector<16xi32>], vector<16xf32>,
        %broadcast_in_dim3A_398 = arith.constant 18 : i32
        %broadcast_in_dim3A_399 = vector.broadcast %broadcast_in_dim3A_398 : i32 to vector<16xi32>
        %add3A_400 = arith.constant 18 : i32
        %add3A_401 = vector.broadcast %add3A_400 : i32 to vector<16xi32>
        %add3A_402 = arith.addi %mul3A_290, %add3A_401 : vector<16xi32>
        %gather3A_403 = tpu.vector_load_idx %arg9[%shift_right_logical3A_284, %add3A_402] : memref<64x1152xf32, #tpu.memory_space<vmem>>[vector<16xi32>, vector<16xi32>], vector<16xf32>,
        tpu.vector_store_idx %arg10[%add3A_273, %broadcast_in_dim3A_399], %gather3A_403 : memref<128x128xf32, #tpu.memory_space<vmem>>[vector<16xi32>, vector<16xi32>], vector<16xf32>,
        %broadcast_in_dim3A_404 = arith.constant 19 : i32
        %broadcast_in_dim3A_405 = vector.broadcast %broadcast_in_dim3A_404 : i32 to vector<16xi32>
        %add3A_406 = arith.constant 19 : i32
        %add3A_407 = vector.broadcast %add3A_406 : i32 to vector<16xi32>
        %add3A_408 = arith.addi %mul3A_290, %add3A_407 : vector<16xi32>
        %gather3A_409 = tpu.vector_load_idx %arg9[%shift_right_logical3A_284, %add3A_408] : memref<64x1152xf32, #tpu.memory_space<vmem>>[vector<16xi32>, vector<16xi32>], vector<16xf32>,
        tpu.vector_store_idx %arg10[%add3A_273, %broadcast_in_dim3A_405], %gather3A_409 : memref<128x128xf32, #tpu.memory_space<vmem>>[vector<16xi32>, vector<16xi32>], vector<16xf32>,
        %broadcast_in_dim3A_410 = arith.constant 20 : i32
        %broadcast_in_dim3A_411 = vector.broadcast %broadcast_in_dim3A_410 : i32 to vector<16xi32>
        %add3A_412 = arith.constant 20 : i32
        %add3A_413 = vector.broadcast %add3A_412 : i32 to vector<16xi32>
        %add3A_414 = arith.addi %mul3A_290, %add3A_413 : vector<16xi32>
        %gather3A_415 = tpu.vector_load_idx %arg9[%shift_right_logical3A_284, %add3A_414] : memref<64x1152xf32, #tpu.memory_space<vmem>>[vector<16xi32>, vector<16xi32>], vector<16xf32>,
        tpu.vector_store_idx %arg10[%add3A_273, %broadcast_in_dim3A_411], %gather3A_415 : memref<128x128xf32, #tpu.memory_space<vmem>>[vector<16xi32>, vector<16xi32>], vector<16xf32>,
        %broadcast_in_dim3A_416 = arith.constant 21 : i32
        %broadcast_in_dim3A_417 = vector.broadcast %broadcast_in_dim3A_416 : i32 to vector<16xi32>
        %add3A_418 = arith.constant 21 : i32
        %add3A_419 = vector.broadcast %add3A_418 : i32 to vector<16xi32>
        %add3A_420 = arith.addi %mul3A_290, %add3A_419 : vector<16xi32>
        %gather3A_421 = tpu.vector_load_idx %arg9[%shift_right_logical3A_284, %add3A_420] : memref<64x1152xf32, #tpu.memory_space<vmem>>[vector<16xi32>, vector<16xi32>], vector<16xf32>,
        tpu.vector_store_idx %arg10[%add3A_273, %broadcast_in_dim3A_417], %gather3A_421 : memref<128x128xf32, #tpu.memory_space<vmem>>[vector<16xi32>, vector<16xi32>], vector<16xf32>,
        %broadcast_in_dim3A_422 = arith.constant 22 : i32
        %broadcast_in_dim3A_423 = vector.broadcast %broadcast_in_dim3A_422 : i32 to vector<16xi32>
        %add3A_424 = arith.constant 22 : i32
        %add3A_425 = vector.broadcast %add3A_424 : i32 to vector<16xi32>
        %add3A_426 = arith.addi %mul3A_290, %add3A_425 : vector<16xi32>
        %gather3A_427 = tpu.vector_load_idx %arg9[%shift_right_logical3A_284, %add3A_426] : memref<64x1152xf32, #tpu.memory_space<vmem>>[vector<16xi32>, vector<16xi32>], vector<16xf32>,
        tpu.vector_store_idx %arg10[%add3A_273, %broadcast_in_dim3A_423], %gather3A_427 : memref<128x128xf32, #tpu.memory_space<vmem>>[vector<16xi32>, vector<16xi32>], vector<16xf32>,
        %broadcast_in_dim3A_428 = arith.constant 23 : i32
        %broadcast_in_dim3A_429 = vector.broadcast %broadcast_in_dim3A_428 : i32 to vector<16xi32>
        %add3A_430 = arith.constant 23 : i32
        %add3A_431 = vector.broadcast %add3A_430 : i32 to vector<16xi32>
        %add3A_432 = arith.addi %mul3A_290, %add3A_431 : vector<16xi32>
        %gather3A_433 = tpu.vector_load_idx %arg9[%shift_right_logical3A_284, %add3A_432] : memref<64x1152xf32, #tpu.memory_space<vmem>>[vector<16xi32>, vector<16xi32>], vector<16xf32>,
        tpu.vector_store_idx %arg10[%add3A_273, %broadcast_in_dim3A_429], %gather3A_433 : memref<128x128xf32, #tpu.memory_space<vmem>>[vector<16xi32>, vector<16xi32>], vector<16xf32>,
        %broadcast_in_dim3A_434 = arith.constant 24 : i32
        %broadcast_in_dim3A_435 = vector.broadcast %broadcast_in_dim3A_434 : i32 to vector<16xi32>
        %add3A_436 = arith.constant 24 : i32
        %add3A_437 = vector.broadcast %add3A_436 : i32 to vector<16xi32>
        %add3A_438 = arith.addi %mul3A_290, %add3A_437 : vector<16xi32>
        %gather3A_439 = tpu.vector_load_idx %arg9[%shift_right_logical3A_284, %add3A_438] : memref<64x1152xf32, #tpu.memory_space<vmem>>[vector<16xi32>, vector<16xi32>], vector<16xf32>,
        tpu.vector_store_idx %arg10[%add3A_273, %broadcast_in_dim3A_435], %gather3A_439 : memref<128x128xf32, #tpu.memory_space<vmem>>[vector<16xi32>, vector<16xi32>], vector<16xf32>,
        %broadcast_in_dim3A_440 = arith.constant 25 : i32
        %broadcast_in_dim3A_441 = vector.broadcast %broadcast_in_dim3A_440 : i32 to vector<16xi32>
        %add3A_442 = arith.constant 25 : i32
        %add3A_443 = vector.broadcast %add3A_442 : i32 to vector<16xi32>
        %add3A_444 = arith.addi %mul3A_290, %add3A_443 : vector<16xi32>
        %gather3A_445 = tpu.vector_load_idx %arg9[%shift_right_logical3A_284, %add3A_444] : memref<64x1152xf32, #tpu.memory_space<vmem>>[vector<16xi32>, vector<16xi32>], vector<16xf32>,
        tpu.vector_store_idx %arg10[%add3A_273, %broadcast_in_dim3A_441], %gather3A_445 : memref<128x128xf32, #tpu.memory_space<vmem>>[vector<16xi32>, vector<16xi32>], vector<16xf32>,
        %broadcast_in_dim3A_446 = arith.constant 26 : i32
        %broadcast_in_dim3A_447 = vector.broadcast %broadcast_in_dim3A_446 : i32 to vector<16xi32>
        %add3A_448 = arith.constant 26 : i32
        %add3A_449 = vector.broadcast %add3A_448 : i32 to vector<16xi32>
        %add3A_450 = arith.addi %mul3A_290, %add3A_449 : vector<16xi32>
        %gather3A_451 = tpu.vector_load_idx %arg9[%shift_right_logical3A_284, %add3A_450] : memref<64x1152xf32, #tpu.memory_space<vmem>>[vector<16xi32>, vector<16xi32>], vector<16xf32>,
        tpu.vector_store_idx %arg10[%add3A_273, %broadcast_in_dim3A_447], %gather3A_451 : memref<128x128xf32, #tpu.memory_space<vmem>>[vector<16xi32>, vector<16xi32>], vector<16xf32>,
        %broadcast_in_dim3A_452 = arith.constant 27 : i32
        %broadcast_in_dim3A_453 = vector.broadcast %broadcast_in_dim3A_452 : i32 to vector<16xi32>
        %add3A_454 = arith.constant 27 : i32
        %add3A_455 = vector.broadcast %add3A_454 : i32 to vector<16xi32>
        %add3A_456 = arith.addi %mul3A_290, %add3A_455 : vector<16xi32>
        %gather3A_457 = tpu.vector_load_idx %arg9[%shift_right_logical3A_284, %add3A_456] : memref<64x1152xf32, #tpu.memory_space<vmem>>[vector<16xi32>, vector<16xi32>], vector<16xf32>,
        tpu.vector_store_idx %arg10[%add3A_273, %broadcast_in_dim3A_453], %gather3A_457 : memref<128x128xf32, #tpu.memory_space<vmem>>[vector<16xi32>, vector<16xi32>], vector<16xf32>,
        %broadcast_in_dim3A_458 = arith.constant 28 : i32
        %broadcast_in_dim3A_459 = vector.broadcast %broadcast_in_dim3A_458 : i32 to vector<16xi32>
        %add3A_460 = arith.constant 28 : i32
        %add3A_461 = vector.broadcast %add3A_460 : i32 to vector<16xi32>
        %add3A_462 = arith.addi %mul3A_290, %add3A_461 : vector<16xi32>
        %gather3A_463 = tpu.vector_load_idx %arg9[%shift_right_logical3A_284, %add3A_462] : memref<64x1152xf32, #tpu.memory_space<vmem>>[vector<16xi32>, vector<16xi32>], vector<16xf32>,
        tpu.vector_store_idx %arg10[%add3A_273, %broadcast_in_dim3A_459], %gather3A_463 : memref<128x128xf32, #tpu.memory_space<vmem>>[vector<16xi32>, vector<16xi32>], vector<16xf32>,
        %broadcast_in_dim3A_464 = arith.constant 29 : i32
        %broadcast_in_dim3A_465 = vector.broadcast %broadcast_in_dim3A_464 : i32 to vector<16xi32>
        %add3A_466 = arith.constant 29 : i32
        %add3A_467 = vector.broadcast %add3A_466 : i32 to vector<16xi32>
        %add3A_468 = arith.addi %mul3A_290, %add3A_467 : vector<16xi32>
        %gather3A_469 = tpu.vector_load_idx %arg9[%shift_right_logical3A_284, %add3A_468] : memref<64x1152xf32, #tpu.memory_space<vmem>>[vector<16xi32>, vector<16xi32>], vector<16xf32>,
        tpu.vector_store_idx %arg10[%add3A_273, %broadcast_in_dim3A_465], %gather3A_469 : memref<128x128xf32, #tpu.memory_space<vmem>>[vector<16xi32>, vector<16xi32>], vector<16xf32>,
        %broadcast_in_dim3A_470 = arith.constant 30 : i32
        %broadcast_in_dim3A_471 = vector.broadcast %broadcast_in_dim3A_470 : i32 to vector<16xi32>
        %add3A_472 = arith.constant 30 : i32
        %add3A_473 = vector.broadcast %add3A_472 : i32 to vector<16xi32>
        %add3A_474 = arith.addi %mul3A_290, %add3A_473 : vector<16xi32>
        %gather3A_475 = tpu.vector_load_idx %arg9[%shift_right_logical3A_284, %add3A_474] : memref<64x1152xf32, #tpu.memory_space<vmem>>[vector<16xi32>, vector<16xi32>], vector<16xf32>,
        tpu.vector_store_idx %arg10[%add3A_273, %broadcast_in_dim3A_471], %gather3A_475 : memref<128x128xf32, #tpu.memory_space<vmem>>[vector<16xi32>, vector<16xi32>], vector<16xf32>,
        %broadcast_in_dim3A_476 = arith.constant 31 : i32
        %broadcast_in_dim3A_477 = vector.broadcast %broadcast_in_dim3A_476 : i32 to vector<16xi32>
        %add3A_478 = arith.constant 31 : i32
        %add3A_479 = vector.broadcast %add3A_478 : i32 to vector<16xi32>
        %add3A_480 = arith.addi %mul3A_290, %add3A_479 : vector<16xi32>
        %gather3A_481 = tpu.vector_load_idx %arg9[%shift_right_logical3A_284, %add3A_480] : memref<64x1152xf32, #tpu.memory_space<vmem>>[vector<16xi32>, vector<16xi32>], vector<16xf32>,
        tpu.vector_store_idx %arg10[%add3A_273, %broadcast_in_dim3A_477], %gather3A_481 : memref<128x128xf32, #tpu.memory_space<vmem>>[vector<16xi32>, vector<16xi32>], vector<16xf32>,
        %broadcast_in_dim3A_482 = arith.constant 32 : i32
        %broadcast_in_dim3A_483 = vector.broadcast %broadcast_in_dim3A_482 : i32 to vector<16xi32>
        %add3A_484 = arith.constant 32 : i32
        %add3A_485 = vector.broadcast %add3A_484 : i32 to vector<16xi32>
        %add3A_486 = arith.addi %mul3A_290, %add3A_485 : vector<16xi32>
        %gather3A_487 = tpu.vector_load_idx %arg9[%shift_right_logical3A_284, %add3A_486] : memref<64x1152xf32, #tpu.memory_space<vmem>>[vector<16xi32>, vector<16xi32>], vector<16xf32>,
        tpu.vector_store_idx %arg10[%add3A_273, %broadcast_in_dim3A_483], %gather3A_487 : memref<128x128xf32, #tpu.memory_space<vmem>>[vector<16xi32>, vector<16xi32>], vector<16xf32>,
        %broadcast_in_dim3A_488 = arith.constant 33 : i32
        %broadcast_in_dim3A_489 = vector.broadcast %broadcast_in_dim3A_488 : i32 to vector<16xi32>
        %add3A_490 = arith.constant 33 : i32
        %add3A_491 = vector.broadcast %add3A_490 : i32 to vector<16xi32>
        %add3A_492 = arith.addi %mul3A_290, %add3A_491 : vector<16xi32>
        %gather3A_493 = tpu.vector_load_idx %arg9[%shift_right_logical3A_284, %add3A_492] : memref<64x1152xf32, #tpu.memory_space<vmem>>[vector<16xi32>, vector<16xi32>], vector<16xf32>,
        tpu.vector_store_idx %arg10[%add3A_273, %broadcast_in_dim3A_489], %gather3A_493 : memref<128x128xf32, #tpu.memory_space<vmem>>[vector<16xi32>, vector<16xi32>], vector<16xf32>,
        %broadcast_in_dim3A_494 = arith.constant 34 : i32
        %broadcast_in_dim3A_495 = vector.broadcast %broadcast_in_dim3A_494 : i32 to vector<16xi32>
        %add3A_496 = arith.constant 34 : i32
        %add3A_497 = vector.broadcast %add3A_496 : i32 to vector<16xi32>
        %add3A_498 = arith.addi %mul3A_290, %add3A_497 : vector<16xi32>
        %gather3A_499 = tpu.vector_load_idx %arg9[%shift_right_logical3A_284, %add3A_498] : memref<64x1152xf32, #tpu.memory_space<vmem>>[vector<16xi32>, vector<16xi32>], vector<16xf32>,
        tpu.vector_store_idx %arg10[%add3A_273, %broadcast_in_dim3A_495], %gather3A_499 : memref<128x128xf32, #tpu.memory_space<vmem>>[vector<16xi32>, vector<16xi32>], vector<16xf32>,
        %broadcast_in_dim3A_500 = arith.constant 35 : i32
        %broadcast_in_dim3A_501 = vector.broadcast %broadcast_in_dim3A_500 : i32 to vector<16xi32>
        %add3A_502 = arith.constant 35 : i32
        %add3A_503 = vector.broadcast %add3A_502 : i32 to vector<16xi32>
        %add3A_504 = arith.addi %mul3A_290, %add3A_503 : vector<16xi32>
        %gather3A_505 = tpu.vector_load_idx %arg9[%shift_right_logical3A_284, %add3A_504] : memref<64x1152xf32, #tpu.memory_space<vmem>>[vector<16xi32>, vector<16xi32>], vector<16xf32>,
        tpu.vector_store_idx %arg10[%add3A_273, %broadcast_in_dim3A_501], %gather3A_505 : memref<128x128xf32, #tpu.memory_space<vmem>>[vector<16xi32>, vector<16xi32>], vector<16xf32>,
        %broadcast_in_dim3A_506 = arith.constant 36 : i32
        %broadcast_in_dim3A_507 = vector.broadcast %broadcast_in_dim3A_506 : i32 to vector<16xi32>
        %add3A_508 = arith.constant 36 : i32
        %add3A_509 = vector.broadcast %add3A_508 : i32 to vector<16xi32>
        %add3A_510 = arith.addi %mul3A_290, %add3A_509 : vector<16xi32>
        %gather3A_511 = tpu.vector_load_idx %arg9[%shift_right_logical3A_284, %add3A_510] : memref<64x1152xf32, #tpu.memory_space<vmem>>[vector<16xi32>, vector<16xi32>], vector<16xf32>,
        tpu.vector_store_idx %arg10[%add3A_273, %broadcast_in_dim3A_507], %gather3A_511 : memref<128x128xf32, #tpu.memory_space<vmem>>[vector<16xi32>, vector<16xi32>], vector<16xf32>,
        %broadcast_in_dim3A_512 = arith.constant 37 : i32
        %broadcast_in_dim3A_513 = vector.broadcast %broadcast_in_dim3A_512 : i32 to vector<16xi32>
        %add3A_514 = arith.constant 37 : i32
        %add3A_515 = vector.broadcast %add3A_514 : i32 to vector<16xi32>
        %add3A_516 = arith.addi %mul3A_290, %add3A_515 : vector<16xi32>
        %gather3A_517 = tpu.vector_load_idx %arg9[%shift_right_logical3A_284, %add3A_516] : memref<64x1152xf32, #tpu.memory_space<vmem>>[vector<16xi32>, vector<16xi32>], vector<16xf32>,
        tpu.vector_store_idx %arg10[%add3A_273, %broadcast_in_dim3A_513], %gather3A_517 : memref<128x128xf32, #tpu.memory_space<vmem>>[vector<16xi32>, vector<16xi32>], vector<16xf32>,
        %broadcast_in_dim3A_518 = arith.constant 38 : i32
        %broadcast_in_dim3A_519 = vector.broadcast %broadcast_in_dim3A_518 : i32 to vector<16xi32>
        %add3A_520 = arith.constant 38 : i32
        %add3A_521 = vector.broadcast %add3A_520 : i32 to vector<16xi32>
        %add3A_522 = arith.addi %mul3A_290, %add3A_521 : vector<16xi32>
        %gather3A_523 = tpu.vector_load_idx %arg9[%shift_right_logical3A_284, %add3A_522] : memref<64x1152xf32, #tpu.memory_space<vmem>>[vector<16xi32>, vector<16xi32>], vector<16xf32>,
        tpu.vector_store_idx %arg10[%add3A_273, %broadcast_in_dim3A_519], %gather3A_523 : memref<128x128xf32, #tpu.memory_space<vmem>>[vector<16xi32>, vector<16xi32>], vector<16xf32>,
        %broadcast_in_dim3A_524 = arith.constant 39 : i32
        %broadcast_in_dim3A_525 = vector.broadcast %broadcast_in_dim3A_524 : i32 to vector<16xi32>
        %add3A_526 = arith.constant 39 : i32
        %add3A_527 = vector.broadcast %add3A_526 : i32 to vector<16xi32>
        %add3A_528 = arith.addi %mul3A_290, %add3A_527 : vector<16xi32>
        %gather3A_529 = tpu.vector_load_idx %arg9[%shift_right_logical3A_284, %add3A_528] : memref<64x1152xf32, #tpu.memory_space<vmem>>[vector<16xi32>, vector<16xi32>], vector<16xf32>,
        tpu.vector_store_idx %arg10[%add3A_273, %broadcast_in_dim3A_525], %gather3A_529 : memref<128x128xf32, #tpu.memory_space<vmem>>[vector<16xi32>, vector<16xi32>], vector<16xf32>,
        %broadcast_in_dim3A_530 = arith.constant 40 : i32
        %broadcast_in_dim3A_531 = vector.broadcast %broadcast_in_dim3A_530 : i32 to vector<16xi32>
        %add3A_532 = arith.constant 40 : i32
        %add3A_533 = vector.broadcast %add3A_532 : i32 to vector<16xi32>
        %add3A_534 = arith.addi %mul3A_290, %add3A_533 : vector<16xi32>
        %gather3A_535 = tpu.vector_load_idx %arg9[%shift_right_logical3A_284, %add3A_534] : memref<64x1152xf32, #tpu.memory_space<vmem>>[vector<16xi32>, vector<16xi32>], vector<16xf32>,
        tpu.vector_store_idx %arg10[%add3A_273, %broadcast_in_dim3A_531], %gather3A_535 : memref<128x128xf32, #tpu.memory_space<vmem>>[vector<16xi32>, vector<16xi32>], vector<16xf32>,
        %broadcast_in_dim3A_536 = arith.constant 41 : i32
        %broadcast_in_dim3A_537 = vector.broadcast %broadcast_in_dim3A_536 : i32 to vector<16xi32>
        %add3A_538 = arith.constant 41 : i32
        %add3A_539 = vector.broadcast %add3A_538 : i32 to vector<16xi32>
        %add3A_540 = arith.addi %mul3A_290, %add3A_539 : vector<16xi32>
        %gather3A_541 = tpu.vector_load_idx %arg9[%shift_right_logical3A_284, %add3A_540] : memref<64x1152xf32, #tpu.memory_space<vmem>>[vector<16xi32>, vector<16xi32>], vector<16xf32>,
        tpu.vector_store_idx %arg10[%add3A_273, %broadcast_in_dim3A_537], %gather3A_541 : memref<128x128xf32, #tpu.memory_space<vmem>>[vector<16xi32>, vector<16xi32>], vector<16xf32>,
        %broadcast_in_dim3A_542 = arith.constant 42 : i32
        %broadcast_in_dim3A_543 = vector.broadcast %broadcast_in_dim3A_542 : i32 to vector<16xi32>
        %add3A_544 = arith.constant 42 : i32
        %add3A_545 = vector.broadcast %add3A_544 : i32 to vector<16xi32>
        %add3A_546 = arith.addi %mul3A_290, %add3A_545 : vector<16xi32>
        %gather3A_547 = tpu.vector_load_idx %arg9[%shift_right_logical3A_284, %add3A_546] : memref<64x1152xf32, #tpu.memory_space<vmem>>[vector<16xi32>, vector<16xi32>], vector<16xf32>,
        tpu.vector_store_idx %arg10[%add3A_273, %broadcast_in_dim3A_543], %gather3A_547 : memref<128x128xf32, #tpu.memory_space<vmem>>[vector<16xi32>, vector<16xi32>], vector<16xf32>,
        %broadcast_in_dim3A_548 = arith.constant 43 : i32
        %broadcast_in_dim3A_549 = vector.broadcast %broadcast_in_dim3A_548 : i32 to vector<16xi32>
        %add3A_550 = arith.constant 43 : i32
        %add3A_551 = vector.broadcast %add3A_550 : i32 to vector<16xi32>
        %add3A_552 = arith.addi %mul3A_290, %add3A_551 : vector<16xi32>
        %gather3A_553 = tpu.vector_load_idx %arg9[%shift_right_logical3A_284, %add3A_552] : memref<64x1152xf32, #tpu.memory_space<vmem>>[vector<16xi32>, vector<16xi32>], vector<16xf32>,
        tpu.vector_store_idx %arg10[%add3A_273, %broadcast_in_dim3A_549], %gather3A_553 : memref<128x128xf32, #tpu.memory_space<vmem>>[vector<16xi32>, vector<16xi32>], vector<16xf32>,
        %broadcast_in_dim3A_554 = arith.constant 44 : i32
        %broadcast_in_dim3A_555 = vector.broadcast %broadcast_in_dim3A_554 : i32 to vector<16xi32>
        %add3A_556 = arith.constant 44 : i32
        %add3A_557 = vector.broadcast %add3A_556 : i32 to vector<16xi32>
        %add3A_558 = arith.addi %mul3A_290, %add3A_557 : vector<16xi32>
        %gather3A_559 = tpu.vector_load_idx %arg9[%shift_right_logical3A_284, %add3A_558] : memref<64x1152xf32, #tpu.memory_space<vmem>>[vector<16xi32>, vector<16xi32>], vector<16xf32>,
        tpu.vector_store_idx %arg10[%add3A_273, %broadcast_in_dim3A_555], %gather3A_559 : memref<128x128xf32, #tpu.memory_space<vmem>>[vector<16xi32>, vector<16xi32>], vector<16xf32>,
        %broadcast_in_dim3A_560 = arith.constant 45 : i32
        %broadcast_in_dim3A_561 = vector.broadcast %broadcast_in_dim3A_560 : i32 to vector<16xi32>
        %add3A_562 = arith.constant 45 : i32
        %add3A_563 = vector.broadcast %add3A_562 : i32 to vector<16xi32>
        %add3A_564 = arith.addi %mul3A_290, %add3A_563 : vector<16xi32>
        %gather3A_565 = tpu.vector_load_idx %arg9[%shift_right_logical3A_284, %add3A_564] : memref<64x1152xf32, #tpu.memory_space<vmem>>[vector<16xi32>, vector<16xi32>], vector<16xf32>,
        tpu.vector_store_idx %arg10[%add3A_273, %broadcast_in_dim3A_561], %gather3A_565 : memref<128x128xf32, #tpu.memory_space<vmem>>[vector<16xi32>, vector<16xi32>], vector<16xf32>,
        %broadcast_in_dim3A_566 = arith.constant 46 : i32
        %broadcast_in_dim3A_567 = vector.broadcast %broadcast_in_dim3A_566 : i32 to vector<16xi32>
        %add3A_568 = arith.constant 46 : i32
        %add3A_569 = vector.broadcast %add3A_568 : i32 to vector<16xi32>
        %add3A_570 = arith.addi %mul3A_290, %add3A_569 : vector<16xi32>
        %gather3A_571 = tpu.vector_load_idx %arg9[%shift_right_logical3A_284, %add3A_570] : memref<64x1152xf32, #tpu.memory_space<vmem>>[vector<16xi32>, vector<16xi32>], vector<16xf32>,
        tpu.vector_store_idx %arg10[%add3A_273, %broadcast_in_dim3A_567], %gather3A_571 : memref<128x128xf32, #tpu.memory_space<vmem>>[vector<16xi32>, vector<16xi32>], vector<16xf32>,
        %broadcast_in_dim3A_572 = arith.constant 47 : i32
        %broadcast_in_dim3A_573 = vector.broadcast %broadcast_in_dim3A_572 : i32 to vector<16xi32>
        %add3A_574 = arith.constant 47 : i32
        %add3A_575 = vector.broadcast %add3A_574 : i32 to vector<16xi32>
        %add3A_576 = arith.addi %mul3A_290, %add3A_575 : vector<16xi32>
        %gather3A_577 = tpu.vector_load_idx %arg9[%shift_right_logical3A_284, %add3A_576] : memref<64x1152xf32, #tpu.memory_space<vmem>>[vector<16xi32>, vector<16xi32>], vector<16xf32>,
        tpu.vector_store_idx %arg10[%add3A_273, %broadcast_in_dim3A_573], %gather3A_577 : memref<128x128xf32, #tpu.memory_space<vmem>>[vector<16xi32>, vector<16xi32>], vector<16xf32>,
        %broadcast_in_dim3A_578 = arith.constant 48 : i32
        %broadcast_in_dim3A_579 = vector.broadcast %broadcast_in_dim3A_578 : i32 to vector<16xi32>
        %add3A_580 = arith.constant 48 : i32
        %add3A_581 = vector.broadcast %add3A_580 : i32 to vector<16xi32>
        %add3A_582 = arith.addi %mul3A_290, %add3A_581 : vector<16xi32>
        %gather3A_583 = tpu.vector_load_idx %arg9[%shift_right_logical3A_284, %add3A_582] : memref<64x1152xf32, #tpu.memory_space<vmem>>[vector<16xi32>, vector<16xi32>], vector<16xf32>,
        tpu.vector_store_idx %arg10[%add3A_273, %broadcast_in_dim3A_579], %gather3A_583 : memref<128x128xf32, #tpu.memory_space<vmem>>[vector<16xi32>, vector<16xi32>], vector<16xf32>,
        %broadcast_in_dim3A_584 = arith.constant 49 : i32
        %broadcast_in_dim3A_585 = vector.broadcast %broadcast_in_dim3A_584 : i32 to vector<16xi32>
        %add3A_586 = arith.constant 49 : i32
        %add3A_587 = vector.broadcast %add3A_586 : i32 to vector<16xi32>
        %add3A_588 = arith.addi %mul3A_290, %add3A_587 : vector<16xi32>
        %gather3A_589 = tpu.vector_load_idx %arg9[%shift_right_logical3A_284, %add3A_588] : memref<64x1152xf32, #tpu.memory_space<vmem>>[vector<16xi32>, vector<16xi32>], vector<16xf32>,
        tpu.vector_store_idx %arg10[%add3A_273, %broadcast_in_dim3A_585], %gather3A_589 : memref<128x128xf32, #tpu.memory_space<vmem>>[vector<16xi32>, vector<16xi32>], vector<16xf32>,
        %broadcast_in_dim3A_590 = arith.constant 50 : i32
        %broadcast_in_dim3A_591 = vector.broadcast %broadcast_in_dim3A_590 : i32 to vector<16xi32>
        %add3A_592 = arith.constant 50 : i32
        %add3A_593 = vector.broadcast %add3A_592 : i32 to vector<16xi32>
        %add3A_594 = arith.addi %mul3A_290, %add3A_593 : vector<16xi32>
        %gather3A_595 = tpu.vector_load_idx %arg9[%shift_right_logical3A_284, %add3A_594] : memref<64x1152xf32, #tpu.memory_space<vmem>>[vector<16xi32>, vector<16xi32>], vector<16xf32>,
        tpu.vector_store_idx %arg10[%add3A_273, %broadcast_in_dim3A_591], %gather3A_595 : memref<128x128xf32, #tpu.memory_space<vmem>>[vector<16xi32>, vector<16xi32>], vector<16xf32>,
        %broadcast_in_dim3A_596 = arith.constant 51 : i32
        %broadcast_in_dim3A_597 = vector.broadcast %broadcast_in_dim3A_596 : i32 to vector<16xi32>
        %add3A_598 = arith.constant 51 : i32
        %add3A_599 = vector.broadcast %add3A_598 : i32 to vector<16xi32>
        %add3A_600 = arith.addi %mul3A_290, %add3A_599 : vector<16xi32>
        %gather3A_601 = tpu.vector_load_idx %arg9[%shift_right_logical3A_284, %add3A_600] : memref<64x1152xf32, #tpu.memory_space<vmem>>[vector<16xi32>, vector<16xi32>], vector<16xf32>,
        tpu.vector_store_idx %arg10[%add3A_273, %broadcast_in_dim3A_597], %gather3A_601 : memref<128x128xf32, #tpu.memory_space<vmem>>[vector<16xi32>, vector<16xi32>], vector<16xf32>,
        %broadcast_in_dim3A_602 = arith.constant 52 : i32
        %broadcast_in_dim3A_603 = vector.broadcast %broadcast_in_dim3A_602 : i32 to vector<16xi32>
        %add3A_604 = arith.constant 52 : i32
        %add3A_605 = vector.broadcast %add3A_604 : i32 to vector<16xi32>
        %add3A_606 = arith.addi %mul3A_290, %add3A_605 : vector<16xi32>
        %gather3A_607 = tpu.vector_load_idx %arg9[%shift_right_logical3A_284, %add3A_606] : memref<64x1152xf32, #tpu.memory_space<vmem>>[vector<16xi32>, vector<16xi32>], vector<16xf32>,
        tpu.vector_store_idx %arg10[%add3A_273, %broadcast_in_dim3A_603], %gather3A_607 : memref<128x128xf32, #tpu.memory_space<vmem>>[vector<16xi32>, vector<16xi32>], vector<16xf32>,
        %broadcast_in_dim3A_608 = arith.constant 53 : i32
        %broadcast_in_dim3A_609 = vector.broadcast %broadcast_in_dim3A_608 : i32 to vector<16xi32>
        %add3A_610 = arith.constant 53 : i32
        %add3A_611 = vector.broadcast %add3A_610 : i32 to vector<16xi32>
        %add3A_612 = arith.addi %mul3A_290, %add3A_611 : vector<16xi32>
        %gather3A_613 = tpu.vector_load_idx %arg9[%shift_right_logical3A_284, %add3A_612] : memref<64x1152xf32, #tpu.memory_space<vmem>>[vector<16xi32>, vector<16xi32>], vector<16xf32>,
        tpu.vector_store_idx %arg10[%add3A_273, %broadcast_in_dim3A_609], %gather3A_613 : memref<128x128xf32, #tpu.memory_space<vmem>>[vector<16xi32>, vector<16xi32>], vector<16xf32>,
        %broadcast_in_dim3A_614 = arith.constant 54 : i32
        %broadcast_in_dim3A_615 = vector.broadcast %broadcast_in_dim3A_614 : i32 to vector<16xi32>
        %add3A_616 = arith.constant 54 : i32
        %add3A_617 = vector.broadcast %add3A_616 : i32 to vector<16xi32>
        %add3A_618 = arith.addi %mul3A_290, %add3A_617 : vector<16xi32>
        %gather3A_619 = tpu.vector_load_idx %arg9[%shift_right_logical3A_284, %add3A_618] : memref<64x1152xf32, #tpu.memory_space<vmem>>[vector<16xi32>, vector<16xi32>], vector<16xf32>,
        tpu.vector_store_idx %arg10[%add3A_273, %broadcast_in_dim3A_615], %gather3A_619 : memref<128x128xf32, #tpu.memory_space<vmem>>[vector<16xi32>, vector<16xi32>], vector<16xf32>,
        %broadcast_in_dim3A_620 = arith.constant 55 : i32
        %broadcast_in_dim3A_621 = vector.broadcast %broadcast_in_dim3A_620 : i32 to vector<16xi32>
        %add3A_622 = arith.constant 55 : i32
        %add3A_623 = vector.broadcast %add3A_622 : i32 to vector<16xi32>
        %add3A_624 = arith.addi %mul3A_290, %add3A_623 : vector<16xi32>
        %gather3A_625 = tpu.vector_load_idx %arg9[%shift_right_logical3A_284, %add3A_624] : memref<64x1152xf32, #tpu.memory_space<vmem>>[vector<16xi32>, vector<16xi32>], vector<16xf32>,
        tpu.vector_store_idx %arg10[%add3A_273, %broadcast_in_dim3A_621], %gather3A_625 : memref<128x128xf32, #tpu.memory_space<vmem>>[vector<16xi32>, vector<16xi32>], vector<16xf32>,
        %broadcast_in_dim3A_626 = arith.constant 56 : i32
        %broadcast_in_dim3A_627 = vector.broadcast %broadcast_in_dim3A_626 : i32 to vector<16xi32>
        %add3A_628 = arith.constant 56 : i32
        %add3A_629 = vector.broadcast %add3A_628 : i32 to vector<16xi32>
        %add3A_630 = arith.addi %mul3A_290, %add3A_629 : vector<16xi32>
        %gather3A_631 = tpu.vector_load_idx %arg9[%shift_right_logical3A_284, %add3A_630] : memref<64x1152xf32, #tpu.memory_space<vmem>>[vector<16xi32>, vector<16xi32>], vector<16xf32>,
        tpu.vector_store_idx %arg10[%add3A_273, %broadcast_in_dim3A_627], %gather3A_631 : memref<128x128xf32, #tpu.memory_space<vmem>>[vector<16xi32>, vector<16xi32>], vector<16xf32>,
        %broadcast_in_dim3A_632 = arith.constant 57 : i32
        %broadcast_in_dim3A_633 = vector.broadcast %broadcast_in_dim3A_632 : i32 to vector<16xi32>
        %add3A_634 = arith.constant 57 : i32
        %add3A_635 = vector.broadcast %add3A_634 : i32 to vector<16xi32>
        %add3A_636 = arith.addi %mul3A_290, %add3A_635 : vector<16xi32>
        %gather3A_637 = tpu.vector_load_idx %arg9[%shift_right_logical3A_284, %add3A_636] : memref<64x1152xf32, #tpu.memory_space<vmem>>[vector<16xi32>, vector<16xi32>], vector<16xf32>,
        tpu.vector_store_idx %arg10[%add3A_273, %broadcast_in_dim3A_633], %gather3A_637 : memref<128x128xf32, #tpu.memory_space<vmem>>[vector<16xi32>, vector<16xi32>], vector<16xf32>,
        %broadcast_in_dim3A_638 = arith.constant 58 : i32
        %broadcast_in_dim3A_639 = vector.broadcast %broadcast_in_dim3A_638 : i32 to vector<16xi32>
        %add3A_640 = arith.constant 58 : i32
        %add3A_641 = vector.broadcast %add3A_640 : i32 to vector<16xi32>
        %add3A_642 = arith.addi %mul3A_290, %add3A_641 : vector<16xi32>
        %gather3A_643 = tpu.vector_load_idx %arg9[%shift_right_logical3A_284, %add3A_642] : memref<64x1152xf32, #tpu.memory_space<vmem>>[vector<16xi32>, vector<16xi32>], vector<16xf32>,
        tpu.vector_store_idx %arg10[%add3A_273, %broadcast_in_dim3A_639], %gather3A_643 : memref<128x128xf32, #tpu.memory_space<vmem>>[vector<16xi32>, vector<16xi32>], vector<16xf32>,
        %broadcast_in_dim3A_644 = arith.constant 59 : i32
        %broadcast_in_dim3A_645 = vector.broadcast %broadcast_in_dim3A_644 : i32 to vector<16xi32>
        %add3A_646 = arith.constant 59 : i32
        %add3A_647 = vector.broadcast %add3A_646 : i32 to vector<16xi32>
        %add3A_648 = arith.addi %mul3A_290, %add3A_647 : vector<16xi32>
        %gather3A_649 = tpu.vector_load_idx %arg9[%shift_right_logical3A_284, %add3A_648] : memref<64x1152xf32, #tpu.memory_space<vmem>>[vector<16xi32>, vector<16xi32>], vector<16xf32>,
        tpu.vector_store_idx %arg10[%add3A_273, %broadcast_in_dim3A_645], %gather3A_649 : memref<128x128xf32, #tpu.memory_space<vmem>>[vector<16xi32>, vector<16xi32>], vector<16xf32>,
        %broadcast_in_dim3A_650 = arith.constant 60 : i32
        %broadcast_in_dim3A_651 = vector.broadcast %broadcast_in_dim3A_650 : i32 to vector<16xi32>
        %add3A_652 = arith.constant 60 : i32
        %add3A_653 = vector.broadcast %add3A_652 : i32 to vector<16xi32>
        %add3A_654 = arith.addi %mul3A_290, %add3A_653 : vector<16xi32>
        %gather3A_655 = tpu.vector_load_idx %arg9[%shift_right_logical3A_284, %add3A_654] : memref<64x1152xf32, #tpu.memory_space<vmem>>[vector<16xi32>, vector<16xi32>], vector<16xf32>,
        tpu.vector_store_idx %arg10[%add3A_273, %broadcast_in_dim3A_651], %gather3A_655 : memref<128x128xf32, #tpu.memory_space<vmem>>[vector<16xi32>, vector<16xi32>], vector<16xf32>,
        %broadcast_in_dim3A_656 = arith.constant 61 : i32
        %broadcast_in_dim3A_657 = vector.broadcast %broadcast_in_dim3A_656 : i32 to vector<16xi32>
        %add3A_658 = arith.constant 61 : i32
        %add3A_659 = vector.broadcast %add3A_658 : i32 to vector<16xi32>
        %add3A_660 = arith.addi %mul3A_290, %add3A_659 : vector<16xi32>
        %gather3A_661 = tpu.vector_load_idx %arg9[%shift_right_logical3A_284, %add3A_660] : memref<64x1152xf32, #tpu.memory_space<vmem>>[vector<16xi32>, vector<16xi32>], vector<16xf32>,
        tpu.vector_store_idx %arg10[%add3A_273, %broadcast_in_dim3A_657], %gather3A_661 : memref<128x128xf32, #tpu.memory_space<vmem>>[vector<16xi32>, vector<16xi32>], vector<16xf32>,
        %broadcast_in_dim3A_662 = arith.constant 62 : i32
        %broadcast_in_dim3A_663 = vector.broadcast %broadcast_in_dim3A_662 : i32 to vector<16xi32>
        %add3A_664 = arith.constant 62 : i32
        %add3A_665 = vector.broadcast %add3A_664 : i32 to vector<16xi32>
        %add3A_666 = arith.addi %mul3A_290, %add3A_665 : vector<16xi32>
        %gather3A_667 = tpu.vector_load_idx %arg9[%shift_right_logical3A_284, %add3A_666] : memref<64x1152xf32, #tpu.memory_space<vmem>>[vector<16xi32>, vector<16xi32>], vector<16xf32>,
        tpu.vector_store_idx %arg10[%add3A_273, %broadcast_in_dim3A_663], %gather3A_667 : memref<128x128xf32, #tpu.memory_space<vmem>>[vector<16xi32>, vector<16xi32>], vector<16xf32>,
        %broadcast_in_dim3A_668 = arith.constant 63 : i32
        %broadcast_in_dim3A_669 = vector.broadcast %broadcast_in_dim3A_668 : i32 to vector<16xi32>
        %add3A_670 = arith.constant 63 : i32
        %add3A_671 = vector.broadcast %add3A_670 : i32 to vector<16xi32>
        %add3A_672 = arith.addi %mul3A_290, %add3A_671 : vector<16xi32>
        %gather3A_673 = tpu.vector_load_idx %arg9[%shift_right_logical3A_284, %add3A_672] : memref<64x1152xf32, #tpu.memory_space<vmem>>[vector<16xi32>, vector<16xi32>], vector<16xf32>,
        tpu.vector_store_idx %arg10[%add3A_273, %broadcast_in_dim3A_669], %gather3A_673 : memref<128x128xf32, #tpu.memory_space<vmem>>[vector<16xi32>, vector<16xi32>], vector<16xf32>,
        %broadcast_in_dim3A_674 = vector.broadcast %add3A_55 : i32 to vector<16xi32>
        %select_n3A_675 = arith.select %lt3A_269, %and3A_266, %broadcast_in_dim3A_674 : vector<16xi1>, vector<16xi32>
        %mul3A_676 = arith.constant 16 : i32
        %mul3A_677 = arith.muli %while3A_254, %mul3A_676 : i32
        %swap3A_678 = arith.constant 0 : i32
        %swap3A_679 = arith.index_cast %swap3A_678 : i32 to index
        %swap3A_680 = arith.index_cast %mul3A_677 : i32 to index
        %swap3A_681 = tpu.vector_load %arg11[%swap3A_679, %swap3A_680] {strides = array<i32>} : memref<2x128xi32, #tpu.memory_space<vmem>>, vector<16xi32>,
        tpu.vector_store %arg11[%swap3A_679, %swap3A_680], %select_n3A_675 {strides = array<i32>} : memref<2x128xi32, #tpu.memory_space<vmem>>, vector<16xi32>,
        %while3A_682 = arith.constant 0 : i32
        scf.yield %while3A_682 : i32
      }
      %dma_start3A = arith.constant 0 : i32
      %dma_start3A_241 = arith.constant 0 : i32
      %dma_start3A_242 = tpu.memref_slice %arg11[%dma_start3A, %dma_start3A_241] : memref<2x128xi32, #tpu.memory_space<vmem>> -> memref<1x128xi32, #tpu.memory_space<vmem>>
      %dma_start3A_243 = tpu.memref_squeeze %dma_start3A_242 : memref<1x128xi32, #tpu.memory_space<vmem>> -> memref<128xi32, #tpu.memory_space<vmem>>
      %dma_start3A_244 = arith.constant 0 : i32
      %dma_start3A_245 = arith.constant 0 : i32
      %dma_start3A_246 = tpu.memref_slice %arg5[%dma_start3A_244, %dma_start3A_245] : memref<16416x128xf32, #tpu.memory_space<hbm>> -> memref<16416x128xf32, #tpu.memory_space<hbm>>
      tpu.enqueue_indirect_dma source(%arg10 : memref<128x128xf32, #tpu.memory_space<vmem>>) target(%dma_start3A_246 : memref<16416x128xf32, #tpu.memory_space<hbm>>) offsets(%dma_start3A_243 : memref<128xi32, #tpu.memory_space<vmem>>) semaphore(%arg13 : memref<!tpu.dma_semaphore, #tpu.memory_space<semaphore_mem>>)
      %dma_wait3A = arith.constant 0 : i32
      %dma_wait3A_247 = arith.constant 0 : i32
      %dma_wait3A_248 = tpu.memref_slice %arg11[%dma_wait3A, %dma_wait3A_247] : memref<2x128xi32, #tpu.memory_space<vmem>> -> memref<1x128xi32, #tpu.memory_space<vmem>>
      %dma_wait3A_249 = tpu.memref_squeeze %dma_wait3A_248 : memref<1x128xi32, #tpu.memory_space<vmem>> -> memref<128xi32, #tpu.memory_space<vmem>>
      %dma_wait3A_250 = arith.constant 0 : i32
      %dma_wait3A_251 = arith.constant 0 : i32
      %dma_wait3A_252 = tpu.memref_slice %arg5[%dma_wait3A_250, %dma_wait3A_251] : memref<16416x128xf32, #tpu.memory_space<hbm>> -> memref<16416x128xf32, #tpu.memory_space<hbm>>
      tpu.wait_indirect_dma semaphore(%arg13 : memref<!tpu.dma_semaphore, #tpu.memory_space<semaphore_mem>>) src(%arg10 : memref<128x128xf32, #tpu.memory_space<vmem>>) dst(%dma_wait3A_252 : memref<16416x128xf32, #tpu.memory_space<hbm>>)
      %while3A_253 = arith.constant 0 : i32
      scf.yield %while3A_253 : i32
    }
    %while3A_221 = arith.constant 1 : i32
    %while3A_222 = scf.for %while3A_223 = %while3A_218 to %while3A_214 step %while3A_221 iter_args(%while3A_224 = %while3A_220) -> (i32)  : i32 {
      %mul3A_225 = arith.constant 8 : i32
      %mul3A_226 = arith.muli %while3A_223, %mul3A_225 : i32
      %sub3A_227 = arith.subi %select_n3A_184, %mul3A_226 : i32
      %min3A = arith.constant 8 : i32
      %min3A_228 = arith.minsi %sub3A_227, %min3A : i32
      %while3A_229 = arith.constant 0 : i32
      %while3A_230 = arith.constant 0 : i32
      %while3A_231 = arith.subi %min3A_228, %while3A_229 : i32
      %while3A_232 = arith.addi %while3A_229, %while3A_231 : i32
      %while3A_233 = arith.constant 1 : i32
      %while3A_234 = arith.divsi %while3A_231, %while3A_233 : i32
      %while3A_235 = arith.muli %while3A_234, %while3A_233 : i32
      %while3A_236 = arith.addi %while3A_229, %while3A_235 : i32
      %while3A_237 = arith.constant 1 : i32
      %while3A_238 = scf.for %while3A_254 = %while3A_229 to %while3A_236 step %while3A_237 iter_args(%while3A_255 = %while3A_230) -> (i32)  : i32 {
        %mul3A_256 = arith.constant 128 : i32
        %mul3A_257 = arith.muli %while3A_223, %mul3A_256 : i32
        %mul3A_258 = arith.constant 16 : i32
        %mul3A_259 = arith.muli %while3A_254, %mul3A_258 : i32
        %add3A_260 = arith.addi %mul3A_257, %mul3A_259 : i32
        %get3A = arith.index_cast %add3A_260 : i32 to index
        %get3A_261 = tpu.vector_load %arg8[%get3A] {strides = array<i32>} : memref<16400xi32, #tpu.memory_space<vmem>>, vector<16xi32>,
        %shift_right_logical3A = arith.constant 14 : i32
        %shift_right_logical3A_262 = vector.broadcast %shift_right_logical3A : i32 to vector<16xi32>
        %shift_right_logical3A_263 = arith.shrui %get3A_261, %shift_right_logical3A_262 : vector<16xi32>
        %and3A_264 = arith.constant 16383 : i32
        %and3A_265 = vector.broadcast %and3A_264 : i32 to vector<16xi32>
        %and3A_266 = arith.andi %get3A_261, %and3A_265 : vector<16xi32>
        %add3A_267 = vector.broadcast %add3A_260 : i32 to vector<16xi32>
        %add3A_268 = arith.addi %iota3A, %add3A_267 : vector<16xi32>
        %lt3A = vector.broadcast %reduce_max3A_158 : i32 to vector<16xi32>
        %lt3A_269 = arith.cmpi slt, %add3A_268, %lt3A : vector<16xi32>
        %mul3A_270 = arith.constant 16 : i32
        %mul3A_271 = arith.muli %while3A_254, %mul3A_270 : i32
        %add3A_272 = vector.broadcast %mul3A_271 : i32 to vector<16xi32>
        %add3A_273 = arith.addi %iota3A, %add3A_272 : vector<16xi32>
        %sub3A_274 = arith.constant 99968 : i32
        %sub3A_275 = vector.broadcast %sub3A_274 : i32 to vector<16xi32>
        %sub3A_276 = arith.subi %shift_right_logical3A_263, %sub3A_275 : vector<16xi32>
        %clamp3A = arith.constant 0 : i32
        %clamp3A_277 = arith.constant 31 : i32
        %clamp3A_278 = vector.broadcast %clamp3A : i32 to vector<16xi32>
        %clamp3A_279 = arith.maxsi %sub3A_276, %clamp3A_278 : vector<16xi32>
        %clamp3A_280 = vector.broadcast %clamp3A_277 : i32 to vector<16xi32>
        %clamp3A_281 = arith.minsi %clamp3A_279, %clamp3A_280 : vector<16xi32>
        %shift_right_logical3A_282 = arith.constant 1 : i32
        %shift_right_logical3A_283 = vector.broadcast %shift_right_logical3A_282 : i32 to vector<16xi32>
        %shift_right_logical3A_284 = arith.shrui %clamp3A_281, %shift_right_logical3A_283 : vector<16xi32>
        %and3A_285 = arith.constant 1 : i32
        %and3A_286 = vector.broadcast %and3A_285 : i32 to vector<16xi32>
        %and3A_287 = arith.andi %clamp3A_281, %and3A_286 : vector<16xi32>
        %mul3A_288 = arith.constant 64 : i32
        %mul3A_289 = vector.broadcast %mul3A_288 : i32 to vector<16xi32>
        %mul3A_290 = arith.muli %and3A_287, %mul3A_289 : vector<16xi32>
        %broadcast_in_dim3A_291 = arith.constant 0 : i32
        %broadcast_in_dim3A_292 = vector.broadcast %broadcast_in_dim3A_291 : i32 to vector<16xi32>
        %add3A_293 = arith.constant 0 : i32
        %add3A_294 = vector.broadcast %add3A_293 : i32 to vector<16xi32>
        %add3A_295 = arith.addi %mul3A_290, %add3A_294 : vector<16xi32>
        %gather3A = tpu.vector_load_idx %arg9[%shift_right_logical3A_284, %add3A_295] : memref<64x1152xf32, #tpu.memory_space<vmem>>[vector<16xi32>, vector<16xi32>], vector<16xf32>,
        tpu.vector_store_idx %arg10[%add3A_273, %broadcast_in_dim3A_292], %gather3A : memref<128x128xf32, #tpu.memory_space<vmem>>[vector<16xi32>, vector<16xi32>], vector<16xf32>,
        %broadcast_in_dim3A_296 = arith.constant 1 : i32
        %broadcast_in_dim3A_297 = vector.broadcast %broadcast_in_dim3A_296 : i32 to vector<16xi32>
        %add3A_298 = arith.constant 1 : i32
        %add3A_299 = vector.broadcast %add3A_298 : i32 to vector<16xi32>
        %add3A_300 = arith.addi %mul3A_290, %add3A_299 : vector<16xi32>
        %gather3A_301 = tpu.vector_load_idx %arg9[%shift_right_logical3A_284, %add3A_300] : memref<64x1152xf32, #tpu.memory_space<vmem>>[vector<16xi32>, vector<16xi32>], vector<16xf32>,
        tpu.vector_store_idx %arg10[%add3A_273, %broadcast_in_dim3A_297], %gather3A_301 : memref<128x128xf32, #tpu.memory_space<vmem>>[vector<16xi32>, vector<16xi32>], vector<16xf32>,
        %broadcast_in_dim3A_302 = arith.constant 2 : i32
        %broadcast_in_dim3A_303 = vector.broadcast %broadcast_in_dim3A_302 : i32 to vector<16xi32>
        %add3A_304 = arith.constant 2 : i32
        %add3A_305 = vector.broadcast %add3A_304 : i32 to vector<16xi32>
        %add3A_306 = arith.addi %mul3A_290, %add3A_305 : vector<16xi32>
        %gather3A_307 = tpu.vector_load_idx %arg9[%shift_right_logical3A_284, %add3A_306] : memref<64x1152xf32, #tpu.memory_space<vmem>>[vector<16xi32>, vector<16xi32>], vector<16xf32>,
        tpu.vector_store_idx %arg10[%add3A_273, %broadcast_in_dim3A_303], %gather3A_307 : memref<128x128xf32, #tpu.memory_space<vmem>>[vector<16xi32>, vector<16xi32>], vector<16xf32>,
        %broadcast_in_dim3A_308 = arith.constant 3 : i32
        %broadcast_in_dim3A_309 = vector.broadcast %broadcast_in_dim3A_308 : i32 to vector<16xi32>
        %add3A_310 = arith.constant 3 : i32
        %add3A_311 = vector.broadcast %add3A_310 : i32 to vector<16xi32>
        %add3A_312 = arith.addi %mul3A_290, %add3A_311 : vector<16xi32>
        %gather3A_313 = tpu.vector_load_idx %arg9[%shift_right_logical3A_284, %add3A_312] : memref<64x1152xf32, #tpu.memory_space<vmem>>[vector<16xi32>, vector<16xi32>], vector<16xf32>,
        tpu.vector_store_idx %arg10[%add3A_273, %broadcast_in_dim3A_309], %gather3A_313 : memref<128x128xf32, #tpu.memory_space<vmem>>[vector<16xi32>, vector<16xi32>], vector<16xf32>,
        %broadcast_in_dim3A_314 = arith.constant 4 : i32
        %broadcast_in_dim3A_315 = vector.broadcast %broadcast_in_dim3A_314 : i32 to vector<16xi32>
        %add3A_316 = arith.constant 4 : i32
        %add3A_317 = vector.broadcast %add3A_316 : i32 to vector<16xi32>
        %add3A_318 = arith.addi %mul3A_290, %add3A_317 : vector<16xi32>
        %gather3A_319 = tpu.vector_load_idx %arg9[%shift_right_logical3A_284, %add3A_318] : memref<64x1152xf32, #tpu.memory_space<vmem>>[vector<16xi32>, vector<16xi32>], vector<16xf32>,
        tpu.vector_store_idx %arg10[%add3A_273, %broadcast_in_dim3A_315], %gather3A_319 : memref<128x128xf32, #tpu.memory_space<vmem>>[vector<16xi32>, vector<16xi32>], vector<16xf32>,
        %broadcast_in_dim3A_320 = arith.constant 5 : i32
        %broadcast_in_dim3A_321 = vector.broadcast %broadcast_in_dim3A_320 : i32 to vector<16xi32>
        %add3A_322 = arith.constant 5 : i32
        %add3A_323 = vector.broadcast %add3A_322 : i32 to vector<16xi32>
        %add3A_324 = arith.addi %mul3A_290, %add3A_323 : vector<16xi32>
        %gather3A_325 = tpu.vector_load_idx %arg9[%shift_right_logical3A_284, %add3A_324] : memref<64x1152xf32, #tpu.memory_space<vmem>>[vector<16xi32>, vector<16xi32>], vector<16xf32>,
        tpu.vector_store_idx %arg10[%add3A_273, %broadcast_in_dim3A_321], %gather3A_325 : memref<128x128xf32, #tpu.memory_space<vmem>>[vector<16xi32>, vector<16xi32>], vector<16xf32>,
        %broadcast_in_dim3A_326 = arith.constant 6 : i32
        %broadcast_in_dim3A_327 = vector.broadcast %broadcast_in_dim3A_326 : i32 to vector<16xi32>
        %add3A_328 = arith.constant 6 : i32
        %add3A_329 = vector.broadcast %add3A_328 : i32 to vector<16xi32>
        %add3A_330 = arith.addi %mul3A_290, %add3A_329 : vector<16xi32>
        %gather3A_331 = tpu.vector_load_idx %arg9[%shift_right_logical3A_284, %add3A_330] : memref<64x1152xf32, #tpu.memory_space<vmem>>[vector<16xi32>, vector<16xi32>], vector<16xf32>,
        tpu.vector_store_idx %arg10[%add3A_273, %broadcast_in_dim3A_327], %gather3A_331 : memref<128x128xf32, #tpu.memory_space<vmem>>[vector<16xi32>, vector<16xi32>], vector<16xf32>,
        %broadcast_in_dim3A_332 = arith.constant 7 : i32
        %broadcast_in_dim3A_333 = vector.broadcast %broadcast_in_dim3A_332 : i32 to vector<16xi32>
        %add3A_334 = arith.constant 7 : i32
        %add3A_335 = vector.broadcast %add3A_334 : i32 to vector<16xi32>
        %add3A_336 = arith.addi %mul3A_290, %add3A_335 : vector<16xi32>
        %gather3A_337 = tpu.vector_load_idx %arg9[%shift_right_logical3A_284, %add3A_336] : memref<64x1152xf32, #tpu.memory_space<vmem>>[vector<16xi32>, vector<16xi32>], vector<16xf32>,
        tpu.vector_store_idx %arg10[%add3A_273, %broadcast_in_dim3A_333], %gather3A_337 : memref<128x128xf32, #tpu.memory_space<vmem>>[vector<16xi32>, vector<16xi32>], vector<16xf32>,
        %broadcast_in_dim3A_338 = arith.constant 8 : i32
        %broadcast_in_dim3A_339 = vector.broadcast %broadcast_in_dim3A_338 : i32 to vector<16xi32>
        %add3A_340 = arith.constant 8 : i32
        %add3A_341 = vector.broadcast %add3A_340 : i32 to vector<16xi32>
        %add3A_342 = arith.addi %mul3A_290, %add3A_341 : vector<16xi32>
        %gather3A_343 = tpu.vector_load_idx %arg9[%shift_right_logical3A_284, %add3A_342] : memref<64x1152xf32, #tpu.memory_space<vmem>>[vector<16xi32>, vector<16xi32>], vector<16xf32>,
        tpu.vector_store_idx %arg10[%add3A_273, %broadcast_in_dim3A_339], %gather3A_343 : memref<128x128xf32, #tpu.memory_space<vmem>>[vector<16xi32>, vector<16xi32>], vector<16xf32>,
        %broadcast_in_dim3A_344 = arith.constant 9 : i32
        %broadcast_in_dim3A_345 = vector.broadcast %broadcast_in_dim3A_344 : i32 to vector<16xi32>
        %add3A_346 = arith.constant 9 : i32
        %add3A_347 = vector.broadcast %add3A_346 : i32 to vector<16xi32>
        %add3A_348 = arith.addi %mul3A_290, %add3A_347 : vector<16xi32>
        %gather3A_349 = tpu.vector_load_idx %arg9[%shift_right_logical3A_284, %add3A_348] : memref<64x1152xf32, #tpu.memory_space<vmem>>[vector<16xi32>, vector<16xi32>], vector<16xf32>,
        tpu.vector_store_idx %arg10[%add3A_273, %broadcast_in_dim3A_345], %gather3A_349 : memref<128x128xf32, #tpu.memory_space<vmem>>[vector<16xi32>, vector<16xi32>], vector<16xf32>,
        %broadcast_in_dim3A_350 = arith.constant 10 : i32
        %broadcast_in_dim3A_351 = vector.broadcast %broadcast_in_dim3A_350 : i32 to vector<16xi32>
        %add3A_352 = arith.constant 10 : i32
        %add3A_353 = vector.broadcast %add3A_352 : i32 to vector<16xi32>
        %add3A_354 = arith.addi %mul3A_290, %add3A_353 : vector<16xi32>
        %gather3A_355 = tpu.vector_load_idx %arg9[%shift_right_logical3A_284, %add3A_354] : memref<64x1152xf32, #tpu.memory_space<vmem>>[vector<16xi32>, vector<16xi32>], vector<16xf32>,
        tpu.vector_store_idx %arg10[%add3A_273, %broadcast_in_dim3A_351], %gather3A_355 : memref<128x128xf32, #tpu.memory_space<vmem>>[vector<16xi32>, vector<16xi32>], vector<16xf32>,
        %broadcast_in_dim3A_356 = arith.constant 11 : i32
        %broadcast_in_dim3A_357 = vector.broadcast %broadcast_in_dim3A_356 : i32 to vector<16xi32>
        %add3A_358 = arith.constant 11 : i32
        %add3A_359 = vector.broadcast %add3A_358 : i32 to vector<16xi32>
        %add3A_360 = arith.addi %mul3A_290, %add3A_359 : vector<16xi32>
        %gather3A_361 = tpu.vector_load_idx %arg9[%shift_right_logical3A_284, %add3A_360] : memref<64x1152xf32, #tpu.memory_space<vmem>>[vector<16xi32>, vector<16xi32>], vector<16xf32>,
        tpu.vector_store_idx %arg10[%add3A_273, %broadcast_in_dim3A_357], %gather3A_361 : memref<128x128xf32, #tpu.memory_space<vmem>>[vector<16xi32>, vector<16xi32>], vector<16xf32>,
        %broadcast_in_dim3A_362 = arith.constant 12 : i32
        %broadcast_in_dim3A_363 = vector.broadcast %broadcast_in_dim3A_362 : i32 to vector<16xi32>
        %add3A_364 = arith.constant 12 : i32
        %add3A_365 = vector.broadcast %add3A_364 : i32 to vector<16xi32>
        %add3A_366 = arith.addi %mul3A_290, %add3A_365 : vector<16xi32>
        %gather3A_367 = tpu.vector_load_idx %arg9[%shift_right_logical3A_284, %add3A_366] : memref<64x1152xf32, #tpu.memory_space<vmem>>[vector<16xi32>, vector<16xi32>], vector<16xf32>,
        tpu.vector_store_idx %arg10[%add3A_273, %broadcast_in_dim3A_363], %gather3A_367 : memref<128x128xf32, #tpu.memory_space<vmem>>[vector<16xi32>, vector<16xi32>], vector<16xf32>,
        %broadcast_in_dim3A_368 = arith.constant 13 : i32
        %broadcast_in_dim3A_369 = vector.broadcast %broadcast_in_dim3A_368 : i32 to vector<16xi32>
        %add3A_370 = arith.constant 13 : i32
        %add3A_371 = vector.broadcast %add3A_370 : i32 to vector<16xi32>
        %add3A_372 = arith.addi %mul3A_290, %add3A_371 : vector<16xi32>
        %gather3A_373 = tpu.vector_load_idx %arg9[%shift_right_logical3A_284, %add3A_372] : memref<64x1152xf32, #tpu.memory_space<vmem>>[vector<16xi32>, vector<16xi32>], vector<16xf32>,
        tpu.vector_store_idx %arg10[%add3A_273, %broadcast_in_dim3A_369], %gather3A_373 : memref<128x128xf32, #tpu.memory_space<vmem>>[vector<16xi32>, vector<16xi32>], vector<16xf32>,
        %broadcast_in_dim3A_374 = arith.constant 14 : i32
        %broadcast_in_dim3A_375 = vector.broadcast %broadcast_in_dim3A_374 : i32 to vector<16xi32>
        %add3A_376 = arith.constant 14 : i32
        %add3A_377 = vector.broadcast %add3A_376 : i32 to vector<16xi32>
        %add3A_378 = arith.addi %mul3A_290, %add3A_377 : vector<16xi32>
        %gather3A_379 = tpu.vector_load_idx %arg9[%shift_right_logical3A_284, %add3A_378] : memref<64x1152xf32, #tpu.memory_space<vmem>>[vector<16xi32>, vector<16xi32>], vector<16xf32>,
        tpu.vector_store_idx %arg10[%add3A_273, %broadcast_in_dim3A_375], %gather3A_379 : memref<128x128xf32, #tpu.memory_space<vmem>>[vector<16xi32>, vector<16xi32>], vector<16xf32>,
        %broadcast_in_dim3A_380 = arith.constant 15 : i32
        %broadcast_in_dim3A_381 = vector.broadcast %broadcast_in_dim3A_380 : i32 to vector<16xi32>
        %add3A_382 = arith.constant 15 : i32
        %add3A_383 = vector.broadcast %add3A_382 : i32 to vector<16xi32>
        %add3A_384 = arith.addi %mul3A_290, %add3A_383 : vector<16xi32>
        %gather3A_385 = tpu.vector_load_idx %arg9[%shift_right_logical3A_284, %add3A_384] : memref<64x1152xf32, #tpu.memory_space<vmem>>[vector<16xi32>, vector<16xi32>], vector<16xf32>,
        tpu.vector_store_idx %arg10[%add3A_273, %broadcast_in_dim3A_381], %gather3A_385 : memref<128x128xf32, #tpu.memory_space<vmem>>[vector<16xi32>, vector<16xi32>], vector<16xf32>,
        %broadcast_in_dim3A_386 = arith.constant 16 : i32
        %broadcast_in_dim3A_387 = vector.broadcast %broadcast_in_dim3A_386 : i32 to vector<16xi32>
        %add3A_388 = arith.constant 16 : i32
        %add3A_389 = vector.broadcast %add3A_388 : i32 to vector<16xi32>
        %add3A_390 = arith.addi %mul3A_290, %add3A_389 : vector<16xi32>
        %gather3A_391 = tpu.vector_load_idx %arg9[%shift_right_logical3A_284, %add3A_390] : memref<64x1152xf32, #tpu.memory_space<vmem>>[vector<16xi32>, vector<16xi32>], vector<16xf32>,
        tpu.vector_store_idx %arg10[%add3A_273, %broadcast_in_dim3A_387], %gather3A_391 : memref<128x128xf32, #tpu.memory_space<vmem>>[vector<16xi32>, vector<16xi32>], vector<16xf32>,
        %broadcast_in_dim3A_392 = arith.constant 17 : i32
        %broadcast_in_dim3A_393 = vector.broadcast %broadcast_in_dim3A_392 : i32 to vector<16xi32>
        %add3A_394 = arith.constant 17 : i32
        %add3A_395 = vector.broadcast %add3A_394 : i32 to vector<16xi32>
        %add3A_396 = arith.addi %mul3A_290, %add3A_395 : vector<16xi32>
        %gather3A_397 = tpu.vector_load_idx %arg9[%shift_right_logical3A_284, %add3A_396] : memref<64x1152xf32, #tpu.memory_space<vmem>>[vector<16xi32>, vector<16xi32>], vector<16xf32>,
        tpu.vector_store_idx %arg10[%add3A_273, %broadcast_in_dim3A_393], %gather3A_397 : memref<128x128xf32, #tpu.memory_space<vmem>>[vector<16xi32>, vector<16xi32>], vector<16xf32>,
        %broadcast_in_dim3A_398 = arith.constant 18 : i32
        %broadcast_in_dim3A_399 = vector.broadcast %broadcast_in_dim3A_398 : i32 to vector<16xi32>
        %add3A_400 = arith.constant 18 : i32
        %add3A_401 = vector.broadcast %add3A_400 : i32 to vector<16xi32>
        %add3A_402 = arith.addi %mul3A_290, %add3A_401 : vector<16xi32>
        %gather3A_403 = tpu.vector_load_idx %arg9[%shift_right_logical3A_284, %add3A_402] : memref<64x1152xf32, #tpu.memory_space<vmem>>[vector<16xi32>, vector<16xi32>], vector<16xf32>,
        tpu.vector_store_idx %arg10[%add3A_273, %broadcast_in_dim3A_399], %gather3A_403 : memref<128x128xf32, #tpu.memory_space<vmem>>[vector<16xi32>, vector<16xi32>], vector<16xf32>,
        %broadcast_in_dim3A_404 = arith.constant 19 : i32
        %broadcast_in_dim3A_405 = vector.broadcast %broadcast_in_dim3A_404 : i32 to vector<16xi32>
        %add3A_406 = arith.constant 19 : i32
        %add3A_407 = vector.broadcast %add3A_406 : i32 to vector<16xi32>
        %add3A_408 = arith.addi %mul3A_290, %add3A_407 : vector<16xi32>
        %gather3A_409 = tpu.vector_load_idx %arg9[%shift_right_logical3A_284, %add3A_408] : memref<64x1152xf32, #tpu.memory_space<vmem>>[vector<16xi32>, vector<16xi32>], vector<16xf32>,
        tpu.vector_store_idx %arg10[%add3A_273, %broadcast_in_dim3A_405], %gather3A_409 : memref<128x128xf32, #tpu.memory_space<vmem>>[vector<16xi32>, vector<16xi32>], vector<16xf32>,
        %broadcast_in_dim3A_410 = arith.constant 20 : i32
        %broadcast_in_dim3A_411 = vector.broadcast %broadcast_in_dim3A_410 : i32 to vector<16xi32>
        %add3A_412 = arith.constant 20 : i32
        %add3A_413 = vector.broadcast %add3A_412 : i32 to vector<16xi32>
        %add3A_414 = arith.addi %mul3A_290, %add3A_413 : vector<16xi32>
        %gather3A_415 = tpu.vector_load_idx %arg9[%shift_right_logical3A_284, %add3A_414] : memref<64x1152xf32, #tpu.memory_space<vmem>>[vector<16xi32>, vector<16xi32>], vector<16xf32>,
        tpu.vector_store_idx %arg10[%add3A_273, %broadcast_in_dim3A_411], %gather3A_415 : memref<128x128xf32, #tpu.memory_space<vmem>>[vector<16xi32>, vector<16xi32>], vector<16xf32>,
        %broadcast_in_dim3A_416 = arith.constant 21 : i32
        %broadcast_in_dim3A_417 = vector.broadcast %broadcast_in_dim3A_416 : i32 to vector<16xi32>
        %add3A_418 = arith.constant 21 : i32
        %add3A_419 = vector.broadcast %add3A_418 : i32 to vector<16xi32>
        %add3A_420 = arith.addi %mul3A_290, %add3A_419 : vector<16xi32>
        %gather3A_421 = tpu.vector_load_idx %arg9[%shift_right_logical3A_284, %add3A_420] : memref<64x1152xf32, #tpu.memory_space<vmem>>[vector<16xi32>, vector<16xi32>], vector<16xf32>,
        tpu.vector_store_idx %arg10[%add3A_273, %broadcast_in_dim3A_417], %gather3A_421 : memref<128x128xf32, #tpu.memory_space<vmem>>[vector<16xi32>, vector<16xi32>], vector<16xf32>,
        %broadcast_in_dim3A_422 = arith.constant 22 : i32
        %broadcast_in_dim3A_423 = vector.broadcast %broadcast_in_dim3A_422 : i32 to vector<16xi32>
        %add3A_424 = arith.constant 22 : i32
        %add3A_425 = vector.broadcast %add3A_424 : i32 to vector<16xi32>
        %add3A_426 = arith.addi %mul3A_290, %add3A_425 : vector<16xi32>
        %gather3A_427 = tpu.vector_load_idx %arg9[%shift_right_logical3A_284, %add3A_426] : memref<64x1152xf32, #tpu.memory_space<vmem>>[vector<16xi32>, vector<16xi32>], vector<16xf32>,
        tpu.vector_store_idx %arg10[%add3A_273, %broadcast_in_dim3A_423], %gather3A_427 : memref<128x128xf32, #tpu.memory_space<vmem>>[vector<16xi32>, vector<16xi32>], vector<16xf32>,
        %broadcast_in_dim3A_428 = arith.constant 23 : i32
        %broadcast_in_dim3A_429 = vector.broadcast %broadcast_in_dim3A_428 : i32 to vector<16xi32>
        %add3A_430 = arith.constant 23 : i32
        %add3A_431 = vector.broadcast %add3A_430 : i32 to vector<16xi32>
        %add3A_432 = arith.addi %mul3A_290, %add3A_431 : vector<16xi32>
        %gather3A_433 = tpu.vector_load_idx %arg9[%shift_right_logical3A_284, %add3A_432] : memref<64x1152xf32, #tpu.memory_space<vmem>>[vector<16xi32>, vector<16xi32>], vector<16xf32>,
        tpu.vector_store_idx %arg10[%add3A_273, %broadcast_in_dim3A_429], %gather3A_433 : memref<128x128xf32, #tpu.memory_space<vmem>>[vector<16xi32>, vector<16xi32>], vector<16xf32>,
        %broadcast_in_dim3A_434 = arith.constant 24 : i32
        %broadcast_in_dim3A_435 = vector.broadcast %broadcast_in_dim3A_434 : i32 to vector<16xi32>
        %add3A_436 = arith.constant 24 : i32
        %add3A_437 = vector.broadcast %add3A_436 : i32 to vector<16xi32>
        %add3A_438 = arith.addi %mul3A_290, %add3A_437 : vector<16xi32>
        %gather3A_439 = tpu.vector_load_idx %arg9[%shift_right_logical3A_284, %add3A_438] : memref<64x1152xf32, #tpu.memory_space<vmem>>[vector<16xi32>, vector<16xi32>], vector<16xf32>,
        tpu.vector_store_idx %arg10[%add3A_273, %broadcast_in_dim3A_435], %gather3A_439 : memref<128x128xf32, #tpu.memory_space<vmem>>[vector<16xi32>, vector<16xi32>], vector<16xf32>,
        %broadcast_in_dim3A_440 = arith.constant 25 : i32
        %broadcast_in_dim3A_441 = vector.broadcast %broadcast_in_dim3A_440 : i32 to vector<16xi32>
        %add3A_442 = arith.constant 25 : i32
        %add3A_443 = vector.broadcast %add3A_442 : i32 to vector<16xi32>
        %add3A_444 = arith.addi %mul3A_290, %add3A_443 : vector<16xi32>
        %gather3A_445 = tpu.vector_load_idx %arg9[%shift_right_logical3A_284, %add3A_444] : memref<64x1152xf32, #tpu.memory_space<vmem>>[vector<16xi32>, vector<16xi32>], vector<16xf32>,
        tpu.vector_store_idx %arg10[%add3A_273, %broadcast_in_dim3A_441], %gather3A_445 : memref<128x128xf32, #tpu.memory_space<vmem>>[vector<16xi32>, vector<16xi32>], vector<16xf32>,
        %broadcast_in_dim3A_446 = arith.constant 26 : i32
        %broadcast_in_dim3A_447 = vector.broadcast %broadcast_in_dim3A_446 : i32 to vector<16xi32>
        %add3A_448 = arith.constant 26 : i32
        %add3A_449 = vector.broadcast %add3A_448 : i32 to vector<16xi32>
        %add3A_450 = arith.addi %mul3A_290, %add3A_449 : vector<16xi32>
        %gather3A_451 = tpu.vector_load_idx %arg9[%shift_right_logical3A_284, %add3A_450] : memref<64x1152xf32, #tpu.memory_space<vmem>>[vector<16xi32>, vector<16xi32>], vector<16xf32>,
        tpu.vector_store_idx %arg10[%add3A_273, %broadcast_in_dim3A_447], %gather3A_451 : memref<128x128xf32, #tpu.memory_space<vmem>>[vector<16xi32>, vector<16xi32>], vector<16xf32>,
        %broadcast_in_dim3A_452 = arith.constant 27 : i32
        %broadcast_in_dim3A_453 = vector.broadcast %broadcast_in_dim3A_452 : i32 to vector<16xi32>
        %add3A_454 = arith.constant 27 : i32
        %add3A_455 = vector.broadcast %add3A_454 : i32 to vector<16xi32>
        %add3A_456 = arith.addi %mul3A_290, %add3A_455 : vector<16xi32>
        %gather3A_457 = tpu.vector_load_idx %arg9[%shift_right_logical3A_284, %add3A_456] : memref<64x1152xf32, #tpu.memory_space<vmem>>[vector<16xi32>, vector<16xi32>], vector<16xf32>,
        tpu.vector_store_idx %arg10[%add3A_273, %broadcast_in_dim3A_453], %gather3A_457 : memref<128x128xf32, #tpu.memory_space<vmem>>[vector<16xi32>, vector<16xi32>], vector<16xf32>,
        %broadcast_in_dim3A_458 = arith.constant 28 : i32
        %broadcast_in_dim3A_459 = vector.broadcast %broadcast_in_dim3A_458 : i32 to vector<16xi32>
        %add3A_460 = arith.constant 28 : i32
        %add3A_461 = vector.broadcast %add3A_460 : i32 to vector<16xi32>
        %add3A_462 = arith.addi %mul3A_290, %add3A_461 : vector<16xi32>
        %gather3A_463 = tpu.vector_load_idx %arg9[%shift_right_logical3A_284, %add3A_462] : memref<64x1152xf32, #tpu.memory_space<vmem>>[vector<16xi32>, vector<16xi32>], vector<16xf32>,
        tpu.vector_store_idx %arg10[%add3A_273, %broadcast_in_dim3A_459], %gather3A_463 : memref<128x128xf32, #tpu.memory_space<vmem>>[vector<16xi32>, vector<16xi32>], vector<16xf32>,
        %broadcast_in_dim3A_464 = arith.constant 29 : i32
        %broadcast_in_dim3A_465 = vector.broadcast %broadcast_in_dim3A_464 : i32 to vector<16xi32>
        %add3A_466 = arith.constant 29 : i32
        %add3A_467 = vector.broadcast %add3A_466 : i32 to vector<16xi32>
        %add3A_468 = arith.addi %mul3A_290, %add3A_467 : vector<16xi32>
        %gather3A_469 = tpu.vector_load_idx %arg9[%shift_right_logical3A_284, %add3A_468] : memref<64x1152xf32, #tpu.memory_space<vmem>>[vector<16xi32>, vector<16xi32>], vector<16xf32>,
        tpu.vector_store_idx %arg10[%add3A_273, %broadcast_in_dim3A_465], %gather3A_469 : memref<128x128xf32, #tpu.memory_space<vmem>>[vector<16xi32>, vector<16xi32>], vector<16xf32>,
        %broadcast_in_dim3A_470 = arith.constant 30 : i32
        %broadcast_in_dim3A_471 = vector.broadcast %broadcast_in_dim3A_470 : i32 to vector<16xi32>
        %add3A_472 = arith.constant 30 : i32
        %add3A_473 = vector.broadcast %add3A_472 : i32 to vector<16xi32>
        %add3A_474 = arith.addi %mul3A_290, %add3A_473 : vector<16xi32>
        %gather3A_475 = tpu.vector_load_idx %arg9[%shift_right_logical3A_284, %add3A_474] : memref<64x1152xf32, #tpu.memory_space<vmem>>[vector<16xi32>, vector<16xi32>], vector<16xf32>,
        tpu.vector_store_idx %arg10[%add3A_273, %broadcast_in_dim3A_471], %gather3A_475 : memref<128x128xf32, #tpu.memory_space<vmem>>[vector<16xi32>, vector<16xi32>], vector<16xf32>,
        %broadcast_in_dim3A_476 = arith.constant 31 : i32
        %broadcast_in_dim3A_477 = vector.broadcast %broadcast_in_dim3A_476 : i32 to vector<16xi32>
        %add3A_478 = arith.constant 31 : i32
        %add3A_479 = vector.broadcast %add3A_478 : i32 to vector<16xi32>
        %add3A_480 = arith.addi %mul3A_290, %add3A_479 : vector<16xi32>
        %gather3A_481 = tpu.vector_load_idx %arg9[%shift_right_logical3A_284, %add3A_480] : memref<64x1152xf32, #tpu.memory_space<vmem>>[vector<16xi32>, vector<16xi32>], vector<16xf32>,
        tpu.vector_store_idx %arg10[%add3A_273, %broadcast_in_dim3A_477], %gather3A_481 : memref<128x128xf32, #tpu.memory_space<vmem>>[vector<16xi32>, vector<16xi32>], vector<16xf32>,
        %broadcast_in_dim3A_482 = arith.constant 32 : i32
        %broadcast_in_dim3A_483 = vector.broadcast %broadcast_in_dim3A_482 : i32 to vector<16xi32>
        %add3A_484 = arith.constant 32 : i32
        %add3A_485 = vector.broadcast %add3A_484 : i32 to vector<16xi32>
        %add3A_486 = arith.addi %mul3A_290, %add3A_485 : vector<16xi32>
        %gather3A_487 = tpu.vector_load_idx %arg9[%shift_right_logical3A_284, %add3A_486] : memref<64x1152xf32, #tpu.memory_space<vmem>>[vector<16xi32>, vector<16xi32>], vector<16xf32>,
        tpu.vector_store_idx %arg10[%add3A_273, %broadcast_in_dim3A_483], %gather3A_487 : memref<128x128xf32, #tpu.memory_space<vmem>>[vector<16xi32>, vector<16xi32>], vector<16xf32>,
        %broadcast_in_dim3A_488 = arith.constant 33 : i32
        %broadcast_in_dim3A_489 = vector.broadcast %broadcast_in_dim3A_488 : i32 to vector<16xi32>
        %add3A_490 = arith.constant 33 : i32
        %add3A_491 = vector.broadcast %add3A_490 : i32 to vector<16xi32>
        %add3A_492 = arith.addi %mul3A_290, %add3A_491 : vector<16xi32>
        %gather3A_493 = tpu.vector_load_idx %arg9[%shift_right_logical3A_284, %add3A_492] : memref<64x1152xf32, #tpu.memory_space<vmem>>[vector<16xi32>, vector<16xi32>], vector<16xf32>,
        tpu.vector_store_idx %arg10[%add3A_273, %broadcast_in_dim3A_489], %gather3A_493 : memref<128x128xf32, #tpu.memory_space<vmem>>[vector<16xi32>, vector<16xi32>], vector<16xf32>,
        %broadcast_in_dim3A_494 = arith.constant 34 : i32
        %broadcast_in_dim3A_495 = vector.broadcast %broadcast_in_dim3A_494 : i32 to vector<16xi32>
        %add3A_496 = arith.constant 34 : i32
        %add3A_497 = vector.broadcast %add3A_496 : i32 to vector<16xi32>
        %add3A_498 = arith.addi %mul3A_290, %add3A_497 : vector<16xi32>
        %gather3A_499 = tpu.vector_load_idx %arg9[%shift_right_logical3A_284, %add3A_498] : memref<64x1152xf32, #tpu.memory_space<vmem>>[vector<16xi32>, vector<16xi32>], vector<16xf32>,
        tpu.vector_store_idx %arg10[%add3A_273, %broadcast_in_dim3A_495], %gather3A_499 : memref<128x128xf32, #tpu.memory_space<vmem>>[vector<16xi32>, vector<16xi32>], vector<16xf32>,
        %broadcast_in_dim3A_500 = arith.constant 35 : i32
        %broadcast_in_dim3A_501 = vector.broadcast %broadcast_in_dim3A_500 : i32 to vector<16xi32>
        %add3A_502 = arith.constant 35 : i32
        %add3A_503 = vector.broadcast %add3A_502 : i32 to vector<16xi32>
        %add3A_504 = arith.addi %mul3A_290, %add3A_503 : vector<16xi32>
        %gather3A_505 = tpu.vector_load_idx %arg9[%shift_right_logical3A_284, %add3A_504] : memref<64x1152xf32, #tpu.memory_space<vmem>>[vector<16xi32>, vector<16xi32>], vector<16xf32>,
        tpu.vector_store_idx %arg10[%add3A_273, %broadcast_in_dim3A_501], %gather3A_505 : memref<128x128xf32, #tpu.memory_space<vmem>>[vector<16xi32>, vector<16xi32>], vector<16xf32>,
        %broadcast_in_dim3A_506 = arith.constant 36 : i32
        %broadcast_in_dim3A_507 = vector.broadcast %broadcast_in_dim3A_506 : i32 to vector<16xi32>
        %add3A_508 = arith.constant 36 : i32
        %add3A_509 = vector.broadcast %add3A_508 : i32 to vector<16xi32>
        %add3A_510 = arith.addi %mul3A_290, %add3A_509 : vector<16xi32>
        %gather3A_511 = tpu.vector_load_idx %arg9[%shift_right_logical3A_284, %add3A_510] : memref<64x1152xf32, #tpu.memory_space<vmem>>[vector<16xi32>, vector<16xi32>], vector<16xf32>,
        tpu.vector_store_idx %arg10[%add3A_273, %broadcast_in_dim3A_507], %gather3A_511 : memref<128x128xf32, #tpu.memory_space<vmem>>[vector<16xi32>, vector<16xi32>], vector<16xf32>,
        %broadcast_in_dim3A_512 = arith.constant 37 : i32
        %broadcast_in_dim3A_513 = vector.broadcast %broadcast_in_dim3A_512 : i32 to vector<16xi32>
        %add3A_514 = arith.constant 37 : i32
        %add3A_515 = vector.broadcast %add3A_514 : i32 to vector<16xi32>
        %add3A_516 = arith.addi %mul3A_290, %add3A_515 : vector<16xi32>
        %gather3A_517 = tpu.vector_load_idx %arg9[%shift_right_logical3A_284, %add3A_516] : memref<64x1152xf32, #tpu.memory_space<vmem>>[vector<16xi32>, vector<16xi32>], vector<16xf32>,
        tpu.vector_store_idx %arg10[%add3A_273, %broadcast_in_dim3A_513], %gather3A_517 : memref<128x128xf32, #tpu.memory_space<vmem>>[vector<16xi32>, vector<16xi32>], vector<16xf32>,
        %broadcast_in_dim3A_518 = arith.constant 38 : i32
        %broadcast_in_dim3A_519 = vector.broadcast %broadcast_in_dim3A_518 : i32 to vector<16xi32>
        %add3A_520 = arith.constant 38 : i32
        %add3A_521 = vector.broadcast %add3A_520 : i32 to vector<16xi32>
        %add3A_522 = arith.addi %mul3A_290, %add3A_521 : vector<16xi32>
        %gather3A_523 = tpu.vector_load_idx %arg9[%shift_right_logical3A_284, %add3A_522] : memref<64x1152xf32, #tpu.memory_space<vmem>>[vector<16xi32>, vector<16xi32>], vector<16xf32>,
        tpu.vector_store_idx %arg10[%add3A_273, %broadcast_in_dim3A_519], %gather3A_523 : memref<128x128xf32, #tpu.memory_space<vmem>>[vector<16xi32>, vector<16xi32>], vector<16xf32>,
        %broadcast_in_dim3A_524 = arith.constant 39 : i32
        %broadcast_in_dim3A_525 = vector.broadcast %broadcast_in_dim3A_524 : i32 to vector<16xi32>
        %add3A_526 = arith.constant 39 : i32
        %add3A_527 = vector.broadcast %add3A_526 : i32 to vector<16xi32>
        %add3A_528 = arith.addi %mul3A_290, %add3A_527 : vector<16xi32>
        %gather3A_529 = tpu.vector_load_idx %arg9[%shift_right_logical3A_284, %add3A_528] : memref<64x1152xf32, #tpu.memory_space<vmem>>[vector<16xi32>, vector<16xi32>], vector<16xf32>,
        tpu.vector_store_idx %arg10[%add3A_273, %broadcast_in_dim3A_525], %gather3A_529 : memref<128x128xf32, #tpu.memory_space<vmem>>[vector<16xi32>, vector<16xi32>], vector<16xf32>,
        %broadcast_in_dim3A_530 = arith.constant 40 : i32
        %broadcast_in_dim3A_531 = vector.broadcast %broadcast_in_dim3A_530 : i32 to vector<16xi32>
        %add3A_532 = arith.constant 40 : i32
        %add3A_533 = vector.broadcast %add3A_532 : i32 to vector<16xi32>
        %add3A_534 = arith.addi %mul3A_290, %add3A_533 : vector<16xi32>
        %gather3A_535 = tpu.vector_load_idx %arg9[%shift_right_logical3A_284, %add3A_534] : memref<64x1152xf32, #tpu.memory_space<vmem>>[vector<16xi32>, vector<16xi32>], vector<16xf32>,
        tpu.vector_store_idx %arg10[%add3A_273, %broadcast_in_dim3A_531], %gather3A_535 : memref<128x128xf32, #tpu.memory_space<vmem>>[vector<16xi32>, vector<16xi32>], vector<16xf32>,
        %broadcast_in_dim3A_536 = arith.constant 41 : i32
        %broadcast_in_dim3A_537 = vector.broadcast %broadcast_in_dim3A_536 : i32 to vector<16xi32>
        %add3A_538 = arith.constant 41 : i32
        %add3A_539 = vector.broadcast %add3A_538 : i32 to vector<16xi32>
        %add3A_540 = arith.addi %mul3A_290, %add3A_539 : vector<16xi32>
        %gather3A_541 = tpu.vector_load_idx %arg9[%shift_right_logical3A_284, %add3A_540] : memref<64x1152xf32, #tpu.memory_space<vmem>>[vector<16xi32>, vector<16xi32>], vector<16xf32>,
        tpu.vector_store_idx %arg10[%add3A_273, %broadcast_in_dim3A_537], %gather3A_541 : memref<128x128xf32, #tpu.memory_space<vmem>>[vector<16xi32>, vector<16xi32>], vector<16xf32>,
        %broadcast_in_dim3A_542 = arith.constant 42 : i32
        %broadcast_in_dim3A_543 = vector.broadcast %broadcast_in_dim3A_542 : i32 to vector<16xi32>
        %add3A_544 = arith.constant 42 : i32
        %add3A_545 = vector.broadcast %add3A_544 : i32 to vector<16xi32>
        %add3A_546 = arith.addi %mul3A_290, %add3A_545 : vector<16xi32>
        %gather3A_547 = tpu.vector_load_idx %arg9[%shift_right_logical3A_284, %add3A_546] : memref<64x1152xf32, #tpu.memory_space<vmem>>[vector<16xi32>, vector<16xi32>], vector<16xf32>,
        tpu.vector_store_idx %arg10[%add3A_273, %broadcast_in_dim3A_543], %gather3A_547 : memref<128x128xf32, #tpu.memory_space<vmem>>[vector<16xi32>, vector<16xi32>], vector<16xf32>,
        %broadcast_in_dim3A_548 = arith.constant 43 : i32
        %broadcast_in_dim3A_549 = vector.broadcast %broadcast_in_dim3A_548 : i32 to vector<16xi32>
        %add3A_550 = arith.constant 43 : i32
        %add3A_551 = vector.broadcast %add3A_550 : i32 to vector<16xi32>
        %add3A_552 = arith.addi %mul3A_290, %add3A_551 : vector<16xi32>
        %gather3A_553 = tpu.vector_load_idx %arg9[%shift_right_logical3A_284, %add3A_552] : memref<64x1152xf32, #tpu.memory_space<vmem>>[vector<16xi32>, vector<16xi32>], vector<16xf32>,
        tpu.vector_store_idx %arg10[%add3A_273, %broadcast_in_dim3A_549], %gather3A_553 : memref<128x128xf32, #tpu.memory_space<vmem>>[vector<16xi32>, vector<16xi32>], vector<16xf32>,
        %broadcast_in_dim3A_554 = arith.constant 44 : i32
        %broadcast_in_dim3A_555 = vector.broadcast %broadcast_in_dim3A_554 : i32 to vector<16xi32>
        %add3A_556 = arith.constant 44 : i32
        %add3A_557 = vector.broadcast %add3A_556 : i32 to vector<16xi32>
        %add3A_558 = arith.addi %mul3A_290, %add3A_557 : vector<16xi32>
        %gather3A_559 = tpu.vector_load_idx %arg9[%shift_right_logical3A_284, %add3A_558] : memref<64x1152xf32, #tpu.memory_space<vmem>>[vector<16xi32>, vector<16xi32>], vector<16xf32>,
        tpu.vector_store_idx %arg10[%add3A_273, %broadcast_in_dim3A_555], %gather3A_559 : memref<128x128xf32, #tpu.memory_space<vmem>>[vector<16xi32>, vector<16xi32>], vector<16xf32>,
        %broadcast_in_dim3A_560 = arith.constant 45 : i32
        %broadcast_in_dim3A_561 = vector.broadcast %broadcast_in_dim3A_560 : i32 to vector<16xi32>
        %add3A_562 = arith.constant 45 : i32
        %add3A_563 = vector.broadcast %add3A_562 : i32 to vector<16xi32>
        %add3A_564 = arith.addi %mul3A_290, %add3A_563 : vector<16xi32>
        %gather3A_565 = tpu.vector_load_idx %arg9[%shift_right_logical3A_284, %add3A_564] : memref<64x1152xf32, #tpu.memory_space<vmem>>[vector<16xi32>, vector<16xi32>], vector<16xf32>,
        tpu.vector_store_idx %arg10[%add3A_273, %broadcast_in_dim3A_561], %gather3A_565 : memref<128x128xf32, #tpu.memory_space<vmem>>[vector<16xi32>, vector<16xi32>], vector<16xf32>,
        %broadcast_in_dim3A_566 = arith.constant 46 : i32
        %broadcast_in_dim3A_567 = vector.broadcast %broadcast_in_dim3A_566 : i32 to vector<16xi32>
        %add3A_568 = arith.constant 46 : i32
        %add3A_569 = vector.broadcast %add3A_568 : i32 to vector<16xi32>
        %add3A_570 = arith.addi %mul3A_290, %add3A_569 : vector<16xi32>
        %gather3A_571 = tpu.vector_load_idx %arg9[%shift_right_logical3A_284, %add3A_570] : memref<64x1152xf32, #tpu.memory_space<vmem>>[vector<16xi32>, vector<16xi32>], vector<16xf32>,
        tpu.vector_store_idx %arg10[%add3A_273, %broadcast_in_dim3A_567], %gather3A_571 : memref<128x128xf32, #tpu.memory_space<vmem>>[vector<16xi32>, vector<16xi32>], vector<16xf32>,
        %broadcast_in_dim3A_572 = arith.constant 47 : i32
        %broadcast_in_dim3A_573 = vector.broadcast %broadcast_in_dim3A_572 : i32 to vector<16xi32>
        %add3A_574 = arith.constant 47 : i32
        %add3A_575 = vector.broadcast %add3A_574 : i32 to vector<16xi32>
        %add3A_576 = arith.addi %mul3A_290, %add3A_575 : vector<16xi32>
        %gather3A_577 = tpu.vector_load_idx %arg9[%shift_right_logical3A_284, %add3A_576] : memref<64x1152xf32, #tpu.memory_space<vmem>>[vector<16xi32>, vector<16xi32>], vector<16xf32>,
        tpu.vector_store_idx %arg10[%add3A_273, %broadcast_in_dim3A_573], %gather3A_577 : memref<128x128xf32, #tpu.memory_space<vmem>>[vector<16xi32>, vector<16xi32>], vector<16xf32>,
        %broadcast_in_dim3A_578 = arith.constant 48 : i32
        %broadcast_in_dim3A_579 = vector.broadcast %broadcast_in_dim3A_578 : i32 to vector<16xi32>
        %add3A_580 = arith.constant 48 : i32
        %add3A_581 = vector.broadcast %add3A_580 : i32 to vector<16xi32>
        %add3A_582 = arith.addi %mul3A_290, %add3A_581 : vector<16xi32>
        %gather3A_583 = tpu.vector_load_idx %arg9[%shift_right_logical3A_284, %add3A_582] : memref<64x1152xf32, #tpu.memory_space<vmem>>[vector<16xi32>, vector<16xi32>], vector<16xf32>,
        tpu.vector_store_idx %arg10[%add3A_273, %broadcast_in_dim3A_579], %gather3A_583 : memref<128x128xf32, #tpu.memory_space<vmem>>[vector<16xi32>, vector<16xi32>], vector<16xf32>,
        %broadcast_in_dim3A_584 = arith.constant 49 : i32
        %broadcast_in_dim3A_585 = vector.broadcast %broadcast_in_dim3A_584 : i32 to vector<16xi32>
        %add3A_586 = arith.constant 49 : i32
        %add3A_587 = vector.broadcast %add3A_586 : i32 to vector<16xi32>
        %add3A_588 = arith.addi %mul3A_290, %add3A_587 : vector<16xi32>
        %gather3A_589 = tpu.vector_load_idx %arg9[%shift_right_logical3A_284, %add3A_588] : memref<64x1152xf32, #tpu.memory_space<vmem>>[vector<16xi32>, vector<16xi32>], vector<16xf32>,
        tpu.vector_store_idx %arg10[%add3A_273, %broadcast_in_dim3A_585], %gather3A_589 : memref<128x128xf32, #tpu.memory_space<vmem>>[vector<16xi32>, vector<16xi32>], vector<16xf32>,
        %broadcast_in_dim3A_590 = arith.constant 50 : i32
        %broadcast_in_dim3A_591 = vector.broadcast %broadcast_in_dim3A_590 : i32 to vector<16xi32>
        %add3A_592 = arith.constant 50 : i32
        %add3A_593 = vector.broadcast %add3A_592 : i32 to vector<16xi32>
        %add3A_594 = arith.addi %mul3A_290, %add3A_593 : vector<16xi32>
        %gather3A_595 = tpu.vector_load_idx %arg9[%shift_right_logical3A_284, %add3A_594] : memref<64x1152xf32, #tpu.memory_space<vmem>>[vector<16xi32>, vector<16xi32>], vector<16xf32>,
        tpu.vector_store_idx %arg10[%add3A_273, %broadcast_in_dim3A_591], %gather3A_595 : memref<128x128xf32, #tpu.memory_space<vmem>>[vector<16xi32>, vector<16xi32>], vector<16xf32>,
        %broadcast_in_dim3A_596 = arith.constant 51 : i32
        %broadcast_in_dim3A_597 = vector.broadcast %broadcast_in_dim3A_596 : i32 to vector<16xi32>
        %add3A_598 = arith.constant 51 : i32
        %add3A_599 = vector.broadcast %add3A_598 : i32 to vector<16xi32>
        %add3A_600 = arith.addi %mul3A_290, %add3A_599 : vector<16xi32>
        %gather3A_601 = tpu.vector_load_idx %arg9[%shift_right_logical3A_284, %add3A_600] : memref<64x1152xf32, #tpu.memory_space<vmem>>[vector<16xi32>, vector<16xi32>], vector<16xf32>,
        tpu.vector_store_idx %arg10[%add3A_273, %broadcast_in_dim3A_597], %gather3A_601 : memref<128x128xf32, #tpu.memory_space<vmem>>[vector<16xi32>, vector<16xi32>], vector<16xf32>,
        %broadcast_in_dim3A_602 = arith.constant 52 : i32
        %broadcast_in_dim3A_603 = vector.broadcast %broadcast_in_dim3A_602 : i32 to vector<16xi32>
        %add3A_604 = arith.constant 52 : i32
        %add3A_605 = vector.broadcast %add3A_604 : i32 to vector<16xi32>
        %add3A_606 = arith.addi %mul3A_290, %add3A_605 : vector<16xi32>
        %gather3A_607 = tpu.vector_load_idx %arg9[%shift_right_logical3A_284, %add3A_606] : memref<64x1152xf32, #tpu.memory_space<vmem>>[vector<16xi32>, vector<16xi32>], vector<16xf32>,
        tpu.vector_store_idx %arg10[%add3A_273, %broadcast_in_dim3A_603], %gather3A_607 : memref<128x128xf32, #tpu.memory_space<vmem>>[vector<16xi32>, vector<16xi32>], vector<16xf32>,
        %broadcast_in_dim3A_608 = arith.constant 53 : i32
        %broadcast_in_dim3A_609 = vector.broadcast %broadcast_in_dim3A_608 : i32 to vector<16xi32>
        %add3A_610 = arith.constant 53 : i32
        %add3A_611 = vector.broadcast %add3A_610 : i32 to vector<16xi32>
        %add3A_612 = arith.addi %mul3A_290, %add3A_611 : vector<16xi32>
        %gather3A_613 = tpu.vector_load_idx %arg9[%shift_right_logical3A_284, %add3A_612] : memref<64x1152xf32, #tpu.memory_space<vmem>>[vector<16xi32>, vector<16xi32>], vector<16xf32>,
        tpu.vector_store_idx %arg10[%add3A_273, %broadcast_in_dim3A_609], %gather3A_613 : memref<128x128xf32, #tpu.memory_space<vmem>>[vector<16xi32>, vector<16xi32>], vector<16xf32>,
        %broadcast_in_dim3A_614 = arith.constant 54 : i32
        %broadcast_in_dim3A_615 = vector.broadcast %broadcast_in_dim3A_614 : i32 to vector<16xi32>
        %add3A_616 = arith.constant 54 : i32
        %add3A_617 = vector.broadcast %add3A_616 : i32 to vector<16xi32>
        %add3A_618 = arith.addi %mul3A_290, %add3A_617 : vector<16xi32>
        %gather3A_619 = tpu.vector_load_idx %arg9[%shift_right_logical3A_284, %add3A_618] : memref<64x1152xf32, #tpu.memory_space<vmem>>[vector<16xi32>, vector<16xi32>], vector<16xf32>,
        tpu.vector_store_idx %arg10[%add3A_273, %broadcast_in_dim3A_615], %gather3A_619 : memref<128x128xf32, #tpu.memory_space<vmem>>[vector<16xi32>, vector<16xi32>], vector<16xf32>,
        %broadcast_in_dim3A_620 = arith.constant 55 : i32
        %broadcast_in_dim3A_621 = vector.broadcast %broadcast_in_dim3A_620 : i32 to vector<16xi32>
        %add3A_622 = arith.constant 55 : i32
        %add3A_623 = vector.broadcast %add3A_622 : i32 to vector<16xi32>
        %add3A_624 = arith.addi %mul3A_290, %add3A_623 : vector<16xi32>
        %gather3A_625 = tpu.vector_load_idx %arg9[%shift_right_logical3A_284, %add3A_624] : memref<64x1152xf32, #tpu.memory_space<vmem>>[vector<16xi32>, vector<16xi32>], vector<16xf32>,
        tpu.vector_store_idx %arg10[%add3A_273, %broadcast_in_dim3A_621], %gather3A_625 : memref<128x128xf32, #tpu.memory_space<vmem>>[vector<16xi32>, vector<16xi32>], vector<16xf32>,
        %broadcast_in_dim3A_626 = arith.constant 56 : i32
        %broadcast_in_dim3A_627 = vector.broadcast %broadcast_in_dim3A_626 : i32 to vector<16xi32>
        %add3A_628 = arith.constant 56 : i32
        %add3A_629 = vector.broadcast %add3A_628 : i32 to vector<16xi32>
        %add3A_630 = arith.addi %mul3A_290, %add3A_629 : vector<16xi32>
        %gather3A_631 = tpu.vector_load_idx %arg9[%shift_right_logical3A_284, %add3A_630] : memref<64x1152xf32, #tpu.memory_space<vmem>>[vector<16xi32>, vector<16xi32>], vector<16xf32>,
        tpu.vector_store_idx %arg10[%add3A_273, %broadcast_in_dim3A_627], %gather3A_631 : memref<128x128xf32, #tpu.memory_space<vmem>>[vector<16xi32>, vector<16xi32>], vector<16xf32>,
        %broadcast_in_dim3A_632 = arith.constant 57 : i32
        %broadcast_in_dim3A_633 = vector.broadcast %broadcast_in_dim3A_632 : i32 to vector<16xi32>
        %add3A_634 = arith.constant 57 : i32
        %add3A_635 = vector.broadcast %add3A_634 : i32 to vector<16xi32>
        %add3A_636 = arith.addi %mul3A_290, %add3A_635 : vector<16xi32>
        %gather3A_637 = tpu.vector_load_idx %arg9[%shift_right_logical3A_284, %add3A_636] : memref<64x1152xf32, #tpu.memory_space<vmem>>[vector<16xi32>, vector<16xi32>], vector<16xf32>,
        tpu.vector_store_idx %arg10[%add3A_273, %broadcast_in_dim3A_633], %gather3A_637 : memref<128x128xf32, #tpu.memory_space<vmem>>[vector<16xi32>, vector<16xi32>], vector<16xf32>,
        %broadcast_in_dim3A_638 = arith.constant 58 : i32
        %broadcast_in_dim3A_639 = vector.broadcast %broadcast_in_dim3A_638 : i32 to vector<16xi32>
        %add3A_640 = arith.constant 58 : i32
        %add3A_641 = vector.broadcast %add3A_640 : i32 to vector<16xi32>
        %add3A_642 = arith.addi %mul3A_290, %add3A_641 : vector<16xi32>
        %gather3A_643 = tpu.vector_load_idx %arg9[%shift_right_logical3A_284, %add3A_642] : memref<64x1152xf32, #tpu.memory_space<vmem>>[vector<16xi32>, vector<16xi32>], vector<16xf32>,
        tpu.vector_store_idx %arg10[%add3A_273, %broadcast_in_dim3A_639], %gather3A_643 : memref<128x128xf32, #tpu.memory_space<vmem>>[vector<16xi32>, vector<16xi32>], vector<16xf32>,
        %broadcast_in_dim3A_644 = arith.constant 59 : i32
        %broadcast_in_dim3A_645 = vector.broadcast %broadcast_in_dim3A_644 : i32 to vector<16xi32>
        %add3A_646 = arith.constant 59 : i32
        %add3A_647 = vector.broadcast %add3A_646 : i32 to vector<16xi32>
        %add3A_648 = arith.addi %mul3A_290, %add3A_647 : vector<16xi32>
        %gather3A_649 = tpu.vector_load_idx %arg9[%shift_right_logical3A_284, %add3A_648] : memref<64x1152xf32, #tpu.memory_space<vmem>>[vector<16xi32>, vector<16xi32>], vector<16xf32>,
        tpu.vector_store_idx %arg10[%add3A_273, %broadcast_in_dim3A_645], %gather3A_649 : memref<128x128xf32, #tpu.memory_space<vmem>>[vector<16xi32>, vector<16xi32>], vector<16xf32>,
        %broadcast_in_dim3A_650 = arith.constant 60 : i32
        %broadcast_in_dim3A_651 = vector.broadcast %broadcast_in_dim3A_650 : i32 to vector<16xi32>
        %add3A_652 = arith.constant 60 : i32
        %add3A_653 = vector.broadcast %add3A_652 : i32 to vector<16xi32>
        %add3A_654 = arith.addi %mul3A_290, %add3A_653 : vector<16xi32>
        %gather3A_655 = tpu.vector_load_idx %arg9[%shift_right_logical3A_284, %add3A_654] : memref<64x1152xf32, #tpu.memory_space<vmem>>[vector<16xi32>, vector<16xi32>], vector<16xf32>,
        tpu.vector_store_idx %arg10[%add3A_273, %broadcast_in_dim3A_651], %gather3A_655 : memref<128x128xf32, #tpu.memory_space<vmem>>[vector<16xi32>, vector<16xi32>], vector<16xf32>,
        %broadcast_in_dim3A_656 = arith.constant 61 : i32
        %broadcast_in_dim3A_657 = vector.broadcast %broadcast_in_dim3A_656 : i32 to vector<16xi32>
        %add3A_658 = arith.constant 61 : i32
        %add3A_659 = vector.broadcast %add3A_658 : i32 to vector<16xi32>
        %add3A_660 = arith.addi %mul3A_290, %add3A_659 : vector<16xi32>
        %gather3A_661 = tpu.vector_load_idx %arg9[%shift_right_logical3A_284, %add3A_660] : memref<64x1152xf32, #tpu.memory_space<vmem>>[vector<16xi32>, vector<16xi32>], vector<16xf32>,
        tpu.vector_store_idx %arg10[%add3A_273, %broadcast_in_dim3A_657], %gather3A_661 : memref<128x128xf32, #tpu.memory_space<vmem>>[vector<16xi32>, vector<16xi32>], vector<16xf32>,
        %broadcast_in_dim3A_662 = arith.constant 62 : i32
        %broadcast_in_dim3A_663 = vector.broadcast %broadcast_in_dim3A_662 : i32 to vector<16xi32>
        %add3A_664 = arith.constant 62 : i32
        %add3A_665 = vector.broadcast %add3A_664 : i32 to vector<16xi32>
        %add3A_666 = arith.addi %mul3A_290, %add3A_665 : vector<16xi32>
        %gather3A_667 = tpu.vector_load_idx %arg9[%shift_right_logical3A_284, %add3A_666] : memref<64x1152xf32, #tpu.memory_space<vmem>>[vector<16xi32>, vector<16xi32>], vector<16xf32>,
        tpu.vector_store_idx %arg10[%add3A_273, %broadcast_in_dim3A_663], %gather3A_667 : memref<128x128xf32, #tpu.memory_space<vmem>>[vector<16xi32>, vector<16xi32>], vector<16xf32>,
        %broadcast_in_dim3A_668 = arith.constant 63 : i32
        %broadcast_in_dim3A_669 = vector.broadcast %broadcast_in_dim3A_668 : i32 to vector<16xi32>
        %add3A_670 = arith.constant 63 : i32
        %add3A_671 = vector.broadcast %add3A_670 : i32 to vector<16xi32>
        %add3A_672 = arith.addi %mul3A_290, %add3A_671 : vector<16xi32>
        %gather3A_673 = tpu.vector_load_idx %arg9[%shift_right_logical3A_284, %add3A_672] : memref<64x1152xf32, #tpu.memory_space<vmem>>[vector<16xi32>, vector<16xi32>], vector<16xf32>,
        tpu.vector_store_idx %arg10[%add3A_273, %broadcast_in_dim3A_669], %gather3A_673 : memref<128x128xf32, #tpu.memory_space<vmem>>[vector<16xi32>, vector<16xi32>], vector<16xf32>,
        %broadcast_in_dim3A_674 = vector.broadcast %add3A_55 : i32 to vector<16xi32>
        %select_n3A_675 = arith.select %lt3A_269, %and3A_266, %broadcast_in_dim3A_674 : vector<16xi1>, vector<16xi32>
        %mul3A_676 = arith.constant 16 : i32
        %mul3A_677 = arith.muli %while3A_254, %mul3A_676 : i32
        %swap3A_678 = arith.constant 0 : i32
        %swap3A_679 = arith.index_cast %swap3A_678 : i32 to index
        %swap3A_680 = arith.index_cast %mul3A_677 : i32 to index
        %swap3A_681 = tpu.vector_load %arg11[%swap3A_679, %swap3A_680] {strides = array<i32>} : memref<2x128xi32, #tpu.memory_space<vmem>>, vector<16xi32>,
        tpu.vector_store %arg11[%swap3A_679, %swap3A_680], %select_n3A_675 {strides = array<i32>} : memref<2x128xi32, #tpu.memory_space<vmem>>, vector<16xi32>,
        %while3A_682 = arith.constant 0 : i32
        scf.yield %while3A_682 : i32
      }
      %while3A_239 = arith.constant 1 : i32
      %while3A_240 = scf.for %while3A_254 = %while3A_236 to %while3A_232 step %while3A_239 iter_args(%while3A_255 = %while3A_238) -> (i32)  : i32 {
        %mul3A_256 = arith.constant 128 : i32
        %mul3A_257 = arith.muli %while3A_223, %mul3A_256 : i32
        %mul3A_258 = arith.constant 16 : i32
        %mul3A_259 = arith.muli %while3A_254, %mul3A_258 : i32
        %add3A_260 = arith.addi %mul3A_257, %mul3A_259 : i32
        %get3A = arith.index_cast %add3A_260 : i32 to index
        %get3A_261 = tpu.vector_load %arg8[%get3A] {strides = array<i32>} : memref<16400xi32, #tpu.memory_space<vmem>>, vector<16xi32>,
        %shift_right_logical3A = arith.constant 14 : i32
        %shift_right_logical3A_262 = vector.broadcast %shift_right_logical3A : i32 to vector<16xi32>
        %shift_right_logical3A_263 = arith.shrui %get3A_261, %shift_right_logical3A_262 : vector<16xi32>
        %and3A_264 = arith.constant 16383 : i32
        %and3A_265 = vector.broadcast %and3A_264 : i32 to vector<16xi32>
        %and3A_266 = arith.andi %get3A_261, %and3A_265 : vector<16xi32>
        %add3A_267 = vector.broadcast %add3A_260 : i32 to vector<16xi32>
        %add3A_268 = arith.addi %iota3A, %add3A_267 : vector<16xi32>
        %lt3A = vector.broadcast %reduce_max3A_158 : i32 to vector<16xi32>
        %lt3A_269 = arith.cmpi slt, %add3A_268, %lt3A : vector<16xi32>
        %mul3A_270 = arith.constant 16 : i32
        %mul3A_271 = arith.muli %while3A_254, %mul3A_270 : i32
        %add3A_272 = vector.broadcast %mul3A_271 : i32 to vector<16xi32>
        %add3A_273 = arith.addi %iota3A, %add3A_272 : vector<16xi32>
        %sub3A_274 = arith.constant 99968 : i32
        %sub3A_275 = vector.broadcast %sub3A_274 : i32 to vector<16xi32>
        %sub3A_276 = arith.subi %shift_right_logical3A_263, %sub3A_275 : vector<16xi32>
        %clamp3A = arith.constant 0 : i32
        %clamp3A_277 = arith.constant 31 : i32
        %clamp3A_278 = vector.broadcast %clamp3A : i32 to vector<16xi32>
        %clamp3A_279 = arith.maxsi %sub3A_276, %clamp3A_278 : vector<16xi32>
        %clamp3A_280 = vector.broadcast %clamp3A_277 : i32 to vector<16xi32>
        %clamp3A_281 = arith.minsi %clamp3A_279, %clamp3A_280 : vector<16xi32>
        %shift_right_logical3A_282 = arith.constant 1 : i32
        %shift_right_logical3A_283 = vector.broadcast %shift_right_logical3A_282 : i32 to vector<16xi32>
        %shift_right_logical3A_284 = arith.shrui %clamp3A_281, %shift_right_logical3A_283 : vector<16xi32>
        %and3A_285 = arith.constant 1 : i32
        %and3A_286 = vector.broadcast %and3A_285 : i32 to vector<16xi32>
        %and3A_287 = arith.andi %clamp3A_281, %and3A_286 : vector<16xi32>
        %mul3A_288 = arith.constant 64 : i32
        %mul3A_289 = vector.broadcast %mul3A_288 : i32 to vector<16xi32>
        %mul3A_290 = arith.muli %and3A_287, %mul3A_289 : vector<16xi32>
        %broadcast_in_dim3A_291 = arith.constant 0 : i32
        %broadcast_in_dim3A_292 = vector.broadcast %broadcast_in_dim3A_291 : i32 to vector<16xi32>
        %add3A_293 = arith.constant 0 : i32
        %add3A_294 = vector.broadcast %add3A_293 : i32 to vector<16xi32>
        %add3A_295 = arith.addi %mul3A_290, %add3A_294 : vector<16xi32>
        %gather3A = tpu.vector_load_idx %arg9[%shift_right_logical3A_284, %add3A_295] : memref<64x1152xf32, #tpu.memory_space<vmem>>[vector<16xi32>, vector<16xi32>], vector<16xf32>,
        tpu.vector_store_idx %arg10[%add3A_273, %broadcast_in_dim3A_292], %gather3A : memref<128x128xf32, #tpu.memory_space<vmem>>[vector<16xi32>, vector<16xi32>], vector<16xf32>,
        %broadcast_in_dim3A_296 = arith.constant 1 : i32
        %broadcast_in_dim3A_297 = vector.broadcast %broadcast_in_dim3A_296 : i32 to vector<16xi32>
        %add3A_298 = arith.constant 1 : i32
        %add3A_299 = vector.broadcast %add3A_298 : i32 to vector<16xi32>
        %add3A_300 = arith.addi %mul3A_290, %add3A_299 : vector<16xi32>
        %gather3A_301 = tpu.vector_load_idx %arg9[%shift_right_logical3A_284, %add3A_300] : memref<64x1152xf32, #tpu.memory_space<vmem>>[vector<16xi32>, vector<16xi32>], vector<16xf32>,
        tpu.vector_store_idx %arg10[%add3A_273, %broadcast_in_dim3A_297], %gather3A_301 : memref<128x128xf32, #tpu.memory_space<vmem>>[vector<16xi32>, vector<16xi32>], vector<16xf32>,
        %broadcast_in_dim3A_302 = arith.constant 2 : i32
        %broadcast_in_dim3A_303 = vector.broadcast %broadcast_in_dim3A_302 : i32 to vector<16xi32>
        %add3A_304 = arith.constant 2 : i32
        %add3A_305 = vector.broadcast %add3A_304 : i32 to vector<16xi32>
        %add3A_306 = arith.addi %mul3A_290, %add3A_305 : vector<16xi32>
        %gather3A_307 = tpu.vector_load_idx %arg9[%shift_right_logical3A_284, %add3A_306] : memref<64x1152xf32, #tpu.memory_space<vmem>>[vector<16xi32>, vector<16xi32>], vector<16xf32>,
        tpu.vector_store_idx %arg10[%add3A_273, %broadcast_in_dim3A_303], %gather3A_307 : memref<128x128xf32, #tpu.memory_space<vmem>>[vector<16xi32>, vector<16xi32>], vector<16xf32>,
        %broadcast_in_dim3A_308 = arith.constant 3 : i32
        %broadcast_in_dim3A_309 = vector.broadcast %broadcast_in_dim3A_308 : i32 to vector<16xi32>
        %add3A_310 = arith.constant 3 : i32
        %add3A_311 = vector.broadcast %add3A_310 : i32 to vector<16xi32>
        %add3A_312 = arith.addi %mul3A_290, %add3A_311 : vector<16xi32>
        %gather3A_313 = tpu.vector_load_idx %arg9[%shift_right_logical3A_284, %add3A_312] : memref<64x1152xf32, #tpu.memory_space<vmem>>[vector<16xi32>, vector<16xi32>], vector<16xf32>,
        tpu.vector_store_idx %arg10[%add3A_273, %broadcast_in_dim3A_309], %gather3A_313 : memref<128x128xf32, #tpu.memory_space<vmem>>[vector<16xi32>, vector<16xi32>], vector<16xf32>,
        %broadcast_in_dim3A_314 = arith.constant 4 : i32
        %broadcast_in_dim3A_315 = vector.broadcast %broadcast_in_dim3A_314 : i32 to vector<16xi32>
        %add3A_316 = arith.constant 4 : i32
        %add3A_317 = vector.broadcast %add3A_316 : i32 to vector<16xi32>
        %add3A_318 = arith.addi %mul3A_290, %add3A_317 : vector<16xi32>
        %gather3A_319 = tpu.vector_load_idx %arg9[%shift_right_logical3A_284, %add3A_318] : memref<64x1152xf32, #tpu.memory_space<vmem>>[vector<16xi32>, vector<16xi32>], vector<16xf32>,
        tpu.vector_store_idx %arg10[%add3A_273, %broadcast_in_dim3A_315], %gather3A_319 : memref<128x128xf32, #tpu.memory_space<vmem>>[vector<16xi32>, vector<16xi32>], vector<16xf32>,
        %broadcast_in_dim3A_320 = arith.constant 5 : i32
        %broadcast_in_dim3A_321 = vector.broadcast %broadcast_in_dim3A_320 : i32 to vector<16xi32>
        %add3A_322 = arith.constant 5 : i32
        %add3A_323 = vector.broadcast %add3A_322 : i32 to vector<16xi32>
        %add3A_324 = arith.addi %mul3A_290, %add3A_323 : vector<16xi32>
        %gather3A_325 = tpu.vector_load_idx %arg9[%shift_right_logical3A_284, %add3A_324] : memref<64x1152xf32, #tpu.memory_space<vmem>>[vector<16xi32>, vector<16xi32>], vector<16xf32>,
        tpu.vector_store_idx %arg10[%add3A_273, %broadcast_in_dim3A_321], %gather3A_325 : memref<128x128xf32, #tpu.memory_space<vmem>>[vector<16xi32>, vector<16xi32>], vector<16xf32>,
        %broadcast_in_dim3A_326 = arith.constant 6 : i32
        %broadcast_in_dim3A_327 = vector.broadcast %broadcast_in_dim3A_326 : i32 to vector<16xi32>
        %add3A_328 = arith.constant 6 : i32
        %add3A_329 = vector.broadcast %add3A_328 : i32 to vector<16xi32>
        %add3A_330 = arith.addi %mul3A_290, %add3A_329 : vector<16xi32>
        %gather3A_331 = tpu.vector_load_idx %arg9[%shift_right_logical3A_284, %add3A_330] : memref<64x1152xf32, #tpu.memory_space<vmem>>[vector<16xi32>, vector<16xi32>], vector<16xf32>,
        tpu.vector_store_idx %arg10[%add3A_273, %broadcast_in_dim3A_327], %gather3A_331 : memref<128x128xf32, #tpu.memory_space<vmem>>[vector<16xi32>, vector<16xi32>], vector<16xf32>,
        %broadcast_in_dim3A_332 = arith.constant 7 : i32
        %broadcast_in_dim3A_333 = vector.broadcast %broadcast_in_dim3A_332 : i32 to vector<16xi32>
        %add3A_334 = arith.constant 7 : i32
        %add3A_335 = vector.broadcast %add3A_334 : i32 to vector<16xi32>
        %add3A_336 = arith.addi %mul3A_290, %add3A_335 : vector<16xi32>
        %gather3A_337 = tpu.vector_load_idx %arg9[%shift_right_logical3A_284, %add3A_336] : memref<64x1152xf32, #tpu.memory_space<vmem>>[vector<16xi32>, vector<16xi32>], vector<16xf32>,
        tpu.vector_store_idx %arg10[%add3A_273, %broadcast_in_dim3A_333], %gather3A_337 : memref<128x128xf32, #tpu.memory_space<vmem>>[vector<16xi32>, vector<16xi32>], vector<16xf32>,
        %broadcast_in_dim3A_338 = arith.constant 8 : i32
        %broadcast_in_dim3A_339 = vector.broadcast %broadcast_in_dim3A_338 : i32 to vector<16xi32>
        %add3A_340 = arith.constant 8 : i32
        %add3A_341 = vector.broadcast %add3A_340 : i32 to vector<16xi32>
        %add3A_342 = arith.addi %mul3A_290, %add3A_341 : vector<16xi32>
        %gather3A_343 = tpu.vector_load_idx %arg9[%shift_right_logical3A_284, %add3A_342] : memref<64x1152xf32, #tpu.memory_space<vmem>>[vector<16xi32>, vector<16xi32>], vector<16xf32>,
        tpu.vector_store_idx %arg10[%add3A_273, %broadcast_in_dim3A_339], %gather3A_343 : memref<128x128xf32, #tpu.memory_space<vmem>>[vector<16xi32>, vector<16xi32>], vector<16xf32>,
        %broadcast_in_dim3A_344 = arith.constant 9 : i32
        %broadcast_in_dim3A_345 = vector.broadcast %broadcast_in_dim3A_344 : i32 to vector<16xi32>
        %add3A_346 = arith.constant 9 : i32
        %add3A_347 = vector.broadcast %add3A_346 : i32 to vector<16xi32>
        %add3A_348 = arith.addi %mul3A_290, %add3A_347 : vector<16xi32>
        %gather3A_349 = tpu.vector_load_idx %arg9[%shift_right_logical3A_284, %add3A_348] : memref<64x1152xf32, #tpu.memory_space<vmem>>[vector<16xi32>, vector<16xi32>], vector<16xf32>,
        tpu.vector_store_idx %arg10[%add3A_273, %broadcast_in_dim3A_345], %gather3A_349 : memref<128x128xf32, #tpu.memory_space<vmem>>[vector<16xi32>, vector<16xi32>], vector<16xf32>,
        %broadcast_in_dim3A_350 = arith.constant 10 : i32
        %broadcast_in_dim3A_351 = vector.broadcast %broadcast_in_dim3A_350 : i32 to vector<16xi32>
        %add3A_352 = arith.constant 10 : i32
        %add3A_353 = vector.broadcast %add3A_352 : i32 to vector<16xi32>
        %add3A_354 = arith.addi %mul3A_290, %add3A_353 : vector<16xi32>
        %gather3A_355 = tpu.vector_load_idx %arg9[%shift_right_logical3A_284, %add3A_354] : memref<64x1152xf32, #tpu.memory_space<vmem>>[vector<16xi32>, vector<16xi32>], vector<16xf32>,
        tpu.vector_store_idx %arg10[%add3A_273, %broadcast_in_dim3A_351], %gather3A_355 : memref<128x128xf32, #tpu.memory_space<vmem>>[vector<16xi32>, vector<16xi32>], vector<16xf32>,
        %broadcast_in_dim3A_356 = arith.constant 11 : i32
        %broadcast_in_dim3A_357 = vector.broadcast %broadcast_in_dim3A_356 : i32 to vector<16xi32>
        %add3A_358 = arith.constant 11 : i32
        %add3A_359 = vector.broadcast %add3A_358 : i32 to vector<16xi32>
        %add3A_360 = arith.addi %mul3A_290, %add3A_359 : vector<16xi32>
        %gather3A_361 = tpu.vector_load_idx %arg9[%shift_right_logical3A_284, %add3A_360] : memref<64x1152xf32, #tpu.memory_space<vmem>>[vector<16xi32>, vector<16xi32>], vector<16xf32>,
        tpu.vector_store_idx %arg10[%add3A_273, %broadcast_in_dim3A_357], %gather3A_361 : memref<128x128xf32, #tpu.memory_space<vmem>>[vector<16xi32>, vector<16xi32>], vector<16xf32>,
        %broadcast_in_dim3A_362 = arith.constant 12 : i32
        %broadcast_in_dim3A_363 = vector.broadcast %broadcast_in_dim3A_362 : i32 to vector<16xi32>
        %add3A_364 = arith.constant 12 : i32
        %add3A_365 = vector.broadcast %add3A_364 : i32 to vector<16xi32>
        %add3A_366 = arith.addi %mul3A_290, %add3A_365 : vector<16xi32>
        %gather3A_367 = tpu.vector_load_idx %arg9[%shift_right_logical3A_284, %add3A_366] : memref<64x1152xf32, #tpu.memory_space<vmem>>[vector<16xi32>, vector<16xi32>], vector<16xf32>,
        tpu.vector_store_idx %arg10[%add3A_273, %broadcast_in_dim3A_363], %gather3A_367 : memref<128x128xf32, #tpu.memory_space<vmem>>[vector<16xi32>, vector<16xi32>], vector<16xf32>,
        %broadcast_in_dim3A_368 = arith.constant 13 : i32
        %broadcast_in_dim3A_369 = vector.broadcast %broadcast_in_dim3A_368 : i32 to vector<16xi32>
        %add3A_370 = arith.constant 13 : i32
        %add3A_371 = vector.broadcast %add3A_370 : i32 to vector<16xi32>
        %add3A_372 = arith.addi %mul3A_290, %add3A_371 : vector<16xi32>
        %gather3A_373 = tpu.vector_load_idx %arg9[%shift_right_logical3A_284, %add3A_372] : memref<64x1152xf32, #tpu.memory_space<vmem>>[vector<16xi32>, vector<16xi32>], vector<16xf32>,
        tpu.vector_store_idx %arg10[%add3A_273, %broadcast_in_dim3A_369], %gather3A_373 : memref<128x128xf32, #tpu.memory_space<vmem>>[vector<16xi32>, vector<16xi32>], vector<16xf32>,
        %broadcast_in_dim3A_374 = arith.constant 14 : i32
        %broadcast_in_dim3A_375 = vector.broadcast %broadcast_in_dim3A_374 : i32 to vector<16xi32>
        %add3A_376 = arith.constant 14 : i32
        %add3A_377 = vector.broadcast %add3A_376 : i32 to vector<16xi32>
        %add3A_378 = arith.addi %mul3A_290, %add3A_377 : vector<16xi32>
        %gather3A_379 = tpu.vector_load_idx %arg9[%shift_right_logical3A_284, %add3A_378] : memref<64x1152xf32, #tpu.memory_space<vmem>>[vector<16xi32>, vector<16xi32>], vector<16xf32>,
        tpu.vector_store_idx %arg10[%add3A_273, %broadcast_in_dim3A_375], %gather3A_379 : memref<128x128xf32, #tpu.memory_space<vmem>>[vector<16xi32>, vector<16xi32>], vector<16xf32>,
        %broadcast_in_dim3A_380 = arith.constant 15 : i32
        %broadcast_in_dim3A_381 = vector.broadcast %broadcast_in_dim3A_380 : i32 to vector<16xi32>
        %add3A_382 = arith.constant 15 : i32
        %add3A_383 = vector.broadcast %add3A_382 : i32 to vector<16xi32>
        %add3A_384 = arith.addi %mul3A_290, %add3A_383 : vector<16xi32>
        %gather3A_385 = tpu.vector_load_idx %arg9[%shift_right_logical3A_284, %add3A_384] : memref<64x1152xf32, #tpu.memory_space<vmem>>[vector<16xi32>, vector<16xi32>], vector<16xf32>,
        tpu.vector_store_idx %arg10[%add3A_273, %broadcast_in_dim3A_381], %gather3A_385 : memref<128x128xf32, #tpu.memory_space<vmem>>[vector<16xi32>, vector<16xi32>], vector<16xf32>,
        %broadcast_in_dim3A_386 = arith.constant 16 : i32
        %broadcast_in_dim3A_387 = vector.broadcast %broadcast_in_dim3A_386 : i32 to vector<16xi32>
        %add3A_388 = arith.constant 16 : i32
        %add3A_389 = vector.broadcast %add3A_388 : i32 to vector<16xi32>
        %add3A_390 = arith.addi %mul3A_290, %add3A_389 : vector<16xi32>
        %gather3A_391 = tpu.vector_load_idx %arg9[%shift_right_logical3A_284, %add3A_390] : memref<64x1152xf32, #tpu.memory_space<vmem>>[vector<16xi32>, vector<16xi32>], vector<16xf32>,
        tpu.vector_store_idx %arg10[%add3A_273, %broadcast_in_dim3A_387], %gather3A_391 : memref<128x128xf32, #tpu.memory_space<vmem>>[vector<16xi32>, vector<16xi32>], vector<16xf32>,
        %broadcast_in_dim3A_392 = arith.constant 17 : i32
        %broadcast_in_dim3A_393 = vector.broadcast %broadcast_in_dim3A_392 : i32 to vector<16xi32>
        %add3A_394 = arith.constant 17 : i32
        %add3A_395 = vector.broadcast %add3A_394 : i32 to vector<16xi32>
        %add3A_396 = arith.addi %mul3A_290, %add3A_395 : vector<16xi32>
        %gather3A_397 = tpu.vector_load_idx %arg9[%shift_right_logical3A_284, %add3A_396] : memref<64x1152xf32, #tpu.memory_space<vmem>>[vector<16xi32>, vector<16xi32>], vector<16xf32>,
        tpu.vector_store_idx %arg10[%add3A_273, %broadcast_in_dim3A_393], %gather3A_397 : memref<128x128xf32, #tpu.memory_space<vmem>>[vector<16xi32>, vector<16xi32>], vector<16xf32>,
        %broadcast_in_dim3A_398 = arith.constant 18 : i32
        %broadcast_in_dim3A_399 = vector.broadcast %broadcast_in_dim3A_398 : i32 to vector<16xi32>
        %add3A_400 = arith.constant 18 : i32
        %add3A_401 = vector.broadcast %add3A_400 : i32 to vector<16xi32>
        %add3A_402 = arith.addi %mul3A_290, %add3A_401 : vector<16xi32>
        %gather3A_403 = tpu.vector_load_idx %arg9[%shift_right_logical3A_284, %add3A_402] : memref<64x1152xf32, #tpu.memory_space<vmem>>[vector<16xi32>, vector<16xi32>], vector<16xf32>,
        tpu.vector_store_idx %arg10[%add3A_273, %broadcast_in_dim3A_399], %gather3A_403 : memref<128x128xf32, #tpu.memory_space<vmem>>[vector<16xi32>, vector<16xi32>], vector<16xf32>,
        %broadcast_in_dim3A_404 = arith.constant 19 : i32
        %broadcast_in_dim3A_405 = vector.broadcast %broadcast_in_dim3A_404 : i32 to vector<16xi32>
        %add3A_406 = arith.constant 19 : i32
        %add3A_407 = vector.broadcast %add3A_406 : i32 to vector<16xi32>
        %add3A_408 = arith.addi %mul3A_290, %add3A_407 : vector<16xi32>
        %gather3A_409 = tpu.vector_load_idx %arg9[%shift_right_logical3A_284, %add3A_408] : memref<64x1152xf32, #tpu.memory_space<vmem>>[vector<16xi32>, vector<16xi32>], vector<16xf32>,
        tpu.vector_store_idx %arg10[%add3A_273, %broadcast_in_dim3A_405], %gather3A_409 : memref<128x128xf32, #tpu.memory_space<vmem>>[vector<16xi32>, vector<16xi32>], vector<16xf32>,
        %broadcast_in_dim3A_410 = arith.constant 20 : i32
        %broadcast_in_dim3A_411 = vector.broadcast %broadcast_in_dim3A_410 : i32 to vector<16xi32>
        %add3A_412 = arith.constant 20 : i32
        %add3A_413 = vector.broadcast %add3A_412 : i32 to vector<16xi32>
        %add3A_414 = arith.addi %mul3A_290, %add3A_413 : vector<16xi32>
        %gather3A_415 = tpu.vector_load_idx %arg9[%shift_right_logical3A_284, %add3A_414] : memref<64x1152xf32, #tpu.memory_space<vmem>>[vector<16xi32>, vector<16xi32>], vector<16xf32>,
        tpu.vector_store_idx %arg10[%add3A_273, %broadcast_in_dim3A_411], %gather3A_415 : memref<128x128xf32, #tpu.memory_space<vmem>>[vector<16xi32>, vector<16xi32>], vector<16xf32>,
        %broadcast_in_dim3A_416 = arith.constant 21 : i32
        %broadcast_in_dim3A_417 = vector.broadcast %broadcast_in_dim3A_416 : i32 to vector<16xi32>
        %add3A_418 = arith.constant 21 : i32
        %add3A_419 = vector.broadcast %add3A_418 : i32 to vector<16xi32>
        %add3A_420 = arith.addi %mul3A_290, %add3A_419 : vector<16xi32>
        %gather3A_421 = tpu.vector_load_idx %arg9[%shift_right_logical3A_284, %add3A_420] : memref<64x1152xf32, #tpu.memory_space<vmem>>[vector<16xi32>, vector<16xi32>], vector<16xf32>,
        tpu.vector_store_idx %arg10[%add3A_273, %broadcast_in_dim3A_417], %gather3A_421 : memref<128x128xf32, #tpu.memory_space<vmem>>[vector<16xi32>, vector<16xi32>], vector<16xf32>,
        %broadcast_in_dim3A_422 = arith.constant 22 : i32
        %broadcast_in_dim3A_423 = vector.broadcast %broadcast_in_dim3A_422 : i32 to vector<16xi32>
        %add3A_424 = arith.constant 22 : i32
        %add3A_425 = vector.broadcast %add3A_424 : i32 to vector<16xi32>
        %add3A_426 = arith.addi %mul3A_290, %add3A_425 : vector<16xi32>
        %gather3A_427 = tpu.vector_load_idx %arg9[%shift_right_logical3A_284, %add3A_426] : memref<64x1152xf32, #tpu.memory_space<vmem>>[vector<16xi32>, vector<16xi32>], vector<16xf32>,
        tpu.vector_store_idx %arg10[%add3A_273, %broadcast_in_dim3A_423], %gather3A_427 : memref<128x128xf32, #tpu.memory_space<vmem>>[vector<16xi32>, vector<16xi32>], vector<16xf32>,
        %broadcast_in_dim3A_428 = arith.constant 23 : i32
        %broadcast_in_dim3A_429 = vector.broadcast %broadcast_in_dim3A_428 : i32 to vector<16xi32>
        %add3A_430 = arith.constant 23 : i32
        %add3A_431 = vector.broadcast %add3A_430 : i32 to vector<16xi32>
        %add3A_432 = arith.addi %mul3A_290, %add3A_431 : vector<16xi32>
        %gather3A_433 = tpu.vector_load_idx %arg9[%shift_right_logical3A_284, %add3A_432] : memref<64x1152xf32, #tpu.memory_space<vmem>>[vector<16xi32>, vector<16xi32>], vector<16xf32>,
        tpu.vector_store_idx %arg10[%add3A_273, %broadcast_in_dim3A_429], %gather3A_433 : memref<128x128xf32, #tpu.memory_space<vmem>>[vector<16xi32>, vector<16xi32>], vector<16xf32>,
        %broadcast_in_dim3A_434 = arith.constant 24 : i32
        %broadcast_in_dim3A_435 = vector.broadcast %broadcast_in_dim3A_434 : i32 to vector<16xi32>
        %add3A_436 = arith.constant 24 : i32
        %add3A_437 = vector.broadcast %add3A_436 : i32 to vector<16xi32>
        %add3A_438 = arith.addi %mul3A_290, %add3A_437 : vector<16xi32>
        %gather3A_439 = tpu.vector_load_idx %arg9[%shift_right_logical3A_284, %add3A_438] : memref<64x1152xf32, #tpu.memory_space<vmem>>[vector<16xi32>, vector<16xi32>], vector<16xf32>,
        tpu.vector_store_idx %arg10[%add3A_273, %broadcast_in_dim3A_435], %gather3A_439 : memref<128x128xf32, #tpu.memory_space<vmem>>[vector<16xi32>, vector<16xi32>], vector<16xf32>,
        %broadcast_in_dim3A_440 = arith.constant 25 : i32
        %broadcast_in_dim3A_441 = vector.broadcast %broadcast_in_dim3A_440 : i32 to vector<16xi32>
        %add3A_442 = arith.constant 25 : i32
        %add3A_443 = vector.broadcast %add3A_442 : i32 to vector<16xi32>
        %add3A_444 = arith.addi %mul3A_290, %add3A_443 : vector<16xi32>
        %gather3A_445 = tpu.vector_load_idx %arg9[%shift_right_logical3A_284, %add3A_444] : memref<64x1152xf32, #tpu.memory_space<vmem>>[vector<16xi32>, vector<16xi32>], vector<16xf32>,
        tpu.vector_store_idx %arg10[%add3A_273, %broadcast_in_dim3A_441], %gather3A_445 : memref<128x128xf32, #tpu.memory_space<vmem>>[vector<16xi32>, vector<16xi32>], vector<16xf32>,
        %broadcast_in_dim3A_446 = arith.constant 26 : i32
        %broadcast_in_dim3A_447 = vector.broadcast %broadcast_in_dim3A_446 : i32 to vector<16xi32>
        %add3A_448 = arith.constant 26 : i32
        %add3A_449 = vector.broadcast %add3A_448 : i32 to vector<16xi32>
        %add3A_450 = arith.addi %mul3A_290, %add3A_449 : vector<16xi32>
        %gather3A_451 = tpu.vector_load_idx %arg9[%shift_right_logical3A_284, %add3A_450] : memref<64x1152xf32, #tpu.memory_space<vmem>>[vector<16xi32>, vector<16xi32>], vector<16xf32>,
        tpu.vector_store_idx %arg10[%add3A_273, %broadcast_in_dim3A_447], %gather3A_451 : memref<128x128xf32, #tpu.memory_space<vmem>>[vector<16xi32>, vector<16xi32>], vector<16xf32>,
        %broadcast_in_dim3A_452 = arith.constant 27 : i32
        %broadcast_in_dim3A_453 = vector.broadcast %broadcast_in_dim3A_452 : i32 to vector<16xi32>
        %add3A_454 = arith.constant 27 : i32
        %add3A_455 = vector.broadcast %add3A_454 : i32 to vector<16xi32>
        %add3A_456 = arith.addi %mul3A_290, %add3A_455 : vector<16xi32>
        %gather3A_457 = tpu.vector_load_idx %arg9[%shift_right_logical3A_284, %add3A_456] : memref<64x1152xf32, #tpu.memory_space<vmem>>[vector<16xi32>, vector<16xi32>], vector<16xf32>,
        tpu.vector_store_idx %arg10[%add3A_273, %broadcast_in_dim3A_453], %gather3A_457 : memref<128x128xf32, #tpu.memory_space<vmem>>[vector<16xi32>, vector<16xi32>], vector<16xf32>,
        %broadcast_in_dim3A_458 = arith.constant 28 : i32
        %broadcast_in_dim3A_459 = vector.broadcast %broadcast_in_dim3A_458 : i32 to vector<16xi32>
        %add3A_460 = arith.constant 28 : i32
        %add3A_461 = vector.broadcast %add3A_460 : i32 to vector<16xi32>
        %add3A_462 = arith.addi %mul3A_290, %add3A_461 : vector<16xi32>
        %gather3A_463 = tpu.vector_load_idx %arg9[%shift_right_logical3A_284, %add3A_462] : memref<64x1152xf32, #tpu.memory_space<vmem>>[vector<16xi32>, vector<16xi32>], vector<16xf32>,
        tpu.vector_store_idx %arg10[%add3A_273, %broadcast_in_dim3A_459], %gather3A_463 : memref<128x128xf32, #tpu.memory_space<vmem>>[vector<16xi32>, vector<16xi32>], vector<16xf32>,
        %broadcast_in_dim3A_464 = arith.constant 29 : i32
        %broadcast_in_dim3A_465 = vector.broadcast %broadcast_in_dim3A_464 : i32 to vector<16xi32>
        %add3A_466 = arith.constant 29 : i32
        %add3A_467 = vector.broadcast %add3A_466 : i32 to vector<16xi32>
        %add3A_468 = arith.addi %mul3A_290, %add3A_467 : vector<16xi32>
        %gather3A_469 = tpu.vector_load_idx %arg9[%shift_right_logical3A_284, %add3A_468] : memref<64x1152xf32, #tpu.memory_space<vmem>>[vector<16xi32>, vector<16xi32>], vector<16xf32>,
        tpu.vector_store_idx %arg10[%add3A_273, %broadcast_in_dim3A_465], %gather3A_469 : memref<128x128xf32, #tpu.memory_space<vmem>>[vector<16xi32>, vector<16xi32>], vector<16xf32>,
        %broadcast_in_dim3A_470 = arith.constant 30 : i32
        %broadcast_in_dim3A_471 = vector.broadcast %broadcast_in_dim3A_470 : i32 to vector<16xi32>
        %add3A_472 = arith.constant 30 : i32
        %add3A_473 = vector.broadcast %add3A_472 : i32 to vector<16xi32>
        %add3A_474 = arith.addi %mul3A_290, %add3A_473 : vector<16xi32>
        %gather3A_475 = tpu.vector_load_idx %arg9[%shift_right_logical3A_284, %add3A_474] : memref<64x1152xf32, #tpu.memory_space<vmem>>[vector<16xi32>, vector<16xi32>], vector<16xf32>,
        tpu.vector_store_idx %arg10[%add3A_273, %broadcast_in_dim3A_471], %gather3A_475 : memref<128x128xf32, #tpu.memory_space<vmem>>[vector<16xi32>, vector<16xi32>], vector<16xf32>,
        %broadcast_in_dim3A_476 = arith.constant 31 : i32
        %broadcast_in_dim3A_477 = vector.broadcast %broadcast_in_dim3A_476 : i32 to vector<16xi32>
        %add3A_478 = arith.constant 31 : i32
        %add3A_479 = vector.broadcast %add3A_478 : i32 to vector<16xi32>
        %add3A_480 = arith.addi %mul3A_290, %add3A_479 : vector<16xi32>
        %gather3A_481 = tpu.vector_load_idx %arg9[%shift_right_logical3A_284, %add3A_480] : memref<64x1152xf32, #tpu.memory_space<vmem>>[vector<16xi32>, vector<16xi32>], vector<16xf32>,
        tpu.vector_store_idx %arg10[%add3A_273, %broadcast_in_dim3A_477], %gather3A_481 : memref<128x128xf32, #tpu.memory_space<vmem>>[vector<16xi32>, vector<16xi32>], vector<16xf32>,
        %broadcast_in_dim3A_482 = arith.constant 32 : i32
        %broadcast_in_dim3A_483 = vector.broadcast %broadcast_in_dim3A_482 : i32 to vector<16xi32>
        %add3A_484 = arith.constant 32 : i32
        %add3A_485 = vector.broadcast %add3A_484 : i32 to vector<16xi32>
        %add3A_486 = arith.addi %mul3A_290, %add3A_485 : vector<16xi32>
        %gather3A_487 = tpu.vector_load_idx %arg9[%shift_right_logical3A_284, %add3A_486] : memref<64x1152xf32, #tpu.memory_space<vmem>>[vector<16xi32>, vector<16xi32>], vector<16xf32>,
        tpu.vector_store_idx %arg10[%add3A_273, %broadcast_in_dim3A_483], %gather3A_487 : memref<128x128xf32, #tpu.memory_space<vmem>>[vector<16xi32>, vector<16xi32>], vector<16xf32>,
        %broadcast_in_dim3A_488 = arith.constant 33 : i32
        %broadcast_in_dim3A_489 = vector.broadcast %broadcast_in_dim3A_488 : i32 to vector<16xi32>
        %add3A_490 = arith.constant 33 : i32
        %add3A_491 = vector.broadcast %add3A_490 : i32 to vector<16xi32>
        %add3A_492 = arith.addi %mul3A_290, %add3A_491 : vector<16xi32>
        %gather3A_493 = tpu.vector_load_idx %arg9[%shift_right_logical3A_284, %add3A_492] : memref<64x1152xf32, #tpu.memory_space<vmem>>[vector<16xi32>, vector<16xi32>], vector<16xf32>,
        tpu.vector_store_idx %arg10[%add3A_273, %broadcast_in_dim3A_489], %gather3A_493 : memref<128x128xf32, #tpu.memory_space<vmem>>[vector<16xi32>, vector<16xi32>], vector<16xf32>,
        %broadcast_in_dim3A_494 = arith.constant 34 : i32
        %broadcast_in_dim3A_495 = vector.broadcast %broadcast_in_dim3A_494 : i32 to vector<16xi32>
        %add3A_496 = arith.constant 34 : i32
        %add3A_497 = vector.broadcast %add3A_496 : i32 to vector<16xi32>
        %add3A_498 = arith.addi %mul3A_290, %add3A_497 : vector<16xi32>
        %gather3A_499 = tpu.vector_load_idx %arg9[%shift_right_logical3A_284, %add3A_498] : memref<64x1152xf32, #tpu.memory_space<vmem>>[vector<16xi32>, vector<16xi32>], vector<16xf32>,
        tpu.vector_store_idx %arg10[%add3A_273, %broadcast_in_dim3A_495], %gather3A_499 : memref<128x128xf32, #tpu.memory_space<vmem>>[vector<16xi32>, vector<16xi32>], vector<16xf32>,
        %broadcast_in_dim3A_500 = arith.constant 35 : i32
        %broadcast_in_dim3A_501 = vector.broadcast %broadcast_in_dim3A_500 : i32 to vector<16xi32>
        %add3A_502 = arith.constant 35 : i32
        %add3A_503 = vector.broadcast %add3A_502 : i32 to vector<16xi32>
        %add3A_504 = arith.addi %mul3A_290, %add3A_503 : vector<16xi32>
        %gather3A_505 = tpu.vector_load_idx %arg9[%shift_right_logical3A_284, %add3A_504] : memref<64x1152xf32, #tpu.memory_space<vmem>>[vector<16xi32>, vector<16xi32>], vector<16xf32>,
        tpu.vector_store_idx %arg10[%add3A_273, %broadcast_in_dim3A_501], %gather3A_505 : memref<128x128xf32, #tpu.memory_space<vmem>>[vector<16xi32>, vector<16xi32>], vector<16xf32>,
        %broadcast_in_dim3A_506 = arith.constant 36 : i32
        %broadcast_in_dim3A_507 = vector.broadcast %broadcast_in_dim3A_506 : i32 to vector<16xi32>
        %add3A_508 = arith.constant 36 : i32
        %add3A_509 = vector.broadcast %add3A_508 : i32 to vector<16xi32>
        %add3A_510 = arith.addi %mul3A_290, %add3A_509 : vector<16xi32>
        %gather3A_511 = tpu.vector_load_idx %arg9[%shift_right_logical3A_284, %add3A_510] : memref<64x1152xf32, #tpu.memory_space<vmem>>[vector<16xi32>, vector<16xi32>], vector<16xf32>,
        tpu.vector_store_idx %arg10[%add3A_273, %broadcast_in_dim3A_507], %gather3A_511 : memref<128x128xf32, #tpu.memory_space<vmem>>[vector<16xi32>, vector<16xi32>], vector<16xf32>,
        %broadcast_in_dim3A_512 = arith.constant 37 : i32
        %broadcast_in_dim3A_513 = vector.broadcast %broadcast_in_dim3A_512 : i32 to vector<16xi32>
        %add3A_514 = arith.constant 37 : i32
        %add3A_515 = vector.broadcast %add3A_514 : i32 to vector<16xi32>
        %add3A_516 = arith.addi %mul3A_290, %add3A_515 : vector<16xi32>
        %gather3A_517 = tpu.vector_load_idx %arg9[%shift_right_logical3A_284, %add3A_516] : memref<64x1152xf32, #tpu.memory_space<vmem>>[vector<16xi32>, vector<16xi32>], vector<16xf32>,
        tpu.vector_store_idx %arg10[%add3A_273, %broadcast_in_dim3A_513], %gather3A_517 : memref<128x128xf32, #tpu.memory_space<vmem>>[vector<16xi32>, vector<16xi32>], vector<16xf32>,
        %broadcast_in_dim3A_518 = arith.constant 38 : i32
        %broadcast_in_dim3A_519 = vector.broadcast %broadcast_in_dim3A_518 : i32 to vector<16xi32>
        %add3A_520 = arith.constant 38 : i32
        %add3A_521 = vector.broadcast %add3A_520 : i32 to vector<16xi32>
        %add3A_522 = arith.addi %mul3A_290, %add3A_521 : vector<16xi32>
        %gather3A_523 = tpu.vector_load_idx %arg9[%shift_right_logical3A_284, %add3A_522] : memref<64x1152xf32, #tpu.memory_space<vmem>>[vector<16xi32>, vector<16xi32>], vector<16xf32>,
        tpu.vector_store_idx %arg10[%add3A_273, %broadcast_in_dim3A_519], %gather3A_523 : memref<128x128xf32, #tpu.memory_space<vmem>>[vector<16xi32>, vector<16xi32>], vector<16xf32>,
        %broadcast_in_dim3A_524 = arith.constant 39 : i32
        %broadcast_in_dim3A_525 = vector.broadcast %broadcast_in_dim3A_524 : i32 to vector<16xi32>
        %add3A_526 = arith.constant 39 : i32
        %add3A_527 = vector.broadcast %add3A_526 : i32 to vector<16xi32>
        %add3A_528 = arith.addi %mul3A_290, %add3A_527 : vector<16xi32>
        %gather3A_529 = tpu.vector_load_idx %arg9[%shift_right_logical3A_284, %add3A_528] : memref<64x1152xf32, #tpu.memory_space<vmem>>[vector<16xi32>, vector<16xi32>], vector<16xf32>,
        tpu.vector_store_idx %arg10[%add3A_273, %broadcast_in_dim3A_525], %gather3A_529 : memref<128x128xf32, #tpu.memory_space<vmem>>[vector<16xi32>, vector<16xi32>], vector<16xf32>,
        %broadcast_in_dim3A_530 = arith.constant 40 : i32
        %broadcast_in_dim3A_531 = vector.broadcast %broadcast_in_dim3A_530 : i32 to vector<16xi32>
        %add3A_532 = arith.constant 40 : i32
        %add3A_533 = vector.broadcast %add3A_532 : i32 to vector<16xi32>
        %add3A_534 = arith.addi %mul3A_290, %add3A_533 : vector<16xi32>
        %gather3A_535 = tpu.vector_load_idx %arg9[%shift_right_logical3A_284, %add3A_534] : memref<64x1152xf32, #tpu.memory_space<vmem>>[vector<16xi32>, vector<16xi32>], vector<16xf32>,
        tpu.vector_store_idx %arg10[%add3A_273, %broadcast_in_dim3A_531], %gather3A_535 : memref<128x128xf32, #tpu.memory_space<vmem>>[vector<16xi32>, vector<16xi32>], vector<16xf32>,
        %broadcast_in_dim3A_536 = arith.constant 41 : i32
        %broadcast_in_dim3A_537 = vector.broadcast %broadcast_in_dim3A_536 : i32 to vector<16xi32>
        %add3A_538 = arith.constant 41 : i32
        %add3A_539 = vector.broadcast %add3A_538 : i32 to vector<16xi32>
        %add3A_540 = arith.addi %mul3A_290, %add3A_539 : vector<16xi32>
        %gather3A_541 = tpu.vector_load_idx %arg9[%shift_right_logical3A_284, %add3A_540] : memref<64x1152xf32, #tpu.memory_space<vmem>>[vector<16xi32>, vector<16xi32>], vector<16xf32>,
        tpu.vector_store_idx %arg10[%add3A_273, %broadcast_in_dim3A_537], %gather3A_541 : memref<128x128xf32, #tpu.memory_space<vmem>>[vector<16xi32>, vector<16xi32>], vector<16xf32>,
        %broadcast_in_dim3A_542 = arith.constant 42 : i32
        %broadcast_in_dim3A_543 = vector.broadcast %broadcast_in_dim3A_542 : i32 to vector<16xi32>
        %add3A_544 = arith.constant 42 : i32
        %add3A_545 = vector.broadcast %add3A_544 : i32 to vector<16xi32>
        %add3A_546 = arith.addi %mul3A_290, %add3A_545 : vector<16xi32>
        %gather3A_547 = tpu.vector_load_idx %arg9[%shift_right_logical3A_284, %add3A_546] : memref<64x1152xf32, #tpu.memory_space<vmem>>[vector<16xi32>, vector<16xi32>], vector<16xf32>,
        tpu.vector_store_idx %arg10[%add3A_273, %broadcast_in_dim3A_543], %gather3A_547 : memref<128x128xf32, #tpu.memory_space<vmem>>[vector<16xi32>, vector<16xi32>], vector<16xf32>,
        %broadcast_in_dim3A_548 = arith.constant 43 : i32
        %broadcast_in_dim3A_549 = vector.broadcast %broadcast_in_dim3A_548 : i32 to vector<16xi32>
        %add3A_550 = arith.constant 43 : i32
        %add3A_551 = vector.broadcast %add3A_550 : i32 to vector<16xi32>
        %add3A_552 = arith.addi %mul3A_290, %add3A_551 : vector<16xi32>
        %gather3A_553 = tpu.vector_load_idx %arg9[%shift_right_logical3A_284, %add3A_552] : memref<64x1152xf32, #tpu.memory_space<vmem>>[vector<16xi32>, vector<16xi32>], vector<16xf32>,
        tpu.vector_store_idx %arg10[%add3A_273, %broadcast_in_dim3A_549], %gather3A_553 : memref<128x128xf32, #tpu.memory_space<vmem>>[vector<16xi32>, vector<16xi32>], vector<16xf32>,
        %broadcast_in_dim3A_554 = arith.constant 44 : i32
        %broadcast_in_dim3A_555 = vector.broadcast %broadcast_in_dim3A_554 : i32 to vector<16xi32>
        %add3A_556 = arith.constant 44 : i32
        %add3A_557 = vector.broadcast %add3A_556 : i32 to vector<16xi32>
        %add3A_558 = arith.addi %mul3A_290, %add3A_557 : vector<16xi32>
        %gather3A_559 = tpu.vector_load_idx %arg9[%shift_right_logical3A_284, %add3A_558] : memref<64x1152xf32, #tpu.memory_space<vmem>>[vector<16xi32>, vector<16xi32>], vector<16xf32>,
        tpu.vector_store_idx %arg10[%add3A_273, %broadcast_in_dim3A_555], %gather3A_559 : memref<128x128xf32, #tpu.memory_space<vmem>>[vector<16xi32>, vector<16xi32>], vector<16xf32>,
        %broadcast_in_dim3A_560 = arith.constant 45 : i32
        %broadcast_in_dim3A_561 = vector.broadcast %broadcast_in_dim3A_560 : i32 to vector<16xi32>
        %add3A_562 = arith.constant 45 : i32
        %add3A_563 = vector.broadcast %add3A_562 : i32 to vector<16xi32>
        %add3A_564 = arith.addi %mul3A_290, %add3A_563 : vector<16xi32>
        %gather3A_565 = tpu.vector_load_idx %arg9[%shift_right_logical3A_284, %add3A_564] : memref<64x1152xf32, #tpu.memory_space<vmem>>[vector<16xi32>, vector<16xi32>], vector<16xf32>,
        tpu.vector_store_idx %arg10[%add3A_273, %broadcast_in_dim3A_561], %gather3A_565 : memref<128x128xf32, #tpu.memory_space<vmem>>[vector<16xi32>, vector<16xi32>], vector<16xf32>,
        %broadcast_in_dim3A_566 = arith.constant 46 : i32
        %broadcast_in_dim3A_567 = vector.broadcast %broadcast_in_dim3A_566 : i32 to vector<16xi32>
        %add3A_568 = arith.constant 46 : i32
        %add3A_569 = vector.broadcast %add3A_568 : i32 to vector<16xi32>
        %add3A_570 = arith.addi %mul3A_290, %add3A_569 : vector<16xi32>
        %gather3A_571 = tpu.vector_load_idx %arg9[%shift_right_logical3A_284, %add3A_570] : memref<64x1152xf32, #tpu.memory_space<vmem>>[vector<16xi32>, vector<16xi32>], vector<16xf32>,
        tpu.vector_store_idx %arg10[%add3A_273, %broadcast_in_dim3A_567], %gather3A_571 : memref<128x128xf32, #tpu.memory_space<vmem>>[vector<16xi32>, vector<16xi32>], vector<16xf32>,
        %broadcast_in_dim3A_572 = arith.constant 47 : i32
        %broadcast_in_dim3A_573 = vector.broadcast %broadcast_in_dim3A_572 : i32 to vector<16xi32>
        %add3A_574 = arith.constant 47 : i32
        %add3A_575 = vector.broadcast %add3A_574 : i32 to vector<16xi32>
        %add3A_576 = arith.addi %mul3A_290, %add3A_575 : vector<16xi32>
        %gather3A_577 = tpu.vector_load_idx %arg9[%shift_right_logical3A_284, %add3A_576] : memref<64x1152xf32, #tpu.memory_space<vmem>>[vector<16xi32>, vector<16xi32>], vector<16xf32>,
        tpu.vector_store_idx %arg10[%add3A_273, %broadcast_in_dim3A_573], %gather3A_577 : memref<128x128xf32, #tpu.memory_space<vmem>>[vector<16xi32>, vector<16xi32>], vector<16xf32>,
        %broadcast_in_dim3A_578 = arith.constant 48 : i32
        %broadcast_in_dim3A_579 = vector.broadcast %broadcast_in_dim3A_578 : i32 to vector<16xi32>
        %add3A_580 = arith.constant 48 : i32
        %add3A_581 = vector.broadcast %add3A_580 : i32 to vector<16xi32>
        %add3A_582 = arith.addi %mul3A_290, %add3A_581 : vector<16xi32>
        %gather3A_583 = tpu.vector_load_idx %arg9[%shift_right_logical3A_284, %add3A_582] : memref<64x1152xf32, #tpu.memory_space<vmem>>[vector<16xi32>, vector<16xi32>], vector<16xf32>,
        tpu.vector_store_idx %arg10[%add3A_273, %broadcast_in_dim3A_579], %gather3A_583 : memref<128x128xf32, #tpu.memory_space<vmem>>[vector<16xi32>, vector<16xi32>], vector<16xf32>,
        %broadcast_in_dim3A_584 = arith.constant 49 : i32
        %broadcast_in_dim3A_585 = vector.broadcast %broadcast_in_dim3A_584 : i32 to vector<16xi32>
        %add3A_586 = arith.constant 49 : i32
        %add3A_587 = vector.broadcast %add3A_586 : i32 to vector<16xi32>
        %add3A_588 = arith.addi %mul3A_290, %add3A_587 : vector<16xi32>
        %gather3A_589 = tpu.vector_load_idx %arg9[%shift_right_logical3A_284, %add3A_588] : memref<64x1152xf32, #tpu.memory_space<vmem>>[vector<16xi32>, vector<16xi32>], vector<16xf32>,
        tpu.vector_store_idx %arg10[%add3A_273, %broadcast_in_dim3A_585], %gather3A_589 : memref<128x128xf32, #tpu.memory_space<vmem>>[vector<16xi32>, vector<16xi32>], vector<16xf32>,
        %broadcast_in_dim3A_590 = arith.constant 50 : i32
        %broadcast_in_dim3A_591 = vector.broadcast %broadcast_in_dim3A_590 : i32 to vector<16xi32>
        %add3A_592 = arith.constant 50 : i32
        %add3A_593 = vector.broadcast %add3A_592 : i32 to vector<16xi32>
        %add3A_594 = arith.addi %mul3A_290, %add3A_593 : vector<16xi32>
        %gather3A_595 = tpu.vector_load_idx %arg9[%shift_right_logical3A_284, %add3A_594] : memref<64x1152xf32, #tpu.memory_space<vmem>>[vector<16xi32>, vector<16xi32>], vector<16xf32>,
        tpu.vector_store_idx %arg10[%add3A_273, %broadcast_in_dim3A_591], %gather3A_595 : memref<128x128xf32, #tpu.memory_space<vmem>>[vector<16xi32>, vector<16xi32>], vector<16xf32>,
        %broadcast_in_dim3A_596 = arith.constant 51 : i32
        %broadcast_in_dim3A_597 = vector.broadcast %broadcast_in_dim3A_596 : i32 to vector<16xi32>
        %add3A_598 = arith.constant 51 : i32
        %add3A_599 = vector.broadcast %add3A_598 : i32 to vector<16xi32>
        %add3A_600 = arith.addi %mul3A_290, %add3A_599 : vector<16xi32>
        %gather3A_601 = tpu.vector_load_idx %arg9[%shift_right_logical3A_284, %add3A_600] : memref<64x1152xf32, #tpu.memory_space<vmem>>[vector<16xi32>, vector<16xi32>], vector<16xf32>,
        tpu.vector_store_idx %arg10[%add3A_273, %broadcast_in_dim3A_597], %gather3A_601 : memref<128x128xf32, #tpu.memory_space<vmem>>[vector<16xi32>, vector<16xi32>], vector<16xf32>,
        %broadcast_in_dim3A_602 = arith.constant 52 : i32
        %broadcast_in_dim3A_603 = vector.broadcast %broadcast_in_dim3A_602 : i32 to vector<16xi32>
        %add3A_604 = arith.constant 52 : i32
        %add3A_605 = vector.broadcast %add3A_604 : i32 to vector<16xi32>
        %add3A_606 = arith.addi %mul3A_290, %add3A_605 : vector<16xi32>
        %gather3A_607 = tpu.vector_load_idx %arg9[%shift_right_logical3A_284, %add3A_606] : memref<64x1152xf32, #tpu.memory_space<vmem>>[vector<16xi32>, vector<16xi32>], vector<16xf32>,
        tpu.vector_store_idx %arg10[%add3A_273, %broadcast_in_dim3A_603], %gather3A_607 : memref<128x128xf32, #tpu.memory_space<vmem>>[vector<16xi32>, vector<16xi32>], vector<16xf32>,
        %broadcast_in_dim3A_608 = arith.constant 53 : i32
        %broadcast_in_dim3A_609 = vector.broadcast %broadcast_in_dim3A_608 : i32 to vector<16xi32>
        %add3A_610 = arith.constant 53 : i32
        %add3A_611 = vector.broadcast %add3A_610 : i32 to vector<16xi32>
        %add3A_612 = arith.addi %mul3A_290, %add3A_611 : vector<16xi32>
        %gather3A_613 = tpu.vector_load_idx %arg9[%shift_right_logical3A_284, %add3A_612] : memref<64x1152xf32, #tpu.memory_space<vmem>>[vector<16xi32>, vector<16xi32>], vector<16xf32>,
        tpu.vector_store_idx %arg10[%add3A_273, %broadcast_in_dim3A_609], %gather3A_613 : memref<128x128xf32, #tpu.memory_space<vmem>>[vector<16xi32>, vector<16xi32>], vector<16xf32>,
        %broadcast_in_dim3A_614 = arith.constant 54 : i32
        %broadcast_in_dim3A_615 = vector.broadcast %broadcast_in_dim3A_614 : i32 to vector<16xi32>
        %add3A_616 = arith.constant 54 : i32
        %add3A_617 = vector.broadcast %add3A_616 : i32 to vector<16xi32>
        %add3A_618 = arith.addi %mul3A_290, %add3A_617 : vector<16xi32>
        %gather3A_619 = tpu.vector_load_idx %arg9[%shift_right_logical3A_284, %add3A_618] : memref<64x1152xf32, #tpu.memory_space<vmem>>[vector<16xi32>, vector<16xi32>], vector<16xf32>,
        tpu.vector_store_idx %arg10[%add3A_273, %broadcast_in_dim3A_615], %gather3A_619 : memref<128x128xf32, #tpu.memory_space<vmem>>[vector<16xi32>, vector<16xi32>], vector<16xf32>,
        %broadcast_in_dim3A_620 = arith.constant 55 : i32
        %broadcast_in_dim3A_621 = vector.broadcast %broadcast_in_dim3A_620 : i32 to vector<16xi32>
        %add3A_622 = arith.constant 55 : i32
        %add3A_623 = vector.broadcast %add3A_622 : i32 to vector<16xi32>
        %add3A_624 = arith.addi %mul3A_290, %add3A_623 : vector<16xi32>
        %gather3A_625 = tpu.vector_load_idx %arg9[%shift_right_logical3A_284, %add3A_624] : memref<64x1152xf32, #tpu.memory_space<vmem>>[vector<16xi32>, vector<16xi32>], vector<16xf32>,
        tpu.vector_store_idx %arg10[%add3A_273, %broadcast_in_dim3A_621], %gather3A_625 : memref<128x128xf32, #tpu.memory_space<vmem>>[vector<16xi32>, vector<16xi32>], vector<16xf32>,
        %broadcast_in_dim3A_626 = arith.constant 56 : i32
        %broadcast_in_dim3A_627 = vector.broadcast %broadcast_in_dim3A_626 : i32 to vector<16xi32>
        %add3A_628 = arith.constant 56 : i32
        %add3A_629 = vector.broadcast %add3A_628 : i32 to vector<16xi32>
        %add3A_630 = arith.addi %mul3A_290, %add3A_629 : vector<16xi32>
        %gather3A_631 = tpu.vector_load_idx %arg9[%shift_right_logical3A_284, %add3A_630] : memref<64x1152xf32, #tpu.memory_space<vmem>>[vector<16xi32>, vector<16xi32>], vector<16xf32>,
        tpu.vector_store_idx %arg10[%add3A_273, %broadcast_in_dim3A_627], %gather3A_631 : memref<128x128xf32, #tpu.memory_space<vmem>>[vector<16xi32>, vector<16xi32>], vector<16xf32>,
        %broadcast_in_dim3A_632 = arith.constant 57 : i32
        %broadcast_in_dim3A_633 = vector.broadcast %broadcast_in_dim3A_632 : i32 to vector<16xi32>
        %add3A_634 = arith.constant 57 : i32
        %add3A_635 = vector.broadcast %add3A_634 : i32 to vector<16xi32>
        %add3A_636 = arith.addi %mul3A_290, %add3A_635 : vector<16xi32>
        %gather3A_637 = tpu.vector_load_idx %arg9[%shift_right_logical3A_284, %add3A_636] : memref<64x1152xf32, #tpu.memory_space<vmem>>[vector<16xi32>, vector<16xi32>], vector<16xf32>,
        tpu.vector_store_idx %arg10[%add3A_273, %broadcast_in_dim3A_633], %gather3A_637 : memref<128x128xf32, #tpu.memory_space<vmem>>[vector<16xi32>, vector<16xi32>], vector<16xf32>,
        %broadcast_in_dim3A_638 = arith.constant 58 : i32
        %broadcast_in_dim3A_639 = vector.broadcast %broadcast_in_dim3A_638 : i32 to vector<16xi32>
        %add3A_640 = arith.constant 58 : i32
        %add3A_641 = vector.broadcast %add3A_640 : i32 to vector<16xi32>
        %add3A_642 = arith.addi %mul3A_290, %add3A_641 : vector<16xi32>
        %gather3A_643 = tpu.vector_load_idx %arg9[%shift_right_logical3A_284, %add3A_642] : memref<64x1152xf32, #tpu.memory_space<vmem>>[vector<16xi32>, vector<16xi32>], vector<16xf32>,
        tpu.vector_store_idx %arg10[%add3A_273, %broadcast_in_dim3A_639], %gather3A_643 : memref<128x128xf32, #tpu.memory_space<vmem>>[vector<16xi32>, vector<16xi32>], vector<16xf32>,
        %broadcast_in_dim3A_644 = arith.constant 59 : i32
        %broadcast_in_dim3A_645 = vector.broadcast %broadcast_in_dim3A_644 : i32 to vector<16xi32>
        %add3A_646 = arith.constant 59 : i32
        %add3A_647 = vector.broadcast %add3A_646 : i32 to vector<16xi32>
        %add3A_648 = arith.addi %mul3A_290, %add3A_647 : vector<16xi32>
        %gather3A_649 = tpu.vector_load_idx %arg9[%shift_right_logical3A_284, %add3A_648] : memref<64x1152xf32, #tpu.memory_space<vmem>>[vector<16xi32>, vector<16xi32>], vector<16xf32>,
        tpu.vector_store_idx %arg10[%add3A_273, %broadcast_in_dim3A_645], %gather3A_649 : memref<128x128xf32, #tpu.memory_space<vmem>>[vector<16xi32>, vector<16xi32>], vector<16xf32>,
        %broadcast_in_dim3A_650 = arith.constant 60 : i32
        %broadcast_in_dim3A_651 = vector.broadcast %broadcast_in_dim3A_650 : i32 to vector<16xi32>
        %add3A_652 = arith.constant 60 : i32
        %add3A_653 = vector.broadcast %add3A_652 : i32 to vector<16xi32>
        %add3A_654 = arith.addi %mul3A_290, %add3A_653 : vector<16xi32>
        %gather3A_655 = tpu.vector_load_idx %arg9[%shift_right_logical3A_284, %add3A_654] : memref<64x1152xf32, #tpu.memory_space<vmem>>[vector<16xi32>, vector<16xi32>], vector<16xf32>,
        tpu.vector_store_idx %arg10[%add3A_273, %broadcast_in_dim3A_651], %gather3A_655 : memref<128x128xf32, #tpu.memory_space<vmem>>[vector<16xi32>, vector<16xi32>], vector<16xf32>,
        %broadcast_in_dim3A_656 = arith.constant 61 : i32
        %broadcast_in_dim3A_657 = vector.broadcast %broadcast_in_dim3A_656 : i32 to vector<16xi32>
        %add3A_658 = arith.constant 61 : i32
        %add3A_659 = vector.broadcast %add3A_658 : i32 to vector<16xi32>
        %add3A_660 = arith.addi %mul3A_290, %add3A_659 : vector<16xi32>
        %gather3A_661 = tpu.vector_load_idx %arg9[%shift_right_logical3A_284, %add3A_660] : memref<64x1152xf32, #tpu.memory_space<vmem>>[vector<16xi32>, vector<16xi32>], vector<16xf32>,
        tpu.vector_store_idx %arg10[%add3A_273, %broadcast_in_dim3A_657], %gather3A_661 : memref<128x128xf32, #tpu.memory_space<vmem>>[vector<16xi32>, vector<16xi32>], vector<16xf32>,
        %broadcast_in_dim3A_662 = arith.constant 62 : i32
        %broadcast_in_dim3A_663 = vector.broadcast %broadcast_in_dim3A_662 : i32 to vector<16xi32>
        %add3A_664 = arith.constant 62 : i32
        %add3A_665 = vector.broadcast %add3A_664 : i32 to vector<16xi32>
        %add3A_666 = arith.addi %mul3A_290, %add3A_665 : vector<16xi32>
        %gather3A_667 = tpu.vector_load_idx %arg9[%shift_right_logical3A_284, %add3A_666] : memref<64x1152xf32, #tpu.memory_space<vmem>>[vector<16xi32>, vector<16xi32>], vector<16xf32>,
        tpu.vector_store_idx %arg10[%add3A_273, %broadcast_in_dim3A_663], %gather3A_667 : memref<128x128xf32, #tpu.memory_space<vmem>>[vector<16xi32>, vector<16xi32>], vector<16xf32>,
        %broadcast_in_dim3A_668 = arith.constant 63 : i32
        %broadcast_in_dim3A_669 = vector.broadcast %broadcast_in_dim3A_668 : i32 to vector<16xi32>
        %add3A_670 = arith.constant 63 : i32
        %add3A_671 = vector.broadcast %add3A_670 : i32 to vector<16xi32>
        %add3A_672 = arith.addi %mul3A_290, %add3A_671 : vector<16xi32>
        %gather3A_673 = tpu.vector_load_idx %arg9[%shift_right_logical3A_284, %add3A_672] : memref<64x1152xf32, #tpu.memory_space<vmem>>[vector<16xi32>, vector<16xi32>], vector<16xf32>,
        tpu.vector_store_idx %arg10[%add3A_273, %broadcast_in_dim3A_669], %gather3A_673 : memref<128x128xf32, #tpu.memory_space<vmem>>[vector<16xi32>, vector<16xi32>], vector<16xf32>,
        %broadcast_in_dim3A_674 = vector.broadcast %add3A_55 : i32 to vector<16xi32>
        %select_n3A_675 = arith.select %lt3A_269, %and3A_266, %broadcast_in_dim3A_674 : vector<16xi1>, vector<16xi32>
        %mul3A_676 = arith.constant 16 : i32
        %mul3A_677 = arith.muli %while3A_254, %mul3A_676 : i32
        %swap3A_678 = arith.constant 0 : i32
        %swap3A_679 = arith.index_cast %swap3A_678 : i32 to index
        %swap3A_680 = arith.index_cast %mul3A_677 : i32 to index
        %swap3A_681 = tpu.vector_load %arg11[%swap3A_679, %swap3A_680] {strides = array<i32>} : memref<2x128xi32, #tpu.memory_space<vmem>>, vector<16xi32>,
        tpu.vector_store %arg11[%swap3A_679, %swap3A_680], %select_n3A_675 {strides = array<i32>} : memref<2x128xi32, #tpu.memory_space<vmem>>, vector<16xi32>,
        %while3A_682 = arith.constant 0 : i32
        scf.yield %while3A_682 : i32
      }
      %dma_start3A = arith.constant 0 : i32
      %dma_start3A_241 = arith.constant 0 : i32
      %dma_start3A_242 = tpu.memref_slice %arg11[%dma_start3A, %dma_start3A_241] : memref<2x128xi32, #tpu.memory_space<vmem>> -> memref<1x128xi32, #tpu.memory_space<vmem>>
      %dma_start3A_243 = tpu.memref_squeeze %dma_start3A_242 : memref<1x128xi32, #tpu.memory_space<vmem>> -> memref<128xi32, #tpu.memory_space<vmem>>
      %dma_start3A_244 = arith.constant 0 : i32
      %dma_start3A_245 = arith.constant 0 : i32
      %dma_start3A_246 = tpu.memref_slice %arg5[%dma_start3A_244, %dma_start3A_245] : memref<16416x128xf32, #tpu.memory_space<hbm>> -> memref<16416x128xf32, #tpu.memory_space<hbm>>
      tpu.enqueue_indirect_dma source(%arg10 : memref<128x128xf32, #tpu.memory_space<vmem>>) target(%dma_start3A_246 : memref<16416x128xf32, #tpu.memory_space<hbm>>) offsets(%dma_start3A_243 : memref<128xi32, #tpu.memory_space<vmem>>) semaphore(%arg13 : memref<!tpu.dma_semaphore, #tpu.memory_space<semaphore_mem>>)
      %dma_wait3A = arith.constant 0 : i32
      %dma_wait3A_247 = arith.constant 0 : i32
      %dma_wait3A_248 = tpu.memref_slice %arg11[%dma_wait3A, %dma_wait3A_247] : memref<2x128xi32, #tpu.memory_space<vmem>> -> memref<1x128xi32, #tpu.memory_space<vmem>>
      %dma_wait3A_249 = tpu.memref_squeeze %dma_wait3A_248 : memref<1x128xi32, #tpu.memory_space<vmem>> -> memref<128xi32, #tpu.memory_space<vmem>>
      %dma_wait3A_250 = arith.constant 0 : i32
      %dma_wait3A_251 = arith.constant 0 : i32
      %dma_wait3A_252 = tpu.memref_slice %arg5[%dma_wait3A_250, %dma_wait3A_251] : memref<16416x128xf32, #tpu.memory_space<hbm>> -> memref<16416x128xf32, #tpu.memory_space<hbm>>
      tpu.wait_indirect_dma semaphore(%arg13 : memref<!tpu.dma_semaphore, #tpu.memory_space<semaphore_mem>>) src(%arg10 : memref<128x128xf32, #tpu.memory_space<vmem>>) dst(%dma_wait3A_252 : memref<16416x128xf32, #tpu.memory_space<hbm>>)
      %while3A_253 = arith.constant 0 : i32
      scf.yield %while3A_253 : i32
    }
    return
  }
}

module attributes {stable_mosaic.version = 14 : i64} {
  func.func @_mlp_body(%arg0: i32, %arg1: memref<4096x128xf32, #tpu.memory_space<vmem>>, %arg2: memref<128x64xf32, #tpu.memory_space<vmem>>, %arg3: memref<128x1xf32, #tpu.memory_space<vmem>>, %arg4: memref<64x128xf32, #tpu.memory_space<vmem>>, %arg5: memref<64x1xf32, #tpu.memory_space<vmem>>, %arg6: memref<64x4096xf32, #tpu.memory_space<vmem>>) attributes {dimension_semantics = [#tpu.dimension_semantics<arbitrary>], iteration_bounds = array<i64: 4>, scalar_prefetch = 0 : i64, scratch_operands = 0 : i64, tpu.core_type = #tpu.core_type<tc>, window_params = [{transform_indices = @transform_0, window_bounds = array<i64: 4096, 128>}, {pipeline_mode = #tpu.pipeline_mode<synchronous>, transform_indices = @transform_1, window_bounds = array<i64: 128, 64>}, {pipeline_mode = #tpu.pipeline_mode<synchronous>, transform_indices = @transform_2, window_bounds = array<i64: 128, 1>}, {pipeline_mode = #tpu.pipeline_mode<synchronous>, transform_indices = @transform_3, window_bounds = array<i64: 64, 128>}, {pipeline_mode = #tpu.pipeline_mode<synchronous>, transform_indices = @transform_4, window_bounds = array<i64: 64, 1>}, {transform_indices = @transform_5, window_bounds = array<i64: 64, 4096>}]} {
    %get3A = arith.constant 0 : index
    %get3A_0 = arith.constant 0 : index
    %get3A_1 = vector.load %arg1[%get3A, %get3A_0] : memref<4096x128xf32, #tpu.memory_space<vmem>>, vector<4096x128xf32>
    %slice3A = vector.extract_strided_slice %get3A_1 {offsets = [0, 0], sizes = [4096, 64], strides = [1, 1]} : vector<4096x128xf32> to vector<4096x64xf32>
    %get3A_2 = arith.constant 0 : index
    %get3A_3 = arith.constant 0 : index
    %get3A_4 = vector.load %arg2[%get3A_2, %get3A_3] : memref<128x64xf32, #tpu.memory_space<vmem>>, vector<128x64xf32>
    %dot_general3A = arith.constant dense<0.000000e+00> : vector<128x4096xf32>
    %dot_general3A_5 = tpu.matmul %get3A_4, %slice3A, %dot_general3A {dimension_numbers = #tpu.dot_dimension_numbers<[1], [1], [0], [0], [0, 0, 1, 0], [], []>, transpose_lhs_hint = false} : vector<128x64xf32>, vector<4096x64xf32>, vector<128x4096xf32> -> vector<128x4096xf32>
    %get3A_6 = arith.constant 0 : index
    %get3A_7 = arith.constant 0 : index
    %get3A_8 = vector.load %arg3[%get3A_6, %get3A_7] : memref<128x1xf32, #tpu.memory_space<vmem>>, vector<128x1xf32>
    %add3A = vector.broadcast %get3A_8 : vector<128x1xf32> to vector<128x4096xf32>
    %add3A_9 = arith.addf %dot_general3A_5, %add3A : vector<128x4096xf32>
    %max3A = arith.constant 0.000000e+00 : f32
    %max3A_10 = vector.broadcast %max3A : f32 to vector<128x4096xf32>
    %max3A_11 = arith.maximumf %add3A_9, %max3A_10 : vector<128x4096xf32>
    %get3A_12 = arith.constant 0 : index
    %get3A_13 = arith.constant 0 : index
    %get3A_14 = vector.load %arg4[%get3A_12, %get3A_13] : memref<64x128xf32, #tpu.memory_space<vmem>>, vector<64x128xf32>
    %dot_general3A_15 = arith.constant dense<0.000000e+00> : vector<64x4096xf32>
    %dot_general3A_16 = tpu.matmul %get3A_14, %max3A_11, %dot_general3A_15 {dimension_numbers = #tpu.dot_dimension_numbers<[1], [0], [0], [1], [0, 0, 1, 1], [], []>, transpose_lhs_hint = false} : vector<64x128xf32>, vector<128x4096xf32>, vector<64x4096xf32> -> vector<64x4096xf32>
    %get3A_17 = arith.constant 0 : index
    %get3A_18 = arith.constant 0 : index
    %get3A_19 = vector.load %arg5[%get3A_17, %get3A_18] : memref<64x1xf32, #tpu.memory_space<vmem>>, vector<64x1xf32>
    %add3A_20 = vector.broadcast %get3A_19 : vector<64x1xf32> to vector<64x4096xf32>
    %add3A_21 = arith.addf %dot_general3A_16, %add3A_20 : vector<64x4096xf32>
    %mul3A = arith.mulf %add3A_21, %add3A_21 : vector<64x4096xf32>
    %reduce_sum3A = arith.constant dense<0.000000e+00> : vector<4096xf32>
    %reduce_sum3A_22 = vector.multi_reduction <add>, %mul3A, %reduce_sum3A [0] : vector<64x4096xf32> to vector<4096xf32>
    %broadcast_in_dim3A = vector.shape_cast %reduce_sum3A_22 : vector<4096xf32> to vector<1x4096xf32>
    %sqrt3A = math.sqrt %broadcast_in_dim3A : vector<1x4096xf32>
    %max3A_23 = arith.constant 9.99999996E-13 : f32
    %max3A_24 = vector.broadcast %max3A_23 : f32 to vector<1x4096xf32>
    %max3A_25 = arith.maximumf %sqrt3A, %max3A_24 : vector<1x4096xf32>
    %div3A = vector.broadcast %max3A_25 : vector<1x4096xf32> to vector<64x4096xf32>
    %div3A_26 = arith.divf %add3A_21, %div3A : vector<64x4096xf32>
    %swap3A = arith.constant 0 : index
    %swap3A_27 = arith.constant 0 : index
    %swap3A_28 = vector.load %arg6[%swap3A, %swap3A_27] : memref<64x4096xf32, #tpu.memory_space<vmem>>, vector<64x4096xf32>
    tpu.vector_store %arg6[%swap3A, %swap3A_27], %div3A_26 {strides = array<i32>} : memref<64x4096xf32, #tpu.memory_space<vmem>>, vector<64x4096xf32>,
    return
  }
  func.func @transform_0(%arg0: i32) -> (i32, i32) {
    %c0_i32 = arith.constant 0 : i32
    %c0_i32_0 = arith.constant 0 : i32
    return %arg0, %c0_i32 : i32, i32
  }
  func.func @transform_1(%arg0: i32) -> (i32, i32) {
    %c0_i32 = arith.constant 0 : i32
    %c0_i32_0 = arith.constant 0 : i32
    %c0_i32_1 = arith.constant 0 : i32
    return %c0_i32, %c0_i32_0 : i32, i32
  }
  func.func @transform_2(%arg0: i32) -> (i32, i32) {
    %c0_i32 = arith.constant 0 : i32
    %c0_i32_0 = arith.constant 0 : i32
    %c0_i32_1 = arith.constant 0 : i32
    return %c0_i32, %c0_i32_0 : i32, i32
  }
  func.func @transform_3(%arg0: i32) -> (i32, i32) {
    %c0_i32 = arith.constant 0 : i32
    %c0_i32_0 = arith.constant 0 : i32
    %c0_i32_1 = arith.constant 0 : i32
    return %c0_i32, %c0_i32_0 : i32, i32
  }
  func.func @transform_4(%arg0: i32) -> (i32, i32) {
    %c0_i32 = arith.constant 0 : i32
    %c0_i32_0 = arith.constant 0 : i32
    %c0_i32_1 = arith.constant 0 : i32
    return %c0_i32, %c0_i32_0 : i32, i32
  }
  func.func @transform_5(%arg0: i32) -> (i32, i32) {
    %c0_i32 = arith.constant 0 : i32
    %c0_i32_0 = arith.constant 0 : i32
    return %c0_i32, %arg0 : i32, i32
  }
}

</mosaic_0001>

<sc_bundles>
// kernel: kernel.4.cloned.1.call-start
scs
__scs_entry_jumppad:
0x0: {  	(pc) =	sbr.rel $0x88, $3  }
0x1: {  	(tag) =	ssettag $0x0;
	lr =	simm.s32 $0x1  }
0x2: {  	[smem:$0x3F9B] =	sst lr;
	_ =	strace $0xD0000000  }
0x3: {  	_ = 	snop  }
0x4: {  	_ = 	snop  }
0x5: {  	_ = 	snop  }
0x6: {  	_ = 	snop  }
0x7: {  	_ = 	snop  }
__scs_overlays_trampoline_lowered:
0x8: {  	[smem:$0x3FAA] =	sst s0  }
0x9: {  	[smem:$0x3FAB] =	sst s1  }
0xa: {  	[smem:$0x3FAC] =	sst s2  }
0xb: {  	[smem:$0x3FAD] =	sst s3  }
0xc: {  	[smem:$0x3FAE] =	sst s4  }
0xd: {  	[smem:$0x3FAF] =	sst s5  }
0xe: {  	[smem:$0x3FB0] =	sst s6  }
0xf: {  	[smem:$0x3FB1] =	sst s7  }
0x10: {  	[smem:$0x3FB2] =	sst s8  }
0x11: {  	[smem:$0x3FB3] =	sst s9;
	s0 =	simm.s32 @!p0 $0x0  }
0x12: {  	s1 =	sld [smem:$0x3F99];
	s0 =	simm.s32 @p0 $0x1  }
0x13: {  	[smem:$0x3FB4] =	sst s0;
	s0 =	simm.s32 @!p1 $0x0  }
0x14: {  	s2 =	sld [smem:$0x3F98];
	s0 =	simm.s32 @p1 $0x1  }
0x15: {  	[smem:$0x3FB5] =	sst s0;
	s0 =	simm.s32 @!p2 $0x0  }
0x16: {  	s3 =	sld [smem:$0x3FDB];
	s0 =	simm.s32 @p2 $0x1  }
0x17: {  	s4 =	simm.s32 $0x1BF5;
	[smem:$0x3FB7] =	sst s0  }
0x18: {  	s0 =	sld [smem:$0x3F9A];
	_ =	swait.ge [sflag:s4], $0x0  }
0x19: {  	s7 =	sld [smem:$0x3F9B]  }
0x1a: {  	s8 =	sadd.s32 $0xFFFFE003, lr  }
0x1b: {  	s9 =	sadd.s32 $0xFFFFFEF7, lr;
	s5 =	simm.s32 $0xFFFFFFFF;
	p2 =	slt.u32 s8, $0xFFFFF086  }
0x1c: {  	p1 =	slt.u32 s9, $0xF7A;
	s5 =	simm.s32 @!p2 $0x0  }
0x1d: {  	s5 =	simm.s32 @p1 $0x1;
	p0 =	seq.s32 s7, s2  }
0x1e: {  	s7 =	smul.u32 @!p0 $0xF7A, s2;
	p2 =	seq.s32 @!p0 s5, $0x0  }
0x1f: {  	s9 =	smul.u32 $0xF7A, s1;
	s8 =	simm.s32 @!p0 $0x1BF5;
	p2 =	por !p2, p0  }
0x20: {  	[sflag:s8] =	ssyncset.s32 @!p0 $0xFFFFF086;
	s6 =	sadd.s32 @!p0 s3, s7;
	s7 =	simm.s32 @!p0 $0x108  }
0x21: {  	s3 =	sadd.s32 s3, s9;
	s6 =	sadd.s32 @!p0 $0x88, s6;
	s7 =	simm.s32 @p2 $0x1082  }
0x22: {  	[simem:s7], [sflag:s8] =	dma.local @!p0 [hbm:s6], $0xF7A  }
0x23: {  	s9 =	sor.u32 $0xD0000000, s2;
	s6 =	simm.s32 $0x108;
	_ =	swait.ge @!p0 [sflag:s8], $0x0  }
0x24: {  	s3 =	sadd.s32 $0x88, s3;
	s6 =	simm.s32 @!p1 $0x1082;
	[sflag:s4] =	ssyncset.s32 $0xFFFFF086  }
0x25: {  	[simem:s6], [sflag:s4] =	dma.local [hbm:s3], $0xF7A  }
0x26: {  	[smem:$0x3F9B] =	sst s1;
	(tag) =	ssettag s2;
	_ =	strace s9  }
0x27: {  	s1 =	sld [smem:$0x3FAB]  }
0x28: {  	s2 =	sld [smem:$0x3FAC]  }
0x29: {  	s4 =	sld [smem:$0x3FAE]  }
0x2a: {  	p0 =	seq.s32 s5, $0x0;
	s5 =	sld [smem:$0x3FAF]  }
0x2b: {  	s6 =	sld [smem:$0x3FB0]  }
0x2c: {  	s7 =	sld [smem:$0x3FB1]  }
0x2d: {  	s3 =	simm.s32 $0x108;
	s8 =	sld [smem:$0x3FB2]  }
0x2e: {  	s3 =	simm.s32 @!p0 $0x1082;
	s9 =	sld [smem:$0x3FB3]  }
0x2f: {  	lr =	sadd.s32 s0, s3;
	s0 =	sld [smem:$0x3FAA]  }
0x30: {  	s3 =	sld [smem:$0x3FAD]  }
0x31: {  	[smem:$0x3FB6] =	sst s10  }
0x32: {  	s10 =	sld [smem:$0x3FB4];
	_ =	sdelay $0x3  }
0x33: {  	p0 =	seq.s32 s10, $0x1;
	s10 =	sld [smem:$0x3FB6];
	_ =	sdelay $0x3  }
0x34: {  	[smem:$0x3FB6] =	sst s10  }
0x35: {  	s10 =	sld [smem:$0x3FB5];
	_ =	sdelay $0x3  }
0x36: {  	p1 =	seq.s32 s10, $0x1;
	s10 =	sld [smem:$0x3FB6];
	_ =	sdelay $0x3  }
0x37: {  	[smem:$0x3FB6] =	sst s10  }
0x38: {  	s10 =	sld [smem:$0x3FB7]  }
0x39: {  	_ = 	snop;
	(pc) =	sbr.ind lr, $3  }
0x3a: {  	_ = 	snop  }
0x3b: {  	_ = 	snop  }
0x3c: {  	p2 =	seq.s32 s10, $0x1;
	s10 =	sld [smem:$0x3FB6]  }
0x3d: {  	_ =	shalt  }
0x3e: {  	_ =	shalt  }
0x3f: {  	_ =	shalt  }
0x40: {  	_ =	shalt  }
0x41: {  	_ =	shalt  }
0x42: {  	_ =	shalt  }
0x43: {  	_ =	shalt  }
0x44: {  	_ =	shalt  }
0x45: {  	_ =	shalt  }
0x46: {  	_ =	shalt  }
0x47: {  	_ =	shalt  }
0x48: {  	_ =	shalt  }
0x49: {  	_ =	shalt  }
0x4a: {  	_ =	shalt  }
0x4b: {  	_ =	shalt  }
0x4c: {  	_ =	shalt  }
0x4d: {  	_ =	shalt  }
0x4e: {  	_ =	shalt  }
0x4f: {  	_ =	shalt  }
0x50: {  	_ =	shalt  }
0x51: {  	_ =	shalt  }
0x52: {  	_ =	shalt  }
0x53: {  	_ =	shalt  }
0x54: {  	_ =	shalt  }
0x55: {  	_ =	shalt  }
0x56: {  	_ =	shalt  }
0x57: {  	_ =	shalt  }
0x58: {  	_ =	shalt  }
0x59: {  	_ =	shalt  }
0x5a: {  	_ =	shalt  }
0x5b: {  	_ =	shalt  }
0x5c: {  	_ =	shalt  }
0x5d: {  	_ =	shalt  }
0x5e: {  	_ =	shalt  }
0x5f: {  	_ =	shalt  }
0x60: {  	_ =	shalt  }
0x61: {  	_ =	shalt  }
0x62: {  	_ =	shalt  }
0x63: {  	_ =	shalt  }
0x64: {  	_ =	shalt  }
0x65: {  	_ =	shalt  }
0x66: {  	_ =	shalt  }
0x67: {  	_ =	shalt  }
0x68: {  	_ =	shalt  }
0x69: {  	_ =	shalt  }
0x6a: {  	_ =	shalt  }
0x6b: {  	_ =	shalt  }
0x6c: {  	_ =	shalt  }
0x6d: {  	_ =	shalt  }
0x6e: {  	_ =	shalt  }
0x6f: {  	_ =	shalt  }
0x70: {  	_ =	shalt  }
0x71: {  	_ =	shalt  }
0x72: {  	_ =	shalt  }
0x73: {  	_ =	shalt  }
0x74: {  	_ =	shalt  }
0x75: {  	_ =	shalt  }
0x76: {  	_ =	shalt  }
0x77: {  	_ =	shalt  }
0x78: {  	_ =	shalt  }
0x79: {  	_ =	shalt  }
0x7a: {  	_ =	shalt  }
0x7b: {  	_ =	shalt  }
0x7c: {  	_ =	shalt  }
0x7d: {  	_ =	shalt  }
0x7e: {  	_ =	shalt  }
0x7f: {  	_ =	shalt  }
0x80: {  	_ =	shalt  }
0x81: {  	_ =	shalt  }
0x82: {  	_ =	shalt  }
0x83: {  	_ =	shalt  }
0x84: {  	_ =	shalt  }
0x85: {  	_ =	shalt  }
0x86: {  	_ =	shalt  }
0x87: {  	_ =	shalt  }
.Lfunc_end0:
.L_simem_size_0:
called_computation_lowered:
.L_overlay_start_0:
0x88: {  	s2 =	sld [smem:$0x3FD9]  }
0x89: {  	s3 =	sld [smem:$0x3FFE];
	_ =	sdelay $0x1  }
0x8a: {  	s1 =	srdreg.scid  }
0x8b: {  	s0 =	sand.u32 $0x1, s1  }
0x8c: {  	s17 =	sshll.u32 s0, $0xA;
	s2 =	sadd.s32 s3, s2  }
0x8d: {  	s2 =	sadd.s32 s2, s17  }
0x8e: {  	[smem:$0x3FC2] =	sst s2  }
0x8f: {  	_ = 	snop  }
0x90: {  	s2 =	sld [smem:$0x3FC9]  }
0x91: {  	s18 =	sld [smem:$0x3FC8]  }
0x92: {  	s4 =	sld [smem:$0x3FD0];
	(tm) =	ssettm $0x1  }
0x93: {  	s5 =	sld [smem:$0x3FFB];
	_ =	sdelay $0x3  }
0x94: {  	_ =	strace s5  }
0x95: {  	s5 =	sld [smem:$0x3FFC];
	_ =	sdelay $0x3  }
0x96: {  	_ =	strace s5  }
0x97: {  	s5 =	sld [smem:$0x3FFD];
	_ =	sdelay $0x3  }
0x98: {  	_ =	strace s5  }
0x99: {  	_ =	strace $0x8FFFFFFF  }
0x9a: {  	s19 =	sld [smem:$0x3FDB];
	_ =	sdelay $0x1  }
0x9b: {  	s6 =	simm.s32 $_scs_section_size  }
0x9c: {  	s7 =	simm.s32 $_size__tile_overlayer_lowered;
	s8 =	simm.s32 $_tile_overlayer_lowered  }
0x9d: {  	s22 =	simm.s32 $0x1BFF;
	s21 =	sshll.u32 s8, $0x1;
	s5 =	sadd.s32 s6, s19  }
0x9e: {  	s9 =	simm.s32 $0x0;
	s20 =	sshll.u32 s7, $0x1;
	s7 =	sadd.s32 s21, s5  }
0x9f: {  	[timem:s9], [sflag:s22] =	dma.local [hbm:s7], s20  }
0xa0: {  	_ =	swait.ge [sflag:s22], s20  }
0xa1: {  	s6 =	ssub.s32 $0x0, s20;
	[sflag:s22] =	ssyncset.done $0x0  }
0xa2: {  	[sflag:s22] =	ssyncadd.s32 s6;
	_ =	sdelay $0x1  }
0xa3: {  	s23 =	simm.s32 $0x1B8B  }
0xa4: {  	_ =	swait.ge [sflag:s23], $0x1  }
0xa5: {  	[sflag:s23] =	ssyncset.done $0x0  }
0xa6: {  	s25 =	simm.s32 $0x1B8E;
	s24 =	sld [smem:$0x3FFE];
	[sflag:s23] =	ssyncadd.s32 $0xFFFFFFFF  }
0xa7: {  	s26 =	simm.s32 $execute0_lowered;
	[smem:$0x3FD2] =	sst s25  }
0xa8: {  	s7 =	sshll.u32 s26, $0x1;
	_ =	strace $0x80000046;
	[dreg:$0x1] =	wrdreg $0xFFFFFFFF  }
0xa9: {  	s28 =	simm.s32 $_size_execute0_lowered;
	s5 =	sadd.s32 s5, s7;
	[dreg:$0x0] =	wrdreg $0x0  }
0xaa: {  	s7 =	sshll.u32 s28, $0x1;
	[dreg:$0x2] =	wrdreg s5  }
0xab: {  	[dreg:$0x3] =	wrdreg s7  }
0xac: {  	[dreg:$0x4] =	wrdreg $0xC0  }
0xad: {  	_ =	task [dreg:s9], $0x5FFFF  }
0xae: {  	[dreg:$0x1] =	wrdreg $0xFFFFFFFF  }
0xaf: {  	[dreg:$0x0] =	wrdreg $0x60  }
0xb0: {  	[dreg:$0x2] =	wrdreg s18  }
0xb1: {  	[dreg:$0x3] =	wrdreg s4  }
0xb2: {  	[dreg:$0x4] =	wrdreg s2  }
0xb3: {  	[dreg:$0x5] =	wrdreg s24  }
0xb4: {  	[dreg:$0x6] =	wrdreg $0x9  }
0xb5: {  	_ =	task.clear_ibuf [dreg:s9], $0x7FFFF;
	_ =	strace $0x90000046  }
0xb6: {  	s29 =	simm.s32 $0x9;
	_ =	strace $0x80000048  }
0xb7: {  	_ =	swait.ge [sflag:s29], $0x1  }
0xb8: {  	[sflag:s29] =	ssyncadd.s32 $0xFFFFFFFF  }
0xb9: {  	_ =	strace $0x90000048  }
0xba: {  	_ =	sfence  }
0xbb: {  	s30 =	sld [smem:$0x0];
	_ =	sdelay $0x2  }
0xbc: {  	s31 =	sshll.u32 s1, $0xD;
	s1 =	sshrl.u32 s1, $0x2  }
0xbd: {  	s3 =	sand.u32 $0x4000, s31;
	s1 =	sadd.s32 s1, s30  }
0xbe: {  	s0 =	sor.u32 s3, s0;
	s1 =	sshll.u32 s1, $0x11  }
0xbf: {  	s0 =	sor.u32 s1, s0  }
0xc0: {  	s0 =	sadd.s32 $0x8F2B, s0  }
0xc1: {  	[sflag:s0] =	ssyncadd.remote.s32 $0x1  }
0xc2: {  	_ =	sfence.sel $0xFFFF  }
0xc3: {  	[dreg:$0x0] =	wrdreg $0xFFFFFFFF;
	(pc) =	sbr.abs _section_cstart, $3  }
0xc4: {  	[dreg:$0x1] =	wrdreg $0xFFFFFFFF  }
0xc5: {  	_ =	task.clear_ibuf [dreg:s9], $0x2FFFF;
	_ =	strace $0x9FFFFFFF  }
0xc6: {  	(tm) =	ssettm $0x7FFFFFFF  }
0xc7: {  	_ =	shalt  }
tec
execute0_lowered:
.L_overlay_start_1:
0x0: {  	(tag) =	ssettag $0x1  }
0x1: {  	s7 =	rddreg [dreg:$0x0]  }
0x2: {  	s8 =	rddreg [dreg:$0x1]  }
0x3: {  	s9 =	rddreg [dreg:$0x2]  }
0x4: {  	s0 =	srdreg.scid;
	s2 =	stileid.u32  }
0x5: {  	s1 =	rddreg [dreg:$0x3];
	s5 =	simm.s32 $0x0;
	s19 =	simm.s32 $0x3  }
0x6: {  	s20 =	simm.s32 $0x1000;
	s21 =	simm.s32 $0x1;
	s22 =	simm.s32 $0x9100  }
0x7: {  	s23 =	simm.s32 $0x5080;
	s24 =	simm.s32 $0x80;
	s0 =	sand.u32 $0x1, s0  }
0x8: {  	s2 =	sshll.u32 s2, $0x1;
	[smem:$0x7FF] =	sst s5;
	s6 =	sadd.s32 $0xE00, s1  }
0x9: {  	s29 =	sadd.s32 $0x80, s7;
	s30 =	sadd.s32 $0x100, s7;
	s12 =	sadd.s32 $0x200, s7  }
0xa: {  	s13 =	sadd.s32 $0x280, s7;
	s14 =	sadd.s32 $0x300, s7;
	s15 =	sadd.s32 $0x380, s7  }
0xb: {  	s16 =	sadd.s32 $0x400, s7;
	s31 =	sadd.s32 $0x80, s8;
	s1 =	simm.s32 $0x1B100  }
0xc: {  	s2 =	sor.u32 s0, s2;
	_ =	strace $0x80000047;
	[dreg:$0x6] =	wrdreg s29  }
0xd: {  	s0 =	ssub.s32 $0x2, s0;
	[dreg:$0x7] =	wrdreg s30;
	s3 =	smul.u32 $0xC34, s2  }
0xe: {  	s4 =	smul.u32 $0x30D, s2;
	p0 =	seq.s32 s2, $0x1F;
	s2 =	sor.u32 $0x4000, s2  }
0xf: {  	[dreg:$0x9] =	wrdreg s31;
	s26 =	sshrl.u32 s0, $0x1;
	v0 =	vmov s2;
	s2 =	simm.s32 $0x0  }
.Ltmp0:
0x10: {  	s25 =	sadd.s32 $0xC34, s3;
	s4 =	sshrl.u32 s4, $0x5;
	(pc) =	sbr.rel .LBB2_1-.Ltmp0, $4  }
0x11: {  	s3 =	ssub.s32 s0, s26;
	s26 =	simm.s32 $0x2;
	s11 =	sand.u32 $0x3FF80, s25  }
0x12: {  	s10 =	smov.u32 s4;
	s28 =	sshll.u32 s4, $0x7;
	s0 =	smov.u32 s11  }
0x13: {  	v2 =	vlaneseq.u32;
	v4 =	vimm.s32 $0x0;
	s3 =	smax.u32 s3, $0x1;
	[dreg:$0x5] =	wrdreg s11;
	s0 =	simm.s32 @p0 $0x186A0  }
0x14: {  	v5 =	vmul.u32 $0x80, v2;
	s25 =	simm.s32 $0x1F100;
	s11 =	sadd.s32 $0x180, s7;
	[dreg:$0x8] =	wrdreg s3;
	v1 =	vmov s28;
	v3 =	vmov s0  }
.LBB2_37:
0x15: {  	s2 =	rddreg [dreg:$0xa]  }
0x16: {  	s0 =	rddreg [dreg:$0x8];
	s2 =	sadd.s32 $0x1, s2  }
0x17: {  	p0 =	sne.s32 s2, s0  }
.Ltmp1:
0x18: {  	_ = 	snop;
	(pc) =	sbr.rel @!p0 .LBB2_38-.Ltmp1, $2  }
0x19: {  	_ =	sdelay $0x2  }
0x1a: {  	s9 =	rddreg [dreg:$0x2]  }
.LBB2_1:
0x1b: {  	[tilespmem:$0x1F100] =	vst v0  }
0x1c: {  	[tilespmem:$0x1F110] =	vst v0  }
0x1d: {  	[tilespmem:$0x1F120] =	vst v0  }
0x1e: {  	[tilespmem:$0x1F130] =	vst v0  }
0x1f: {  	[tilespmem:$0x1F140] =	vst v0  }
0x20: {  	[tilespmem:$0x1F150] =	vst v0  }
0x21: {  	[tilespmem:$0x1F160] =	vst v0  }
0x22: {  	[dreg:$0xa] =	wrdreg s2;
	[tilespmem:$0x1F170] =	vst v0;
	s0 =	simm.s32 $0x0;
	v6 =	vimm.s32 $0x0;
	s2 =	simm.s32 $0x0  }
.LBB2_2:
0x23: {  	s3 =	sshll.u32 s2, $0x9  }
0x24: {  	s4 =	sadd.s32 s9, s3;
	s3 =	simm.s32 $0x0  }
0x25: {  	[tilespmem:s3], [sflag:$0x3] =	stream.linear.gather [hbm4b:s4+s3], $0x1000, $0x38;
	[tilespmem:$0x1F200] =	vst v63  }
0x26: {  	_ =	swait.ge [sflag:s19], $0x1000  }
0x27: {  	[sflag:s19] =	ssyncset.done $0x0  }
0x28: {  	s4 =	simm.s32 $0x20;
	[sflag:s19] =	ssyncadd.s32 $0xFFFFF000  }
.LBB2_3:
0x29: {  	v7 =	vld [tilespmem:s4+$0xFFFFFFE0];
	_ =	sdelay $0x4  }
0x2a: {  	vm0 =	vge.s32 v7, v1;
	vm1 =	vlt.s32 v7, v3  }
0x2b: {  	vm0 =	vmand vm0, vm1  }
0x2c: {  	v8 =	vsel vm0, $0x1, v4  }
0x2d: {  	(xrf0) =	vadd.scan.msk.s32 $0xffff, v8;
	_ =	sdelay $0x5  }
0x2e: {  	v8, _, _ =	vpop (xrf0)  }
0x2f: {  	v8 =	vadd.s32 v8, v6  }
0x30: {  	v8 =	vadd.s32 $0xFFFFFFFF, v8  }
0x31: {  	v8 =	vnsel vm0, $0x4006, v8;
	_ =	sdelay $0x1  }
0x32: {  	s7 =	sadd.s32 s3, s0;
	v7 =	vshll.u32 v7, $0xE  }
0x33: {  	v7 =	vadd.s32 s7, v7  }
0x34: {  	v7 =	vadd.s32 v2, v7  }
0x35: {  	[tilespmem:v8+s20+$0x0] =	vst.idx.msk $0xffff, v7  }
0x36: {  	v7 =	vld [tilespmem:s4+$0xFFFFFFF0];
	_ =	sdelay $0x4  }
0x37: {  	vm11 =	vge.s32 v7, v1;
	vm2 =	vlt.s32 v7, v3  }
0x38: {  	vm1 =	vmand vm11, vm2  }
0x39: {  	v8 =	vsel vm1, $0x1, v4  }
0x3a: {  	(xrf0) =	vadd.scan.msk.s32 $0xffff, v8;
	_ =	sdelay $0x1  }
0x3b: {  	v8 =	vmpcnt.ones.xlane vm0;
	_ =	sdelay $0x3  }
0x3c: {  	v6 =	vadd.s32 v6, v8;
	v8, _, _ =	vpop (xrf0)  }
0x3d: {  	v8 =	vadd.s32 v8, v6  }
0x3e: {  	v8 =	vadd.s32 $0xFFFFFFFF, v8  }
0x3f: {  	v8 =	vnsel vm1, $0x4006, v8;
	_ =	sdelay $0x1  }
0x40: {  	s8 =	sadd.s32 $0x10, s7;
	v7 =	vshll.u32 v7, $0xE  }
0x41: {  	v7 =	vadd.s32 s8, v7  }
0x42: {  	v7 =	vadd.s32 v2, v7  }
0x43: {  	[tilespmem:v8+s20+$0x0] =	vst.idx.msk $0xffff, v7  }
0x44: {  	v7 =	vld [tilespmem:s4+$0x0];
	_ =	sdelay $0x4  }
0x45: {  	vm12 =	vge.s32 v7, v1;
	vm13 =	vlt.s32 v7, v3  }
0x46: {  	vm0 =	vmand vm12, vm13  }
0x47: {  	v8 =	vsel vm0, $0x1, v4  }
0x48: {  	(xrf0) =	vadd.scan.msk.s32 $0xffff, v8;
	_ =	sdelay $0x1  }
0x49: {  	v8 =	vmpcnt.ones.xlane vm1;
	_ =	sdelay $0x3  }
0x4a: {  	v6 =	vadd.s32 v6, v8;
	v8, _, _ =	vpop (xrf0)  }
0x4b: {  	v8 =	vadd.s32 v8, v6  }
0x4c: {  	v8 =	vadd.s32 $0xFFFFFFFF, v8  }
0x4d: {  	v8 =	vnsel vm0, $0x4006, v8;
	_ =	sdelay $0x1  }
0x4e: {  	s31 =	sadd.s32 $0x20, s7;
	v7 =	vshll.u32 v7, $0xE  }
0x4f: {  	v7 =	vadd.s32 s31, v7  }
0x50: {  	v7 =	vadd.s32 v2, v7  }
0x51: {  	[tilespmem:v8+s20+$0x0] =	vst.idx.msk $0xffff, v7  }
0x52: {  	v7 =	vld [tilespmem:s4+$0x10];
	_ =	sdelay $0x4  }
0x53: {  	vm14 =	vge.s32 v7, v1;
	vm15 =	vlt.s32 v7, v3  }
0x54: {  	vm1 =	vmand vm14, vm15  }
0x55: {  	v8 =	vsel vm1, $0x1, v4  }
0x56: {  	(xrf0) =	vadd.scan.msk.s32 $0xffff, v8;
	_ =	sdelay $0x1  }
0x57: {  	v8 =	vmpcnt.ones.xlane vm0;
	_ =	sdelay $0x3  }
0x58: {  	v6 =	vadd.s32 v6, v8;
	v8, _, _ =	vpop (xrf0)  }
0x59: {  	v8 =	vadd.s32 v8, v6  }
0x5a: {  	v8 =	vadd.s32 $0xFFFFFFFF, v8  }
0x5b: {  	p0 =	sne.s32 s3, $0xFC0;
	v8 =	vnsel vm1, $0x4006, v8  }
.Ltmp2:
0x5c: {  	_ = 	snop;
	(pc) =	sbr.rel @p0 .LBB2_3-.Ltmp2, $4  }
0x5d: {  	s7 =	sadd.s32 $0x30, s7;
	v7 =	vshll.u32 v7, $0xE  }
0x5e: {  	v7 =	vadd.s32 s7, v7;
	v9 =	vmpcnt.ones.xlane vm1  }
0x5f: {  	v7 =	vadd.s32 v2, v7  }
0x60: {  	s3 =	sadd.s32 $0x40, s3;
	s4 =	sadd.s32 $0x40, s4;
	v6 =	vadd.s32 v6, v9;
	[tilespmem:v8+s20+$0x0] =	vst.idx.msk $0xffff, v7  }
0x61: {  	s2 =	sadd.s32 $0x1, s2  }
0x62: {  	p0 =	sne.s32 s2, $0x4  }
.Ltmp3:
0x63: {  	_ = 	snop;
	(pc) =	sbr.rel @p0 .LBB2_2-.Ltmp3, $2  }
0x64: {  	_ =	sdelay $0x2  }
0x65: {  	s0 =	sadd.s32 $0x1000, s0  }
0x66: {  	v6 =	vxor.u32 $0x80000000, v6  }
0x67: {  	(xrf0) =	vmax.scan.msk.u32 $0xffff, v6;
	_ =	sdelay $0x5  }
0x68: {  	v6, _, _ =	vpop (xrf0)  }
0x69: {  	(v2sf) =	vpush v6, $0xF;
	_ =	sdelay $0xe  }
0x6a: {  	s0 =	spop (v2sf)  }
0x6b: {  	s2 =	sadd.s32 $0x8000000F, s0  }
0x6c: {  	s3 =	sand.u32 $0xF, s2  }
0x6d: {  	s31 =	sshra.s32 s2, $0x1F;
	p1 =	slt.s32 s2, $0x1;
	p0 =	sne.s32 s3, $0x0  }
.Ltmp4:
0x6e: {  	s3 =	sshrl.u32 s31, $0x1C;
	p0 =	por !p1, !p0;
	(pc) =	sbr.rel .LBB2_6-.Ltmp4, $4  }
0x6f: {  	s2 =	sadd.s32 s3, s2;
	s3 =	simm.s32 $0x1;
	p0 =	por !p0, !p0  }
0x70: {  	s2 =	sshra.s32 s2, $0x4;
	s3 =	simm.s32 @!p0 $0x0  }
0x71: {  	s0 =	sxor.u32 $0x80000000, s0;
	s28 =	ssub.s32 s2, s3  }
0x72: {  	s29 =	simm.s32 $0x0;
	v6 =	vmov s0;
	p0 =	slt.s32 s28, $0x1  }
.LBB2_21:
0x73: {  	s29 =	sadd.s32 $0x1, s29  }
0x74: {  	p1 =	sne.s32 s29, $0x3  }
.Ltmp5:
0x75: {  	_ = 	snop;
	(pc) =	sbr.rel @!p1 .LBB2_22-.Ltmp5, $1  }
0x76: {  	_ =	sdelay $0x3  }
.LBB2_6:
0x77: {  	s0 =	smul.u32 $0x9, s29;
	_ =	sdelay $0x1  }
0x78: {  	s0 =	sadd.s32 s10, s0  }
0x79: {  	s2 =	rddreg [dreg:$0x0];
	s30 =	sshll.u32 s0, $0x7  }
0x7a: {  	s2 =	sadd.s32 s2, s30  }
0x7b: {  	[tilespmem:s22], [sflag:$0x1] =	stream.linear.gather [hbm4b:s2+s5], $0x400, $0x38;
	[tilespmem:$0x1F200] =	vst v63  }
0x7c: {  	s4 =	simm.s32 $0xB500;
	s3 =	sadd.s32 $0x18700, s2  }
0x7d: {  	[tilespmem:s4], [sflag:$0x1] =	stream.linear.gather [hbm4b:s3+s5], $0x400, $0x38;
	[tilespmem:$0x1F200] =	vst v63  }
0x7e: {  	s17 =	simm.s32 $0xD900;
	s9 =	sadd.s32 $0x30E00, s2  }
0x7f: {  	[tilespmem:s17], [sflag:$0x1] =	stream.linear.gather [hbm4b:s9+s5], $0x400, $0x38;
	[tilespmem:$0x1F200] =	vst v63  }
0x80: {  	s31 =	simm.s32 $0xFD00;
	s18 =	sadd.s32 $0x49500, s2  }
0x81: {  	[tilespmem:s31], [sflag:$0x1] =	stream.linear.gather [hbm4b:s18+s5], $0x400, $0x38;
	[tilespmem:$0x1F200] =	vst v63  }
0x82: {  	s7 =	simm.s32 $0x12100;
	s4 =	sadd.s32 $0x61C00, s2  }
0x83: {  	[tilespmem:s7], [sflag:$0x1] =	stream.linear.gather [hbm4b:s4+s5], $0x400, $0x38;
	[tilespmem:$0x1F200] =	vst v63  }
0x84: {  	s8 =	sadd.s32 $0x7A300, s2;
	s9 =	simm.s32 $0x14500  }
0x85: {  	[tilespmem:s9], [sflag:$0x1] =	stream.linear.gather [hbm4b:s8+s5], $0x400, $0x38;
	[tilespmem:$0x1F200] =	vst v63  }
0x86: {  	s17 =	sadd.s32 $0x92A00, s2;
	s18 =	simm.s32 $0x16900  }
0x87: {  	[tilespmem:s18], [sflag:$0x1] =	stream.linear.gather [hbm4b:s17+s5], $0x400, $0x38;
	[tilespmem:$0x1F200] =	vst v63  }
0x88: {  	s3 =	rddreg [dreg:$0x6];
	s2 =	sadd.s32 $0xAB100, s2;
	s31 =	simm.s32 $0x18D00  }
0x89: {  	[tilespmem:s31], [sflag:$0x1] =	stream.linear.gather [hbm4b:s2+s5], $0x400, $0x38;
	[tilespmem:$0x1F200] =	vst v63  }
0x8a: {  	s4 =	simm.s32 $0x9500;
	s2 =	sadd.s32 s30, s3  }
0x8b: {  	[tilespmem:s4], [sflag:$0x1] =	stream.linear.gather [hbm4b:s2+s5], $0x400, $0x38;
	[tilespmem:$0x1F200] =	vst v63  }
0x8c: {  	s8 =	simm.s32 $0xB900;
	s7 =	sadd.s32 $0x18700, s2  }
0x8d: {  	[tilespmem:s8], [sflag:$0x1] =	stream.linear.gather [hbm4b:s7+s5], $0x400, $0x38;
	[tilespmem:$0x1F200] =	vst v63  }
0x8e: {  	s17 =	simm.s32 $0xDD00;
	s9 =	sadd.s32 $0x30E00, s2  }
0x8f: {  	[tilespmem:s17], [sflag:$0x1] =	stream.linear.gather [hbm4b:s9+s5], $0x400, $0x38;
	[tilespmem:$0x1F200] =	vst v63  }
0x90: {  	s31 =	simm.s32 $0x10100;
	s18 =	sadd.s32 $0x49500, s2  }
0x91: {  	[tilespmem:s31], [sflag:$0x1] =	stream.linear.gather [hbm4b:s18+s5], $0x400, $0x38;
	[tilespmem:$0x1F200] =	vst v63  }
0x92: {  	s4 =	sadd.s32 $0x61C00, s2;
	s7 =	simm.s32 $0x12500  }
0x93: {  	[tilespmem:s7], [sflag:$0x1] =	stream.linear.gather [hbm4b:s4+s5], $0x400, $0x38;
	[tilespmem:$0x1F200] =	vst v63  }
0x94: {  	s8 =	sadd.s32 $0x7A300, s2;
	s9 =	simm.s32 $0x14900  }
0x95: {  	[tilespmem:s9], [sflag:$0x1] =	stream.linear.gather [hbm4b:s8+s5], $0x400, $0x38;
	[tilespmem:$0x1F200] =	vst v63  }
0x96: {  	s17 =	sadd.s32 $0x92A00, s2;
	s18 =	simm.s32 $0x16D00  }
0x97: {  	[tilespmem:s18], [sflag:$0x1] =	stream.linear.gather [hbm4b:s17+s5], $0x400, $0x38;
	[tilespmem:$0x1F200] =	vst v63  }
0x98: {  	s3 =	rddreg [dreg:$0x7];
	s2 =	sadd.s32 $0xAB100, s2;
	s31 =	simm.s32 $0x19100  }
0x99: {  	[tilespmem:s31], [sflag:$0x1] =	stream.linear.gather [hbm4b:s2+s5], $0x400, $0x38;
	[tilespmem:$0x1F200] =	vst v63  }
0x9a: {  	s4 =	simm.s32 $0x9900;
	s2 =	sadd.s32 s30, s3  }
0x9b: {  	[tilespmem:s4], [sflag:$0x1] =	stream.linear.gather [hbm4b:s2+s5], $0x400, $0x38;
	[tilespmem:$0x1F200] =	vst v63  }
0x9c: {  	s8 =	simm.s32 $0xBD00;
	s7 =	sadd.s32 $0x18700, s2  }
0x9d: {  	[tilespmem:s8], [sflag:$0x1] =	stream.linear.gather [hbm4b:s7+s5], $0x400, $0x38;
	[tilespmem:$0x1F200] =	vst v63  }
0x9e: {  	s17 =	simm.s32 $0xE100;
	s9 =	sadd.s32 $0x30E00, s2  }
0x9f: {  	[tilespmem:s17], [sflag:$0x1] =	stream.linear.gather [hbm4b:s9+s5], $0x400, $0x38;
	[tilespmem:$0x1F200] =	vst v63  }
0xa0: {  	s31 =	simm.s32 $0x10500;
	s18 =	sadd.s32 $0x49500, s2  }
0xa1: {  	[tilespmem:s31], [sflag:$0x1] =	stream.linear.gather [hbm4b:s18+s5], $0x400, $0x38;
	[tilespmem:$0x1F200] =	vst v63  }
0xa2: {  	s4 =	sadd.s32 $0x61C00, s2;
	s7 =	simm.s32 $0x12900  }
0xa3: {  	[tilespmem:s7], [sflag:$0x1] =	stream.linear.gather [hbm4b:s4+s5], $0x400, $0x38;
	[tilespmem:$0x1F200] =	vst v63  }
0xa4: {  	s8 =	sadd.s32 $0x7A300, s2;
	s9 =	simm.s32 $0x14D00  }
0xa5: {  	[tilespmem:s9], [sflag:$0x1] =	stream.linear.gather [hbm4b:s8+s5], $0x400, $0x38;
	[tilespmem:$0x1F200] =	vst v63  }
0xa6: {  	s17 =	sadd.s32 $0x92A00, s2;
	s18 =	simm.s32 $0x17100  }
0xa7: {  	[tilespmem:s18], [sflag:$0x1] =	stream.linear.gather [hbm4b:s17+s5], $0x400, $0x38;
	[tilespmem:$0x1F200] =	vst v63  }
0xa8: {  	s2 =	sadd.s32 $0xAB100, s2;
	s31 =	simm.s32 $0x19500  }
0xa9: {  	[tilespmem:s31], [sflag:$0x1] =	stream.linear.gather [hbm4b:s2+s5], $0x400, $0x38;
	[tilespmem:$0x1F200] =	vst v63  }
0xaa: {  	s4 =	simm.s32 $0x9D00;
	s2 =	sadd.s32 s30, s11  }
0xab: {  	[tilespmem:s4], [sflag:$0x1] =	stream.linear.gather [hbm4b:s2+s5], $0x400, $0x38;
	[tilespmem:$0x1F200] =	vst v63  }
0xac: {  	s8 =	simm.s32 $0xC100;
	s7 =	sadd.s32 $0x18700, s2  }
0xad: {  	[tilespmem:s8], [sflag:$0x1] =	stream.linear.gather [hbm4b:s7+s5], $0x400, $0x38;
	[tilespmem:$0x1F200] =	vst v63  }
0xae: {  	s17 =	simm.s32 $0xE500;
	s9 =	sadd.s32 $0x30E00, s2  }
0xaf: {  	[tilespmem:s17], [sflag:$0x1] =	stream.linear.gather [hbm4b:s9+s5], $0x400, $0x38;
	[tilespmem:$0x1F200] =	vst v63  }
0xb0: {  	s31 =	simm.s32 $0x10900;
	s18 =	sadd.s32 $0x49500, s2  }
0xb1: {  	[tilespmem:s31], [sflag:$0x1] =	stream.linear.gather [hbm4b:s18+s5], $0x400, $0x38;
	[tilespmem:$0x1F200] =	vst v63  }
0xb2: {  	s4 =	sadd.s32 $0x61C00, s2;
	s7 =	simm.s32 $0x12D00  }
0xb3: {  	[tilespmem:s7], [sflag:$0x1] =	stream.linear.gather [hbm4b:s4+s5], $0x400, $0x38;
	[tilespmem:$0x1F200] =	vst v63  }
0xb4: {  	s8 =	sadd.s32 $0x7A300, s2;
	s9 =	simm.s32 $0x15100  }
0xb5: {  	[tilespmem:s9], [sflag:$0x1] =	stream.linear.gather [hbm4b:s8+s5], $0x400, $0x38;
	[tilespmem:$0x1F200] =	vst v63  }
0xb6: {  	s17 =	sadd.s32 $0x92A00, s2;
	s18 =	simm.s32 $0x17500  }
0xb7: {  	[tilespmem:s18], [sflag:$0x1] =	stream.linear.gather [hbm4b:s17+s5], $0x400, $0x38;
	[tilespmem:$0x1F200] =	vst v63  }
0xb8: {  	s2 =	sadd.s32 $0xAB100, s2;
	s31 =	simm.s32 $0x19900  }
0xb9: {  	[tilespmem:s31], [sflag:$0x1] =	stream.linear.gather [hbm4b:s2+s5], $0x400, $0x38;
	[tilespmem:$0x1F200] =	vst v63  }
0xba: {  	s4 =	simm.s32 $0xA100;
	s2 =	sadd.s32 s30, s12  }
0xbb: {  	[tilespmem:s4], [sflag:$0x1] =	stream.linear.gather [hbm4b:s2+s5], $0x400, $0x38;
	[tilespmem:$0x1F200] =	vst v63  }
0xbc: {  	s8 =	simm.s32 $0xC500;
	s7 =	sadd.s32 $0x18700, s2  }
0xbd: {  	[tilespmem:s8], [sflag:$0x1] =	stream.linear.gather [hbm4b:s7+s5], $0x400, $0x38;
	[tilespmem:$0x1F200] =	vst v63  }
0xbe: {  	s17 =	simm.s32 $0xE900;
	s9 =	sadd.s32 $0x30E00, s2  }
0xbf: {  	[tilespmem:s17], [sflag:$0x1] =	stream.linear.gather [hbm4b:s9+s5], $0x400, $0x38;
	[tilespmem:$0x1F200] =	vst v63  }
0xc0: {  	s31 =	simm.s32 $0x10D00;
	s18 =	sadd.s32 $0x49500, s2  }
0xc1: {  	[tilespmem:s31], [sflag:$0x1] =	stream.linear.gather [hbm4b:s18+s5], $0x400, $0x38;
	[tilespmem:$0x1F200] =	vst v63  }
0xc2: {  	s4 =	sadd.s32 $0x61C00, s2;
	s7 =	simm.s32 $0x13100  }
0xc3: {  	[tilespmem:s7], [sflag:$0x1] =	stream.linear.gather [hbm4b:s4+s5], $0x400, $0x38;
	[tilespmem:$0x1F200] =	vst v63  }
0xc4: {  	s8 =	sadd.s32 $0x7A300, s2;
	s9 =	simm.s32 $0x15500  }
0xc5: {  	[tilespmem:s9], [sflag:$0x1] =	stream.linear.gather [hbm4b:s8+s5], $0x400, $0x38;
	[tilespmem:$0x1F200] =	vst v63  }
0xc6: {  	s17 =	sadd.s32 $0x92A00, s2;
	s18 =	simm.s32 $0x17900  }
0xc7: {  	[tilespmem:s18], [sflag:$0x1] =	stream.linear.gather [hbm4b:s17+s5], $0x400, $0x38;
	[tilespmem:$0x1F200] =	vst v63  }
0xc8: {  	s2 =	sadd.s32 $0xAB100, s2;
	s31 =	simm.s32 $0x19D00  }
0xc9: {  	[tilespmem:s31], [sflag:$0x1] =	stream.linear.gather [hbm4b:s2+s5], $0x400, $0x38;
	[tilespmem:$0x1F200] =	vst v63  }
0xca: {  	s4 =	simm.s32 $0xA500;
	s2 =	sadd.s32 s30, s13  }
0xcb: {  	[tilespmem:s4], [sflag:$0x1] =	stream.linear.gather [hbm4b:s2+s5], $0x400, $0x38;
	[tilespmem:$0x1F200] =	vst v63  }
0xcc: {  	s8 =	simm.s32 $0xC900;
	s7 =	sadd.s32 $0x18700, s2  }
0xcd: {  	[tilespmem:s8], [sflag:$0x1] =	stream.linear.gather [hbm4b:s7+s5], $0x400, $0x38;
	[tilespmem:$0x1F200] =	vst v63  }
0xce: {  	s17 =	simm.s32 $0xED00;
	s9 =	sadd.s32 $0x30E00, s2  }
0xcf: {  	[tilespmem:s17], [sflag:$0x1] =	stream.linear.gather [hbm4b:s9+s5], $0x400, $0x38;
	[tilespmem:$0x1F200] =	vst v63  }
0xd0: {  	s31 =	simm.s32 $0x11100;
	s18 =	sadd.s32 $0x49500, s2  }
0xd1: {  	[tilespmem:s31], [sflag:$0x1] =	stream.linear.gather [hbm4b:s18+s5], $0x400, $0x38;
	[tilespmem:$0x1F200] =	vst v63  }
0xd2: {  	s4 =	sadd.s32 $0x61C00, s2;
	s7 =	simm.s32 $0x13500  }
0xd3: {  	[tilespmem:s7], [sflag:$0x1] =	stream.linear.gather [hbm4b:s4+s5], $0x400, $0x38;
	[tilespmem:$0x1F200] =	vst v63  }
0xd4: {  	s8 =	sadd.s32 $0x7A300, s2;
	s9 =	simm.s32 $0x15900  }
0xd5: {  	[tilespmem:s9], [sflag:$0x1] =	stream.linear.gather [hbm4b:s8+s5], $0x400, $0x38;
	[tilespmem:$0x1F200] =	vst v63  }
0xd6: {  	s17 =	sadd.s32 $0x92A00, s2;
	s18 =	simm.s32 $0x17D00  }
0xd7: {  	[tilespmem:s18], [sflag:$0x1] =	stream.linear.gather [hbm4b:s17+s5], $0x400, $0x38;
	[tilespmem:$0x1F200] =	vst v63  }
0xd8: {  	s2 =	sadd.s32 $0xAB100, s2;
	s31 =	simm.s32 $0x1A100  }
0xd9: {  	[tilespmem:s31], [sflag:$0x1] =	stream.linear.gather [hbm4b:s2+s5], $0x400, $0x38;
	[tilespmem:$0x1F200] =	vst v63  }
0xda: {  	s4 =	simm.s32 $0xA900;
	s2 =	sadd.s32 s30, s14  }
0xdb: {  	[tilespmem:s4], [sflag:$0x1] =	stream.linear.gather [hbm4b:s2+s5], $0x400, $0x38;
	[tilespmem:$0x1F200] =	vst v63  }
0xdc: {  	s8 =	simm.s32 $0xCD00;
	s7 =	sadd.s32 $0x18700, s2  }
0xdd: {  	[tilespmem:s8], [sflag:$0x1] =	stream.linear.gather [hbm4b:s7+s5], $0x400, $0x38;
	[tilespmem:$0x1F200] =	vst v63  }
0xde: {  	s17 =	simm.s32 $0xF100;
	s9 =	sadd.s32 $0x30E00, s2  }
0xdf: {  	[tilespmem:s17], [sflag:$0x1] =	stream.linear.gather [hbm4b:s9+s5], $0x400, $0x38;
	[tilespmem:$0x1F200] =	vst v63  }
0xe0: {  	s31 =	simm.s32 $0x11500;
	s18 =	sadd.s32 $0x49500, s2  }
0xe1: {  	[tilespmem:s31], [sflag:$0x1] =	stream.linear.gather [hbm4b:s18+s5], $0x400, $0x38;
	[tilespmem:$0x1F200] =	vst v63  }
0xe2: {  	s4 =	sadd.s32 $0x61C00, s2;
	s7 =	simm.s32 $0x13900  }
0xe3: {  	[tilespmem:s7], [sflag:$0x1] =	stream.linear.gather [hbm4b:s4+s5], $0x400, $0x38;
	[tilespmem:$0x1F200] =	vst v63  }
0xe4: {  	s8 =	sadd.s32 $0x7A300, s2;
	s9 =	simm.s32 $0x15D00  }
0xe5: {  	[tilespmem:s9], [sflag:$0x1] =	stream.linear.gather [hbm4b:s8+s5], $0x400, $0x38;
	[tilespmem:$0x1F200] =	vst v63  }
0xe6: {  	s17 =	sadd.s32 $0x92A00, s2;
	s18 =	simm.s32 $0x18100  }
0xe7: {  	[tilespmem:s18], [sflag:$0x1] =	stream.linear.gather [hbm4b:s17+s5], $0x400, $0x38;
	[tilespmem:$0x1F200] =	vst v63  }
0xe8: {  	s2 =	sadd.s32 $0xAB100, s2;
	s31 =	simm.s32 $0x1A500  }
0xe9: {  	[tilespmem:s31], [sflag:$0x1] =	stream.linear.gather [hbm4b:s2+s5], $0x400, $0x38;
	[tilespmem:$0x1F200] =	vst v63  }
0xea: {  	p1 =	slt.s32 s0, $0x305;
	s2 =	smov.u32 s0  }
0xeb: {  	s2 =	simm.s32 @!p1 $0x305  }
0xec: {  	s2 =	sshll.u32 s2, $0x7  }
0xed: {  	s4 =	simm.s32 $0xAD00;
	s2 =	sadd.s32 s2, s15  }
0xee: {  	[tilespmem:s4], [sflag:$0x1] =	stream.linear.gather [hbm4b:s2+s5], $0x400, $0x38;
	[tilespmem:$0x1F200] =	vst v63  }
0xef: {  	s8 =	simm.s32 $0xD100;
	s7 =	sadd.s32 $0x18700, s2  }
0xf0: {  	[tilespmem:s8], [sflag:$0x1] =	stream.linear.gather [hbm4b:s7+s5], $0x400, $0x38;
	[tilespmem:$0x1F200] =	vst v63  }
0xf1: {  	s17 =	simm.s32 $0xF500;
	s9 =	sadd.s32 $0x30E00, s2  }
0xf2: {  	[tilespmem:s17], [sflag:$0x1] =	stream.linear.gather [hbm4b:s9+s5], $0x400, $0x38;
	[tilespmem:$0x1F200] =	vst v63  }
0xf3: {  	s31 =	simm.s32 $0x11900;
	s18 =	sadd.s32 $0x49500, s2  }
0xf4: {  	[tilespmem:s31], [sflag:$0x1] =	stream.linear.gather [hbm4b:s18+s5], $0x400, $0x38;
	[tilespmem:$0x1F200] =	vst v63  }
0xf5: {  	s4 =	sadd.s32 $0x61C00, s2;
	s7 =	simm.s32 $0x13D00  }
0xf6: {  	[tilespmem:s7], [sflag:$0x1] =	stream.linear.gather [hbm4b:s4+s5], $0x400, $0x38;
	[tilespmem:$0x1F200] =	vst v63  }
0xf7: {  	s8 =	sadd.s32 $0x7A300, s2;
	s9 =	simm.s32 $0x16100  }
0xf8: {  	[tilespmem:s9], [sflag:$0x1] =	stream.linear.gather [hbm4b:s8+s5], $0x400, $0x38;
	[tilespmem:$0x1F200] =	vst v63  }
0xf9: {  	s17 =	sadd.s32 $0x92A00, s2;
	s18 =	simm.s32 $0x18500  }
0xfa: {  	[tilespmem:s18], [sflag:$0x1] =	stream.linear.gather [hbm4b:s17+s5], $0x400, $0x38;
	[tilespmem:$0x1F200] =	vst v63  }
0xfb: {  	s2 =	sadd.s32 $0xAB100, s2;
	s31 =	simm.s32 $0x1A900  }
0xfc: {  	[tilespmem:s31], [sflag:$0x1] =	stream.linear.gather [hbm4b:s2+s5], $0x400, $0x38;
	[tilespmem:$0x1F200] =	vst v63  }
0xfd: {  	p1 =	slt.s32 s0, $0x304;
	s2 =	smov.u32 s0  }
0xfe: {  	s2 =	simm.s32 @!p1 $0x304  }
0xff: {  	s2 =	sshll.u32 s2, $0x7  }
0x100: {  	s4 =	simm.s32 $0xB100;
	s2 =	sadd.s32 s2, s16  }
0x101: {  	[tilespmem:s4], [sflag:$0x1] =	stream.linear.gather [hbm4b:s2+s5], $0x400, $0x38;
	[tilespmem:$0x1F200] =	vst v63  }
0x102: {  	s8 =	simm.s32 $0xD500;
	s7 =	sadd.s32 $0x18700, s2  }
0x103: {  	[tilespmem:s8], [sflag:$0x1] =	stream.linear.gather [hbm4b:s7+s5], $0x400, $0x38;
	[tilespmem:$0x1F200] =	vst v63  }
0x104: {  	s17 =	simm.s32 $0xF900;
	s9 =	sadd.s32 $0x30E00, s2  }
0x105: {  	[tilespmem:s17], [sflag:$0x1] =	stream.linear.gather [hbm4b:s9+s5], $0x400, $0x38;
	[tilespmem:$0x1F200] =	vst v63  }
0x106: {  	s31 =	simm.s32 $0x11D00;
	s18 =	sadd.s32 $0x49500, s2  }
0x107: {  	[tilespmem:s31], [sflag:$0x1] =	stream.linear.gather [hbm4b:s18+s5], $0x400, $0x38;
	[tilespmem:$0x1F200] =	vst v63  }
0x108: {  	s4 =	sadd.s32 $0x61C00, s2;
	s7 =	simm.s32 $0x14100  }
0x109: {  	[tilespmem:s7], [sflag:$0x1] =	stream.linear.gather [hbm4b:s4+s5], $0x400, $0x38;
	[tilespmem:$0x1F200] =	vst v63  }
0x10a: {  	s8 =	sadd.s32 $0x7A300, s2;
	s9 =	simm.s32 $0x16500  }
0x10b: {  	[tilespmem:s9], [sflag:$0x1] =	stream.linear.gather [hbm4b:s8+s5], $0x400, $0x38;
	[tilespmem:$0x1F200] =	vst v63  }
.Ltmp6:
0x10c: {  	_ = 	snop;
	(pc) =	sbr.rel @p0 .LBB2_7-.Ltmp6, $4  }
0x10d: {  	s17 =	sadd.s32 $0x92A00, s2;
	s18 =	simm.s32 $0x18900  }
0x10e: {  	[tilespmem:s18], [sflag:$0x1] =	stream.linear.gather [hbm4b:s17+s5], $0x400, $0x38;
	[tilespmem:$0x1F200] =	vst v63  }
0x10f: {  	s2 =	sadd.s32 $0xAB100, s2;
	s31 =	simm.s32 $0x1AD00  }
0x110: {  	[tilespmem:s31], [sflag:$0x1] =	stream.linear.gather [hbm4b:s2+s5], $0x400, $0x38;
	[tilespmem:$0x1F200] =	vst v63  }
0x111: {  	p2 =	sne.s32 s28, $0x1  }
.Ltmp7:
0x112: {  	_ = 	snop;
	(pc) =	sbr.rel @!p2 .LBB2_9-.Ltmp7, $4  }
0x113: {  	s2 =	sadd.s32 $0x480, s30;
	s3 =	rddreg [dreg:$0x5]  }
0x114: {  	s2 =	smin.u32 s3, s2  }
0x115: {  	s0 =	sshll.u32 s0, $0x15;
	s31 =	simm.s32 $0x1000;
	s2 =	sshll.u32 s2, $0xE  }
0x116: {  	v12 =	vimm.s32 $0x0;
	p1 =	por $0x0, $0x0;
	v8 =	vmov s0;
	s0 =	simm.s32 $0x0;
	v7 =	vld [tilespmem:s31+$0x0];
	v9 =	vmov s2;
	s2 =	sadd.s32 $0xFFFFFFFF, s28  }
0x117: {  	_ =	sdelay $0x2  }
0x118: {  	v10 =	vor.u32 s0, v2  }
0x119: {  	vm0 =	vlt.s32 v10, v6;
	vm1 =	vlt.s32 v7, v9  }
0x11a: {  	vm2 =	vge.s32 v7, v8;
	vm0 =	vmand vm0, vm1  }
0x11b: {  	vm0 =	vmand vm0, vm2  }
0x11c: {  	v10 =	vsel vm0, $0x1, v4  }
0x11d: {  	(xrf0) =	vadd.scan.msk.s32 $0xffff, v10;
	_ =	sdelay $0x5  }
0x11e: {  	v10, _, _ =	vpop (xrf0)  }
0x11f: {  	v10 =	vadd.s32 v10, v12  }
0x120: {  	v10 =	vadd.s32 $0xFFFFFFFF, v10  }
0x121: {  	v10 =	vnsel vm0, $0x4006, v10  }
0x122: {  	p2 =	sne.s32 s2, $0x1  }
.Ltmp8:
0x123: {  	_ = 	snop;
	(pc) =	sbr.rel @!p2 .LBB2_11-.Ltmp8, $3  }
0x124: {  	v11 =	vmpcnt.ones.xlane vm0;
	_ =	sdelay $0x1  }
0x125: {  	s3 =	simm.s32 $0x1010;
	v11 =	vadd.s32 v12, v11;
	[tilespmem:v10+s23+$0x0] =	vst.idx.msk $0xffff, v7  }
0x126: {  	s4 =	sadd.s32 $0xFFFFFFFF, s2;
	p1 =	por $0x1, $0x1;
	s2 =	simm.s32 $0x0;
	v10 =	vmov v11;
	v7 =	vld [tilespmem:s3+$0x0]  }
.LBB2_12:
0x127: {  	p2 =	sne.s32 s4, $0x1;
	_ =	sdelay $0x1  }
0x128: {  	s2 =	sadd.s32 $0x10, s2  }
0x129: {  	v12 =	vor.u32 s2, v2  }
0x12a: {  	vm0 =	vlt.s32 v12, v6;
	vm1 =	vlt.s32 v7, v9  }
0x12b: {  	vm2 =	vge.s32 v7, v8;
	vm0 =	vmand vm0, vm1  }
0x12c: {  	vm0 =	vmand vm0, vm2  }
0x12d: {  	v12 =	vsel vm0, $0x1, v4;
	v13 =	vmpcnt.ones.xlane vm0  }
0x12e: {  	(xrf0) =	vadd.scan.msk.s32 $0xffff, v12  }
0x12f: {  	v11 =	vadd.s32 v11, v13;
	_ =	sdelay $0x4  }
0x130: {  	v12, _, _ =	vpop (xrf0)  }
0x131: {  	v12 =	vadd.s32 v12, v10;
	v10 =	vmov v11  }
0x132: {  	v12 =	vadd.s32 $0xFFFFFFFF, v12  }
0x133: {  	v12 =	vnsel vm0, $0x4006, v12;
	_ =	sdelay $0x1  }
.Ltmp9:
0x134: {  	(pc) =	sbr.rel @p2 .LBB2_12-.Ltmp9, $3  }
0x135: {  	_ =	sdelay $0x1  }
0x136: {  	s3 =	sadd.s32 $0x10, s3;
	[tilespmem:v12+s23+$0x0] =	vst.idx.msk $0xffff, v7  }
0x137: {  	s4 =	sadd.s32 $0xFFFFFFFF, s4;
	v7 =	vld [tilespmem:s3+$0x0]  }
0x138: {  	v12 =	vmov v11  }
.LBB2_14:
0x139: {  	s2 =	sadd.s32 @p1 $0x10, s2  }
0x13a: {  	s0 =	smov.u32 @p1 s2  }
0x13b: {  	v11 =	vor.u32 s0, v2  }
0x13c: {  	vm0 =	vlt.s32 v11, v6;
	vm1 =	vlt.s32 v7, v9  }
0x13d: {  	vm2 =	vge.s32 v7, v8;
	vm0 =	vmand vm0, vm1  }
0x13e: {  	vm0 =	vmand vm0, vm2  }
0x13f: {  	v8 =	vsel vm0, $0x1, v4  }
0x140: {  	(xrf0) =	vadd.scan.msk.s32 $0xffff, v8;
	_ =	sdelay $0x5  }
0x141: {  	v8, _, _ =	vpop (xrf0)  }
0x142: {  	v8 =	vadd.s32 v8, v10  }
0x143: {  	v8 =	vadd.s32 $0xFFFFFFFF, v8  }
0x144: {  	v8 =	vnsel vm0, $0x4006, v8  }
.Ltmp10:
0x145: {  	_ = 	snop;
	(pc) =	sbr.rel .LBB2_15-.Ltmp10, $3  }
0x146: {  	v63 =	vmpcnt.ones.xlane vm0;
	_ =	sdelay $0x1  }
0x147: {  	v9 =	vadd.s32 v12, v63  }
0x148: {  	[tilespmem:v8+s23+$0x0] =	vst.idx.msk $0xffff, v7;
	v7 =	vxor.u32 $0x80000000, v9  }
.LBB2_7:
0x149: {  	v7 =	vimm.s32 $0x80000000  }
.LBB2_15:
0x14a: {  	(xrf0) =	vmax.scan.msk.u32 $0xffff, v7;
	_ =	sdelay $0x5  }
0x14b: {  	v7, _, _ =	vpop (xrf0)  }
0x14c: {  	(v2sf) =	vpush v7, $0xF;
	_ =	sdelay $0xe  }
0x14d: {  	s2 =	spop (v2sf)  }
0x14e: {  	_ =	swait.ge [sflag:s21], $0x2000  }
0x14f: {  	[sflag:s21] =	ssyncset.done $0x0  }
0x150: {  	[sflag:s21] =	ssyncadd.s32 $0xFFFFE000  }
0x151: {  	_ =	swait.ge [sflag:s21], $0x2000  }
0x152: {  	[sflag:s21] =	ssyncset.done $0x0  }
0x153: {  	[sflag:s21] =	ssyncadd.s32 $0xFFFFE000  }
0x154: {  	_ =	swait.ge [sflag:s21], $0x2000  }
0x155: {  	[sflag:s21] =	ssyncset.done $0x0  }
0x156: {  	[sflag:s21] =	ssyncadd.s32 $0xFFFFE000  }
0x157: {  	_ =	swait.ge [sflag:s21], $0x2000  }
0x158: {  	[sflag:s21] =	ssyncset.done $0x0  }
0x159: {  	[sflag:s21] =	ssyncadd.s32 $0xFFFFE000  }
0x15a: {  	_ =	swait.ge [sflag:s21], $0x2000  }
0x15b: {  	s0 =	sadd.s32 $0x8000007F, s2;
	[sflag:s21] =	ssyncset.done $0x0  }
0x15c: {  	s3 =	sand.u32 $0x7F, s0;
	[sflag:s21] =	ssyncadd.s32 $0xFFFFE000  }
0x15d: {  	s18 =	sshra.s32 s0, $0x1F;
	p2 =	slt.s32 s0, $0x1;
	_ =	swait.ge [sflag:s21], $0x2000  }
0x15e: {  	p1 =	sne.s32 s3, $0x0;
	s3 =	sshrl.u32 s18, $0x19;
	[sflag:s21] =	ssyncset.done $0x0  }
0x15f: {  	p1 =	por !p2, !p1;
	s0 =	sadd.s32 s3, s0;
	[sflag:s21] =	ssyncadd.s32 $0xFFFFE000  }
0x160: {  	s3 =	simm.s32 $0x1;
	p1 =	por !p1, !p1;
	_ =	swait.ge [sflag:s21], $0x2000  }
0x161: {  	s0 =	sshra.s32 s0, $0x7;
	s3 =	simm.s32 @!p1 $0x0;
	[sflag:s21] =	ssyncset.done $0x0  }
0x162: {  	s31 =	ssub.s32 s0, s3;
	[sflag:s21] =	ssyncadd.s32 $0xFFFFE000  }
0x163: {  	p1 =	slt.s32 s31, $0x1;
	_ =	swait.ge [sflag:s21], $0x2000  }
.Ltmp11:
0x164: {  	[sflag:s21] =	ssyncset.done $0x0;
	(pc) =	sbr.rel @p1 .LBB2_21-.Ltmp11, $4  }
0x165: {  	[sflag:s21] =	ssyncadd.s32 $0xFFFFE000  }
0x166: {  	_ =	swait.ge [sflag:s21], $0x2000  }
0x167: {  	[sflag:s21] =	ssyncset.done $0x0  }
0x168: {  	[sflag:s21] =	ssyncadd.s32 $0xFFFFE000  }
0x169: {  	s0 =	sadd.s32 $0x8000000F, s2  }
0x16a: {  	s3 =	sand.u32 $0xF, s0  }
0x16b: {  	s17 =	sshra.s32 s0, $0x1F;
	p2 =	slt.s32 s0, $0x1;
	p1 =	sne.s32 s3, $0x0  }
.Ltmp12:
0x16c: {  	s3 =	sshrl.u32 s17, $0x1C;
	p1 =	por !p2, !p1;
	(pc) =	sbr.rel .LBB2_17-.Ltmp12, $4  }
0x16d: {  	s0 =	sadd.s32 s3, s0;
	s3 =	simm.s32 $0x1;
	p1 =	por !p1, !p1  }
0x16e: {  	s0 =	sshra.s32 s0, $0x4;
	s3 =	simm.s32 @!p1 $0x0  }
0x16f: {  	s18 =	sxor.u32 $0x80000000, s2;
	s0 =	ssub.s32 s0, s3  }
0x170: {  	v8 =	vmov s30;
	s8 =	simm.s32 $0x0;
	s2 =	simm.s32 $0x0;
	v7 =	vmov s18;
	s3 =	smov.u32 s0  }
.LBB2_20:
0x171: {  	s2 =	sadd.s32 $0x1, s2  }
0x172: {  	p1 =	sne.s32 s2, s31  }
.Ltmp13:
0x173: {  	_ = 	snop;
	(pc) =	sbr.rel @!p1 .LBB2_21-.Ltmp13, $4  }
0x174: {  	[hbm4b:s6+s24] =	stream.indirect.scatter [tilespmem:s1], [sflag:$0x2], $0x80, s25, s24, $0xb8;
	[tilespmem:$0x1F200] =	vst v63  }
0x175: {  	_ =	swait.ge [sflag:s26], $0x4000  }
0x176: {  	[sflag:s26] =	ssyncset.done $0x0  }
0x177: {  	s3 =	sadd.s32 $0xFFFFFFF8, s3;
	s8 =	sadd.s32 $0x80, s8;
	[sflag:s26] =	ssyncadd.s32 $0xFFFFC000  }
.LBB2_17:
0x178: {  	s4 =	sshll.u32 s2, $0x3  }
0x179: {  	p1 =	sle.s32 s0, s4  }
.Ltmp14:
0x17a: {  	_ = 	snop;
	(pc) =	sbr.rel @p1 .LBB2_20-.Ltmp14, $1  }
0x17b: {  	_ =	sdelay $0x3  }
0x17c: {  	p1 =	sgt.s32 s3, $0x1;
	s4 =	smov.u32 s3  }
0x17d: {  	s4 =	simm.s32 @!p1 $0x1  }
0x17e: {  	s18 =	simm.s32 $0x5080;
	s30 =	smov.u32 s8;
	s4 =	smin.u32 s4, $0x8  }
0x17f: {  	s7 =	simm.s32 $0x0;
	s17 =	sshll.u32 s4, $0x4;
	s4 =	simm.s32 $0x1F100  }
.LBB2_19:
0x180: {  	s9 =	sshll.u32 s30, $0x2  }
0x181: {  	s9 =	sshra.s32 s9, $0x2  }
0x182: {  	s9 =	sand.u32 $0xFFFFFF80, s9  }
0x183: {  	s9 =	sadd.s32 s9, s18  }
0x184: {  	v9 =	vld [tilespmem:s9+$0x0];
	_ =	sdelay $0x4  }
0x185: {  	v10 =	vshrl.u32 v9, $0xE  }
0x186: {  	v10 =	vsub.s32 v10, v8  }
0x187: {  	vm0 =	vgt.s32 v10, $0x0  }
0x188: {  	v10 =	vnsel vm0, $0x0, v10  }
0x189: {  	v10 =	vmin.u32 v10, $0x47F  }
0x18a: {  	v11 =	vshll.u32 v10, $0x3  }
0x18b: {  	v10 =	vand.u32 $0x7F, v10;
	v11 =	vand.u32 $0x3C00, v11  }
0x18c: {  	v10 =	vor.u32 v10, v11;
	_ =	sdelay $0x2  }
0x18d: {  	v11 =	vmov s7  }
0x18e: {  	v11 =	vshll.u32 v11, $0x7  }
0x18f: {  	v11 =	vor.u32 v5, v11;
	v12 =	vld.idx.msk [tilespmem:v10+s22+$0x0], $0xffff  }
0x190: {  	v13 =	vor.u32 $0x80, v10;
	_ =	sdelay $0x3  }
0x191: {  	[tilespmem:v11+s1+$0x0] =	vst.idx.msk $0xffff, v12  }
0x192: {  	v37 =	vor.u32 $0x1, v11;
	v12 =	vld.idx.msk [tilespmem:v13+s22+$0x0], $0xffff  }
0x193: {  	v14 =	vor.u32 $0x100, v10;
	_ =	sdelay $0x3  }
0x194: {  	[tilespmem:v37+s1+$0x0] =	vst.idx.msk $0xffff, v12  }
0x195: {  	v38 =	vor.u32 $0x2, v11;
	v12 =	vld.idx.msk [tilespmem:v14+s22+$0x0], $0xffff  }
0x196: {  	v39 =	vor.u32 $0x180, v10;
	_ =	sdelay $0x3  }
0x197: {  	[tilespmem:v38+s1+$0x0] =	vst.idx.msk $0xffff, v12  }
0x198: {  	v40 =	vor.u32 $0x3, v11;
	v12 =	vld.idx.msk [tilespmem:v39+s22+$0x0], $0xffff  }
0x199: {  	v41 =	vor.u32 $0x200, v10;
	_ =	sdelay $0x3  }
0x19a: {  	[tilespmem:v40+s1+$0x0] =	vst.idx.msk $0xffff, v12  }
0x19b: {  	v42 =	vor.u32 $0x4, v11;
	v12 =	vld.idx.msk [tilespmem:v41+s22+$0x0], $0xffff  }
0x19c: {  	v43 =	vor.u32 $0x280, v10;
	_ =	sdelay $0x3  }
0x19d: {  	[tilespmem:v42+s1+$0x0] =	vst.idx.msk $0xffff, v12  }
0x19e: {  	v44 =	vor.u32 $0x5, v11;
	v12 =	vld.idx.msk [tilespmem:v43+s22+$0x0], $0xffff  }
0x19f: {  	v45 =	vor.u32 $0x300, v10;
	_ =	sdelay $0x3  }
0x1a0: {  	[tilespmem:v44+s1+$0x0] =	vst.idx.msk $0xffff, v12  }
0x1a1: {  	v46 =	vor.u32 $0x6, v11;
	v12 =	vld.idx.msk [tilespmem:v45+s22+$0x0], $0xffff  }
0x1a2: {  	v47 =	vor.u32 $0x380, v10;
	_ =	sdelay $0x3  }
0x1a3: {  	[tilespmem:v46+s1+$0x0] =	vst.idx.msk $0xffff, v12  }
0x1a4: {  	v48 =	vor.u32 $0x7, v11;
	v12 =	vld.idx.msk [tilespmem:v47+s22+$0x0], $0xffff  }
0x1a5: {  	v49 =	vadd.s32 $0x2400, v10;
	_ =	sdelay $0x3  }
0x1a6: {  	[tilespmem:v48+s1+$0x0] =	vst.idx.msk $0xffff, v12  }
0x1a7: {  	v50 =	vor.u32 $0x8, v11;
	v12 =	vld.idx.msk [tilespmem:v49+s22+$0x0], $0xffff  }
0x1a8: {  	v51 =	vadd.s32 $0x2480, v10;
	_ =	sdelay $0x3  }
0x1a9: {  	[tilespmem:v50+s1+$0x0] =	vst.idx.msk $0xffff, v12  }
0x1aa: {  	v52 =	vor.u32 $0x9, v11;
	v12 =	vld.idx.msk [tilespmem:v51+s22+$0x0], $0xffff  }
0x1ab: {  	v53 =	vadd.s32 $0x2500, v10;
	_ =	sdelay $0x3  }
0x1ac: {  	[tilespmem:v52+s1+$0x0] =	vst.idx.msk $0xffff, v12  }
0x1ad: {  	v54 =	vor.u32 $0xA, v11;
	v12 =	vld.idx.msk [tilespmem:v53+s22+$0x0], $0xffff  }
0x1ae: {  	v55 =	vadd.s32 $0x2580, v10;
	_ =	sdelay $0x3  }
0x1af: {  	[tilespmem:v54+s1+$0x0] =	vst.idx.msk $0xffff, v12  }
0x1b0: {  	v56 =	vor.u32 $0xB, v11;
	v12 =	vld.idx.msk [tilespmem:v55+s22+$0x0], $0xffff  }
0x1b1: {  	v57 =	vadd.s32 $0x2600, v10;
	_ =	sdelay $0x3  }
0x1b2: {  	[tilespmem:v56+s1+$0x0] =	vst.idx.msk $0xffff, v12  }
0x1b3: {  	v58 =	vor.u32 $0xC, v11;
	v12 =	vld.idx.msk [tilespmem:v57+s22+$0x0], $0xffff  }
0x1b4: {  	v59 =	vadd.s32 $0x2680, v10;
	_ =	sdelay $0x3  }
0x1b5: {  	[tilespmem:v58+s1+$0x0] =	vst.idx.msk $0xffff, v12  }
0x1b6: {  	v60 =	vor.u32 $0xD, v11;
	v12 =	vld.idx.msk [tilespmem:v59+s22+$0x0], $0xffff  }
0x1b7: {  	v61 =	vadd.s32 $0x2700, v10;
	_ =	sdelay $0x3  }
0x1b8: {  	[tilespmem:v60+s1+$0x0] =	vst.idx.msk $0xffff, v12  }
0x1b9: {  	v62 =	vor.u32 $0xE, v11;
	v12 =	vld.idx.msk [tilespmem:v61+s22+$0x0], $0xffff  }
0x1ba: {  	v63 =	vadd.s32 $0x2780, v10;
	_ =	sdelay $0x3  }
0x1bb: {  	[tilespmem:v62+s1+$0x0] =	vst.idx.msk $0xffff, v12  }
0x1bc: {  	v16 =	vor.u32 $0xF, v11;
	v12 =	vld.idx.msk [tilespmem:v63+s22+$0x0], $0xffff  }
0x1bd: {  	v17 =	vadd.s32 $0x4800, v10;
	_ =	sdelay $0x3  }
0x1be: {  	[tilespmem:v16+s1+$0x0] =	vst.idx.msk $0xffff, v12  }
0x1bf: {  	v18 =	vor.u32 $0x10, v11;
	v12 =	vld.idx.msk [tilespmem:v17+s22+$0x0], $0xffff  }
0x1c0: {  	v19 =	vadd.s32 $0x4880, v10;
	_ =	sdelay $0x3  }
0x1c1: {  	[tilespmem:v18+s1+$0x0] =	vst.idx.msk $0xffff, v12  }
0x1c2: {  	v20 =	vor.u32 $0x11, v11;
	v12 =	vld.idx.msk [tilespmem:v19+s22+$0x0], $0xffff  }
0x1c3: {  	v21 =	vadd.s32 $0x4900, v10;
	_ =	sdelay $0x3  }
0x1c4: {  	[tilespmem:v20+s1+$0x0] =	vst.idx.msk $0xffff, v12  }
0x1c5: {  	v22 =	vor.u32 $0x12, v11;
	v12 =	vld.idx.msk [tilespmem:v21+s22+$0x0], $0xffff  }
0x1c6: {  	v23 =	vadd.s32 $0x4980, v10;
	_ =	sdelay $0x3  }
0x1c7: {  	[tilespmem:v22+s1+$0x0] =	vst.idx.msk $0xffff, v12  }
0x1c8: {  	v24 =	vor.u32 $0x13, v11;
	v12 =	vld.idx.msk [tilespmem:v23+s22+$0x0], $0xffff  }
0x1c9: {  	v25 =	vadd.s32 $0x4A00, v10;
	_ =	sdelay $0x3  }
0x1ca: {  	[tilespmem:v24+s1+$0x0] =	vst.idx.msk $0xffff, v12  }
0x1cb: {  	v26 =	vor.u32 $0x14, v11;
	v12 =	vld.idx.msk [tilespmem:v25+s22+$0x0], $0xffff  }
0x1cc: {  	v27 =	vadd.s32 $0x4A80, v10;
	_ =	sdelay $0x3  }
0x1cd: {  	[tilespmem:v26+s1+$0x0] =	vst.idx.msk $0xffff, v12  }
0x1ce: {  	v28 =	vor.u32 $0x15, v11;
	v12 =	vld.idx.msk [tilespmem:v27+s22+$0x0], $0xffff  }
0x1cf: {  	v29 =	vadd.s32 $0x4B00, v10;
	_ =	sdelay $0x3  }
0x1d0: {  	[tilespmem:v28+s1+$0x0] =	vst.idx.msk $0xffff, v12  }
0x1d1: {  	v30 =	vor.u32 $0x16, v11;
	v12 =	vld.idx.msk [tilespmem:v29+s22+$0x0], $0xffff  }
0x1d2: {  	v31 =	vadd.s32 $0x4B80, v10;
	_ =	sdelay $0x3  }
0x1d3: {  	[tilespmem:v30+s1+$0x0] =	vst.idx.msk $0xffff, v12  }
0x1d4: {  	v32 =	vor.u32 $0x17, v11;
	v12 =	vld.idx.msk [tilespmem:v31+s22+$0x0], $0xffff  }
0x1d5: {  	v33 =	vadd.s32 $0x6C00, v10;
	_ =	sdelay $0x3  }
0x1d6: {  	[tilespmem:v32+s1+$0x0] =	vst.idx.msk $0xffff, v12  }
0x1d7: {  	v34 =	vor.u32 $0x18, v11;
	v12 =	vld.idx.msk [tilespmem:v33+s22+$0x0], $0xffff  }
0x1d8: {  	v35 =	vadd.s32 $0x6C80, v10;
	_ =	sdelay $0x3  }
0x1d9: {  	[tilespmem:v34+s1+$0x0] =	vst.idx.msk $0xffff, v12  }
0x1da: {  	v36 =	vor.u32 $0x19, v11;
	v12 =	vld.idx.msk [tilespmem:v35+s22+$0x0], $0xffff  }
0x1db: {  	v37 =	vadd.s32 $0x6D00, v10;
	_ =	sdelay $0x3  }
0x1dc: {  	[tilespmem:v36+s1+$0x0] =	vst.idx.msk $0xffff, v12  }
0x1dd: {  	v38 =	vor.u32 $0x1A, v11;
	v12 =	vld.idx.msk [tilespmem:v37+s22+$0x0], $0xffff  }
0x1de: {  	v39 =	vadd.s32 $0x6D80, v10;
	_ =	sdelay $0x3  }
0x1df: {  	[tilespmem:v38+s1+$0x0] =	vst.idx.msk $0xffff, v12  }
0x1e0: {  	v40 =	vor.u32 $0x1B, v11;
	v12 =	vld.idx.msk [tilespmem:v39+s22+$0x0], $0xffff  }
0x1e1: {  	v41 =	vadd.s32 $0x6E00, v10;
	_ =	sdelay $0x3  }
0x1e2: {  	[tilespmem:v40+s1+$0x0] =	vst.idx.msk $0xffff, v12  }
0x1e3: {  	v42 =	vor.u32 $0x1C, v11;
	v12 =	vld.idx.msk [tilespmem:v41+s22+$0x0], $0xffff  }
0x1e4: {  	v43 =	vadd.s32 $0x6E80, v10;
	_ =	sdelay $0x3  }
0x1e5: {  	[tilespmem:v42+s1+$0x0] =	vst.idx.msk $0xffff, v12  }
0x1e6: {  	v44 =	vor.u32 $0x1D, v11;
	v12 =	vld.idx.msk [tilespmem:v43+s22+$0x0], $0xffff  }
0x1e7: {  	v45 =	vadd.s32 $0x6F00, v10;
	_ =	sdelay $0x3  }
0x1e8: {  	[tilespmem:v44+s1+$0x0] =	vst.idx.msk $0xffff, v12  }
0x1e9: {  	v46 =	vor.u32 $0x1E, v11;
	v12 =	vld.idx.msk [tilespmem:v45+s22+$0x0], $0xffff  }
0x1ea: {  	v47 =	vadd.s32 $0x6F80, v10;
	_ =	sdelay $0x3  }
0x1eb: {  	[tilespmem:v46+s1+$0x0] =	vst.idx.msk $0xffff, v12  }
0x1ec: {  	v48 =	vor.u32 $0x1F, v11;
	v12 =	vld.idx.msk [tilespmem:v47+s22+$0x0], $0xffff  }
0x1ed: {  	v49 =	vadd.s32 $0x9000, v10;
	_ =	sdelay $0x3  }
0x1ee: {  	[tilespmem:v48+s1+$0x0] =	vst.idx.msk $0xffff, v12  }
0x1ef: {  	v50 =	vor.u32 $0x20, v11;
	v12 =	vld.idx.msk [tilespmem:v49+s22+$0x0], $0xffff  }
0x1f0: {  	v51 =	vadd.s32 $0x9080, v10;
	_ =	sdelay $0x3  }
0x1f1: {  	[tilespmem:v50+s1+$0x0] =	vst.idx.msk $0xffff, v12  }
0x1f2: {  	v52 =	vor.u32 $0x21, v11;
	v12 =	vld.idx.msk [tilespmem:v51+s22+$0x0], $0xffff  }
0x1f3: {  	v53 =	vadd.s32 $0x9100, v10;
	_ =	sdelay $0x3  }
0x1f4: {  	[tilespmem:v52+s1+$0x0] =	vst.idx.msk $0xffff, v12  }
0x1f5: {  	v54 =	vor.u32 $0x22, v11;
	v12 =	vld.idx.msk [tilespmem:v53+s22+$0x0], $0xffff  }
0x1f6: {  	v55 =	vadd.s32 $0x9180, v10;
	_ =	sdelay $0x3  }
0x1f7: {  	[tilespmem:v54+s1+$0x0] =	vst.idx.msk $0xffff, v12  }
0x1f8: {  	v56 =	vor.u32 $0x23, v11;
	v12 =	vld.idx.msk [tilespmem:v55+s22+$0x0], $0xffff  }
0x1f9: {  	v57 =	vadd.s32 $0x9200, v10;
	_ =	sdelay $0x3  }
0x1fa: {  	[tilespmem:v56+s1+$0x0] =	vst.idx.msk $0xffff, v12  }
0x1fb: {  	v58 =	vor.u32 $0x24, v11;
	v12 =	vld.idx.msk [tilespmem:v57+s22+$0x0], $0xffff  }
0x1fc: {  	v59 =	vadd.s32 $0x9280, v10;
	_ =	sdelay $0x3  }
0x1fd: {  	[tilespmem:v58+s1+$0x0] =	vst.idx.msk $0xffff, v12  }
0x1fe: {  	v60 =	vor.u32 $0x25, v11;
	v12 =	vld.idx.msk [tilespmem:v59+s22+$0x0], $0xffff  }
0x1ff: {  	v61 =	vadd.s32 $0x9300, v10;
	_ =	sdelay $0x3  }
0x200: {  	[tilespmem:v60+s1+$0x0] =	vst.idx.msk $0xffff, v12  }
0x201: {  	v62 =	vor.u32 $0x26, v11;
	v12 =	vld.idx.msk [tilespmem:v61+s22+$0x0], $0xffff  }
0x202: {  	v63 =	vadd.s32 $0x9380, v10;
	_ =	sdelay $0x3  }
0x203: {  	[tilespmem:v62+s1+$0x0] =	vst.idx.msk $0xffff, v12  }
0x204: {  	v16 =	vor.u32 $0x27, v11;
	v12 =	vld.idx.msk [tilespmem:v63+s22+$0x0], $0xffff  }
0x205: {  	v17 =	vadd.s32 $0xB400, v10;
	_ =	sdelay $0x3  }
0x206: {  	[tilespmem:v16+s1+$0x0] =	vst.idx.msk $0xffff, v12  }
0x207: {  	v18 =	vor.u32 $0x28, v11;
	v12 =	vld.idx.msk [tilespmem:v17+s22+$0x0], $0xffff  }
0x208: {  	v19 =	vadd.s32 $0xB480, v10;
	_ =	sdelay $0x3  }
0x209: {  	[tilespmem:v18+s1+$0x0] =	vst.idx.msk $0xffff, v12  }
0x20a: {  	v20 =	vor.u32 $0x29, v11;
	v12 =	vld.idx.msk [tilespmem:v19+s22+$0x0], $0xffff  }
0x20b: {  	v21 =	vadd.s32 $0xB500, v10;
	_ =	sdelay $0x3  }
0x20c: {  	[tilespmem:v20+s1+$0x0] =	vst.idx.msk $0xffff, v12  }
0x20d: {  	v22 =	vor.u32 $0x2A, v11;
	v12 =	vld.idx.msk [tilespmem:v21+s22+$0x0], $0xffff  }
0x20e: {  	v23 =	vadd.s32 $0xB580, v10;
	_ =	sdelay $0x3  }
0x20f: {  	[tilespmem:v22+s1+$0x0] =	vst.idx.msk $0xffff, v12  }
0x210: {  	v24 =	vor.u32 $0x2B, v11;
	v12 =	vld.idx.msk [tilespmem:v23+s22+$0x0], $0xffff  }
0x211: {  	v25 =	vadd.s32 $0xB600, v10;
	_ =	sdelay $0x3  }
0x212: {  	[tilespmem:v24+s1+$0x0] =	vst.idx.msk $0xffff, v12  }
0x213: {  	v26 =	vor.u32 $0x2C, v11;
	v12 =	vld.idx.msk [tilespmem:v25+s22+$0x0], $0xffff  }
0x214: {  	v27 =	vadd.s32 $0xB680, v10;
	_ =	sdelay $0x3  }
0x215: {  	[tilespmem:v26+s1+$0x0] =	vst.idx.msk $0xffff, v12  }
0x216: {  	v28 =	vor.u32 $0x2D, v11;
	v12 =	vld.idx.msk [tilespmem:v27+s22+$0x0], $0xffff  }
0x217: {  	v29 =	vadd.s32 $0xB700, v10;
	_ =	sdelay $0x3  }
0x218: {  	[tilespmem:v28+s1+$0x0] =	vst.idx.msk $0xffff, v12  }
0x219: {  	v30 =	vor.u32 $0x2E, v11;
	v12 =	vld.idx.msk [tilespmem:v29+s22+$0x0], $0xffff  }
0x21a: {  	v31 =	vadd.s32 $0xB780, v10;
	_ =	sdelay $0x3  }
0x21b: {  	[tilespmem:v30+s1+$0x0] =	vst.idx.msk $0xffff, v12  }
0x21c: {  	v32 =	vor.u32 $0x2F, v11;
	v12 =	vld.idx.msk [tilespmem:v31+s22+$0x0], $0xffff  }
0x21d: {  	v33 =	vadd.s32 $0xD800, v10;
	_ =	sdelay $0x3  }
0x21e: {  	[tilespmem:v32+s1+$0x0] =	vst.idx.msk $0xffff, v12  }
0x21f: {  	v34 =	vor.u32 $0x30, v11;
	v12 =	vld.idx.msk [tilespmem:v33+s22+$0x0], $0xffff  }
0x220: {  	v35 =	vadd.s32 $0xD880, v10;
	_ =	sdelay $0x3  }
0x221: {  	[tilespmem:v34+s1+$0x0] =	vst.idx.msk $0xffff, v12  }
0x222: {  	v36 =	vor.u32 $0x31, v11;
	v12 =	vld.idx.msk [tilespmem:v35+s22+$0x0], $0xffff  }
0x223: {  	v37 =	vadd.s32 $0xD900, v10;
	_ =	sdelay $0x3  }
0x224: {  	[tilespmem:v36+s1+$0x0] =	vst.idx.msk $0xffff, v12  }
0x225: {  	v38 =	vor.u32 $0x32, v11;
	v12 =	vld.idx.msk [tilespmem:v37+s22+$0x0], $0xffff  }
0x226: {  	v39 =	vadd.s32 $0xD980, v10;
	_ =	sdelay $0x3  }
0x227: {  	[tilespmem:v38+s1+$0x0] =	vst.idx.msk $0xffff, v12  }
0x228: {  	v40 =	vor.u32 $0x33, v11;
	v12 =	vld.idx.msk [tilespmem:v39+s22+$0x0], $0xffff  }
0x229: {  	v41 =	vadd.s32 $0xDA00, v10;
	_ =	sdelay $0x3  }
0x22a: {  	[tilespmem:v40+s1+$0x0] =	vst.idx.msk $0xffff, v12  }
0x22b: {  	v42 =	vor.u32 $0x34, v11;
	v12 =	vld.idx.msk [tilespmem:v41+s22+$0x0], $0xffff  }
0x22c: {  	v43 =	vadd.s32 $0xDA80, v10;
	_ =	sdelay $0x3  }
0x22d: {  	[tilespmem:v42+s1+$0x0] =	vst.idx.msk $0xffff, v12  }
0x22e: {  	v44 =	vor.u32 $0x35, v11;
	v12 =	vld.idx.msk [tilespmem:v43+s22+$0x0], $0xffff  }
0x22f: {  	v45 =	vadd.s32 $0xDB00, v10;
	_ =	sdelay $0x3  }
0x230: {  	[tilespmem:v44+s1+$0x0] =	vst.idx.msk $0xffff, v12  }
0x231: {  	v46 =	vor.u32 $0x36, v11;
	v12 =	vld.idx.msk [tilespmem:v45+s22+$0x0], $0xffff  }
0x232: {  	v47 =	vadd.s32 $0xDB80, v10;
	_ =	sdelay $0x3  }
0x233: {  	[tilespmem:v46+s1+$0x0] =	vst.idx.msk $0xffff, v12  }
0x234: {  	v48 =	vor.u32 $0x37, v11;
	v12 =	vld.idx.msk [tilespmem:v47+s22+$0x0], $0xffff  }
0x235: {  	v49 =	vadd.s32 $0xFC00, v10;
	_ =	sdelay $0x3  }
0x236: {  	[tilespmem:v48+s1+$0x0] =	vst.idx.msk $0xffff, v12  }
0x237: {  	v50 =	vor.u32 $0x38, v11;
	v12 =	vld.idx.msk [tilespmem:v49+s22+$0x0], $0xffff  }
0x238: {  	v51 =	vadd.s32 $0xFC80, v10;
	_ =	sdelay $0x3  }
0x239: {  	[tilespmem:v50+s1+$0x0] =	vst.idx.msk $0xffff, v12  }
0x23a: {  	v52 =	vor.u32 $0x39, v11;
	v12 =	vld.idx.msk [tilespmem:v51+s22+$0x0], $0xffff  }
0x23b: {  	v53 =	vadd.s32 $0xFD00, v10;
	_ =	sdelay $0x3  }
0x23c: {  	[tilespmem:v52+s1+$0x0] =	vst.idx.msk $0xffff, v12  }
0x23d: {  	v54 =	vor.u32 $0x3A, v11;
	v12 =	vld.idx.msk [tilespmem:v53+s22+$0x0], $0xffff  }
0x23e: {  	v55 =	vadd.s32 $0xFD80, v10;
	_ =	sdelay $0x3  }
0x23f: {  	[tilespmem:v54+s1+$0x0] =	vst.idx.msk $0xffff, v12  }
0x240: {  	v56 =	vor.u32 $0x3B, v11;
	v12 =	vld.idx.msk [tilespmem:v55+s22+$0x0], $0xffff  }
0x241: {  	v57 =	vadd.s32 $0xFE00, v10;
	_ =	sdelay $0x3  }
0x242: {  	[tilespmem:v56+s1+$0x0] =	vst.idx.msk $0xffff, v12  }
0x243: {  	v58 =	vor.u32 $0x3C, v11;
	v12 =	vld.idx.msk [tilespmem:v57+s22+$0x0], $0xffff  }
0x244: {  	v59 =	vadd.s32 $0xFE80, v10;
	_ =	sdelay $0x3  }
0x245: {  	[tilespmem:v58+s1+$0x0] =	vst.idx.msk $0xffff, v12  }
0x246: {  	v60 =	vor.u32 $0x3D, v11;
	v12 =	vld.idx.msk [tilespmem:v59+s22+$0x0], $0xffff  }
0x247: {  	v61 =	vadd.s32 $0xFF00, v10;
	_ =	sdelay $0x3  }
0x248: {  	[tilespmem:v60+s1+$0x0] =	vst.idx.msk $0xffff, v12  }
0x249: {  	v62 =	vor.u32 $0x3E, v11;
	v12 =	vld.idx.msk [tilespmem:v61+s22+$0x0], $0xffff  }
0x24a: {  	v10 =	vadd.s32 $0xFF80, v10;
	_ =	sdelay $0x3  }
0x24b: {  	[tilespmem:v62+s1+$0x0] =	vst.idx.msk $0xffff, v12  }
0x24c: {  	s9 =	sadd.s32 s7, s8;
	s7 =	sadd.s32 $0x10, s7;
	v11 =	vor.u32 $0x3F, v11;
	v10 =	vld.idx.msk [tilespmem:v10+s22+$0x0], $0xffff  }
0x24d: {  	p1 =	sne.s32 s17, s7  }
.Ltmp15:
0x24e: {  	_ = 	snop;
	(pc) =	sbr.rel @p1 .LBB2_19-.Ltmp15, $4  }
0x24f: {  	v63 =	vor.u32 s9, v2  }
0x250: {  	v9 =	vand.u32 $0x3FFF, v9;
	vm15 =	vlt.s32 v63, v7  }
0x251: {  	v9 =	vsel vm15, v9, v0;
	[tilespmem:v11+s1+$0x0] =	vst.idx.msk $0xffff, v10  }
0x252: {  	s30 =	sadd.s32 $0x10, s30;
	s18 =	sadd.s32 $0x10, s18;
	[tilespmem:s4+$0x0] =	vst v9;
	s4 =	sadd.s32 $0x10, s4  }
.Ltmp16:
0x253: {  	_ = 	snop;
	(pc) =	sbr.rel .LBB2_20-.Ltmp16, $1  }
0x254: {  	_ =	sdelay $0x3  }
.LBB2_9:
.Ltmp17:
0x255: {  	(pc) =	sbr.rel .LBB2_14-.Ltmp17, $2  }
0x256: {  	_ =	sdelay $0x2  }
0x257: {  	s2 =	simm.s32 $0x0;
	v10 =	vimm.s32 $0x0  }
.LBB2_11:
.Ltmp18:
0x258: {  	(pc) =	sbr.rel .LBB2_14-.Ltmp18, $2  }
0x259: {  	_ =	sdelay $0x2  }
0x25a: {  	s2 =	simm.s32 $0x0;
	v12 =	vmov v11;
	v10 =	vmov v11  }
.LBB2_22:
0x25b: {  	s0 =	simm.s32 $0x0;
	s2 =	rddreg [dreg:$0x1]  }
0x25c: {  	[tilespmem:s22], [sflag:$0x3] =	stream.linear.gather [hbm4b:s2+s0], $0x400, $0x38;
	[tilespmem:$0x1F200] =	vst v63  }
.Ltmp19:
0x25d: {  	s31 =	rddreg [dreg:$0x9];
	s3 =	simm.s32 $0xB500;
	(pc) =	sbr.rel @p0 .LBB2_23-.Ltmp19, $4  }
0x25e: {  	[tilespmem:s3], [sflag:$0x3] =	stream.linear.gather [hbm4b:s31+s0], $0x400, $0x38;
	[tilespmem:$0x1F200] =	vst v63  }
0x25f: {  	_ =	swait.ge [sflag:s19], $0x800  }
0x260: {  	[sflag:s19] =	ssyncset.done $0x0  }
0x261: {  	[sflag:s19] =	ssyncadd.s32 $0xFFFFF800  }
0x262: {  	p1 =	sne.s32 s28, $0x1  }
.Ltmp20:
0x263: {  	_ = 	snop;
	(pc) =	sbr.rel @!p1 .LBB2_25-.Ltmp20, $3  }
0x264: {  	_ =	sdelay $0x1  }
0x265: {  	s2 =	simm.s32 $0x1000  }
0x266: {  	v10 =	vimm.s32 $0x0;
	p0 =	por $0x0, $0x0;
	v7 =	vld [tilespmem:s2+$0x0];
	s2 =	sadd.s32 $0xFFFFFFFF, s28  }
0x267: {  	_ =	sdelay $0x3  }
0x268: {  	v8 =	vor.u32 s0, v2;
	v9 =	vand.u32 $0xFFF80000, v7  }
0x269: {  	vm0 =	vlt.s32 v8, v6;
	vm1 =	veq.s32 v9, $0x61A00000  }
0x26a: {  	vm0 =	vmand vm0, vm1  }
0x26b: {  	v8 =	vsel vm0, $0x1, v4  }
0x26c: {  	(xrf0) =	vadd.scan.msk.s32 $0xffff, v8;
	_ =	sdelay $0x5  }
0x26d: {  	v8, _, _ =	vpop (xrf0)  }
0x26e: {  	v8 =	vadd.s32 v8, v10  }
0x26f: {  	v8 =	vadd.s32 $0xFFFFFFFF, v8  }
0x270: {  	v8 =	vnsel vm0, $0x4006, v8  }
0x271: {  	p1 =	sne.s32 s2, $0x1  }
.Ltmp21:
0x272: {  	_ = 	snop;
	(pc) =	sbr.rel @!p1 .LBB2_27-.Ltmp21, $3  }
0x273: {  	v9 =	vmpcnt.ones.xlane vm0;
	_ =	sdelay $0x1  }
0x274: {  	s3 =	simm.s32 $0x1010;
	v9 =	vadd.s32 v10, v9;
	[tilespmem:v8+s23+$0x0] =	vst.idx.msk $0xffff, v7  }
0x275: {  	s4 =	sadd.s32 $0xFFFFFFFF, s2;
	p0 =	por $0x1, $0x1;
	s2 =	simm.s32 $0x0;
	v8 =	vmov v9;
	v7 =	vld [tilespmem:s3+$0x0]  }
.LBB2_28:
0x276: {  	p1 =	sne.s32 s4, $0x1;
	_ =	sdelay $0x2  }
0x277: {  	s2 =	sadd.s32 $0x10, s2  }
0x278: {  	v10 =	vor.u32 s2, v2;
	v11 =	vand.u32 $0xFFF80000, v7  }
0x279: {  	vm0 =	vlt.s32 v10, v6;
	vm1 =	veq.s32 v11, $0x61A00000  }
0x27a: {  	vm0 =	vmand vm0, vm1  }
0x27b: {  	v10 =	vsel vm0, $0x1, v4;
	v11 =	vmpcnt.ones.xlane vm0  }
0x27c: {  	(xrf0) =	vadd.scan.msk.s32 $0xffff, v10  }
0x27d: {  	v9 =	vadd.s32 v9, v11;
	_ =	sdelay $0x4  }
0x27e: {  	v10, _, _ =	vpop (xrf0)  }
0x27f: {  	v10 =	vadd.s32 v10, v8;
	v8 =	vmov v9  }
0x280: {  	v10 =	vadd.s32 $0xFFFFFFFF, v10  }
0x281: {  	v10 =	vnsel vm0, $0x4006, v10;
	_ =	sdelay $0x1  }
.Ltmp22:
0x282: {  	(pc) =	sbr.rel @p1 .LBB2_28-.Ltmp22, $3  }
0x283: {  	_ =	sdelay $0x1  }
0x284: {  	s3 =	sadd.s32 $0x10, s3;
	[tilespmem:v10+s23+$0x0] =	vst.idx.msk $0xffff, v7  }
0x285: {  	s4 =	sadd.s32 $0xFFFFFFFF, s4;
	v7 =	vld [tilespmem:s3+$0x0]  }
0x286: {  	v10 =	vmov v9  }
.LBB2_30:
0x287: {  	_ = 	snop  }
0x288: {  	s2 =	sadd.s32 @p0 $0x10, s2  }
0x289: {  	s0 =	smov.u32 @p0 s2  }
0x28a: {  	v9 =	vor.u32 s0, v2;
	v11 =	vand.u32 $0xFFF80000, v7  }
0x28b: {  	vm0 =	vlt.s32 v9, v6;
	vm1 =	veq.s32 v11, $0x61A00000  }
0x28c: {  	vm0 =	vmand vm0, vm1  }
0x28d: {  	v6 =	vsel vm0, $0x1, v4  }
0x28e: {  	(xrf0) =	vadd.scan.msk.s32 $0xffff, v6;
	_ =	sdelay $0x5  }
0x28f: {  	v6, _, _ =	vpop (xrf0)  }
0x290: {  	v6 =	vadd.s32 v6, v8  }
0x291: {  	v6 =	vadd.s32 $0xFFFFFFFF, v6  }
0x292: {  	v6 =	vnsel vm0, $0x4006, v6  }
.Ltmp23:
0x293: {  	_ = 	snop;
	(pc) =	sbr.rel .LBB2_31-.Ltmp23, $3  }
0x294: {  	v8 =	vmpcnt.ones.xlane vm0;
	_ =	sdelay $0x1  }
0x295: {  	v8 =	vadd.s32 v10, v8  }
0x296: {  	[tilespmem:v6+s23+$0x0] =	vst.idx.msk $0xffff, v7;
	v6 =	vxor.u32 $0x80000000, v8  }
.LBB2_23:
0x297: {  	v6 =	vimm.s32 $0x80000000  }
.LBB2_31:
0x298: {  	(xrf0) =	vmax.scan.msk.u32 $0xffff, v6;
	_ =	sdelay $0x5  }
0x299: {  	v6, _, _ =	vpop (xrf0)  }
0x29a: {  	(v2sf) =	vpush v6, $0xF;
	_ =	sdelay $0xe  }
0x29b: {  	s0 =	spop (v2sf)  }
0x29c: {  	s2 =	sadd.s32 $0x8000007F, s0  }
0x29d: {  	s3 =	sand.u32 $0x7F, s2  }
0x29e: {  	s31 =	sshra.s32 s2, $0x1F;
	p1 =	slt.s32 s2, $0x1;
	p0 =	sne.s32 s3, $0x0  }
0x29f: {  	s3 =	sshrl.u32 s31, $0x19;
	p0 =	por !p1, !p0  }
0x2a0: {  	s2 =	sadd.s32 s3, s2;
	s3 =	simm.s32 $0x1;
	p0 =	por !p0, !p0  }
0x2a1: {  	s2 =	sshra.s32 s2, $0x7;
	s3 =	simm.s32 @!p0 $0x0  }
0x2a2: {  	s28 =	ssub.s32 s2, s3  }
0x2a3: {  	p0 =	slt.s32 s28, $0x1  }
.Ltmp24:
0x2a4: {  	_ = 	snop;
	(pc) =	sbr.rel @p0 .LBB2_37-.Ltmp24, $1  }
0x2a5: {  	_ =	sdelay $0x3  }
0x2a6: {  	s2 =	sadd.s32 $0x8000000F, s0  }
0x2a7: {  	s3 =	sand.u32 $0xF, s2  }
0x2a8: {  	s4 =	sshra.s32 s2, $0x1F;
	p0 =	slt.s32 s2, $0x1;
	p1 =	sne.s32 s3, $0x0  }
.Ltmp25:
0x2a9: {  	s17 =	sshrl.u32 s4, $0x1C;
	p0 =	por !p0, !p1;
	(pc) =	sbr.rel .LBB2_33-.Ltmp25, $4  }
0x2aa: {  	s3 =	simm.s32 $0x1;
	s2 =	sadd.s32 s17, s2;
	p0 =	por !p0, !p0  }
0x2ab: {  	s2 =	sshra.s32 s2, $0x4;
	s3 =	simm.s32 @!p0 $0x0  }
0x2ac: {  	s18 =	sxor.u32 $0x80000000, s0;
	s29 =	ssub.s32 s2, s3  }
0x2ad: {  	s31 =	simm.s32 $0x0;
	v6 =	vmov s18;
	s3 =	simm.s32 $0x0;
	s30 =	smov.u32 s29  }
.LBB2_36:
0x2ae: {  	s31 =	sadd.s32 $0x1, s31  }
0x2af: {  	p0 =	sne.s32 s31, s28  }
.Ltmp26:
0x2b0: {  	_ = 	snop;
	(pc) =	sbr.rel @!p0 .LBB2_37-.Ltmp26, $4  }
0x2b1: {  	[hbm4b:s6+s24] =	stream.indirect.scatter [tilespmem:s1], [sflag:$0x2], $0x80, s25, s24, $0xb8;
	[tilespmem:$0x1F200] =	vst v63  }
0x2b2: {  	_ =	swait.ge [sflag:s26], $0x4000  }
0x2b3: {  	[sflag:s26] =	ssyncset.done $0x0  }
0x2b4: {  	s30 =	sadd.s32 $0xFFFFFFF8, s30;
	s3 =	sadd.s32 $0x80, s3;
	[sflag:s26] =	ssyncadd.s32 $0xFFFFC000  }
.LBB2_33:
0x2b5: {  	s0 =	sshll.u32 s31, $0x3  }
0x2b6: {  	p0 =	sle.s32 s29, s0  }
.Ltmp27:
0x2b7: {  	_ = 	snop;
	(pc) =	sbr.rel @p0 .LBB2_36-.Ltmp27, $1  }
0x2b8: {  	_ =	sdelay $0x3  }
0x2b9: {  	p0 =	sgt.s32 s30, $0x1;
	s0 =	smov.u32 s30  }
0x2ba: {  	s0 =	simm.s32 @!p0 $0x1  }
0x2bb: {  	s2 =	simm.s32 $0x5080;
	s17 =	simm.s32 $0x1F100;
	s0 =	smin.u32 s0, $0x8  }
0x2bc: {  	s18 =	smov.u32 s3;
	s4 =	simm.s32 $0x0;
	s0 =	sshll.u32 s0, $0x4  }
.LBB2_35:
0x2bd: {  	s7 =	sshll.u32 s18, $0x2  }
0x2be: {  	s7 =	sshra.s32 s7, $0x2  }
0x2bf: {  	s7 =	sand.u32 $0xFFFFFF80, s7  }
0x2c0: {  	s7 =	sadd.s32 s7, s2  }
0x2c1: {  	v7 =	vld [tilespmem:s7+$0x0];
	_ =	sdelay $0x4  }
0x2c2: {  	v8 =	vshrl.u32 v7, $0xE  }
0x2c3: {  	v8 =	vmax.u32 v8, $0x18680  }
0x2c4: {  	v8 =	vmin.u32 v8, $0x1869F  }
0x2c5: {  	v9 =	vadd.s32 $0xFFFE7980, v8  }
0x2c6: {  	v9 =	vshrl.u32 v9, $0x4  }
0x2c7: {  	v8 =	vshll.u32 v8, $0x6;
	v9 =	vmul.u32 $0x2400, v9  }
0x2c8: {  	v10 =	vand.u32 $0x380, v8  }
0x2c9: {  	v8 =	vand.u32 $0x40, v8;
	v9 =	vor.u32 v10, v9  }
0x2ca: {  	v8 =	vor.u32 v8, v9;
	_ =	sdelay $0x2  }
0x2cb: {  	v35 =	vmov s4  }
0x2cc: {  	v9 =	vshll.u32 v35, $0x7  }
0x2cd: {  	v9 =	vor.u32 v5, v9;
	v36 =	vld.idx.msk [tilespmem:v8+s22+$0x0], $0xffff  }
0x2ce: {  	v11 =	vor.u32 $0x1, v8;
	_ =	sdelay $0x3  }
0x2cf: {  	[tilespmem:v9+s1+$0x0] =	vst.idx.msk $0xffff, v36  }
0x2d0: {  	v37 =	vor.u32 $0x1, v9;
	v10 =	vld.idx.msk [tilespmem:v11+s22+$0x0], $0xffff  }
0x2d1: {  	v12 =	vor.u32 $0x2, v8;
	_ =	sdelay $0x3  }
0x2d2: {  	[tilespmem:v37+s1+$0x0] =	vst.idx.msk $0xffff, v10  }
0x2d3: {  	v38 =	vor.u32 $0x2, v9;
	v10 =	vld.idx.msk [tilespmem:v12+s22+$0x0], $0xffff  }
0x2d4: {  	v39 =	vor.u32 $0x3, v8;
	_ =	sdelay $0x3  }
0x2d5: {  	[tilespmem:v38+s1+$0x0] =	vst.idx.msk $0xffff, v10  }
0x2d6: {  	v40 =	vor.u32 $0x3, v9;
	v10 =	vld.idx.msk [tilespmem:v39+s22+$0x0], $0xffff  }
0x2d7: {  	v41 =	vor.u32 $0x4, v8;
	_ =	sdelay $0x3  }
0x2d8: {  	[tilespmem:v40+s1+$0x0] =	vst.idx.msk $0xffff, v10  }
0x2d9: {  	v42 =	vor.u32 $0x4, v9;
	v10 =	vld.idx.msk [tilespmem:v41+s22+$0x0], $0xffff  }
0x2da: {  	v43 =	vor.u32 $0x5, v8;
	_ =	sdelay $0x3  }
0x2db: {  	[tilespmem:v42+s1+$0x0] =	vst.idx.msk $0xffff, v10  }
0x2dc: {  	v44 =	vor.u32 $0x5, v9;
	v10 =	vld.idx.msk [tilespmem:v43+s22+$0x0], $0xffff  }
0x2dd: {  	v45 =	vor.u32 $0x6, v8;
	_ =	sdelay $0x3  }
0x2de: {  	[tilespmem:v44+s1+$0x0] =	vst.idx.msk $0xffff, v10  }
0x2df: {  	v46 =	vor.u32 $0x6, v9;
	v10 =	vld.idx.msk [tilespmem:v45+s22+$0x0], $0xffff  }
0x2e0: {  	v47 =	vor.u32 $0x7, v8;
	_ =	sdelay $0x3  }
0x2e1: {  	[tilespmem:v46+s1+$0x0] =	vst.idx.msk $0xffff, v10  }
0x2e2: {  	v48 =	vor.u32 $0x7, v9;
	v10 =	vld.idx.msk [tilespmem:v47+s22+$0x0], $0xffff  }
0x2e3: {  	v49 =	vor.u32 $0x8, v8;
	_ =	sdelay $0x3  }
0x2e4: {  	[tilespmem:v48+s1+$0x0] =	vst.idx.msk $0xffff, v10  }
0x2e5: {  	v50 =	vor.u32 $0x8, v9;
	v10 =	vld.idx.msk [tilespmem:v49+s22+$0x0], $0xffff  }
0x2e6: {  	v51 =	vor.u32 $0x9, v8;
	_ =	sdelay $0x3  }
0x2e7: {  	[tilespmem:v50+s1+$0x0] =	vst.idx.msk $0xffff, v10  }
0x2e8: {  	v52 =	vor.u32 $0x9, v9;
	v10 =	vld.idx.msk [tilespmem:v51+s22+$0x0], $0xffff  }
0x2e9: {  	v53 =	vor.u32 $0xA, v8;
	_ =	sdelay $0x3  }
0x2ea: {  	[tilespmem:v52+s1+$0x0] =	vst.idx.msk $0xffff, v10  }
0x2eb: {  	v54 =	vor.u32 $0xA, v9;
	v10 =	vld.idx.msk [tilespmem:v53+s22+$0x0], $0xffff  }
0x2ec: {  	v55 =	vor.u32 $0xB, v8;
	_ =	sdelay $0x3  }
0x2ed: {  	[tilespmem:v54+s1+$0x0] =	vst.idx.msk $0xffff, v10  }
0x2ee: {  	v56 =	vor.u32 $0xB, v9;
	v10 =	vld.idx.msk [tilespmem:v55+s22+$0x0], $0xffff  }
0x2ef: {  	v57 =	vor.u32 $0xC, v8;
	_ =	sdelay $0x3  }
0x2f0: {  	[tilespmem:v56+s1+$0x0] =	vst.idx.msk $0xffff, v10  }
0x2f1: {  	v58 =	vor.u32 $0xC, v9;
	v10 =	vld.idx.msk [tilespmem:v57+s22+$0x0], $0xffff  }
0x2f2: {  	v59 =	vor.u32 $0xD, v8;
	_ =	sdelay $0x3  }
0x2f3: {  	[tilespmem:v58+s1+$0x0] =	vst.idx.msk $0xffff, v10  }
0x2f4: {  	v60 =	vor.u32 $0xD, v9;
	v10 =	vld.idx.msk [tilespmem:v59+s22+$0x0], $0xffff  }
0x2f5: {  	v61 =	vor.u32 $0xE, v8;
	_ =	sdelay $0x3  }
0x2f6: {  	[tilespmem:v60+s1+$0x0] =	vst.idx.msk $0xffff, v10  }
0x2f7: {  	v62 =	vor.u32 $0xE, v9;
	v10 =	vld.idx.msk [tilespmem:v61+s22+$0x0], $0xffff  }
0x2f8: {  	v63 =	vor.u32 $0xF, v8;
	_ =	sdelay $0x3  }
0x2f9: {  	[tilespmem:v62+s1+$0x0] =	vst.idx.msk $0xffff, v10  }
0x2fa: {  	v16 =	vor.u32 $0xF, v9;
	v10 =	vld.idx.msk [tilespmem:v63+s22+$0x0], $0xffff  }
0x2fb: {  	v17 =	vor.u32 $0x10, v8;
	_ =	sdelay $0x3  }
0x2fc: {  	[tilespmem:v16+s1+$0x0] =	vst.idx.msk $0xffff, v10  }
0x2fd: {  	v18 =	vor.u32 $0x10, v9;
	v10 =	vld.idx.msk [tilespmem:v17+s22+$0x0], $0xffff  }
0x2fe: {  	v19 =	vor.u32 $0x11, v8;
	_ =	sdelay $0x3  }
0x2ff: {  	[tilespmem:v18+s1+$0x0] =	vst.idx.msk $0xffff, v10  }
0x300: {  	v20 =	vor.u32 $0x11, v9;
	v10 =	vld.idx.msk [tilespmem:v19+s22+$0x0], $0xffff  }
0x301: {  	v21 =	vor.u32 $0x12, v8;
	_ =	sdelay $0x3  }
0x302: {  	[tilespmem:v20+s1+$0x0] =	vst.idx.msk $0xffff, v10  }
0x303: {  	v22 =	vor.u32 $0x12, v9;
	v10 =	vld.idx.msk [tilespmem:v21+s22+$0x0], $0xffff  }
0x304: {  	v23 =	vor.u32 $0x13, v8;
	_ =	sdelay $0x3  }
0x305: {  	[tilespmem:v22+s1+$0x0] =	vst.idx.msk $0xffff, v10  }
0x306: {  	v24 =	vor.u32 $0x13, v9;
	v10 =	vld.idx.msk [tilespmem:v23+s22+$0x0], $0xffff  }
0x307: {  	v25 =	vor.u32 $0x14, v8;
	_ =	sdelay $0x3  }
0x308: {  	[tilespmem:v24+s1+$0x0] =	vst.idx.msk $0xffff, v10  }
0x309: {  	v26 =	vor.u32 $0x14, v9;
	v10 =	vld.idx.msk [tilespmem:v25+s22+$0x0], $0xffff  }
0x30a: {  	v27 =	vor.u32 $0x15, v8;
	_ =	sdelay $0x3  }
0x30b: {  	[tilespmem:v26+s1+$0x0] =	vst.idx.msk $0xffff, v10  }
0x30c: {  	v28 =	vor.u32 $0x15, v9;
	v10 =	vld.idx.msk [tilespmem:v27+s22+$0x0], $0xffff  }
0x30d: {  	v29 =	vor.u32 $0x16, v8;
	_ =	sdelay $0x3  }
0x30e: {  	[tilespmem:v28+s1+$0x0] =	vst.idx.msk $0xffff, v10  }
0x30f: {  	v30 =	vor.u32 $0x16, v9;
	v10 =	vld.idx.msk [tilespmem:v29+s22+$0x0], $0xffff  }
0x310: {  	v31 =	vor.u32 $0x17, v8;
	_ =	sdelay $0x3  }
0x311: {  	[tilespmem:v30+s1+$0x0] =	vst.idx.msk $0xffff, v10  }
0x312: {  	v32 =	vor.u32 $0x17, v9;
	v10 =	vld.idx.msk [tilespmem:v31+s22+$0x0], $0xffff  }
0x313: {  	v33 =	vor.u32 $0x18, v8;
	_ =	sdelay $0x3  }
0x314: {  	[tilespmem:v32+s1+$0x0] =	vst.idx.msk $0xffff, v10  }
0x315: {  	v34 =	vor.u32 $0x18, v9;
	v10 =	vld.idx.msk [tilespmem:v33+s22+$0x0], $0xffff  }
0x316: {  	v35 =	vor.u32 $0x19, v8;
	_ =	sdelay $0x3  }
0x317: {  	[tilespmem:v34+s1+$0x0] =	vst.idx.msk $0xffff, v10  }
0x318: {  	v36 =	vor.u32 $0x19, v9;
	v10 =	vld.idx.msk [tilespmem:v35+s22+$0x0], $0xffff  }
0x319: {  	v37 =	vor.u32 $0x1A, v8;
	_ =	sdelay $0x3  }
0x31a: {  	[tilespmem:v36+s1+$0x0] =	vst.idx.msk $0xffff, v10  }
0x31b: {  	v38 =	vor.u32 $0x1A, v9;
	v10 =	vld.idx.msk [tilespmem:v37+s22+$0x0], $0xffff  }
0x31c: {  	v39 =	vor.u32 $0x1B, v8;
	_ =	sdelay $0x3  }
0x31d: {  	[tilespmem:v38+s1+$0x0] =	vst.idx.msk $0xffff, v10  }
0x31e: {  	v40 =	vor.u32 $0x1B, v9;
	v10 =	vld.idx.msk [tilespmem:v39+s22+$0x0], $0xffff  }
0x31f: {  	v41 =	vor.u32 $0x1C, v8;
	_ =	sdelay $0x3  }
0x320: {  	[tilespmem:v40+s1+$0x0] =	vst.idx.msk $0xffff, v10  }
0x321: {  	v42 =	vor.u32 $0x1C, v9;
	v10 =	vld.idx.msk [tilespmem:v41+s22+$0x0], $0xffff  }
0x322: {  	v43 =	vor.u32 $0x1D, v8;
	_ =	sdelay $0x3  }
0x323: {  	[tilespmem:v42+s1+$0x0] =	vst.idx.msk $0xffff, v10  }
0x324: {  	v44 =	vor.u32 $0x1D, v9;
	v10 =	vld.idx.msk [tilespmem:v43+s22+$0x0], $0xffff  }
0x325: {  	v45 =	vor.u32 $0x1E, v8;
	_ =	sdelay $0x3  }
0x326: {  	[tilespmem:v44+s1+$0x0] =	vst.idx.msk $0xffff, v10  }
0x327: {  	v46 =	vor.u32 $0x1E, v9;
	v10 =	vld.idx.msk [tilespmem:v45+s22+$0x0], $0xffff  }
0x328: {  	v47 =	vor.u32 $0x1F, v8;
	_ =	sdelay $0x3  }
0x329: {  	[tilespmem:v46+s1+$0x0] =	vst.idx.msk $0xffff, v10  }
0x32a: {  	v48 =	vor.u32 $0x1F, v9;
	v10 =	vld.idx.msk [tilespmem:v47+s22+$0x0], $0xffff  }
0x32b: {  	v49 =	vor.u32 $0x20, v8;
	_ =	sdelay $0x3  }
0x32c: {  	[tilespmem:v48+s1+$0x0] =	vst.idx.msk $0xffff, v10  }
0x32d: {  	v50 =	vor.u32 $0x20, v9;
	v10 =	vld.idx.msk [tilespmem:v49+s22+$0x0], $0xffff  }
0x32e: {  	v51 =	vor.u32 $0x21, v8;
	_ =	sdelay $0x3  }
0x32f: {  	[tilespmem:v50+s1+$0x0] =	vst.idx.msk $0xffff, v10  }
0x330: {  	v52 =	vor.u32 $0x21, v9;
	v10 =	vld.idx.msk [tilespmem:v51+s22+$0x0], $0xffff  }
0x331: {  	v53 =	vor.u32 $0x22, v8;
	_ =	sdelay $0x3  }
0x332: {  	[tilespmem:v52+s1+$0x0] =	vst.idx.msk $0xffff, v10  }
0x333: {  	v54 =	vor.u32 $0x22, v9;
	v10 =	vld.idx.msk [tilespmem:v53+s22+$0x0], $0xffff  }
0x334: {  	v55 =	vor.u32 $0x23, v8;
	_ =	sdelay $0x3  }
0x335: {  	[tilespmem:v54+s1+$0x0] =	vst.idx.msk $0xffff, v10  }
0x336: {  	v56 =	vor.u32 $0x23, v9;
	v10 =	vld.idx.msk [tilespmem:v55+s22+$0x0], $0xffff  }
0x337: {  	v57 =	vor.u32 $0x24, v8;
	_ =	sdelay $0x3  }
0x338: {  	[tilespmem:v56+s1+$0x0] =	vst.idx.msk $0xffff, v10  }
0x339: {  	v58 =	vor.u32 $0x24, v9;
	v10 =	vld.idx.msk [tilespmem:v57+s22+$0x0], $0xffff  }
0x33a: {  	v59 =	vor.u32 $0x25, v8;
	_ =	sdelay $0x3  }
0x33b: {  	[tilespmem:v58+s1+$0x0] =	vst.idx.msk $0xffff, v10  }
0x33c: {  	v60 =	vor.u32 $0x25, v9;
	v10 =	vld.idx.msk [tilespmem:v59+s22+$0x0], $0xffff  }
0x33d: {  	v61 =	vor.u32 $0x26, v8;
	_ =	sdelay $0x3  }
0x33e: {  	[tilespmem:v60+s1+$0x0] =	vst.idx.msk $0xffff, v10  }
0x33f: {  	v62 =	vor.u32 $0x26, v9;
	v10 =	vld.idx.msk [tilespmem:v61+s22+$0x0], $0xffff  }
0x340: {  	v63 =	vor.u32 $0x27, v8;
	_ =	sdelay $0x3  }
0x341: {  	[tilespmem:v62+s1+$0x0] =	vst.idx.msk $0xffff, v10  }
0x342: {  	v16 =	vor.u32 $0x27, v9;
	v10 =	vld.idx.msk [tilespmem:v63+s22+$0x0], $0xffff  }
0x343: {  	v17 =	vor.u32 $0x28, v8;
	_ =	sdelay $0x3  }
0x344: {  	[tilespmem:v16+s1+$0x0] =	vst.idx.msk $0xffff, v10  }
0x345: {  	v18 =	vor.u32 $0x28, v9;
	v10 =	vld.idx.msk [tilespmem:v17+s22+$0x0], $0xffff  }
0x346: {  	v19 =	vor.u32 $0x29, v8;
	_ =	sdelay $0x3  }
0x347: {  	[tilespmem:v18+s1+$0x0] =	vst.idx.msk $0xffff, v10  }
0x348: {  	v20 =	vor.u32 $0x29, v9;
	v10 =	vld.idx.msk [tilespmem:v19+s22+$0x0], $0xffff  }
0x349: {  	v21 =	vor.u32 $0x2A, v8;
	_ =	sdelay $0x3  }
0x34a: {  	[tilespmem:v20+s1+$0x0] =	vst.idx.msk $0xffff, v10  }
0x34b: {  	v22 =	vor.u32 $0x2A, v9;
	v10 =	vld.idx.msk [tilespmem:v21+s22+$0x0], $0xffff  }
0x34c: {  	v23 =	vor.u32 $0x2B, v8;
	_ =	sdelay $0x3  }
0x34d: {  	[tilespmem:v22+s1+$0x0] =	vst.idx.msk $0xffff, v10  }
0x34e: {  	v24 =	vor.u32 $0x2B, v9;
	v10 =	vld.idx.msk [tilespmem:v23+s22+$0x0], $0xffff  }
0x34f: {  	v25 =	vor.u32 $0x2C, v8;
	_ =	sdelay $0x3  }
0x350: {  	[tilespmem:v24+s1+$0x0] =	vst.idx.msk $0xffff, v10  }
0x351: {  	v26 =	vor.u32 $0x2C, v9;
	v10 =	vld.idx.msk [tilespmem:v25+s22+$0x0], $0xffff  }
0x352: {  	v27 =	vor.u32 $0x2D, v8;
	_ =	sdelay $0x3  }
0x353: {  	[tilespmem:v26+s1+$0x0] =	vst.idx.msk $0xffff, v10  }
0x354: {  	v28 =	vor.u32 $0x2D, v9;
	v10 =	vld.idx.msk [tilespmem:v27+s22+$0x0], $0xffff  }
0x355: {  	v29 =	vor.u32 $0x2E, v8;
	_ =	sdelay $0x3  }
0x356: {  	[tilespmem:v28+s1+$0x0] =	vst.idx.msk $0xffff, v10  }
0x357: {  	v30 =	vor.u32 $0x2E, v9;
	v10 =	vld.idx.msk [tilespmem:v29+s22+$0x0], $0xffff  }
0x358: {  	v31 =	vor.u32 $0x2F, v8;
	_ =	sdelay $0x3  }
0x359: {  	[tilespmem:v30+s1+$0x0] =	vst.idx.msk $0xffff, v10  }
0x35a: {  	v32 =	vor.u32 $0x2F, v9;
	v10 =	vld.idx.msk [tilespmem:v31+s22+$0x0], $0xffff  }
0x35b: {  	v33 =	vor.u32 $0x30, v8;
	_ =	sdelay $0x3  }
0x35c: {  	[tilespmem:v32+s1+$0x0] =	vst.idx.msk $0xffff, v10  }
0x35d: {  	v34 =	vor.u32 $0x30, v9;
	v10 =	vld.idx.msk [tilespmem:v33+s22+$0x0], $0xffff  }
0x35e: {  	v35 =	vor.u32 $0x31, v8;
	_ =	sdelay $0x3  }
0x35f: {  	[tilespmem:v34+s1+$0x0] =	vst.idx.msk $0xffff, v10  }
0x360: {  	v36 =	vor.u32 $0x31, v9;
	v10 =	vld.idx.msk [tilespmem:v35+s22+$0x0], $0xffff  }
0x361: {  	v37 =	vor.u32 $0x32, v8;
	_ =	sdelay $0x3  }
0x362: {  	[tilespmem:v36+s1+$0x0] =	vst.idx.msk $0xffff, v10  }
0x363: {  	v38 =	vor.u32 $0x32, v9;
	v10 =	vld.idx.msk [tilespmem:v37+s22+$0x0], $0xffff  }
0x364: {  	v39 =	vor.u32 $0x33, v8;
	_ =	sdelay $0x3  }
0x365: {  	[tilespmem:v38+s1+$0x0] =	vst.idx.msk $0xffff, v10  }
0x366: {  	v40 =	vor.u32 $0x33, v9;
	v10 =	vld.idx.msk [tilespmem:v39+s22+$0x0], $0xffff  }
0x367: {  	v41 =	vor.u32 $0x34, v8;
	_ =	sdelay $0x3  }
0x368: {  	[tilespmem:v40+s1+$0x0] =	vst.idx.msk $0xffff, v10  }
0x369: {  	v42 =	vor.u32 $0x34, v9;
	v10 =	vld.idx.msk [tilespmem:v41+s22+$0x0], $0xffff  }
0x36a: {  	v43 =	vor.u32 $0x35, v8;
	_ =	sdelay $0x3  }
0x36b: {  	[tilespmem:v42+s1+$0x0] =	vst.idx.msk $0xffff, v10  }
0x36c: {  	v44 =	vor.u32 $0x35, v9;
	v10 =	vld.idx.msk [tilespmem:v43+s22+$0x0], $0xffff  }
0x36d: {  	v45 =	vor.u32 $0x36, v8;
	_ =	sdelay $0x3  }
0x36e: {  	[tilespmem:v44+s1+$0x0] =	vst.idx.msk $0xffff, v10  }
0x36f: {  	v46 =	vor.u32 $0x36, v9;
	v10 =	vld.idx.msk [tilespmem:v45+s22+$0x0], $0xffff  }
0x370: {  	v47 =	vor.u32 $0x37, v8;
	_ =	sdelay $0x3  }
0x371: {  	[tilespmem:v46+s1+$0x0] =	vst.idx.msk $0xffff, v10  }
0x372: {  	v48 =	vor.u32 $0x37, v9;
	v10 =	vld.idx.msk [tilespmem:v47+s22+$0x0], $0xffff  }
0x373: {  	v49 =	vor.u32 $0x38, v8;
	_ =	sdelay $0x3  }
0x374: {  	[tilespmem:v48+s1+$0x0] =	vst.idx.msk $0xffff, v10  }
0x375: {  	v50 =	vor.u32 $0x38, v9;
	v10 =	vld.idx.msk [tilespmem:v49+s22+$0x0], $0xffff  }
0x376: {  	v51 =	vor.u32 $0x39, v8;
	_ =	sdelay $0x3  }
0x377: {  	[tilespmem:v50+s1+$0x0] =	vst.idx.msk $0xffff, v10  }
0x378: {  	v52 =	vor.u32 $0x39, v9;
	v10 =	vld.idx.msk [tilespmem:v51+s22+$0x0], $0xffff  }
0x379: {  	v53 =	vor.u32 $0x3A, v8;
	_ =	sdelay $0x3  }
0x37a: {  	[tilespmem:v52+s1+$0x0] =	vst.idx.msk $0xffff, v10  }
0x37b: {  	v54 =	vor.u32 $0x3A, v9;
	v10 =	vld.idx.msk [tilespmem:v53+s22+$0x0], $0xffff  }
0x37c: {  	v55 =	vor.u32 $0x3B, v8;
	_ =	sdelay $0x3  }
0x37d: {  	[tilespmem:v54+s1+$0x0] =	vst.idx.msk $0xffff, v10  }
0x37e: {  	v56 =	vor.u32 $0x3B, v9;
	v10 =	vld.idx.msk [tilespmem:v55+s22+$0x0], $0xffff  }
0x37f: {  	v57 =	vor.u32 $0x3C, v8;
	_ =	sdelay $0x3  }
0x380: {  	[tilespmem:v56+s1+$0x0] =	vst.idx.msk $0xffff, v10  }
0x381: {  	v58 =	vor.u32 $0x3C, v9;
	v10 =	vld.idx.msk [tilespmem:v57+s22+$0x0], $0xffff  }
0x382: {  	v59 =	vor.u32 $0x3D, v8;
	_ =	sdelay $0x3  }
0x383: {  	[tilespmem:v58+s1+$0x0] =	vst.idx.msk $0xffff, v10  }
0x384: {  	v60 =	vor.u32 $0x3D, v9;
	v10 =	vld.idx.msk [tilespmem:v59+s22+$0x0], $0xffff  }
0x385: {  	v61 =	vor.u32 $0x3E, v8;
	_ =	sdelay $0x3  }
0x386: {  	[tilespmem:v60+s1+$0x0] =	vst.idx.msk $0xffff, v10  }
0x387: {  	v62 =	vor.u32 $0x3E, v9;
	v10 =	vld.idx.msk [tilespmem:v61+s22+$0x0], $0xffff  }
0x388: {  	v8 =	vor.u32 $0x3F, v8;
	_ =	sdelay $0x3  }
0x389: {  	[tilespmem:v62+s1+$0x0] =	vst.idx.msk $0xffff, v10  }
0x38a: {  	s9 =	sadd.s32 s4, s3;
	s4 =	sadd.s32 $0x10, s4;
	v9 =	vor.u32 $0x3F, v9;
	v8 =	vld.idx.msk [tilespmem:v8+s22+$0x0], $0xffff  }
0x38b: {  	p0 =	sne.s32 s0, s4  }
.Ltmp28:
0x38c: {  	_ = 	snop;
	(pc) =	sbr.rel @p0 .LBB2_35-.Ltmp28, $4  }
0x38d: {  	v63 =	vor.u32 s9, v2  }
0x38e: {  	v7 =	vand.u32 $0x3FFF, v7;
	vm0 =	vlt.s32 v63, v6  }
0x38f: {  	v7 =	vsel vm0, v7, v0;
	[tilespmem:v9+s1+$0x0] =	vst.idx.msk $0xffff, v8  }
0x390: {  	s18 =	sadd.s32 $0x10, s18;
	s2 =	sadd.s32 $0x10, s2;
	[tilespmem:s17+$0x0] =	vst v7;
	s17 =	sadd.s32 $0x10, s17  }
.Ltmp29:
0x391: {  	_ = 	snop;
	(pc) =	sbr.rel .LBB2_36-.Ltmp29, $1  }
0x392: {  	_ =	sdelay $0x3  }
.LBB2_25:
.Ltmp30:
0x393: {  	(pc) =	sbr.rel .LBB2_30-.Ltmp30, $2  }
0x394: {  	_ =	sdelay $0x2  }
0x395: {  	s2 =	simm.s32 $0x0;
	v8 =	vimm.s32 $0x0  }
.LBB2_27:
.Ltmp31:
0x396: {  	(pc) =	sbr.rel .LBB2_30-.Ltmp31, $2  }
0x397: {  	_ =	sdelay $0x2  }
0x398: {  	s2 =	simm.s32 $0x0;
	v10 =	vmov v9;
	v8 =	vmov v9  }
.LBB2_38:
0x399: {  	_ =	sfence.sel $0x180000  }
0x39a: {  	[bflag:$0x0] =	sbarrier.arrive $0xFFFF  }
0x39b: {  	_ =	strace $0x90000047  }
0x39c: {  	s0 =	stileid.u32;
	[bflag:$0x2] =	sbarrier.arrive $0xFFFF  }
0x39d: {  	p0 =	sne.s32 s0, $0x0;
	s0 =	rddreg [dreg:$0x4]  }
0x39e: {  	s0 =	sadd.s32 @!p0 $0x100000, s0  }
0x39f: {  	[sflag:s0] =	ssyncadd.tile.s32 @!p0 $0x1;
	_ =	shalt  }
.Lfunc_end2:
_tile_overlayer_lowered:
.L_overlay_start_2:
0x3a0: {  	(tag) =	ssettag $0x2  }
0x3a1: {  	s0 =	rddreg [dreg:$0x0];
	s2 =	stileid.u32  }
0x3a2: {  	s1 =	rddreg [dreg:$0x1];
	p0 =	sne.s32 s2, $0x0  }
0x3a3: {  	s3 =	rddreg [dreg:$0x2];
	[bflag:$0x3] =	sbarrier.arrive $0xFFFF;
	s2 =	simm.s32 @!p0 $0x1C03  }
0x3a4: {  	[timem:s3], [sflag:s2] =	dma.local @!p0 [hbm:s0], s1  }
0x3a5: {  	s0 =	simm.s32 @!p0 $0x3  }
0x3a6: {  	_ =	swait.ge @!p0 [sflag:s0], s1  }
0x3a7: {  	s1 =	ssub.s32 @!p0 $0x0, s1;
	[sflag:s0] =	ssyncset.done @!p0 $0x0  }
0x3a8: {  	[sflag:s0] =	ssyncadd.s32 @!p0 s1  }
0x3a9: {  	[bflag:$0x3] =	sbarrier.arrive $0xFFFF  }
0x3aa: {  	_ =	shalt  }

</sc_bundles>
